<compile_context>
chip_gen: v7x
topology: tpu7x:2x2x1
jax: 0.10.2.dev20260603
libtpu: 0.0.44.dev20260713+nightly
codegen_flags: <defaults>
</compile_context>

<pallas_src>
import functools

import jax
import jax.numpy as jnp
from jax import lax
from jax.experimental import pallas as pl
from jax.experimental.pallas import tpu as pltpu
from jax.experimental.pallas import tpu_sc as plsc

_NC = 2
_NS = 16
_C = 96
_NBUF = 3
_F0 = 2.0 / 3.0
_LANES = 16


def _sc_edge_agg(x, x0, idxp, n_pad, nch0, nch1):
    n, d = x.shape
    kd = d // _LANES
    rpt = (n // _NS) // 8 * 8
    last = n - (_NS - 1) * rpt
    ng0 = nch0 // _NBUF
    ng1 = nch1 // _NBUF
    assert ng0 % 2 == 1 and ng1 % 2 == 1 and min(ng0, ng1) >= 3

    mesh = plsc.VectorSubcoreMesh(
        core_axis_name="c", subcore_axis_name="s",
        num_cores=_NC, num_subcores=_NS)

    @functools.partial(
        pl.kernel,
        out_type=jax.ShapeDtypeStruct((_NC, n, d), jnp.float32),
        mesh=mesh,
        scratch_types=(
            [
                pltpu.VMEM_SHARED((n_pad, d), jnp.float32),
                pltpu.VMEM((_NBUF, _C, d), jnp.float32),
                pltpu.VMEM((2, _NBUF, 3, _C), jnp.int32),
            ]
            + [pltpu.SemaphoreType.DMA] * (3 * _NBUF + 2)
        ),
    )
    def body(x_hbm, x0_hbm, idx_hbm, out_hbm, acc_sh, xb, ib, *sems):
        sem_a = sems[0:_NBUF]
        sem_b = sems[_NBUF:2 * _NBUF]
        sem_c = sems[2 * _NBUF:3 * _NBUF]
        sem_i = sems[3 * _NBUF:]
        c = lax.axis_index("c")
        s = lax.axis_index("s")
        ng = jnp.where(c == 0, ng0, ng1)
        chunk0 = jnp.where(c == 0, s * nch0, _NS * nch0 + s * nch1)

        def zrow(r, carry):
            for k in range(kd):
                xb[0, r, pl.ds(k * _LANES, _LANES)] = jnp.zeros(
                    (_LANES,), jnp.float32)
            return carry
        lax.fori_loop(0, _C, zrow, 0)
        zrows = n_pad // _NS
        base = s * zrows
        for k in range(zrows // _C):
            pltpu.sync_copy(xb.at[0], acc_sh.at[pl.ds(base + k * _C, _C)])
        zrem = zrows - (zrows // _C) * _C
        if zrem:
            pltpu.sync_copy(xb.at[0, pl.ds(0, zrem)],
                            acc_sh.at[pl.ds(base + zrows - zrem, zrem)])
        plsc.subcore_barrier()

        def relu_buf(b):
            def row(r, rc):
                for k in range(kd):
                    sl = pl.ds(k * _LANES, _LANES)
                    xb[b, r, sl] = jnp.maximum(xb[b, r, sl], 0.0)
                return rc
            lax.fori_loop(0, _C, row, 0)

        def load_idx_group(g, q):
            return pltpu.async_copy(
                idx_hbm.at[pl.ds(chunk0 + g * _NBUF, _NBUF)], ib.at[q],
                sem_i[q])

        def wait_idx(q):
            pltpu.make_async_copy(
                idx_hbm.at[pl.ds(0, _NBUF)], ib.at[q], sem_i[q]).wait()

        def drain_scatter(b):
            pltpu.make_async_copy(
                xb.at[b], acc_sh.at[pl.ds(0, _C)], sem_c[b]).wait()

        def do_group(g, q, drain):
            @pl.when(g + 1 < ng)
            def _():
                load_idx_group(g + 1, 1 - q)
            gx = []
            for b in range(_NBUF):
                if drain:
                    drain_scatter(b)
                gx.append(pltpu.async_copy(
                    x_hbm.at[ib.at[q, b, 0]], xb.at[b], sem_a[b]))
            ga = []
            for b in range(_NBUF):
                gx[b].wait()
                ga.append(pltpu.async_copy(
                    x0_hbm.at[ib.at[q, b, 2]], xb.at[b], sem_b[b], add=True))
            for b in range(_NBUF):
                ga[b].wait()
                relu_buf(b)
                pltpu.async_copy(
                    xb.at[b], acc_sh.at[ib.at[q, b, 1]], sem_c[b], add=True)

        load_idx_group(0, 0).wait()
        do_group(0, 0, drain=False)

        def pair(i, carry):
            g = 1 + 2 * i
            wait_idx(1)
            do_group(g, 1, drain=True)
            wait_idx(0)
            do_group(g + 1, 0, drain=True)
            return carry
        lax.fori_loop(0, (ng - 1) // 2, pair, 0)

        for b in range(_NBUF):
            drain_scatter(b)

        plsc.subcore_barrier()

        @pl.when(s < _NS - 1)
        def _():
            pltpu.sync_copy(acc_sh.at[pl.ds(s * rpt, rpt)],
                            out_hbm.at[c, pl.ds(s * rpt, rpt)])

        @pl.when(s == _NS - 1)
        def _():
            pltpu.sync_copy(acc_sh.at[pl.ds((_NS - 1) * rpt, last)],
                            out_hbm.at[c, pl.ds((_NS - 1) * rpt, last)])

    return body(x, x0, idxp)


def _mlp_stage1(x, aggs, w1, b1, eps):
    n, d = x.shape
    h = w1.shape[1]
    blk = 2000
    nblk = n // blk

    def body(x_ref, agg_ref, w1_ref, b1_ref, eps_ref, y_ref):
        hblk = ((1.0 + eps_ref[0, 0]) * x_ref[...]
                + agg_ref[0] + agg_ref[1])
        y_ref[...] = jnp.dot(hblk, w1_ref[...],
                             preferred_element_type=jnp.float32) + b1_ref[...]

    return pl.pallas_call(
        body,
        grid=(nblk,),
        in_specs=[
            pl.BlockSpec((blk, d), lambda i: (i, 0)),
            pl.BlockSpec((_NC, blk, d), lambda i: (0, i, 0)),
            pl.BlockSpec((d, h), lambda i: (0, 0)),
            pl.BlockSpec((1, h), lambda i: (0, 0)),
            pl.BlockSpec(memory_space=pltpu.SMEM),
        ],
        out_specs=pl.BlockSpec((blk, h), lambda i: (i, 0)),
        out_shape=jax.ShapeDtypeStruct((n, h), jnp.float32),
    )(x, aggs, w1, b1, eps)


def _mlp_stage2(y, g1, be1, w2, b2, g2, be2):

    def body(y_ref, g1_ref, be1_ref, w2_ref, b2_ref, g2_ref, be2_ref, o_ref):
        y = y_ref[...]
        m1 = jnp.mean(y, axis=0, keepdims=True)
        v1 = jnp.mean((y - m1) ** 2, axis=0, keepdims=True)
        y = g1_ref[...] * (y - m1) / jnp.sqrt(v1 + 1e-5) + be1_ref[...]
        y = jnp.maximum(y, 0.0)
        z = jnp.dot(y, w2_ref[...],
                    preferred_element_type=jnp.float32) + b2_ref[...]
        m2 = jnp.mean(z, axis=0, keepdims=True)
        v2 = jnp.mean((z - m2) ** 2, axis=0, keepdims=True)
        z = g2_ref[...] * (z - m2) / jnp.sqrt(v2 + 1e-5) + be2_ref[...]
        o_ref[...] = jnp.maximum(z, 0.0)

    n, h = y.shape
    return pl.pallas_call(
        body,
        out_shape=jax.ShapeDtypeStruct((n, h), jnp.float32),
    )(y, g1, be1, w2, b2, g2, be2)


def kernel(x, edge_index, x0, bridge_index, W1, b1, g1, be1, W2, b2, g2, be2,
           eps):
    n, d = x.shape
    e = bridge_index.shape[0]
    h = W1.shape[1]
    nw = _NC * _NS

    quantum = _NS * _C * _NBUF

    def _odd(v):
        v = max(3, v)
        return v if v % 2 == 1 else v + 1

    ng0 = _odd(int(round(e * _F0 / quantum)))
    e0 = ng0 * quantum
    ng1 = _odd(-(-(e - e0) // quantum))
    nch0, nch1 = ng0 * _NBUF, ng1 * _NBUF
    pad = e0 + ng1 * quantum - e
    n_pad = -(-(n + 1) // (_NS * 8)) * (_NS * 8)
    src = edge_index[0]
    dst = edge_index[1]
    if pad:
        zpad = jnp.zeros((pad,), jnp.int32)
        src = jnp.concatenate([src, zpad])
        dummy = n + jnp.arange(pad, dtype=jnp.int32) % max(n_pad - n, 1)
        dst = jnp.concatenate([dst, dummy])
        bridge_index = jnp.concatenate([bridge_index, zpad])
    ntot = _NS * (nch0 + nch1)
    idxp = jnp.stack(
        [src.reshape(ntot, _C), dst.reshape(ntot, _C),
         bridge_index.reshape(ntot, _C)], axis=1)

    aggs = _sc_edge_agg(x, x0, idxp, n_pad, nch0, nch1)

    y = _mlp_stage1(x, aggs, W1, b1.reshape(1, h), eps.reshape(1, 1))
    return _mlp_stage2(y, g1.reshape(1, h), be1.reshape(1, h), W2,
                       b2.reshape(1, h), g2.reshape(1, h), be2.reshape(1, h))

# --- scband reference (transcript-rebuilt; emitter-appended) ---
"""Pipeline reference for scband-sub-complex-high-conv-6227702579782 (READ-ONLY COPY).

The authoritative reference and input builder live on the scoring server;
editing this copy changes nothing except your own understanding.
"""

import jax, jax.numpy as jnp
import numpy as np


def _bn(h, g, b):
    m = jnp.mean(h, axis=0)
    v = jnp.var(h, axis=0)
    return g * (h - m) / jnp.sqrt(v + 1e-5) + b


def setup_inputs(seed: int = 0) -> dict:
    key = jax.random.key(seed)
    ks = jax.random.split(key, 12)
    N, E, D, H = 10000, 320000, 128, 16
    x = jax.random.normal(ks[0], (N, D), dtype=jnp.float32)
    edge_index = jax.random.randint(ks[1], (2, E), 0, N, dtype=jnp.int32)
    x0 = jax.random.normal(ks[2], (N, D), dtype=jnp.float32)
    bridge_index = jax.random.randint(ks[3], (E,), 0, N, dtype=jnp.int32)
    W1 = jax.random.normal(ks[4], (D, H), dtype=jnp.float32) * (1.0 / np.sqrt(D))
    b1 = jnp.zeros((H,), dtype=jnp.float32)
    g1 = jnp.ones((H,), dtype=jnp.float32)
    be1 = jnp.zeros((H,), dtype=jnp.float32)
    W2 = jax.random.normal(ks[5], (H, H), dtype=jnp.float32) * (1.0 / np.sqrt(H))
    b2 = jnp.zeros((H,), dtype=jnp.float32)
    g2 = jnp.ones((H,), dtype=jnp.float32)
    be2 = jnp.zeros((H,), dtype=jnp.float32)
    eps = jnp.zeros((), dtype=jnp.float32)  # train_eps=True, init 0
    return {"x": x, "edge_index": edge_index, "x0": x0, "bridge_index": bridge_index,
            "W1": W1, "b1": b1, "g1": g1, "be1": be1,
            "W2": W2, "b2": b2, "g2": g2, "be2": be2, "eps": eps}


def reference(x, edge_index, x0, bridge_index, W1, b1, g1, be1, W2, b2, g2, be2, eps):
    N = x.shape[0]
    src = edge_index[0]
    dst = edge_index[1]
    # get_edge_attributes: edge_attr = x_0[bridge_index, :]
    edge_attr = jnp.take(x0, bridge_index, axis=0)
    # custom GIN (GINE-style) message: ReLU(x_j + e_ji), scatter-add to dst
    msg = jax.nn.relu(jnp.take(x, src, axis=0) + edge_attr)
    agg = jax.ops.segment_sum(msg, dst, num_segments=N)
    h = (1.0 + eps) * x + agg
    # MLP: Linear -> BatchNorm1d (training-mode batch stats) -> ReLU, x2
    h = jax.nn.relu(_bn(h @ W1 + b1, g1, be1))
    h = jax.nn.relu(_bn(h @ W2 + b2, g2, be2))
    # add_residual=False -> return h
    return h

if __name__ == "__main__":
    import jax
    _d = setup_inputs()
    print(jax.jit(kernel)(*tuple(_d.values())))

</pallas_src>

<mosaic_0001>
#map = affine_map<(d0, d1) -> (0, 0)>
#map1 = affine_map<(d0, d1) -> (0, 0, 0)>
module attributes {stable_mosaic.version = 14 : i64} {
  func.func @body(%arg0: i32, %arg1: i32, %arg2: memref<10000x128xf32, #tpu.memory_space<hbm>>, %arg3: memref<10000x128xf32, #tpu.memory_space<hbm>>, %arg4: memref<3360x3x96xi32, #tpu.memory_space<hbm>>, %arg5: memref<2x10000x128xf32, #tpu.memory_space<hbm>>, %arg6: memref<10112x128xf32, #tpu.memory_space<vmem_shared>>, %arg7: memref<3x96x128xf32, #tpu.memory_space<vmem>>, %arg8: memref<2x3x3x96xi32, #tpu.memory_space<vmem>>, %arg9: memref<!tpu.dma_semaphore, #tpu.memory_space<semaphore_mem>>, %arg10: memref<!tpu.dma_semaphore, #tpu.memory_space<semaphore_mem>>, %arg11: memref<!tpu.dma_semaphore, #tpu.memory_space<semaphore_mem>>, %arg12: memref<!tpu.dma_semaphore, #tpu.memory_space<semaphore_mem>>, %arg13: memref<!tpu.dma_semaphore, #tpu.memory_space<semaphore_mem>>, %arg14: memref<!tpu.dma_semaphore, #tpu.memory_space<semaphore_mem>>, %arg15: memref<!tpu.dma_semaphore, #tpu.memory_space<semaphore_mem>>, %arg16: memref<!tpu.dma_semaphore, #tpu.memory_space<semaphore_mem>>, %arg17: memref<!tpu.dma_semaphore, #tpu.memory_space<semaphore_mem>>, %arg18: memref<!tpu.dma_semaphore, #tpu.memory_space<semaphore_mem>>, %arg19: memref<!tpu.dma_semaphore, #tpu.memory_space<semaphore_mem>>) attributes {dimension_semantics = [#tpu.dimension_semantics<core_parallel>, #tpu.dimension_semantics<subcore_parallel>], iteration_bounds = array<i64: 2, 16>, scalar_prefetch = 0 : i64, scratch_operands = 14 : i64, tpu.core_type = #tpu.core_type<sc_vector_subcore>, window_params = [{transform_indices = #map}, {transform_indices = #map}, {transform_indices = #map1}, {transform_indices = #map1}]} {
    %eq3A = arith.constant 0 : i32
    %eq3A_0 = arith.cmpi eq, %arg0, %eq3A : i32
    %jit3A = arith.constant 47 : i32
    %jit3A_1 = arith.constant 23 : i32
    %select_n3A = arith.select %eq3A_0, %jit3A, %jit3A_1 : i32
    %eq3A_2 = arith.constant 0 : i32
    %eq3A_3 = arith.cmpi eq, %arg0, %eq3A_2 : i32
    %mul3A = arith.constant 141 : i32
    %mul3A_4 = arith.muli %arg1, %mul3A : i32
    %mul3A_5 = arith.constant 69 : i32
    %mul3A_6 = arith.muli %arg1, %mul3A_5 : i32
    %add3A = arith.constant 2256 : i32
    %add3A_7 = arith.addi %add3A, %mul3A_6 : i32
    %select_n3A_8 = arith.select %eq3A_3, %mul3A_4, %add3A_7 : i32
    %scan3A = arith.constant 0 : i32
    %scan3A_9 = arith.constant 0 : i32
    %scan3A_10 = arith.constant 96 : i32
    %scan3A_11 = arith.addi %scan3A_9, %scan3A_10 : i32
    %scan3A_12 = arith.constant 1 : i32
    scf.for %scan3A_386 = %scan3A_9 to %scan3A_11 step %scan3A_12  : i32 {
      %broadcast_in_dim3A = arith.constant 0.000000e+00 : f32
      %broadcast_in_dim3A_387 = vector.broadcast %broadcast_in_dim3A : f32 to vector<16xf32>
      %swap3A = arith.constant 0 : i32
      %swap3A_388 = arith.index_cast %swap3A : i32 to index
      %swap3A_389 = arith.index_cast %scan3A_386 : i32 to index
      %swap3A_390 = arith.constant 0 : index
      %swap3A_391 = tpu.vector_load %arg7[%swap3A_388, %swap3A_389, %swap3A_390] {strides = array<i32>} : memref<3x96x128xf32, #tpu.memory_space<vmem>>, vector<1x1x16xf32>,
      %swap3A_392 = vector.shape_cast %swap3A_391 : vector<1x1x16xf32> to vector<16xf32>
      %swap3A_393 = vector.shape_cast %broadcast_in_dim3A_387 : vector<16xf32> to vector<1x1x16xf32>
      tpu.vector_store %arg7[%swap3A_388, %swap3A_389, %swap3A_390], %swap3A_393 {strides = array<i32>} : memref<3x96x128xf32, #tpu.memory_space<vmem>>, vector<1x1x16xf32>,
      %broadcast_in_dim3A_394 = arith.constant 0.000000e+00 : f32
      %broadcast_in_dim3A_395 = vector.broadcast %broadcast_in_dim3A_394 : f32 to vector<16xf32>
      %swap3A_396 = arith.constant 0 : i32
      %swap3A_397 = arith.index_cast %swap3A_396 : i32 to index
      %swap3A_398 = arith.index_cast %scan3A_386 : i32 to index
      %swap3A_399 = arith.constant 16 : index
      %swap3A_400 = tpu.vector_load %arg7[%swap3A_397, %swap3A_398, %swap3A_399] {strides = array<i32>} : memref<3x96x128xf32, #tpu.memory_space<vmem>>, vector<1x1x16xf32>,
      %swap3A_401 = vector.shape_cast %swap3A_400 : vector<1x1x16xf32> to vector<16xf32>
      %swap3A_402 = vector.shape_cast %broadcast_in_dim3A_395 : vector<16xf32> to vector<1x1x16xf32>
      tpu.vector_store %arg7[%swap3A_397, %swap3A_398, %swap3A_399], %swap3A_402 {strides = array<i32>} : memref<3x96x128xf32, #tpu.memory_space<vmem>>, vector<1x1x16xf32>,
      %broadcast_in_dim3A_403 = arith.constant 0.000000e+00 : f32
      %broadcast_in_dim3A_404 = vector.broadcast %broadcast_in_dim3A_403 : f32 to vector<16xf32>
      %swap3A_405 = arith.constant 0 : i32
      %swap3A_406 = arith.index_cast %swap3A_405 : i32 to index
      %swap3A_407 = arith.index_cast %scan3A_386 : i32 to index
      %swap3A_408 = arith.constant 32 : index
      %swap3A_409 = tpu.vector_load %arg7[%swap3A_406, %swap3A_407, %swap3A_408] {strides = array<i32>} : memref<3x96x128xf32, #tpu.memory_space<vmem>>, vector<1x1x16xf32>,
      %swap3A_410 = vector.shape_cast %swap3A_409 : vector<1x1x16xf32> to vector<16xf32>
      %swap3A_411 = vector.shape_cast %broadcast_in_dim3A_404 : vector<16xf32> to vector<1x1x16xf32>
      tpu.vector_store %arg7[%swap3A_406, %swap3A_407, %swap3A_408], %swap3A_411 {strides = array<i32>} : memref<3x96x128xf32, #tpu.memory_space<vmem>>, vector<1x1x16xf32>,
      %broadcast_in_dim3A_412 = arith.constant 0.000000e+00 : f32
      %broadcast_in_dim3A_413 = vector.broadcast %broadcast_in_dim3A_412 : f32 to vector<16xf32>
      %swap3A_414 = arith.constant 0 : i32
      %swap3A_415 = arith.index_cast %swap3A_414 : i32 to index
      %swap3A_416 = arith.index_cast %scan3A_386 : i32 to index
      %swap3A_417 = arith.constant 48 : index
      %swap3A_418 = tpu.vector_load %arg7[%swap3A_415, %swap3A_416, %swap3A_417] {strides = array<i32>} : memref<3x96x128xf32, #tpu.memory_space<vmem>>, vector<1x1x16xf32>,
      %swap3A_419 = vector.shape_cast %swap3A_418 : vector<1x1x16xf32> to vector<16xf32>
      %swap3A_420 = vector.shape_cast %broadcast_in_dim3A_413 : vector<16xf32> to vector<1x1x16xf32>
      tpu.vector_store %arg7[%swap3A_415, %swap3A_416, %swap3A_417], %swap3A_420 {strides = array<i32>} : memref<3x96x128xf32, #tpu.memory_space<vmem>>, vector<1x1x16xf32>,
      %broadcast_in_dim3A_421 = arith.constant 0.000000e+00 : f32
      %broadcast_in_dim3A_422 = vector.broadcast %broadcast_in_dim3A_421 : f32 to vector<16xf32>
      %swap3A_423 = arith.constant 0 : i32
      %swap3A_424 = arith.index_cast %swap3A_423 : i32 to index
      %swap3A_425 = arith.index_cast %scan3A_386 : i32 to index
      %swap3A_426 = arith.constant 64 : index
      %swap3A_427 = tpu.vector_load %arg7[%swap3A_424, %swap3A_425, %swap3A_426] {strides = array<i32>} : memref<3x96x128xf32, #tpu.memory_space<vmem>>, vector<1x1x16xf32>,
      %swap3A_428 = vector.shape_cast %swap3A_427 : vector<1x1x16xf32> to vector<16xf32>
      %swap3A_429 = vector.shape_cast %broadcast_in_dim3A_422 : vector<16xf32> to vector<1x1x16xf32>
      tpu.vector_store %arg7[%swap3A_424, %swap3A_425, %swap3A_426], %swap3A_429 {strides = array<i32>} : memref<3x96x128xf32, #tpu.memory_space<vmem>>, vector<1x1x16xf32>,
      %broadcast_in_dim3A_430 = arith.constant 0.000000e+00 : f32
      %broadcast_in_dim3A_431 = vector.broadcast %broadcast_in_dim3A_430 : f32 to vector<16xf32>
      %swap3A_432 = arith.constant 0 : i32
      %swap3A_433 = arith.index_cast %swap3A_432 : i32 to index
      %swap3A_434 = arith.index_cast %scan3A_386 : i32 to index
      %swap3A_435 = arith.constant 80 : index
      %swap3A_436 = tpu.vector_load %arg7[%swap3A_433, %swap3A_434, %swap3A_435] {strides = array<i32>} : memref<3x96x128xf32, #tpu.memory_space<vmem>>, vector<1x1x16xf32>,
      %swap3A_437 = vector.shape_cast %swap3A_436 : vector<1x1x16xf32> to vector<16xf32>
      %swap3A_438 = vector.shape_cast %broadcast_in_dim3A_431 : vector<16xf32> to vector<1x1x16xf32>
      tpu.vector_store %arg7[%swap3A_433, %swap3A_434, %swap3A_435], %swap3A_438 {strides = array<i32>} : memref<3x96x128xf32, #tpu.memory_space<vmem>>, vector<1x1x16xf32>,
      %broadcast_in_dim3A_439 = arith.constant 0.000000e+00 : f32
      %broadcast_in_dim3A_440 = vector.broadcast %broadcast_in_dim3A_439 : f32 to vector<16xf32>
      %swap3A_441 = arith.constant 0 : i32
      %swap3A_442 = arith.index_cast %swap3A_441 : i32 to index
      %swap3A_443 = arith.index_cast %scan3A_386 : i32 to index
      %swap3A_444 = arith.constant 96 : index
      %swap3A_445 = tpu.vector_load %arg7[%swap3A_442, %swap3A_443, %swap3A_444] {strides = array<i32>} : memref<3x96x128xf32, #tpu.memory_space<vmem>>, vector<1x1x16xf32>,
      %swap3A_446 = vector.shape_cast %swap3A_445 : vector<1x1x16xf32> to vector<16xf32>
      %swap3A_447 = vector.shape_cast %broadcast_in_dim3A_440 : vector<16xf32> to vector<1x1x16xf32>
      tpu.vector_store %arg7[%swap3A_442, %swap3A_443, %swap3A_444], %swap3A_447 {strides = array<i32>} : memref<3x96x128xf32, #tpu.memory_space<vmem>>, vector<1x1x16xf32>,
      %broadcast_in_dim3A_448 = arith.constant 0.000000e+00 : f32
      %broadcast_in_dim3A_449 = vector.broadcast %broadcast_in_dim3A_448 : f32 to vector<16xf32>
      %swap3A_450 = arith.constant 0 : i32
      %swap3A_451 = arith.index_cast %swap3A_450 : i32 to index
      %swap3A_452 = arith.index_cast %scan3A_386 : i32 to index
      %swap3A_453 = arith.constant 112 : index
      %swap3A_454 = tpu.vector_load %arg7[%swap3A_451, %swap3A_452, %swap3A_453] {strides = array<i32>} : memref<3x96x128xf32, #tpu.memory_space<vmem>>, vector<1x1x16xf32>,
      %swap3A_455 = vector.shape_cast %swap3A_454 : vector<1x1x16xf32> to vector<16xf32>
      %swap3A_456 = vector.shape_cast %broadcast_in_dim3A_449 : vector<16xf32> to vector<1x1x16xf32>
      tpu.vector_store %arg7[%swap3A_451, %swap3A_452, %swap3A_453], %swap3A_456 {strides = array<i32>} : memref<3x96x128xf32, #tpu.memory_space<vmem>>, vector<1x1x16xf32>,
    }
    %scan3A_13 = arith.constant 96 : i32
    %mul3A_14 = arith.constant 632 : i32
    %mul3A_15 = arith.muli %arg1, %mul3A_14 : i32
    %add3A_16 = arith.constant 0 : i32
    %add3A_17 = arith.addi %mul3A_15, %add3A_16 : i32
    %run_scoped3A = arith.constant 0 : i32
    "tpu.region"() ({
      %run_scoped3A_386 = tpu.sem_alloc : memref<!tpu.dma_semaphore, #tpu.memory_space<semaphore_mem>>
      %dma_start3A_387 = arith.constant 0 : i32
      %dma_start3A_388 = arith.constant 0 : i32
      %dma_start3A_389 = tpu.memref_slice %arg7[%run_scoped3A, %dma_start3A_387, %dma_start3A_388] : memref<3x96x128xf32, #tpu.memory_space<vmem>> -> memref<1x96x128xf32, #tpu.memory_space<vmem>>
      %dma_start3A_390 = tpu.memref_squeeze %dma_start3A_389 : memref<1x96x128xf32, #tpu.memory_space<vmem>> -> memref<96x128xf32, #tpu.memory_space<vmem>>
      %dma_start3A_391 = arith.constant 0 : i32
      %dma_start3A_392 = tpu.memref_slice %arg6[%add3A_17, %dma_start3A_391] : memref<10112x128xf32, #tpu.memory_space<vmem_shared>> -> memref<96x128xf32, #tpu.memory_space<vmem_shared>>
      %dma_start3A_393 = arith.constant 0 : i32
      %dma_start3A_394 = tpu.memref_slice %arg6[%add3A_17, %dma_start3A_393] : memref<10112x128xf32, #tpu.memory_space<vmem_shared>> -> memref<96x128xf32, #tpu.memory_space<vmem_shared>>
      %dma_start3A_395 = arith.constant 0 : i32
      %dma_start3A_396 = arith.constant 0 : i32
      %dma_start3A_397 = tpu.memref_slice %arg7[%run_scoped3A, %dma_start3A_395, %dma_start3A_396] : memref<3x96x128xf32, #tpu.memory_space<vmem>> -> memref<1x96x128xf32, #tpu.memory_space<vmem>>
      %dma_start3A_398 = tpu.memref_squeeze %dma_start3A_397 : memref<1x96x128xf32, #tpu.memory_space<vmem>> -> memref<96x128xf32, #tpu.memory_space<vmem>>
      tpu.enqueue_dma source(%dma_start3A_398 : memref<96x128xf32, #tpu.memory_space<vmem>>) target(%dma_start3A_394 : memref<96x128xf32, #tpu.memory_space<vmem_shared>>) target_semaphore(%run_scoped3A_386 : memref<!tpu.dma_semaphore, #tpu.memory_space<semaphore_mem>>)
      %dma_wait3A_399 = arith.constant 0 : i32
      %dma_wait3A_400 = arith.constant 0 : i32
      %dma_wait3A_401 = tpu.memref_slice %arg7[%run_scoped3A, %dma_wait3A_399, %dma_wait3A_400] : memref<3x96x128xf32, #tpu.memory_space<vmem>> -> memref<1x96x128xf32, #tpu.memory_space<vmem>>
      %dma_wait3A_402 = tpu.memref_squeeze %dma_wait3A_401 : memref<1x96x128xf32, #tpu.memory_space<vmem>> -> memref<96x128xf32, #tpu.memory_space<vmem>>
      %dma_wait3A_403 = arith.constant 0 : i32
      %dma_wait3A_404 = tpu.memref_slice %arg6[%add3A_17, %dma_wait3A_403] : memref<10112x128xf32, #tpu.memory_space<vmem_shared>> -> memref<96x128xf32, #tpu.memory_space<vmem_shared>>
      %dma_wait3A_405 = arith.constant 0 : i32
      %dma_wait3A_406 = tpu.memref_slice %arg6[%add3A_17, %dma_wait3A_405] : memref<10112x128xf32, #tpu.memory_space<vmem_shared>> -> memref<96x128xf32, #tpu.memory_space<vmem_shared>>
      %dma_wait3A_407 = arith.constant 0 : i32
      %dma_wait3A_408 = arith.constant 0 : i32
      %dma_wait3A_409 = tpu.memref_slice %arg7[%run_scoped3A, %dma_wait3A_407, %dma_wait3A_408] : memref<3x96x128xf32, #tpu.memory_space<vmem>> -> memref<1x96x128xf32, #tpu.memory_space<vmem>>
      %dma_wait3A_410 = tpu.memref_squeeze %dma_wait3A_409 : memref<1x96x128xf32, #tpu.memory_space<vmem>> -> memref<96x128xf32, #tpu.memory_space<vmem>>
      tpu.wait_dma2 semaphore(%run_scoped3A_386 : memref<!tpu.dma_semaphore, #tpu.memory_space<semaphore_mem>>) src(%dma_wait3A_410 : memref<96x128xf32, #tpu.memory_space<vmem>>) dst(%dma_wait3A_406 : memref<96x128xf32, #tpu.memory_space<vmem_shared>>)
      tpu.yield
    }) : () -> ()
    %add3A_18 = arith.constant 96 : i32
    %add3A_19 = arith.addi %mul3A_15, %add3A_18 : i32
    %run_scoped3A_20 = arith.constant 0 : i32
    "tpu.region"() ({
      %run_scoped3A_386 = tpu.sem_alloc : memref<!tpu.dma_semaphore, #tpu.memory_space<semaphore_mem>>
      %dma_start3A_387 = arith.constant 0 : i32
      %dma_start3A_388 = arith.constant 0 : i32
      %dma_start3A_389 = tpu.memref_slice %arg7[%run_scoped3A_20, %dma_start3A_387, %dma_start3A_388] : memref<3x96x128xf32, #tpu.memory_space<vmem>> -> memref<1x96x128xf32, #tpu.memory_space<vmem>>
      %dma_start3A_390 = tpu.memref_squeeze %dma_start3A_389 : memref<1x96x128xf32, #tpu.memory_space<vmem>> -> memref<96x128xf32, #tpu.memory_space<vmem>>
      %dma_start3A_391 = arith.constant 0 : i32
      %dma_start3A_392 = tpu.memref_slice %arg6[%add3A_19, %dma_start3A_391] : memref<10112x128xf32, #tpu.memory_space<vmem_shared>> -> memref<96x128xf32, #tpu.memory_space<vmem_shared>>
      %dma_start3A_393 = arith.constant 0 : i32
      %dma_start3A_394 = tpu.memref_slice %arg6[%add3A_19, %dma_start3A_393] : memref<10112x128xf32, #tpu.memory_space<vmem_shared>> -> memref<96x128xf32, #tpu.memory_space<vmem_shared>>
      %dma_start3A_395 = arith.constant 0 : i32
      %dma_start3A_396 = arith.constant 0 : i32
      %dma_start3A_397 = tpu.memref_slice %arg7[%run_scoped3A_20, %dma_start3A_395, %dma_start3A_396] : memref<3x96x128xf32, #tpu.memory_space<vmem>> -> memref<1x96x128xf32, #tpu.memory_space<vmem>>
      %dma_start3A_398 = tpu.memref_squeeze %dma_start3A_397 : memref<1x96x128xf32, #tpu.memory_space<vmem>> -> memref<96x128xf32, #tpu.memory_space<vmem>>
      tpu.enqueue_dma source(%dma_start3A_398 : memref<96x128xf32, #tpu.memory_space<vmem>>) target(%dma_start3A_394 : memref<96x128xf32, #tpu.memory_space<vmem_shared>>) target_semaphore(%run_scoped3A_386 : memref<!tpu.dma_semaphore, #tpu.memory_space<semaphore_mem>>)
      %dma_wait3A_399 = arith.constant 0 : i32
      %dma_wait3A_400 = arith.constant 0 : i32
      %dma_wait3A_401 = tpu.memref_slice %arg7[%run_scoped3A_20, %dma_wait3A_399, %dma_wait3A_400] : memref<3x96x128xf32, #tpu.memory_space<vmem>> -> memref<1x96x128xf32, #tpu.memory_space<vmem>>
      %dma_wait3A_402 = tpu.memref_squeeze %dma_wait3A_401 : memref<1x96x128xf32, #tpu.memory_space<vmem>> -> memref<96x128xf32, #tpu.memory_space<vmem>>
      %dma_wait3A_403 = arith.constant 0 : i32
      %dma_wait3A_404 = tpu.memref_slice %arg6[%add3A_19, %dma_wait3A_403] : memref<10112x128xf32, #tpu.memory_space<vmem_shared>> -> memref<96x128xf32, #tpu.memory_space<vmem_shared>>
      %dma_wait3A_405 = arith.constant 0 : i32
      %dma_wait3A_406 = tpu.memref_slice %arg6[%add3A_19, %dma_wait3A_405] : memref<10112x128xf32, #tpu.memory_space<vmem_shared>> -> memref<96x128xf32, #tpu.memory_space<vmem_shared>>
      %dma_wait3A_407 = arith.constant 0 : i32
      %dma_wait3A_408 = arith.constant 0 : i32
      %dma_wait3A_409 = tpu.memref_slice %arg7[%run_scoped3A_20, %dma_wait3A_407, %dma_wait3A_408] : memref<3x96x128xf32, #tpu.memory_space<vmem>> -> memref<1x96x128xf32, #tpu.memory_space<vmem>>
      %dma_wait3A_410 = tpu.memref_squeeze %dma_wait3A_409 : memref<1x96x128xf32, #tpu.memory_space<vmem>> -> memref<96x128xf32, #tpu.memory_space<vmem>>
      tpu.wait_dma2 semaphore(%run_scoped3A_386 : memref<!tpu.dma_semaphore, #tpu.memory_space<semaphore_mem>>) src(%dma_wait3A_410 : memref<96x128xf32, #tpu.memory_space<vmem>>) dst(%dma_wait3A_406 : memref<96x128xf32, #tpu.memory_space<vmem_shared>>)
      tpu.yield
    }) : () -> ()
    %add3A_21 = arith.constant 192 : i32
    %add3A_22 = arith.addi %mul3A_15, %add3A_21 : i32
    %run_scoped3A_23 = arith.constant 0 : i32
    "tpu.region"() ({
      %run_scoped3A_386 = tpu.sem_alloc : memref<!tpu.dma_semaphore, #tpu.memory_space<semaphore_mem>>
      %dma_start3A_387 = arith.constant 0 : i32
      %dma_start3A_388 = arith.constant 0 : i32
      %dma_start3A_389 = tpu.memref_slice %arg7[%run_scoped3A_23, %dma_start3A_387, %dma_start3A_388] : memref<3x96x128xf32, #tpu.memory_space<vmem>> -> memref<1x96x128xf32, #tpu.memory_space<vmem>>
      %dma_start3A_390 = tpu.memref_squeeze %dma_start3A_389 : memref<1x96x128xf32, #tpu.memory_space<vmem>> -> memref<96x128xf32, #tpu.memory_space<vmem>>
      %dma_start3A_391 = arith.constant 0 : i32
      %dma_start3A_392 = tpu.memref_slice %arg6[%add3A_22, %dma_start3A_391] : memref<10112x128xf32, #tpu.memory_space<vmem_shared>> -> memref<96x128xf32, #tpu.memory_space<vmem_shared>>
      %dma_start3A_393 = arith.constant 0 : i32
      %dma_start3A_394 = tpu.memref_slice %arg6[%add3A_22, %dma_start3A_393] : memref<10112x128xf32, #tpu.memory_space<vmem_shared>> -> memref<96x128xf32, #tpu.memory_space<vmem_shared>>
      %dma_start3A_395 = arith.constant 0 : i32
      %dma_start3A_396 = arith.constant 0 : i32
      %dma_start3A_397 = tpu.memref_slice %arg7[%run_scoped3A_23, %dma_start3A_395, %dma_start3A_396] : memref<3x96x128xf32, #tpu.memory_space<vmem>> -> memref<1x96x128xf32, #tpu.memory_space<vmem>>
      %dma_start3A_398 = tpu.memref_squeeze %dma_start3A_397 : memref<1x96x128xf32, #tpu.memory_space<vmem>> -> memref<96x128xf32, #tpu.memory_space<vmem>>
      tpu.enqueue_dma source(%dma_start3A_398 : memref<96x128xf32, #tpu.memory_space<vmem>>) target(%dma_start3A_394 : memref<96x128xf32, #tpu.memory_space<vmem_shared>>) target_semaphore(%run_scoped3A_386 : memref<!tpu.dma_semaphore, #tpu.memory_space<semaphore_mem>>)
      %dma_wait3A_399 = arith.constant 0 : i32
      %dma_wait3A_400 = arith.constant 0 : i32
      %dma_wait3A_401 = tpu.memref_slice %arg7[%run_scoped3A_23, %dma_wait3A_399, %dma_wait3A_400] : memref<3x96x128xf32, #tpu.memory_space<vmem>> -> memref<1x96x128xf32, #tpu.memory_space<vmem>>
      %dma_wait3A_402 = tpu.memref_squeeze %dma_wait3A_401 : memref<1x96x128xf32, #tpu.memory_space<vmem>> -> memref<96x128xf32, #tpu.memory_space<vmem>>
      %dma_wait3A_403 = arith.constant 0 : i32
      %dma_wait3A_404 = tpu.memref_slice %arg6[%add3A_22, %dma_wait3A_403] : memref<10112x128xf32, #tpu.memory_space<vmem_shared>> -> memref<96x128xf32, #tpu.memory_space<vmem_shared>>
      %dma_wait3A_405 = arith.constant 0 : i32
      %dma_wait3A_406 = tpu.memref_slice %arg6[%add3A_22, %dma_wait3A_405] : memref<10112x128xf32, #tpu.memory_space<vmem_shared>> -> memref<96x128xf32, #tpu.memory_space<vmem_shared>>
      %dma_wait3A_407 = arith.constant 0 : i32
      %dma_wait3A_408 = arith.constant 0 : i32
      %dma_wait3A_409 = tpu.memref_slice %arg7[%run_scoped3A_23, %dma_wait3A_407, %dma_wait3A_408] : memref<3x96x128xf32, #tpu.memory_space<vmem>> -> memref<1x96x128xf32, #tpu.memory_space<vmem>>
      %dma_wait3A_410 = tpu.memref_squeeze %dma_wait3A_409 : memref<1x96x128xf32, #tpu.memory_space<vmem>> -> memref<96x128xf32, #tpu.memory_space<vmem>>
      tpu.wait_dma2 semaphore(%run_scoped3A_386 : memref<!tpu.dma_semaphore, #tpu.memory_space<semaphore_mem>>) src(%dma_wait3A_410 : memref<96x128xf32, #tpu.memory_space<vmem>>) dst(%dma_wait3A_406 : memref<96x128xf32, #tpu.memory_space<vmem_shared>>)
      tpu.yield
    }) : () -> ()
    %add3A_24 = arith.constant 288 : i32
    %add3A_25 = arith.addi %mul3A_15, %add3A_24 : i32
    %run_scoped3A_26 = arith.constant 0 : i32
    "tpu.region"() ({
      %run_scoped3A_386 = tpu.sem_alloc : memref<!tpu.dma_semaphore, #tpu.memory_space<semaphore_mem>>
      %dma_start3A_387 = arith.constant 0 : i32
      %dma_start3A_388 = arith.constant 0 : i32
      %dma_start3A_389 = tpu.memref_slice %arg7[%run_scoped3A_26, %dma_start3A_387, %dma_start3A_388] : memref<3x96x128xf32, #tpu.memory_space<vmem>> -> memref<1x96x128xf32, #tpu.memory_space<vmem>>
      %dma_start3A_390 = tpu.memref_squeeze %dma_start3A_389 : memref<1x96x128xf32, #tpu.memory_space<vmem>> -> memref<96x128xf32, #tpu.memory_space<vmem>>
      %dma_start3A_391 = arith.constant 0 : i32
      %dma_start3A_392 = tpu.memref_slice %arg6[%add3A_25, %dma_start3A_391] : memref<10112x128xf32, #tpu.memory_space<vmem_shared>> -> memref<96x128xf32, #tpu.memory_space<vmem_shared>>
      %dma_start3A_393 = arith.constant 0 : i32
      %dma_start3A_394 = tpu.memref_slice %arg6[%add3A_25, %dma_start3A_393] : memref<10112x128xf32, #tpu.memory_space<vmem_shared>> -> memref<96x128xf32, #tpu.memory_space<vmem_shared>>
      %dma_start3A_395 = arith.constant 0 : i32
      %dma_start3A_396 = arith.constant 0 : i32
      %dma_start3A_397 = tpu.memref_slice %arg7[%run_scoped3A_26, %dma_start3A_395, %dma_start3A_396] : memref<3x96x128xf32, #tpu.memory_space<vmem>> -> memref<1x96x128xf32, #tpu.memory_space<vmem>>
      %dma_start3A_398 = tpu.memref_squeeze %dma_start3A_397 : memref<1x96x128xf32, #tpu.memory_space<vmem>> -> memref<96x128xf32, #tpu.memory_space<vmem>>
      tpu.enqueue_dma source(%dma_start3A_398 : memref<96x128xf32, #tpu.memory_space<vmem>>) target(%dma_start3A_394 : memref<96x128xf32, #tpu.memory_space<vmem_shared>>) target_semaphore(%run_scoped3A_386 : memref<!tpu.dma_semaphore, #tpu.memory_space<semaphore_mem>>)
      %dma_wait3A_399 = arith.constant 0 : i32
      %dma_wait3A_400 = arith.constant 0 : i32
      %dma_wait3A_401 = tpu.memref_slice %arg7[%run_scoped3A_26, %dma_wait3A_399, %dma_wait3A_400] : memref<3x96x128xf32, #tpu.memory_space<vmem>> -> memref<1x96x128xf32, #tpu.memory_space<vmem>>
      %dma_wait3A_402 = tpu.memref_squeeze %dma_wait3A_401 : memref<1x96x128xf32, #tpu.memory_space<vmem>> -> memref<96x128xf32, #tpu.memory_space<vmem>>
      %dma_wait3A_403 = arith.constant 0 : i32
      %dma_wait3A_404 = tpu.memref_slice %arg6[%add3A_25, %dma_wait3A_403] : memref<10112x128xf32, #tpu.memory_space<vmem_shared>> -> memref<96x128xf32, #tpu.memory_space<vmem_shared>>
      %dma_wait3A_405 = arith.constant 0 : i32
      %dma_wait3A_406 = tpu.memref_slice %arg6[%add3A_25, %dma_wait3A_405] : memref<10112x128xf32, #tpu.memory_space<vmem_shared>> -> memref<96x128xf32, #tpu.memory_space<vmem_shared>>
      %dma_wait3A_407 = arith.constant 0 : i32
      %dma_wait3A_408 = arith.constant 0 : i32
      %dma_wait3A_409 = tpu.memref_slice %arg7[%run_scoped3A_26, %dma_wait3A_407, %dma_wait3A_408] : memref<3x96x128xf32, #tpu.memory_space<vmem>> -> memref<1x96x128xf32, #tpu.memory_space<vmem>>
      %dma_wait3A_410 = tpu.memref_squeeze %dma_wait3A_409 : memref<1x96x128xf32, #tpu.memory_space<vmem>> -> memref<96x128xf32, #tpu.memory_space<vmem>>
      tpu.wait_dma2 semaphore(%run_scoped3A_386 : memref<!tpu.dma_semaphore, #tpu.memory_space<semaphore_mem>>) src(%dma_wait3A_410 : memref<96x128xf32, #tpu.memory_space<vmem>>) dst(%dma_wait3A_406 : memref<96x128xf32, #tpu.memory_space<vmem_shared>>)
      tpu.yield
    }) : () -> ()
    %add3A_27 = arith.constant 384 : i32
    %add3A_28 = arith.addi %mul3A_15, %add3A_27 : i32
    %run_scoped3A_29 = arith.constant 0 : i32
    "tpu.region"() ({
      %run_scoped3A_386 = tpu.sem_alloc : memref<!tpu.dma_semaphore, #tpu.memory_space<semaphore_mem>>
      %dma_start3A_387 = arith.constant 0 : i32
      %dma_start3A_388 = arith.constant 0 : i32
      %dma_start3A_389 = tpu.memref_slice %arg7[%run_scoped3A_29, %dma_start3A_387, %dma_start3A_388] : memref<3x96x128xf32, #tpu.memory_space<vmem>> -> memref<1x96x128xf32, #tpu.memory_space<vmem>>
      %dma_start3A_390 = tpu.memref_squeeze %dma_start3A_389 : memref<1x96x128xf32, #tpu.memory_space<vmem>> -> memref<96x128xf32, #tpu.memory_space<vmem>>
      %dma_start3A_391 = arith.constant 0 : i32
      %dma_start3A_392 = tpu.memref_slice %arg6[%add3A_28, %dma_start3A_391] : memref<10112x128xf32, #tpu.memory_space<vmem_shared>> -> memref<96x128xf32, #tpu.memory_space<vmem_shared>>
      %dma_start3A_393 = arith.constant 0 : i32
      %dma_start3A_394 = tpu.memref_slice %arg6[%add3A_28, %dma_start3A_393] : memref<10112x128xf32, #tpu.memory_space<vmem_shared>> -> memref<96x128xf32, #tpu.memory_space<vmem_shared>>
      %dma_start3A_395 = arith.constant 0 : i32
      %dma_start3A_396 = arith.constant 0 : i32
      %dma_start3A_397 = tpu.memref_slice %arg7[%run_scoped3A_29, %dma_start3A_395, %dma_start3A_396] : memref<3x96x128xf32, #tpu.memory_space<vmem>> -> memref<1x96x128xf32, #tpu.memory_space<vmem>>
      %dma_start3A_398 = tpu.memref_squeeze %dma_start3A_397 : memref<1x96x128xf32, #tpu.memory_space<vmem>> -> memref<96x128xf32, #tpu.memory_space<vmem>>
      tpu.enqueue_dma source(%dma_start3A_398 : memref<96x128xf32, #tpu.memory_space<vmem>>) target(%dma_start3A_394 : memref<96x128xf32, #tpu.memory_space<vmem_shared>>) target_semaphore(%run_scoped3A_386 : memref<!tpu.dma_semaphore, #tpu.memory_space<semaphore_mem>>)
      %dma_wait3A_399 = arith.constant 0 : i32
      %dma_wait3A_400 = arith.constant 0 : i32
      %dma_wait3A_401 = tpu.memref_slice %arg7[%run_scoped3A_29, %dma_wait3A_399, %dma_wait3A_400] : memref<3x96x128xf32, #tpu.memory_space<vmem>> -> memref<1x96x128xf32, #tpu.memory_space<vmem>>
      %dma_wait3A_402 = tpu.memref_squeeze %dma_wait3A_401 : memref<1x96x128xf32, #tpu.memory_space<vmem>> -> memref<96x128xf32, #tpu.memory_space<vmem>>
      %dma_wait3A_403 = arith.constant 0 : i32
      %dma_wait3A_404 = tpu.memref_slice %arg6[%add3A_28, %dma_wait3A_403] : memref<10112x128xf32, #tpu.memory_space<vmem_shared>> -> memref<96x128xf32, #tpu.memory_space<vmem_shared>>
      %dma_wait3A_405 = arith.constant 0 : i32
      %dma_wait3A_406 = tpu.memref_slice %arg6[%add3A_28, %dma_wait3A_405] : memref<10112x128xf32, #tpu.memory_space<vmem_shared>> -> memref<96x128xf32, #tpu.memory_space<vmem_shared>>
      %dma_wait3A_407 = arith.constant 0 : i32
      %dma_wait3A_408 = arith.constant 0 : i32
      %dma_wait3A_409 = tpu.memref_slice %arg7[%run_scoped3A_29, %dma_wait3A_407, %dma_wait3A_408] : memref<3x96x128xf32, #tpu.memory_space<vmem>> -> memref<1x96x128xf32, #tpu.memory_space<vmem>>
      %dma_wait3A_410 = tpu.memref_squeeze %dma_wait3A_409 : memref<1x96x128xf32, #tpu.memory_space<vmem>> -> memref<96x128xf32, #tpu.memory_space<vmem>>
      tpu.wait_dma2 semaphore(%run_scoped3A_386 : memref<!tpu.dma_semaphore, #tpu.memory_space<semaphore_mem>>) src(%dma_wait3A_410 : memref<96x128xf32, #tpu.memory_space<vmem>>) dst(%dma_wait3A_406 : memref<96x128xf32, #tpu.memory_space<vmem_shared>>)
      tpu.yield
    }) : () -> ()
    %add3A_30 = arith.constant 480 : i32
    %add3A_31 = arith.addi %mul3A_15, %add3A_30 : i32
    %run_scoped3A_32 = arith.constant 0 : i32
    "tpu.region"() ({
      %run_scoped3A_386 = tpu.sem_alloc : memref<!tpu.dma_semaphore, #tpu.memory_space<semaphore_mem>>
      %dma_start3A_387 = arith.constant 0 : i32
      %dma_start3A_388 = arith.constant 0 : i32
      %dma_start3A_389 = tpu.memref_slice %arg7[%run_scoped3A_32, %dma_start3A_387, %dma_start3A_388] : memref<3x96x128xf32, #tpu.memory_space<vmem>> -> memref<1x96x128xf32, #tpu.memory_space<vmem>>
      %dma_start3A_390 = tpu.memref_squeeze %dma_start3A_389 : memref<1x96x128xf32, #tpu.memory_space<vmem>> -> memref<96x128xf32, #tpu.memory_space<vmem>>
      %dma_start3A_391 = arith.constant 0 : i32
      %dma_start3A_392 = tpu.memref_slice %arg6[%add3A_31, %dma_start3A_391] : memref<10112x128xf32, #tpu.memory_space<vmem_shared>> -> memref<96x128xf32, #tpu.memory_space<vmem_shared>>
      %dma_start3A_393 = arith.constant 0 : i32
      %dma_start3A_394 = tpu.memref_slice %arg6[%add3A_31, %dma_start3A_393] : memref<10112x128xf32, #tpu.memory_space<vmem_shared>> -> memref<96x128xf32, #tpu.memory_space<vmem_shared>>
      %dma_start3A_395 = arith.constant 0 : i32
      %dma_start3A_396 = arith.constant 0 : i32
      %dma_start3A_397 = tpu.memref_slice %arg7[%run_scoped3A_32, %dma_start3A_395, %dma_start3A_396] : memref<3x96x128xf32, #tpu.memory_space<vmem>> -> memref<1x96x128xf32, #tpu.memory_space<vmem>>
      %dma_start3A_398 = tpu.memref_squeeze %dma_start3A_397 : memref<1x96x128xf32, #tpu.memory_space<vmem>> -> memref<96x128xf32, #tpu.memory_space<vmem>>
      tpu.enqueue_dma source(%dma_start3A_398 : memref<96x128xf32, #tpu.memory_space<vmem>>) target(%dma_start3A_394 : memref<96x128xf32, #tpu.memory_space<vmem_shared>>) target_semaphore(%run_scoped3A_386 : memref<!tpu.dma_semaphore, #tpu.memory_space<semaphore_mem>>)
      %dma_wait3A_399 = arith.constant 0 : i32
      %dma_wait3A_400 = arith.constant 0 : i32
      %dma_wait3A_401 = tpu.memref_slice %arg7[%run_scoped3A_32, %dma_wait3A_399, %dma_wait3A_400] : memref<3x96x128xf32, #tpu.memory_space<vmem>> -> memref<1x96x128xf32, #tpu.memory_space<vmem>>
      %dma_wait3A_402 = tpu.memref_squeeze %dma_wait3A_401 : memref<1x96x128xf32, #tpu.memory_space<vmem>> -> memref<96x128xf32, #tpu.memory_space<vmem>>
      %dma_wait3A_403 = arith.constant 0 : i32
      %dma_wait3A_404 = tpu.memref_slice %arg6[%add3A_31, %dma_wait3A_403] : memref<10112x128xf32, #tpu.memory_space<vmem_shared>> -> memref<96x128xf32, #tpu.memory_space<vmem_shared>>
      %dma_wait3A_405 = arith.constant 0 : i32
      %dma_wait3A_406 = tpu.memref_slice %arg6[%add3A_31, %dma_wait3A_405] : memref<10112x128xf32, #tpu.memory_space<vmem_shared>> -> memref<96x128xf32, #tpu.memory_space<vmem_shared>>
      %dma_wait3A_407 = arith.constant 0 : i32
      %dma_wait3A_408 = arith.constant 0 : i32
      %dma_wait3A_409 = tpu.memref_slice %arg7[%run_scoped3A_32, %dma_wait3A_407, %dma_wait3A_408] : memref<3x96x128xf32, #tpu.memory_space<vmem>> -> memref<1x96x128xf32, #tpu.memory_space<vmem>>
      %dma_wait3A_410 = tpu.memref_squeeze %dma_wait3A_409 : memref<1x96x128xf32, #tpu.memory_space<vmem>> -> memref<96x128xf32, #tpu.memory_space<vmem>>
      tpu.wait_dma2 semaphore(%run_scoped3A_386 : memref<!tpu.dma_semaphore, #tpu.memory_space<semaphore_mem>>) src(%dma_wait3A_410 : memref<96x128xf32, #tpu.memory_space<vmem>>) dst(%dma_wait3A_406 : memref<96x128xf32, #tpu.memory_space<vmem_shared>>)
      tpu.yield
    }) : () -> ()
    %add3A_33 = arith.constant 632 : i32
    %add3A_34 = arith.addi %mul3A_15, %add3A_33 : i32
    %sub3A = arith.constant 56 : i32
    %sub3A_35 = arith.subi %add3A_34, %sub3A : i32
    %run_scoped3A_36 = arith.constant 0 : i32
    "tpu.region"() ({
      %run_scoped3A_386 = tpu.sem_alloc : memref<!tpu.dma_semaphore, #tpu.memory_space<semaphore_mem>>
      %dma_start3A_387 = arith.constant 0 : i32
      %dma_start3A_388 = arith.constant 0 : i32
      %dma_start3A_389 = tpu.memref_slice %arg7[%run_scoped3A_36, %dma_start3A_387, %dma_start3A_388] : memref<3x96x128xf32, #tpu.memory_space<vmem>> -> memref<1x56x128xf32, #tpu.memory_space<vmem>>
      %dma_start3A_390 = tpu.memref_squeeze %dma_start3A_389 : memref<1x56x128xf32, #tpu.memory_space<vmem>> -> memref<56x128xf32, #tpu.memory_space<vmem>>
      %dma_start3A_391 = arith.constant 0 : i32
      %dma_start3A_392 = tpu.memref_slice %arg6[%sub3A_35, %dma_start3A_391] : memref<10112x128xf32, #tpu.memory_space<vmem_shared>> -> memref<56x128xf32, #tpu.memory_space<vmem_shared>>
      %dma_start3A_393 = arith.constant 0 : i32
      %dma_start3A_394 = tpu.memref_slice %arg6[%sub3A_35, %dma_start3A_393] : memref<10112x128xf32, #tpu.memory_space<vmem_shared>> -> memref<56x128xf32, #tpu.memory_space<vmem_shared>>
      %dma_start3A_395 = arith.constant 0 : i32
      %dma_start3A_396 = arith.constant 0 : i32
      %dma_start3A_397 = tpu.memref_slice %arg7[%run_scoped3A_36, %dma_start3A_395, %dma_start3A_396] : memref<3x96x128xf32, #tpu.memory_space<vmem>> -> memref<1x56x128xf32, #tpu.memory_space<vmem>>
      %dma_start3A_398 = tpu.memref_squeeze %dma_start3A_397 : memref<1x56x128xf32, #tpu.memory_space<vmem>> -> memref<56x128xf32, #tpu.memory_space<vmem>>
      tpu.enqueue_dma source(%dma_start3A_398 : memref<56x128xf32, #tpu.memory_space<vmem>>) target(%dma_start3A_394 : memref<56x128xf32, #tpu.memory_space<vmem_shared>>) target_semaphore(%run_scoped3A_386 : memref<!tpu.dma_semaphore, #tpu.memory_space<semaphore_mem>>)
      %dma_wait3A_399 = arith.constant 0 : i32
      %dma_wait3A_400 = arith.constant 0 : i32
      %dma_wait3A_401 = tpu.memref_slice %arg7[%run_scoped3A_36, %dma_wait3A_399, %dma_wait3A_400] : memref<3x96x128xf32, #tpu.memory_space<vmem>> -> memref<1x56x128xf32, #tpu.memory_space<vmem>>
      %dma_wait3A_402 = tpu.memref_squeeze %dma_wait3A_401 : memref<1x56x128xf32, #tpu.memory_space<vmem>> -> memref<56x128xf32, #tpu.memory_space<vmem>>
      %dma_wait3A_403 = arith.constant 0 : i32
      %dma_wait3A_404 = tpu.memref_slice %arg6[%sub3A_35, %dma_wait3A_403] : memref<10112x128xf32, #tpu.memory_space<vmem_shared>> -> memref<56x128xf32, #tpu.memory_space<vmem_shared>>
      %dma_wait3A_405 = arith.constant 0 : i32
      %dma_wait3A_406 = tpu.memref_slice %arg6[%sub3A_35, %dma_wait3A_405] : memref<10112x128xf32, #tpu.memory_space<vmem_shared>> -> memref<56x128xf32, #tpu.memory_space<vmem_shared>>
      %dma_wait3A_407 = arith.constant 0 : i32
      %dma_wait3A_408 = arith.constant 0 : i32
      %dma_wait3A_409 = tpu.memref_slice %arg7[%run_scoped3A_36, %dma_wait3A_407, %dma_wait3A_408] : memref<3x96x128xf32, #tpu.memory_space<vmem>> -> memref<1x56x128xf32, #tpu.memory_space<vmem>>
      %dma_wait3A_410 = tpu.memref_squeeze %dma_wait3A_409 : memref<1x56x128xf32, #tpu.memory_space<vmem>> -> memref<56x128xf32, #tpu.memory_space<vmem>>
      tpu.wait_dma2 semaphore(%run_scoped3A_386 : memref<!tpu.dma_semaphore, #tpu.memory_space<semaphore_mem>>) src(%dma_wait3A_410 : memref<56x128xf32, #tpu.memory_space<vmem>>) dst(%dma_wait3A_406 : memref<56x128xf32, #tpu.memory_space<vmem_shared>>)
      tpu.yield
    }) : () -> ()
    %barrier3A = arith.constant 0 : index
    tpu.barrier barrier_id(%barrier3A)
    %add3A_37 = arith.constant 0 : i32
    %add3A_38 = arith.addi %select_n3A_8, %add3A_37 : i32
    %dma_start3A = arith.constant 0 : i32
    %dma_start3A_39 = arith.constant 0 : i32
    %dma_start3A_40 = arith.constant 0 : i32
    %dma_start3A_41 = arith.constant 0 : i32
    %dma_start3A_42 = tpu.memref_slice %arg8[%dma_start3A, %dma_start3A_39, %dma_start3A_40, %dma_start3A_41] : memref<2x3x3x96xi32, #tpu.memory_space<vmem>> -> memref<1x3x3x96xi32, #tpu.memory_space<vmem>>
    %dma_start3A_43 = tpu.memref_squeeze %dma_start3A_42 : memref<1x3x3x96xi32, #tpu.memory_space<vmem>> -> memref<3x3x96xi32, #tpu.memory_space<vmem>>
    %dma_start3A_44 = arith.constant 0 : i32
    %dma_start3A_45 = arith.constant 0 : i32
    %dma_start3A_46 = tpu.memref_slice %arg4[%add3A_38, %dma_start3A_44, %dma_start3A_45] : memref<3360x3x96xi32, #tpu.memory_space<hbm>> -> memref<3x3x96xi32, #tpu.memory_space<hbm>>
    %dma_start3A_47 = arith.constant 0 : i32
    %dma_start3A_48 = arith.constant 0 : i32
    %dma_start3A_49 = arith.constant 0 : i32
    %dma_start3A_50 = tpu.memref_slice %arg8[%dma_start3A, %dma_start3A_47, %dma_start3A_48, %dma_start3A_49] : memref<2x3x3x96xi32, #tpu.memory_space<vmem>> -> memref<1x3x3x96xi32, #tpu.memory_space<vmem>>
    %dma_start3A_51 = tpu.memref_squeeze %dma_start3A_50 : memref<1x3x3x96xi32, #tpu.memory_space<vmem>> -> memref<3x3x96xi32, #tpu.memory_space<vmem>>
    %dma_start3A_52 = arith.constant 0 : i32
    %dma_start3A_53 = arith.constant 0 : i32
    %dma_start3A_54 = tpu.memref_slice %arg4[%add3A_38, %dma_start3A_52, %dma_start3A_53] : memref<3360x3x96xi32, #tpu.memory_space<hbm>> -> memref<3x3x96xi32, #tpu.memory_space<hbm>>
    tpu.enqueue_dma source(%dma_start3A_54 : memref<3x3x96xi32, #tpu.memory_space<hbm>>) target(%dma_start3A_51 : memref<3x3x96xi32, #tpu.memory_space<vmem>>) target_semaphore(%arg18 : memref<!tpu.dma_semaphore, #tpu.memory_space<semaphore_mem>>)
    %dma_wait3A = arith.constant 0 : i32
    %dma_wait3A_55 = arith.constant 0 : i32
    %dma_wait3A_56 = arith.constant 0 : i32
    %dma_wait3A_57 = arith.constant 0 : i32
    %dma_wait3A_58 = tpu.memref_slice %arg8[%dma_wait3A, %dma_wait3A_55, %dma_wait3A_56, %dma_wait3A_57] : memref<2x3x3x96xi32, #tpu.memory_space<vmem>> -> memref<1x3x3x96xi32, #tpu.memory_space<vmem>>
    %dma_wait3A_59 = tpu.memref_squeeze %dma_wait3A_58 : memref<1x3x3x96xi32, #tpu.memory_space<vmem>> -> memref<3x3x96xi32, #tpu.memory_space<vmem>>
    %dma_wait3A_60 = arith.constant 0 : i32
    %dma_wait3A_61 = arith.constant 0 : i32
    %dma_wait3A_62 = tpu.memref_slice %arg4[%add3A_38, %dma_wait3A_60, %dma_wait3A_61] : memref<3360x3x96xi32, #tpu.memory_space<hbm>> -> memref<3x3x96xi32, #tpu.memory_space<hbm>>
    %dma_wait3A_63 = arith.constant 0 : i32
    %dma_wait3A_64 = arith.constant 0 : i32
    %dma_wait3A_65 = arith.constant 0 : i32
    %dma_wait3A_66 = tpu.memref_slice %arg8[%dma_wait3A, %dma_wait3A_63, %dma_wait3A_64, %dma_wait3A_65] : memref<2x3x3x96xi32, #tpu.memory_space<vmem>> -> memref<1x3x3x96xi32, #tpu.memory_space<vmem>>
    %dma_wait3A_67 = tpu.memref_squeeze %dma_wait3A_66 : memref<1x3x3x96xi32, #tpu.memory_space<vmem>> -> memref<3x3x96xi32, #tpu.memory_space<vmem>>
    %dma_wait3A_68 = arith.constant 0 : i32
    %dma_wait3A_69 = arith.constant 0 : i32
    %dma_wait3A_70 = tpu.memref_slice %arg4[%add3A_38, %dma_wait3A_68, %dma_wait3A_69] : memref<3360x3x96xi32, #tpu.memory_space<hbm>> -> memref<3x3x96xi32, #tpu.memory_space<hbm>>
    tpu.wait_dma2 semaphore(%arg18 : memref<!tpu.dma_semaphore, #tpu.memory_space<semaphore_mem>>) src(%dma_wait3A_70 : memref<3x3x96xi32, #tpu.memory_space<hbm>>) dst(%dma_wait3A_67 : memref<3x3x96xi32, #tpu.memory_space<vmem>>)
    %gt3A = arith.constant 1 : i32
    %gt3A_71 = arith.cmpi sgt, %select_n3A, %gt3A : i32
    %convert_element_type3A = arith.extui %gt3A_71 : i1 to i32
    %cond3A = arith.constant 0 : i32
    %cond3A_72 = arith.cmpi ne, %convert_element_type3A, %cond3A : i32
    scf.if %cond3A_72 {
      %add3A_386 = arith.constant 3 : i32
      %add3A_387 = arith.addi %select_n3A_8, %add3A_386 : i32
      %dma_start3A_388 = arith.constant 1 : i32
      %dma_start3A_389 = arith.constant 0 : i32
      %dma_start3A_390 = arith.constant 0 : i32
      %dma_start3A_391 = arith.constant 0 : i32
      %dma_start3A_392 = tpu.memref_slice %arg8[%dma_start3A_388, %dma_start3A_389, %dma_start3A_390, %dma_start3A_391] : memref<2x3x3x96xi32, #tpu.memory_space<vmem>> -> memref<1x3x3x96xi32, #tpu.memory_space<vmem>>
      %dma_start3A_393 = tpu.memref_squeeze %dma_start3A_392 : memref<1x3x3x96xi32, #tpu.memory_space<vmem>> -> memref<3x3x96xi32, #tpu.memory_space<vmem>>
      %dma_start3A_394 = arith.constant 0 : i32
      %dma_start3A_395 = arith.constant 0 : i32
      %dma_start3A_396 = tpu.memref_slice %arg4[%add3A_387, %dma_start3A_394, %dma_start3A_395] : memref<3360x3x96xi32, #tpu.memory_space<hbm>> -> memref<3x3x96xi32, #tpu.memory_space<hbm>>
      %dma_start3A_397 = arith.constant 0 : i32
      %dma_start3A_398 = arith.constant 0 : i32
      %dma_start3A_399 = arith.constant 0 : i32
      %dma_start3A_400 = tpu.memref_slice %arg8[%dma_start3A_388, %dma_start3A_397, %dma_start3A_398, %dma_start3A_399] : memref<2x3x3x96xi32, #tpu.memory_space<vmem>> -> memref<1x3x3x96xi32, #tpu.memory_space<vmem>>
      %dma_start3A_401 = tpu.memref_squeeze %dma_start3A_400 : memref<1x3x3x96xi32, #tpu.memory_space<vmem>> -> memref<3x3x96xi32, #tpu.memory_space<vmem>>
      %dma_start3A_402 = arith.constant 0 : i32
      %dma_start3A_403 = arith.constant 0 : i32
      %dma_start3A_404 = tpu.memref_slice %arg4[%add3A_387, %dma_start3A_402, %dma_start3A_403] : memref<3360x3x96xi32, #tpu.memory_space<hbm>> -> memref<3x3x96xi32, #tpu.memory_space<hbm>>
      tpu.enqueue_dma source(%dma_start3A_404 : memref<3x3x96xi32, #tpu.memory_space<hbm>>) target(%dma_start3A_401 : memref<3x3x96xi32, #tpu.memory_space<vmem>>) target_semaphore(%arg19 : memref<!tpu.dma_semaphore, #tpu.memory_space<semaphore_mem>>)
    } else {
    }
    %dma_start3A_73 = arith.constant 0 : i32
    %dma_start3A_74 = arith.constant 0 : i32
    %dma_start3A_75 = arith.constant 0 : i32
    %dma_start3A_76 = arith.constant 0 : i32
    %dma_start3A_77 = arith.constant 0 : i32
    %dma_start3A_78 = arith.constant 0 : i32
    %dma_start3A_79 = tpu.memref_slice %arg7[%dma_start3A_76, %dma_start3A_77, %dma_start3A_78] : memref<3x96x128xf32, #tpu.memory_space<vmem>> -> memref<1x96x128xf32, #tpu.memory_space<vmem>>
    %dma_start3A_80 = tpu.memref_squeeze %dma_start3A_79 : memref<1x96x128xf32, #tpu.memory_space<vmem>> -> memref<96x128xf32, #tpu.memory_space<vmem>>
    %dma_start3A_81 = arith.constant 0 : i32
    %dma_start3A_82 = tpu.memref_slice %arg8[%dma_start3A_73, %dma_start3A_74, %dma_start3A_75, %dma_start3A_81] : memref<2x3x3x96xi32, #tpu.memory_space<vmem>> -> memref<1x1x1x96xi32, #tpu.memory_space<vmem>>
    %dma_start3A_83 = tpu.memref_squeeze %dma_start3A_82 : memref<1x1x1x96xi32, #tpu.memory_space<vmem>> -> memref<96xi32, #tpu.memory_space<vmem>>
    %dma_start3A_84 = arith.constant 0 : i32
    %dma_start3A_85 = arith.constant 0 : i32
    %dma_start3A_86 = tpu.memref_slice %arg2[%dma_start3A_84, %dma_start3A_85] : memref<10000x128xf32, #tpu.memory_space<hbm>> -> memref<10000x128xf32, #tpu.memory_space<hbm>>
    tpu.enqueue_indirect_dma source(%dma_start3A_86 : memref<10000x128xf32, #tpu.memory_space<hbm>>) target(%dma_start3A_80 : memref<96x128xf32, #tpu.memory_space<vmem>>) offsets(%dma_start3A_83 : memref<96xi32, #tpu.memory_space<vmem>>) semaphore(%arg9 : memref<!tpu.dma_semaphore, #tpu.memory_space<semaphore_mem>>)
    %dma_start3A_87 = arith.constant 0 : i32
    %dma_start3A_88 = arith.constant 1 : i32
    %dma_start3A_89 = arith.constant 0 : i32
    %dma_start3A_90 = arith.constant 1 : i32
    %dma_start3A_91 = arith.constant 0 : i32
    %dma_start3A_92 = arith.constant 0 : i32
    %dma_start3A_93 = tpu.memref_slice %arg7[%dma_start3A_90, %dma_start3A_91, %dma_start3A_92] : memref<3x96x128xf32, #tpu.memory_space<vmem>> -> memref<1x96x128xf32, #tpu.memory_space<vmem>>
    %dma_start3A_94 = tpu.memref_squeeze %dma_start3A_93 : memref<1x96x128xf32, #tpu.memory_space<vmem>> -> memref<96x128xf32, #tpu.memory_space<vmem>>
    %dma_start3A_95 = arith.constant 0 : i32
    %dma_start3A_96 = tpu.memref_slice %arg8[%dma_start3A_87, %dma_start3A_88, %dma_start3A_89, %dma_start3A_95] : memref<2x3x3x96xi32, #tpu.memory_space<vmem>> -> memref<1x1x1x96xi32, #tpu.memory_space<vmem>>
    %dma_start3A_97 = tpu.memref_squeeze %dma_start3A_96 : memref<1x1x1x96xi32, #tpu.memory_space<vmem>> -> memref<96xi32, #tpu.memory_space<vmem>>
    %dma_start3A_98 = arith.constant 0 : i32
    %dma_start3A_99 = arith.constant 0 : i32
    %dma_start3A_100 = tpu.memref_slice %arg2[%dma_start3A_98, %dma_start3A_99] : memref<10000x128xf32, #tpu.memory_space<hbm>> -> memref<10000x128xf32, #tpu.memory_space<hbm>>
    tpu.enqueue_indirect_dma source(%dma_start3A_100 : memref<10000x128xf32, #tpu.memory_space<hbm>>) target(%dma_start3A_94 : memref<96x128xf32, #tpu.memory_space<vmem>>) offsets(%dma_start3A_97 : memref<96xi32, #tpu.memory_space<vmem>>) semaphore(%arg10 : memref<!tpu.dma_semaphore, #tpu.memory_space<semaphore_mem>>)
    %dma_start3A_101 = arith.constant 0 : i32
    %dma_start3A_102 = arith.constant 2 : i32
    %dma_start3A_103 = arith.constant 0 : i32
    %dma_start3A_104 = arith.constant 2 : i32
    %dma_start3A_105 = arith.constant 0 : i32
    %dma_start3A_106 = arith.constant 0 : i32
    %dma_start3A_107 = tpu.memref_slice %arg7[%dma_start3A_104, %dma_start3A_105, %dma_start3A_106] : memref<3x96x128xf32, #tpu.memory_space<vmem>> -> memref<1x96x128xf32, #tpu.memory_space<vmem>>
    %dma_start3A_108 = tpu.memref_squeeze %dma_start3A_107 : memref<1x96x128xf32, #tpu.memory_space<vmem>> -> memref<96x128xf32, #tpu.memory_space<vmem>>
    %dma_start3A_109 = arith.constant 0 : i32
    %dma_start3A_110 = tpu.memref_slice %arg8[%dma_start3A_101, %dma_start3A_102, %dma_start3A_103, %dma_start3A_109] : memref<2x3x3x96xi32, #tpu.memory_space<vmem>> -> memref<1x1x1x96xi32, #tpu.memory_space<vmem>>
    %dma_start3A_111 = tpu.memref_squeeze %dma_start3A_110 : memref<1x1x1x96xi32, #tpu.memory_space<vmem>> -> memref<96xi32, #tpu.memory_space<vmem>>
    %dma_start3A_112 = arith.constant 0 : i32
    %dma_start3A_113 = arith.constant 0 : i32
    %dma_start3A_114 = tpu.memref_slice %arg2[%dma_start3A_112, %dma_start3A_113] : memref<10000x128xf32, #tpu.memory_space<hbm>> -> memref<10000x128xf32, #tpu.memory_space<hbm>>
    tpu.enqueue_indirect_dma source(%dma_start3A_114 : memref<10000x128xf32, #tpu.memory_space<hbm>>) target(%dma_start3A_108 : memref<96x128xf32, #tpu.memory_space<vmem>>) offsets(%dma_start3A_111 : memref<96xi32, #tpu.memory_space<vmem>>) semaphore(%arg11 : memref<!tpu.dma_semaphore, #tpu.memory_space<semaphore_mem>>)
    %dma_wait3A_115 = arith.constant 0 : i32
    %dma_wait3A_116 = arith.constant 0 : i32
    %dma_wait3A_117 = arith.constant 0 : i32
    %dma_wait3A_118 = arith.constant 0 : i32
    %dma_wait3A_119 = arith.constant 0 : i32
    %dma_wait3A_120 = arith.constant 0 : i32
    %dma_wait3A_121 = tpu.memref_slice %arg7[%dma_wait3A_118, %dma_wait3A_119, %dma_wait3A_120] : memref<3x96x128xf32, #tpu.memory_space<vmem>> -> memref<1x96x128xf32, #tpu.memory_space<vmem>>
    %dma_wait3A_122 = tpu.memref_squeeze %dma_wait3A_121 : memref<1x96x128xf32, #tpu.memory_space<vmem>> -> memref<96x128xf32, #tpu.memory_space<vmem>>
    %dma_wait3A_123 = arith.constant 0 : i32
    %dma_wait3A_124 = tpu.memref_slice %arg8[%dma_wait3A_115, %dma_wait3A_116, %dma_wait3A_117, %dma_wait3A_123] : memref<2x3x3x96xi32, #tpu.memory_space<vmem>> -> memref<1x1x1x96xi32, #tpu.memory_space<vmem>>
    %dma_wait3A_125 = tpu.memref_squeeze %dma_wait3A_124 : memref<1x1x1x96xi32, #tpu.memory_space<vmem>> -> memref<96xi32, #tpu.memory_space<vmem>>
    %dma_wait3A_126 = arith.constant 0 : i32
    %dma_wait3A_127 = arith.constant 0 : i32
    %dma_wait3A_128 = tpu.memref_slice %arg2[%dma_wait3A_126, %dma_wait3A_127] : memref<10000x128xf32, #tpu.memory_space<hbm>> -> memref<10000x128xf32, #tpu.memory_space<hbm>>
    tpu.wait_indirect_dma semaphore(%arg9 : memref<!tpu.dma_semaphore, #tpu.memory_space<semaphore_mem>>) src(%dma_wait3A_128 : memref<10000x128xf32, #tpu.memory_space<hbm>>) dst(%dma_wait3A_122 : memref<96x128xf32, #tpu.memory_space<vmem>>)
    %dma_start3A_129 = arith.constant 0 : i32
    %dma_start3A_130 = arith.constant 0 : i32
    %dma_start3A_131 = arith.constant 2 : i32
    %dma_start3A_132 = arith.constant 0 : i32
    %dma_start3A_133 = arith.constant 0 : i32
    %dma_start3A_134 = arith.constant 0 : i32
    %dma_start3A_135 = tpu.memref_slice %arg7[%dma_start3A_132, %dma_start3A_133, %dma_start3A_134] : memref<3x96x128xf32, #tpu.memory_space<vmem>> -> memref<1x96x128xf32, #tpu.memory_space<vmem>>
    %dma_start3A_136 = tpu.memref_squeeze %dma_start3A_135 : memref<1x96x128xf32, #tpu.memory_space<vmem>> -> memref<96x128xf32, #tpu.memory_space<vmem>>
    %dma_start3A_137 = arith.constant 0 : i32
    %dma_start3A_138 = tpu.memref_slice %arg8[%dma_start3A_129, %dma_start3A_130, %dma_start3A_131, %dma_start3A_137] : memref<2x3x3x96xi32, #tpu.memory_space<vmem>> -> memref<1x1x1x96xi32, #tpu.memory_space<vmem>>
    %dma_start3A_139 = tpu.memref_squeeze %dma_start3A_138 : memref<1x1x1x96xi32, #tpu.memory_space<vmem>> -> memref<96xi32, #tpu.memory_space<vmem>>
    %dma_start3A_140 = arith.constant 0 : i32
    %dma_start3A_141 = arith.constant 0 : i32
    %dma_start3A_142 = tpu.memref_slice %arg3[%dma_start3A_140, %dma_start3A_141] : memref<10000x128xf32, #tpu.memory_space<hbm>> -> memref<10000x128xf32, #tpu.memory_space<hbm>>
    tpu.enqueue_indirect_dma source(%dma_start3A_142 : memref<10000x128xf32, #tpu.memory_space<hbm>>) target(%dma_start3A_136 : memref<96x128xf32, #tpu.memory_space<vmem>>) offsets(%dma_start3A_139 : memref<96xi32, #tpu.memory_space<vmem>>) semaphore(%arg12 : memref<!tpu.dma_semaphore, #tpu.memory_space<semaphore_mem>>) {add = true}
    %dma_wait3A_143 = arith.constant 0 : i32
    %dma_wait3A_144 = arith.constant 1 : i32
    %dma_wait3A_145 = arith.constant 0 : i32
    %dma_wait3A_146 = arith.constant 1 : i32
    %dma_wait3A_147 = arith.constant 0 : i32
    %dma_wait3A_148 = arith.constant 0 : i32
    %dma_wait3A_149 = tpu.memref_slice %arg7[%dma_wait3A_146, %dma_wait3A_147, %dma_wait3A_148] : memref<3x96x128xf32, #tpu.memory_space<vmem>> -> memref<1x96x128xf32, #tpu.memory_space<vmem>>
    %dma_wait3A_150 = tpu.memref_squeeze %dma_wait3A_149 : memref<1x96x128xf32, #tpu.memory_space<vmem>> -> memref<96x128xf32, #tpu.memory_space<vmem>>
    %dma_wait3A_151 = arith.constant 0 : i32
    %dma_wait3A_152 = tpu.memref_slice %arg8[%dma_wait3A_143, %dma_wait3A_144, %dma_wait3A_145, %dma_wait3A_151] : memref<2x3x3x96xi32, #tpu.memory_space<vmem>> -> memref<1x1x1x96xi32, #tpu.memory_space<vmem>>
    %dma_wait3A_153 = tpu.memref_squeeze %dma_wait3A_152 : memref<1x1x1x96xi32, #tpu.memory_space<vmem>> -> memref<96xi32, #tpu.memory_space<vmem>>
    %dma_wait3A_154 = arith.constant 0 : i32
    %dma_wait3A_155 = arith.constant 0 : i32
    %dma_wait3A_156 = tpu.memref_slice %arg2[%dma_wait3A_154, %dma_wait3A_155] : memref<10000x128xf32, #tpu.memory_space<hbm>> -> memref<10000x128xf32, #tpu.memory_space<hbm>>
    tpu.wait_indirect_dma semaphore(%arg10 : memref<!tpu.dma_semaphore, #tpu.memory_space<semaphore_mem>>) src(%dma_wait3A_156 : memref<10000x128xf32, #tpu.memory_space<hbm>>) dst(%dma_wait3A_150 : memref<96x128xf32, #tpu.memory_space<vmem>>)
    %dma_start3A_157 = arith.constant 0 : i32
    %dma_start3A_158 = arith.constant 1 : i32
    %dma_start3A_159 = arith.constant 2 : i32
    %dma_start3A_160 = arith.constant 1 : i32
    %dma_start3A_161 = arith.constant 0 : i32
    %dma_start3A_162 = arith.constant 0 : i32
    %dma_start3A_163 = tpu.memref_slice %arg7[%dma_start3A_160, %dma_start3A_161, %dma_start3A_162] : memref<3x96x128xf32, #tpu.memory_space<vmem>> -> memref<1x96x128xf32, #tpu.memory_space<vmem>>
    %dma_start3A_164 = tpu.memref_squeeze %dma_start3A_163 : memref<1x96x128xf32, #tpu.memory_space<vmem>> -> memref<96x128xf32, #tpu.memory_space<vmem>>
    %dma_start3A_165 = arith.constant 0 : i32
    %dma_start3A_166 = tpu.memref_slice %arg8[%dma_start3A_157, %dma_start3A_158, %dma_start3A_159, %dma_start3A_165] : memref<2x3x3x96xi32, #tpu.memory_space<vmem>> -> memref<1x1x1x96xi32, #tpu.memory_space<vmem>>
    %dma_start3A_167 = tpu.memref_squeeze %dma_start3A_166 : memref<1x1x1x96xi32, #tpu.memory_space<vmem>> -> memref<96xi32, #tpu.memory_space<vmem>>
    %dma_start3A_168 = arith.constant 0 : i32
    %dma_start3A_169 = arith.constant 0 : i32
    %dma_start3A_170 = tpu.memref_slice %arg3[%dma_start3A_168, %dma_start3A_169] : memref<10000x128xf32, #tpu.memory_space<hbm>> -> memref<10000x128xf32, #tpu.memory_space<hbm>>
    tpu.enqueue_indirect_dma source(%dma_start3A_170 : memref<10000x128xf32, #tpu.memory_space<hbm>>) target(%dma_start3A_164 : memref<96x128xf32, #tpu.memory_space<vmem>>) offsets(%dma_start3A_167 : memref<96xi32, #tpu.memory_space<vmem>>) semaphore(%arg13 : memref<!tpu.dma_semaphore, #tpu.memory_space<semaphore_mem>>) {add = true}
    %dma_wait3A_171 = arith.constant 0 : i32
    %dma_wait3A_172 = arith.constant 2 : i32
    %dma_wait3A_173 = arith.constant 0 : i32
    %dma_wait3A_174 = arith.constant 2 : i32
    %dma_wait3A_175 = arith.constant 0 : i32
    %dma_wait3A_176 = arith.constant 0 : i32
    %dma_wait3A_177 = tpu.memref_slice %arg7[%dma_wait3A_174, %dma_wait3A_175, %dma_wait3A_176] : memref<3x96x128xf32, #tpu.memory_space<vmem>> -> memref<1x96x128xf32, #tpu.memory_space<vmem>>
    %dma_wait3A_178 = tpu.memref_squeeze %dma_wait3A_177 : memref<1x96x128xf32, #tpu.memory_space<vmem>> -> memref<96x128xf32, #tpu.memory_space<vmem>>
    %dma_wait3A_179 = arith.constant 0 : i32
    %dma_wait3A_180 = tpu.memref_slice %arg8[%dma_wait3A_171, %dma_wait3A_172, %dma_wait3A_173, %dma_wait3A_179] : memref<2x3x3x96xi32, #tpu.memory_space<vmem>> -> memref<1x1x1x96xi32, #tpu.memory_space<vmem>>
    %dma_wait3A_181 = tpu.memref_squeeze %dma_wait3A_180 : memref<1x1x1x96xi32, #tpu.memory_space<vmem>> -> memref<96xi32, #tpu.memory_space<vmem>>
    %dma_wait3A_182 = arith.constant 0 : i32
    %dma_wait3A_183 = arith.constant 0 : i32
    %dma_wait3A_184 = tpu.memref_slice %arg2[%dma_wait3A_182, %dma_wait3A_183] : memref<10000x128xf32, #tpu.memory_space<hbm>> -> memref<10000x128xf32, #tpu.memory_space<hbm>>
    tpu.wait_indirect_dma semaphore(%arg11 : memref<!tpu.dma_semaphore, #tpu.memory_space<semaphore_mem>>) src(%dma_wait3A_184 : memref<10000x128xf32, #tpu.memory_space<hbm>>) dst(%dma_wait3A_178 : memref<96x128xf32, #tpu.memory_space<vmem>>)
    %dma_start3A_185 = arith.constant 0 : i32
    %dma_start3A_186 = arith.constant 2 : i32
    %dma_start3A_187 = arith.constant 2 : i32
    %dma_start3A_188 = arith.constant 2 : i32
    %dma_start3A_189 = arith.constant 0 : i32
    %dma_start3A_190 = arith.constant 0 : i32
    %dma_start3A_191 = tpu.memref_slice %arg7[%dma_start3A_188, %dma_start3A_189, %dma_start3A_190] : memref<3x96x128xf32, #tpu.memory_space<vmem>> -> memref<1x96x128xf32, #tpu.memory_space<vmem>>
    %dma_start3A_192 = tpu.memref_squeeze %dma_start3A_191 : memref<1x96x128xf32, #tpu.memory_space<vmem>> -> memref<96x128xf32, #tpu.memory_space<vmem>>
    %dma_start3A_193 = arith.constant 0 : i32
    %dma_start3A_194 = tpu.memref_slice %arg8[%dma_start3A_185, %dma_start3A_186, %dma_start3A_187, %dma_start3A_193] : memref<2x3x3x96xi32, #tpu.memory_space<vmem>> -> memref<1x1x1x96xi32, #tpu.memory_space<vmem>>
    %dma_start3A_195 = tpu.memref_squeeze %dma_start3A_194 : memref<1x1x1x96xi32, #tpu.memory_space<vmem>> -> memref<96xi32, #tpu.memory_space<vmem>>
    %dma_start3A_196 = arith.constant 0 : i32
    %dma_start3A_197 = arith.constant 0 : i32
    %dma_start3A_198 = tpu.memref_slice %arg3[%dma_start3A_196, %dma_start3A_197] : memref<10000x128xf32, #tpu.memory_space<hbm>> -> memref<10000x128xf32, #tpu.memory_space<hbm>>
    tpu.enqueue_indirect_dma source(%dma_start3A_198 : memref<10000x128xf32, #tpu.memory_space<hbm>>) target(%dma_start3A_192 : memref<96x128xf32, #tpu.memory_space<vmem>>) offsets(%dma_start3A_195 : memref<96xi32, #tpu.memory_space<vmem>>) semaphore(%arg14 : memref<!tpu.dma_semaphore, #tpu.memory_space<semaphore_mem>>) {add = true}
    %dma_wait3A_199 = arith.constant 0 : i32
    %dma_wait3A_200 = arith.constant 0 : i32
    %dma_wait3A_201 = arith.constant 2 : i32
    %dma_wait3A_202 = arith.constant 0 : i32
    %dma_wait3A_203 = arith.constant 0 : i32
    %dma_wait3A_204 = arith.constant 0 : i32
    %dma_wait3A_205 = tpu.memref_slice %arg7[%dma_wait3A_202, %dma_wait3A_203, %dma_wait3A_204] : memref<3x96x128xf32, #tpu.memory_space<vmem>> -> memref<1x96x128xf32, #tpu.memory_space<vmem>>
    %dma_wait3A_206 = tpu.memref_squeeze %dma_wait3A_205 : memref<1x96x128xf32, #tpu.memory_space<vmem>> -> memref<96x128xf32, #tpu.memory_space<vmem>>
    %dma_wait3A_207 = arith.constant 0 : i32
    %dma_wait3A_208 = tpu.memref_slice %arg8[%dma_wait3A_199, %dma_wait3A_200, %dma_wait3A_201, %dma_wait3A_207] : memref<2x3x3x96xi32, #tpu.memory_space<vmem>> -> memref<1x1x1x96xi32, #tpu.memory_space<vmem>>
    %dma_wait3A_209 = tpu.memref_squeeze %dma_wait3A_208 : memref<1x1x1x96xi32, #tpu.memory_space<vmem>> -> memref<96xi32, #tpu.memory_space<vmem>>
    %dma_wait3A_210 = arith.constant 0 : i32
    %dma_wait3A_211 = arith.constant 0 : i32
    %dma_wait3A_212 = tpu.memref_slice %arg3[%dma_wait3A_210, %dma_wait3A_211] : memref<10000x128xf32, #tpu.memory_space<hbm>> -> memref<10000x128xf32, #tpu.memory_space<hbm>>
    tpu.wait_indirect_dma semaphore(%arg12 : memref<!tpu.dma_semaphore, #tpu.memory_space<semaphore_mem>>) src(%dma_wait3A_212 : memref<10000x128xf32, #tpu.memory_space<hbm>>) dst(%dma_wait3A_206 : memref<96x128xf32, #tpu.memory_space<vmem>>)
    %scan3A_213 = arith.constant 0 : i32
    %scan3A_214 = arith.constant 0 : i32
    %scan3A_215 = arith.constant 96 : i32
    %scan3A_216 = arith.addi %scan3A_214, %scan3A_215 : i32
    %scan3A_217 = arith.constant 1 : i32
    scf.for %scan3A_386 = %scan3A_214 to %scan3A_216 step %scan3A_217  : i32 {
      %get3A = arith.constant 0 : i32
      %get3A_387 = arith.index_cast %get3A : i32 to index
      %get3A_388 = arith.index_cast %scan3A_386 : i32 to index
      %get3A_389 = arith.constant 0 : index
      %get3A_390 = tpu.vector_load %arg7[%get3A_387, %get3A_388, %get3A_389] {strides = array<i32>} : memref<3x96x128xf32, #tpu.memory_space<vmem>>, vector<1x1x16xf32>,
      %get3A_391 = vector.shape_cast %get3A_390 : vector<1x1x16xf32> to vector<16xf32>
      %max3A = arith.constant 0.000000e+00 : f32
      %max3A_392 = vector.broadcast %max3A : f32 to vector<16xf32>
      %max3A_393 = arith.maximumf %get3A_391, %max3A_392 : vector<16xf32>
      %swap3A = arith.constant 0 : i32
      %swap3A_394 = arith.index_cast %swap3A : i32 to index
      %swap3A_395 = arith.index_cast %scan3A_386 : i32 to index
      %swap3A_396 = arith.constant 0 : index
      %swap3A_397 = tpu.vector_load %arg7[%swap3A_394, %swap3A_395, %swap3A_396] {strides = array<i32>} : memref<3x96x128xf32, #tpu.memory_space<vmem>>, vector<1x1x16xf32>,
      %swap3A_398 = vector.shape_cast %swap3A_397 : vector<1x1x16xf32> to vector<16xf32>
      %swap3A_399 = vector.shape_cast %max3A_393 : vector<16xf32> to vector<1x1x16xf32>
      tpu.vector_store %arg7[%swap3A_394, %swap3A_395, %swap3A_396], %swap3A_399 {strides = array<i32>} : memref<3x96x128xf32, #tpu.memory_space<vmem>>, vector<1x1x16xf32>,
      %get3A_400 = arith.constant 0 : i32
      %get3A_401 = arith.index_cast %get3A_400 : i32 to index
      %get3A_402 = arith.index_cast %scan3A_386 : i32 to index
      %get3A_403 = arith.constant 16 : index
      %get3A_404 = tpu.vector_load %arg7[%get3A_401, %get3A_402, %get3A_403] {strides = array<i32>} : memref<3x96x128xf32, #tpu.memory_space<vmem>>, vector<1x1x16xf32>,
      %get3A_405 = vector.shape_cast %get3A_404 : vector<1x1x16xf32> to vector<16xf32>
      %max3A_406 = arith.constant 0.000000e+00 : f32
      %max3A_407 = vector.broadcast %max3A_406 : f32 to vector<16xf32>
      %max3A_408 = arith.maximumf %get3A_405, %max3A_407 : vector<16xf32>
      %swap3A_409 = arith.constant 0 : i32
      %swap3A_410 = arith.index_cast %swap3A_409 : i32 to index
      %swap3A_411 = arith.index_cast %scan3A_386 : i32 to index
      %swap3A_412 = arith.constant 16 : index
      %swap3A_413 = tpu.vector_load %arg7[%swap3A_410, %swap3A_411, %swap3A_412] {strides = array<i32>} : memref<3x96x128xf32, #tpu.memory_space<vmem>>, vector<1x1x16xf32>,
      %swap3A_414 = vector.shape_cast %swap3A_413 : vector<1x1x16xf32> to vector<16xf32>
      %swap3A_415 = vector.shape_cast %max3A_408 : vector<16xf32> to vector<1x1x16xf32>
      tpu.vector_store %arg7[%swap3A_410, %swap3A_411, %swap3A_412], %swap3A_415 {strides = array<i32>} : memref<3x96x128xf32, #tpu.memory_space<vmem>>, vector<1x1x16xf32>,
      %get3A_416 = arith.constant 0 : i32
      %get3A_417 = arith.index_cast %get3A_416 : i32 to index
      %get3A_418 = arith.index_cast %scan3A_386 : i32 to index
      %get3A_419 = arith.constant 32 : index
      %get3A_420 = tpu.vector_load %arg7[%get3A_417, %get3A_418, %get3A_419] {strides = array<i32>} : memref<3x96x128xf32, #tpu.memory_space<vmem>>, vector<1x1x16xf32>,
      %get3A_421 = vector.shape_cast %get3A_420 : vector<1x1x16xf32> to vector<16xf32>
      %max3A_422 = arith.constant 0.000000e+00 : f32
      %max3A_423 = vector.broadcast %max3A_422 : f32 to vector<16xf32>
      %max3A_424 = arith.maximumf %get3A_421, %max3A_423 : vector<16xf32>
      %swap3A_425 = arith.constant 0 : i32
      %swap3A_426 = arith.index_cast %swap3A_425 : i32 to index
      %swap3A_427 = arith.index_cast %scan3A_386 : i32 to index
      %swap3A_428 = arith.constant 32 : index
      %swap3A_429 = tpu.vector_load %arg7[%swap3A_426, %swap3A_427, %swap3A_428] {strides = array<i32>} : memref<3x96x128xf32, #tpu.memory_space<vmem>>, vector<1x1x16xf32>,
      %swap3A_430 = vector.shape_cast %swap3A_429 : vector<1x1x16xf32> to vector<16xf32>
      %swap3A_431 = vector.shape_cast %max3A_424 : vector<16xf32> to vector<1x1x16xf32>
      tpu.vector_store %arg7[%swap3A_426, %swap3A_427, %swap3A_428], %swap3A_431 {strides = array<i32>} : memref<3x96x128xf32, #tpu.memory_space<vmem>>, vector<1x1x16xf32>,
      %get3A_432 = arith.constant 0 : i32
      %get3A_433 = arith.index_cast %get3A_432 : i32 to index
      %get3A_434 = arith.index_cast %scan3A_386 : i32 to index
      %get3A_435 = arith.constant 48 : index
      %get3A_436 = tpu.vector_load %arg7[%get3A_433, %get3A_434, %get3A_435] {strides = array<i32>} : memref<3x96x128xf32, #tpu.memory_space<vmem>>, vector<1x1x16xf32>,
      %get3A_437 = vector.shape_cast %get3A_436 : vector<1x1x16xf32> to vector<16xf32>
      %max3A_438 = arith.constant 0.000000e+00 : f32
      %max3A_439 = vector.broadcast %max3A_438 : f32 to vector<16xf32>
      %max3A_440 = arith.maximumf %get3A_437, %max3A_439 : vector<16xf32>
      %swap3A_441 = arith.constant 0 : i32
      %swap3A_442 = arith.index_cast %swap3A_441 : i32 to index
      %swap3A_443 = arith.index_cast %scan3A_386 : i32 to index
      %swap3A_444 = arith.constant 48 : index
      %swap3A_445 = tpu.vector_load %arg7[%swap3A_442, %swap3A_443, %swap3A_444] {strides = array<i32>} : memref<3x96x128xf32, #tpu.memory_space<vmem>>, vector<1x1x16xf32>,
      %swap3A_446 = vector.shape_cast %swap3A_445 : vector<1x1x16xf32> to vector<16xf32>
      %swap3A_447 = vector.shape_cast %max3A_440 : vector<16xf32> to vector<1x1x16xf32>
      tpu.vector_store %arg7[%swap3A_442, %swap3A_443, %swap3A_444], %swap3A_447 {strides = array<i32>} : memref<3x96x128xf32, #tpu.memory_space<vmem>>, vector<1x1x16xf32>,
      %get3A_448 = arith.constant 0 : i32
      %get3A_449 = arith.index_cast %get3A_448 : i32 to index
      %get3A_450 = arith.index_cast %scan3A_386 : i32 to index
      %get3A_451 = arith.constant 64 : index
      %get3A_452 = tpu.vector_load %arg7[%get3A_449, %get3A_450, %get3A_451] {strides = array<i32>} : memref<3x96x128xf32, #tpu.memory_space<vmem>>, vector<1x1x16xf32>,
      %get3A_453 = vector.shape_cast %get3A_452 : vector<1x1x16xf32> to vector<16xf32>
      %max3A_454 = arith.constant 0.000000e+00 : f32
      %max3A_455 = vector.broadcast %max3A_454 : f32 to vector<16xf32>
      %max3A_456 = arith.maximumf %get3A_453, %max3A_455 : vector<16xf32>
      %swap3A_457 = arith.constant 0 : i32
      %swap3A_458 = arith.index_cast %swap3A_457 : i32 to index
      %swap3A_459 = arith.index_cast %scan3A_386 : i32 to index
      %swap3A_460 = arith.constant 64 : index
      %swap3A_461 = tpu.vector_load %arg7[%swap3A_458, %swap3A_459, %swap3A_460] {strides = array<i32>} : memref<3x96x128xf32, #tpu.memory_space<vmem>>, vector<1x1x16xf32>,
      %swap3A_462 = vector.shape_cast %swap3A_461 : vector<1x1x16xf32> to vector<16xf32>
      %swap3A_463 = vector.shape_cast %max3A_456 : vector<16xf32> to vector<1x1x16xf32>
      tpu.vector_store %arg7[%swap3A_458, %swap3A_459, %swap3A_460], %swap3A_463 {strides = array<i32>} : memref<3x96x128xf32, #tpu.memory_space<vmem>>, vector<1x1x16xf32>,
      %get3A_464 = arith.constant 0 : i32
      %get3A_465 = arith.index_cast %get3A_464 : i32 to index
      %get3A_466 = arith.index_cast %scan3A_386 : i32 to index
      %get3A_467 = arith.constant 80 : index
      %get3A_468 = tpu.vector_load %arg7[%get3A_465, %get3A_466, %get3A_467] {strides = array<i32>} : memref<3x96x128xf32, #tpu.memory_space<vmem>>, vector<1x1x16xf32>,
      %get3A_469 = vector.shape_cast %get3A_468 : vector<1x1x16xf32> to vector<16xf32>
      %max3A_470 = arith.constant 0.000000e+00 : f32
      %max3A_471 = vector.broadcast %max3A_470 : f32 to vector<16xf32>
      %max3A_472 = arith.maximumf %get3A_469, %max3A_471 : vector<16xf32>
      %swap3A_473 = arith.constant 0 : i32
      %swap3A_474 = arith.index_cast %swap3A_473 : i32 to index
      %swap3A_475 = arith.index_cast %scan3A_386 : i32 to index
      %swap3A_476 = arith.constant 80 : index
      %swap3A_477 = tpu.vector_load %arg7[%swap3A_474, %swap3A_475, %swap3A_476] {strides = array<i32>} : memref<3x96x128xf32, #tpu.memory_space<vmem>>, vector<1x1x16xf32>,
      %swap3A_478 = vector.shape_cast %swap3A_477 : vector<1x1x16xf32> to vector<16xf32>
      %swap3A_479 = vector.shape_cast %max3A_472 : vector<16xf32> to vector<1x1x16xf32>
      tpu.vector_store %arg7[%swap3A_474, %swap3A_475, %swap3A_476], %swap3A_479 {strides = array<i32>} : memref<3x96x128xf32, #tpu.memory_space<vmem>>, vector<1x1x16xf32>,
      %get3A_480 = arith.constant 0 : i32
      %get3A_481 = arith.index_cast %get3A_480 : i32 to index
      %get3A_482 = arith.index_cast %scan3A_386 : i32 to index
      %get3A_483 = arith.constant 96 : index
      %get3A_484 = tpu.vector_load %arg7[%get3A_481, %get3A_482, %get3A_483] {strides = array<i32>} : memref<3x96x128xf32, #tpu.memory_space<vmem>>, vector<1x1x16xf32>,
      %get3A_485 = vector.shape_cast %get3A_484 : vector<1x1x16xf32> to vector<16xf32>
      %max3A_486 = arith.constant 0.000000e+00 : f32
      %max3A_487 = vector.broadcast %max3A_486 : f32 to vector<16xf32>
      %max3A_488 = arith.maximumf %get3A_485, %max3A_487 : vector<16xf32>
      %swap3A_489 = arith.constant 0 : i32
      %swap3A_490 = arith.index_cast %swap3A_489 : i32 to index
      %swap3A_491 = arith.index_cast %scan3A_386 : i32 to index
      %swap3A_492 = arith.constant 96 : index
      %swap3A_493 = tpu.vector_load %arg7[%swap3A_490, %swap3A_491, %swap3A_492] {strides = array<i32>} : memref<3x96x128xf32, #tpu.memory_space<vmem>>, vector<1x1x16xf32>,
      %swap3A_494 = vector.shape_cast %swap3A_493 : vector<1x1x16xf32> to vector<16xf32>
      %swap3A_495 = vector.shape_cast %max3A_488 : vector<16xf32> to vector<1x1x16xf32>
      tpu.vector_store %arg7[%swap3A_490, %swap3A_491, %swap3A_492], %swap3A_495 {strides = array<i32>} : memref<3x96x128xf32, #tpu.memory_space<vmem>>, vector<1x1x16xf32>,
      %get3A_496 = arith.constant 0 : i32
      %get3A_497 = arith.index_cast %get3A_496 : i32 to index
      %get3A_498 = arith.index_cast %scan3A_386 : i32 to index
      %get3A_499 = arith.constant 112 : index
      %get3A_500 = tpu.vector_load %arg7[%get3A_497, %get3A_498, %get3A_499] {strides = array<i32>} : memref<3x96x128xf32, #tpu.memory_space<vmem>>, vector<1x1x16xf32>,
      %get3A_501 = vector.shape_cast %get3A_500 : vector<1x1x16xf32> to vector<16xf32>
      %max3A_502 = arith.constant 0.000000e+00 : f32
      %max3A_503 = vector.broadcast %max3A_502 : f32 to vector<16xf32>
      %max3A_504 = arith.maximumf %get3A_501, %max3A_503 : vector<16xf32>
      %swap3A_505 = arith.constant 0 : i32
      %swap3A_506 = arith.index_cast %swap3A_505 : i32 to index
      %swap3A_507 = arith.index_cast %scan3A_386 : i32 to index
      %swap3A_508 = arith.constant 112 : index
      %swap3A_509 = tpu.vector_load %arg7[%swap3A_506, %swap3A_507, %swap3A_508] {strides = array<i32>} : memref<3x96x128xf32, #tpu.memory_space<vmem>>, vector<1x1x16xf32>,
      %swap3A_510 = vector.shape_cast %swap3A_509 : vector<1x1x16xf32> to vector<16xf32>
      %swap3A_511 = vector.shape_cast %max3A_504 : vector<16xf32> to vector<1x1x16xf32>
      tpu.vector_store %arg7[%swap3A_506, %swap3A_507, %swap3A_508], %swap3A_511 {strides = array<i32>} : memref<3x96x128xf32, #tpu.memory_space<vmem>>, vector<1x1x16xf32>,
    }
    %scan3A_218 = arith.constant 96 : i32
    %dma_start3A_219 = arith.constant 0 : i32
    %dma_start3A_220 = arith.constant 0 : i32
    %dma_start3A_221 = arith.constant 0 : i32
    %dma_start3A_222 = arith.constant 1 : i32
    %dma_start3A_223 = arith.constant 0 : i32
    %dma_start3A_224 = arith.constant 0 : i32
    %dma_start3A_225 = tpu.memref_slice %arg7[%dma_start3A_219, %dma_start3A_223, %dma_start3A_224] : memref<3x96x128xf32, #tpu.memory_space<vmem>> -> memref<1x96x128xf32, #tpu.memory_space<vmem>>
    %dma_start3A_226 = tpu.memref_squeeze %dma_start3A_225 : memref<1x96x128xf32, #tpu.memory_space<vmem>> -> memref<96x128xf32, #tpu.memory_space<vmem>>
    %dma_start3A_227 = arith.constant 0 : i32
    %dma_start3A_228 = tpu.memref_slice %arg8[%dma_start3A_220, %dma_start3A_221, %dma_start3A_222, %dma_start3A_227] : memref<2x3x3x96xi32, #tpu.memory_space<vmem>> -> memref<1x1x1x96xi32, #tpu.memory_space<vmem>>
    %dma_start3A_229 = tpu.memref_squeeze %dma_start3A_228 : memref<1x1x1x96xi32, #tpu.memory_space<vmem>> -> memref<96xi32, #tpu.memory_space<vmem>>
    %dma_start3A_230 = arith.constant 0 : i32
    %dma_start3A_231 = arith.constant 0 : i32
    %dma_start3A_232 = tpu.memref_slice %arg6[%dma_start3A_230, %dma_start3A_231] : memref<10112x128xf32, #tpu.memory_space<vmem_shared>> -> memref<10112x128xf32, #tpu.memory_space<vmem_shared>>
    tpu.enqueue_indirect_dma source(%dma_start3A_226 : memref<96x128xf32, #tpu.memory_space<vmem>>) target(%dma_start3A_232 : memref<10112x128xf32, #tpu.memory_space<vmem_shared>>) offsets(%dma_start3A_229 : memref<96xi32, #tpu.memory_space<vmem>>) semaphore(%arg15 : memref<!tpu.dma_semaphore, #tpu.memory_space<semaphore_mem>>) {add = true}
    %dma_wait3A_233 = arith.constant 0 : i32
    %dma_wait3A_234 = arith.constant 1 : i32
    %dma_wait3A_235 = arith.constant 2 : i32
    %dma_wait3A_236 = arith.constant 1 : i32
    %dma_wait3A_237 = arith.constant 0 : i32
    %dma_wait3A_238 = arith.constant 0 : i32
    %dma_wait3A_239 = tpu.memref_slice %arg7[%dma_wait3A_236, %dma_wait3A_237, %dma_wait3A_238] : memref<3x96x128xf32, #tpu.memory_space<vmem>> -> memref<1x96x128xf32, #tpu.memory_space<vmem>>
    %dma_wait3A_240 = tpu.memref_squeeze %dma_wait3A_239 : memref<1x96x128xf32, #tpu.memory_space<vmem>> -> memref<96x128xf32, #tpu.memory_space<vmem>>
    %dma_wait3A_241 = arith.constant 0 : i32
    %dma_wait3A_242 = tpu.memref_slice %arg8[%dma_wait3A_233, %dma_wait3A_234, %dma_wait3A_235, %dma_wait3A_241] : memref<2x3x3x96xi32, #tpu.memory_space<vmem>> -> memref<1x1x1x96xi32, #tpu.memory_space<vmem>>
    %dma_wait3A_243 = tpu.memref_squeeze %dma_wait3A_242 : memref<1x1x1x96xi32, #tpu.memory_space<vmem>> -> memref<96xi32, #tpu.memory_space<vmem>>
    %dma_wait3A_244 = arith.constant 0 : i32
    %dma_wait3A_245 = arith.constant 0 : i32
    %dma_wait3A_246 = tpu.memref_slice %arg3[%dma_wait3A_244, %dma_wait3A_245] : memref<10000x128xf32, #tpu.memory_space<hbm>> -> memref<10000x128xf32, #tpu.memory_space<hbm>>
    tpu.wait_indirect_dma semaphore(%arg13 : memref<!tpu.dma_semaphore, #tpu.memory_space<semaphore_mem>>) src(%dma_wait3A_246 : memref<10000x128xf32, #tpu.memory_space<hbm>>) dst(%dma_wait3A_240 : memref<96x128xf32, #tpu.memory_space<vmem>>)
    %scan3A_247 = arith.constant 0 : i32
    %scan3A_248 = arith.constant 0 : i32
    %scan3A_249 = arith.constant 96 : i32
    %scan3A_250 = arith.addi %scan3A_248, %scan3A_249 : i32
    %scan3A_251 = arith.constant 1 : i32
    scf.for %scan3A_386 = %scan3A_248 to %scan3A_250 step %scan3A_251  : i32 {
      %get3A = arith.constant 1 : i32
      %get3A_387 = arith.index_cast %get3A : i32 to index
      %get3A_388 = arith.index_cast %scan3A_386 : i32 to index
      %get3A_389 = arith.constant 0 : index
      %get3A_390 = tpu.vector_load %arg7[%get3A_387, %get3A_388, %get3A_389] {strides = array<i32>} : memref<3x96x128xf32, #tpu.memory_space<vmem>>, vector<1x1x16xf32>,
      %get3A_391 = vector.shape_cast %get3A_390 : vector<1x1x16xf32> to vector<16xf32>
      %max3A = arith.constant 0.000000e+00 : f32
      %max3A_392 = vector.broadcast %max3A : f32 to vector<16xf32>
      %max3A_393 = arith.maximumf %get3A_391, %max3A_392 : vector<16xf32>
      %swap3A = arith.constant 1 : i32
      %swap3A_394 = arith.index_cast %swap3A : i32 to index
      %swap3A_395 = arith.index_cast %scan3A_386 : i32 to index
      %swap3A_396 = arith.constant 0 : index
      %swap3A_397 = tpu.vector_load %arg7[%swap3A_394, %swap3A_395, %swap3A_396] {strides = array<i32>} : memref<3x96x128xf32, #tpu.memory_space<vmem>>, vector<1x1x16xf32>,
      %swap3A_398 = vector.shape_cast %swap3A_397 : vector<1x1x16xf32> to vector<16xf32>
      %swap3A_399 = vector.shape_cast %max3A_393 : vector<16xf32> to vector<1x1x16xf32>
      tpu.vector_store %arg7[%swap3A_394, %swap3A_395, %swap3A_396], %swap3A_399 {strides = array<i32>} : memref<3x96x128xf32, #tpu.memory_space<vmem>>, vector<1x1x16xf32>,
      %get3A_400 = arith.constant 1 : i32
      %get3A_401 = arith.index_cast %get3A_400 : i32 to index
      %get3A_402 = arith.index_cast %scan3A_386 : i32 to index
      %get3A_403 = arith.constant 16 : index
      %get3A_404 = tpu.vector_load %arg7[%get3A_401, %get3A_402, %get3A_403] {strides = array<i32>} : memref<3x96x128xf32, #tpu.memory_space<vmem>>, vector<1x1x16xf32>,
      %get3A_405 = vector.shape_cast %get3A_404 : vector<1x1x16xf32> to vector<16xf32>
      %max3A_406 = arith.constant 0.000000e+00 : f32
      %max3A_407 = vector.broadcast %max3A_406 : f32 to vector<16xf32>
      %max3A_408 = arith.maximumf %get3A_405, %max3A_407 : vector<16xf32>
      %swap3A_409 = arith.constant 1 : i32
      %swap3A_410 = arith.index_cast %swap3A_409 : i32 to index
      %swap3A_411 = arith.index_cast %scan3A_386 : i32 to index
      %swap3A_412 = arith.constant 16 : index
      %swap3A_413 = tpu.vector_load %arg7[%swap3A_410, %swap3A_411, %swap3A_412] {strides = array<i32>} : memref<3x96x128xf32, #tpu.memory_space<vmem>>, vector<1x1x16xf32>,
      %swap3A_414 = vector.shape_cast %swap3A_413 : vector<1x1x16xf32> to vector<16xf32>
      %swap3A_415 = vector.shape_cast %max3A_408 : vector<16xf32> to vector<1x1x16xf32>
      tpu.vector_store %arg7[%swap3A_410, %swap3A_411, %swap3A_412], %swap3A_415 {strides = array<i32>} : memref<3x96x128xf32, #tpu.memory_space<vmem>>, vector<1x1x16xf32>,
      %get3A_416 = arith.constant 1 : i32
      %get3A_417 = arith.index_cast %get3A_416 : i32 to index
      %get3A_418 = arith.index_cast %scan3A_386 : i32 to index
      %get3A_419 = arith.constant 32 : index
      %get3A_420 = tpu.vector_load %arg7[%get3A_417, %get3A_418, %get3A_419] {strides = array<i32>} : memref<3x96x128xf32, #tpu.memory_space<vmem>>, vector<1x1x16xf32>,
      %get3A_421 = vector.shape_cast %get3A_420 : vector<1x1x16xf32> to vector<16xf32>
      %max3A_422 = arith.constant 0.000000e+00 : f32
      %max3A_423 = vector.broadcast %max3A_422 : f32 to vector<16xf32>
      %max3A_424 = arith.maximumf %get3A_421, %max3A_423 : vector<16xf32>
      %swap3A_425 = arith.constant 1 : i32
      %swap3A_426 = arith.index_cast %swap3A_425 : i32 to index
      %swap3A_427 = arith.index_cast %scan3A_386 : i32 to index
      %swap3A_428 = arith.constant 32 : index
      %swap3A_429 = tpu.vector_load %arg7[%swap3A_426, %swap3A_427, %swap3A_428] {strides = array<i32>} : memref<3x96x128xf32, #tpu.memory_space<vmem>>, vector<1x1x16xf32>,
      %swap3A_430 = vector.shape_cast %swap3A_429 : vector<1x1x16xf32> to vector<16xf32>
      %swap3A_431 = vector.shape_cast %max3A_424 : vector<16xf32> to vector<1x1x16xf32>
      tpu.vector_store %arg7[%swap3A_426, %swap3A_427, %swap3A_428], %swap3A_431 {strides = array<i32>} : memref<3x96x128xf32, #tpu.memory_space<vmem>>, vector<1x1x16xf32>,
      %get3A_432 = arith.constant 1 : i32
      %get3A_433 = arith.index_cast %get3A_432 : i32 to index
      %get3A_434 = arith.index_cast %scan3A_386 : i32 to index
      %get3A_435 = arith.constant 48 : index
      %get3A_436 = tpu.vector_load %arg7[%get3A_433, %get3A_434, %get3A_435] {strides = array<i32>} : memref<3x96x128xf32, #tpu.memory_space<vmem>>, vector<1x1x16xf32>,
      %get3A_437 = vector.shape_cast %get3A_436 : vector<1x1x16xf32> to vector<16xf32>
      %max3A_438 = arith.constant 0.000000e+00 : f32
      %max3A_439 = vector.broadcast %max3A_438 : f32 to vector<16xf32>
      %max3A_440 = arith.maximumf %get3A_437, %max3A_439 : vector<16xf32>
      %swap3A_441 = arith.constant 1 : i32
      %swap3A_442 = arith.index_cast %swap3A_441 : i32 to index
      %swap3A_443 = arith.index_cast %scan3A_386 : i32 to index
      %swap3A_444 = arith.constant 48 : index
      %swap3A_445 = tpu.vector_load %arg7[%swap3A_442, %swap3A_443, %swap3A_444] {strides = array<i32>} : memref<3x96x128xf32, #tpu.memory_space<vmem>>, vector<1x1x16xf32>,
      %swap3A_446 = vector.shape_cast %swap3A_445 : vector<1x1x16xf32> to vector<16xf32>
      %swap3A_447 = vector.shape_cast %max3A_440 : vector<16xf32> to vector<1x1x16xf32>
      tpu.vector_store %arg7[%swap3A_442, %swap3A_443, %swap3A_444], %swap3A_447 {strides = array<i32>} : memref<3x96x128xf32, #tpu.memory_space<vmem>>, vector<1x1x16xf32>,
      %get3A_448 = arith.constant 1 : i32
      %get3A_449 = arith.index_cast %get3A_448 : i32 to index
      %get3A_450 = arith.index_cast %scan3A_386 : i32 to index
      %get3A_451 = arith.constant 64 : index
      %get3A_452 = tpu.vector_load %arg7[%get3A_449, %get3A_450, %get3A_451] {strides = array<i32>} : memref<3x96x128xf32, #tpu.memory_space<vmem>>, vector<1x1x16xf32>,
      %get3A_453 = vector.shape_cast %get3A_452 : vector<1x1x16xf32> to vector<16xf32>
      %max3A_454 = arith.constant 0.000000e+00 : f32
      %max3A_455 = vector.broadcast %max3A_454 : f32 to vector<16xf32>
      %max3A_456 = arith.maximumf %get3A_453, %max3A_455 : vector<16xf32>
      %swap3A_457 = arith.constant 1 : i32
      %swap3A_458 = arith.index_cast %swap3A_457 : i32 to index
      %swap3A_459 = arith.index_cast %scan3A_386 : i32 to index
      %swap3A_460 = arith.constant 64 : index
      %swap3A_461 = tpu.vector_load %arg7[%swap3A_458, %swap3A_459, %swap3A_460] {strides = array<i32>} : memref<3x96x128xf32, #tpu.memory_space<vmem>>, vector<1x1x16xf32>,
      %swap3A_462 = vector.shape_cast %swap3A_461 : vector<1x1x16xf32> to vector<16xf32>
      %swap3A_463 = vector.shape_cast %max3A_456 : vector<16xf32> to vector<1x1x16xf32>
      tpu.vector_store %arg7[%swap3A_458, %swap3A_459, %swap3A_460], %swap3A_463 {strides = array<i32>} : memref<3x96x128xf32, #tpu.memory_space<vmem>>, vector<1x1x16xf32>,
      %get3A_464 = arith.constant 1 : i32
      %get3A_465 = arith.index_cast %get3A_464 : i32 to index
      %get3A_466 = arith.index_cast %scan3A_386 : i32 to index
      %get3A_467 = arith.constant 80 : index
      %get3A_468 = tpu.vector_load %arg7[%get3A_465, %get3A_466, %get3A_467] {strides = array<i32>} : memref<3x96x128xf32, #tpu.memory_space<vmem>>, vector<1x1x16xf32>,
      %get3A_469 = vector.shape_cast %get3A_468 : vector<1x1x16xf32> to vector<16xf32>
      %max3A_470 = arith.constant 0.000000e+00 : f32
      %max3A_471 = vector.broadcast %max3A_470 : f32 to vector<16xf32>
      %max3A_472 = arith.maximumf %get3A_469, %max3A_471 : vector<16xf32>
      %swap3A_473 = arith.constant 1 : i32
      %swap3A_474 = arith.index_cast %swap3A_473 : i32 to index
      %swap3A_475 = arith.index_cast %scan3A_386 : i32 to index
      %swap3A_476 = arith.constant 80 : index
      %swap3A_477 = tpu.vector_load %arg7[%swap3A_474, %swap3A_475, %swap3A_476] {strides = array<i32>} : memref<3x96x128xf32, #tpu.memory_space<vmem>>, vector<1x1x16xf32>,
      %swap3A_478 = vector.shape_cast %swap3A_477 : vector<1x1x16xf32> to vector<16xf32>
      %swap3A_479 = vector.shape_cast %max3A_472 : vector<16xf32> to vector<1x1x16xf32>
      tpu.vector_store %arg7[%swap3A_474, %swap3A_475, %swap3A_476], %swap3A_479 {strides = array<i32>} : memref<3x96x128xf32, #tpu.memory_space<vmem>>, vector<1x1x16xf32>,
      %get3A_480 = arith.constant 1 : i32
      %get3A_481 = arith.index_cast %get3A_480 : i32 to index
      %get3A_482 = arith.index_cast %scan3A_386 : i32 to index
      %get3A_483 = arith.constant 96 : index
      %get3A_484 = tpu.vector_load %arg7[%get3A_481, %get3A_482, %get3A_483] {strides = array<i32>} : memref<3x96x128xf32, #tpu.memory_space<vmem>>, vector<1x1x16xf32>,
      %get3A_485 = vector.shape_cast %get3A_484 : vector<1x1x16xf32> to vector<16xf32>
      %max3A_486 = arith.constant 0.000000e+00 : f32
      %max3A_487 = vector.broadcast %max3A_486 : f32 to vector<16xf32>
      %max3A_488 = arith.maximumf %get3A_485, %max3A_487 : vector<16xf32>
      %swap3A_489 = arith.constant 1 : i32
      %swap3A_490 = arith.index_cast %swap3A_489 : i32 to index
      %swap3A_491 = arith.index_cast %scan3A_386 : i32 to index
      %swap3A_492 = arith.constant 96 : index
      %swap3A_493 = tpu.vector_load %arg7[%swap3A_490, %swap3A_491, %swap3A_492] {strides = array<i32>} : memref<3x96x128xf32, #tpu.memory_space<vmem>>, vector<1x1x16xf32>,
      %swap3A_494 = vector.shape_cast %swap3A_493 : vector<1x1x16xf32> to vector<16xf32>
      %swap3A_495 = vector.shape_cast %max3A_488 : vector<16xf32> to vector<1x1x16xf32>
      tpu.vector_store %arg7[%swap3A_490, %swap3A_491, %swap3A_492], %swap3A_495 {strides = array<i32>} : memref<3x96x128xf32, #tpu.memory_space<vmem>>, vector<1x1x16xf32>,
      %get3A_496 = arith.constant 1 : i32
      %get3A_497 = arith.index_cast %get3A_496 : i32 to index
      %get3A_498 = arith.index_cast %scan3A_386 : i32 to index
      %get3A_499 = arith.constant 112 : index
      %get3A_500 = tpu.vector_load %arg7[%get3A_497, %get3A_498, %get3A_499] {strides = array<i32>} : memref<3x96x128xf32, #tpu.memory_space<vmem>>, vector<1x1x16xf32>,
      %get3A_501 = vector.shape_cast %get3A_500 : vector<1x1x16xf32> to vector<16xf32>
      %max3A_502 = arith.constant 0.000000e+00 : f32
      %max3A_503 = vector.broadcast %max3A_502 : f32 to vector<16xf32>
      %max3A_504 = arith.maximumf %get3A_501, %max3A_503 : vector<16xf32>
      %swap3A_505 = arith.constant 1 : i32
      %swap3A_506 = arith.index_cast %swap3A_505 : i32 to index
      %swap3A_507 = arith.index_cast %scan3A_386 : i32 to index
      %swap3A_508 = arith.constant 112 : index
      %swap3A_509 = tpu.vector_load %arg7[%swap3A_506, %swap3A_507, %swap3A_508] {strides = array<i32>} : memref<3x96x128xf32, #tpu.memory_space<vmem>>, vector<1x1x16xf32>,
      %swap3A_510 = vector.shape_cast %swap3A_509 : vector<1x1x16xf32> to vector<16xf32>
      %swap3A_511 = vector.shape_cast %max3A_504 : vector<16xf32> to vector<1x1x16xf32>
      tpu.vector_store %arg7[%swap3A_506, %swap3A_507, %swap3A_508], %swap3A_511 {strides = array<i32>} : memref<3x96x128xf32, #tpu.memory_space<vmem>>, vector<1x1x16xf32>,
    }
    %scan3A_252 = arith.constant 96 : i32
    %dma_start3A_253 = arith.constant 1 : i32
    %dma_start3A_254 = arith.constant 0 : i32
    %dma_start3A_255 = arith.constant 1 : i32
    %dma_start3A_256 = arith.constant 1 : i32
    %dma_start3A_257 = arith.constant 0 : i32
    %dma_start3A_258 = arith.constant 0 : i32
    %dma_start3A_259 = tpu.memref_slice %arg7[%dma_start3A_253, %dma_start3A_257, %dma_start3A_258] : memref<3x96x128xf32, #tpu.memory_space<vmem>> -> memref<1x96x128xf32, #tpu.memory_space<vmem>>
    %dma_start3A_260 = tpu.memref_squeeze %dma_start3A_259 : memref<1x96x128xf32, #tpu.memory_space<vmem>> -> memref<96x128xf32, #tpu.memory_space<vmem>>
    %dma_start3A_261 = arith.constant 0 : i32
    %dma_start3A_262 = tpu.memref_slice %arg8[%dma_start3A_254, %dma_start3A_255, %dma_start3A_256, %dma_start3A_261] : memref<2x3x3x96xi32, #tpu.memory_space<vmem>> -> memref<1x1x1x96xi32, #tpu.memory_space<vmem>>
    %dma_start3A_263 = tpu.memref_squeeze %dma_start3A_262 : memref<1x1x1x96xi32, #tpu.memory_space<vmem>> -> memref<96xi32, #tpu.memory_space<vmem>>
    %dma_start3A_264 = arith.constant 0 : i32
    %dma_start3A_265 = arith.constant 0 : i32
    %dma_start3A_266 = tpu.memref_slice %arg6[%dma_start3A_264, %dma_start3A_265] : memref<10112x128xf32, #tpu.memory_space<vmem_shared>> -> memref<10112x128xf32, #tpu.memory_space<vmem_shared>>
    tpu.enqueue_indirect_dma source(%dma_start3A_260 : memref<96x128xf32, #tpu.memory_space<vmem>>) target(%dma_start3A_266 : memref<10112x128xf32, #tpu.memory_space<vmem_shared>>) offsets(%dma_start3A_263 : memref<96xi32, #tpu.memory_space<vmem>>) semaphore(%arg16 : memref<!tpu.dma_semaphore, #tpu.memory_space<semaphore_mem>>) {add = true}
    %dma_wait3A_267 = arith.constant 0 : i32
    %dma_wait3A_268 = arith.constant 2 : i32
    %dma_wait3A_269 = arith.constant 2 : i32
    %dma_wait3A_270 = arith.constant 2 : i32
    %dma_wait3A_271 = arith.constant 0 : i32
    %dma_wait3A_272 = arith.constant 0 : i32
    %dma_wait3A_273 = tpu.memref_slice %arg7[%dma_wait3A_270, %dma_wait3A_271, %dma_wait3A_272] : memref<3x96x128xf32, #tpu.memory_space<vmem>> -> memref<1x96x128xf32, #tpu.memory_space<vmem>>
    %dma_wait3A_274 = tpu.memref_squeeze %dma_wait3A_273 : memref<1x96x128xf32, #tpu.memory_space<vmem>> -> memref<96x128xf32, #tpu.memory_space<vmem>>
    %dma_wait3A_275 = arith.constant 0 : i32
    %dma_wait3A_276 = tpu.memref_slice %arg8[%dma_wait3A_267, %dma_wait3A_268, %dma_wait3A_269, %dma_wait3A_275] : memref<2x3x3x96xi32, #tpu.memory_space<vmem>> -> memref<1x1x1x96xi32, #tpu.memory_space<vmem>>
    %dma_wait3A_277 = tpu.memref_squeeze %dma_wait3A_276 : memref<1x1x1x96xi32, #tpu.memory_space<vmem>> -> memref<96xi32, #tpu.memory_space<vmem>>
    %dma_wait3A_278 = arith.constant 0 : i32
    %dma_wait3A_279 = arith.constant 0 : i32
    %dma_wait3A_280 = tpu.memref_slice %arg3[%dma_wait3A_278, %dma_wait3A_279] : memref<10000x128xf32, #tpu.memory_space<hbm>> -> memref<10000x128xf32, #tpu.memory_space<hbm>>
    tpu.wait_indirect_dma semaphore(%arg14 : memref<!tpu.dma_semaphore, #tpu.memory_space<semaphore_mem>>) src(%dma_wait3A_280 : memref<10000x128xf32, #tpu.memory_space<hbm>>) dst(%dma_wait3A_274 : memref<96x128xf32, #tpu.memory_space<vmem>>)
    %scan3A_281 = arith.constant 0 : i32
    %scan3A_282 = arith.constant 0 : i32
    %scan3A_283 = arith.constant 96 : i32
    %scan3A_284 = arith.addi %scan3A_282, %scan3A_283 : i32
    %scan3A_285 = arith.constant 1 : i32
    scf.for %scan3A_386 = %scan3A_282 to %scan3A_284 step %scan3A_285  : i32 {
      %get3A = arith.constant 2 : i32
      %get3A_387 = arith.index_cast %get3A : i32 to index
      %get3A_388 = arith.index_cast %scan3A_386 : i32 to index
      %get3A_389 = arith.constant 0 : index
      %get3A_390 = tpu.vector_load %arg7[%get3A_387, %get3A_388, %get3A_389] {strides = array<i32>} : memref<3x96x128xf32, #tpu.memory_space<vmem>>, vector<1x1x16xf32>,
      %get3A_391 = vector.shape_cast %get3A_390 : vector<1x1x16xf32> to vector<16xf32>
      %max3A = arith.constant 0.000000e+00 : f32
      %max3A_392 = vector.broadcast %max3A : f32 to vector<16xf32>
      %max3A_393 = arith.maximumf %get3A_391, %max3A_392 : vector<16xf32>
      %swap3A = arith.constant 2 : i32
      %swap3A_394 = arith.index_cast %swap3A : i32 to index
      %swap3A_395 = arith.index_cast %scan3A_386 : i32 to index
      %swap3A_396 = arith.constant 0 : index
      %swap3A_397 = tpu.vector_load %arg7[%swap3A_394, %swap3A_395, %swap3A_396] {strides = array<i32>} : memref<3x96x128xf32, #tpu.memory_space<vmem>>, vector<1x1x16xf32>,
      %swap3A_398 = vector.shape_cast %swap3A_397 : vector<1x1x16xf32> to vector<16xf32>
      %swap3A_399 = vector.shape_cast %max3A_393 : vector<16xf32> to vector<1x1x16xf32>
      tpu.vector_store %arg7[%swap3A_394, %swap3A_395, %swap3A_396], %swap3A_399 {strides = array<i32>} : memref<3x96x128xf32, #tpu.memory_space<vmem>>, vector<1x1x16xf32>,
      %get3A_400 = arith.constant 2 : i32
      %get3A_401 = arith.index_cast %get3A_400 : i32 to index
      %get3A_402 = arith.index_cast %scan3A_386 : i32 to index
      %get3A_403 = arith.constant 16 : index
      %get3A_404 = tpu.vector_load %arg7[%get3A_401, %get3A_402, %get3A_403] {strides = array<i32>} : memref<3x96x128xf32, #tpu.memory_space<vmem>>, vector<1x1x16xf32>,
      %get3A_405 = vector.shape_cast %get3A_404 : vector<1x1x16xf32> to vector<16xf32>
      %max3A_406 = arith.constant 0.000000e+00 : f32
      %max3A_407 = vector.broadcast %max3A_406 : f32 to vector<16xf32>
      %max3A_408 = arith.maximumf %get3A_405, %max3A_407 : vector<16xf32>
      %swap3A_409 = arith.constant 2 : i32
      %swap3A_410 = arith.index_cast %swap3A_409 : i32 to index
      %swap3A_411 = arith.index_cast %scan3A_386 : i32 to index
      %swap3A_412 = arith.constant 16 : index
      %swap3A_413 = tpu.vector_load %arg7[%swap3A_410, %swap3A_411, %swap3A_412] {strides = array<i32>} : memref<3x96x128xf32, #tpu.memory_space<vmem>>, vector<1x1x16xf32>,
      %swap3A_414 = vector.shape_cast %swap3A_413 : vector<1x1x16xf32> to vector<16xf32>
      %swap3A_415 = vector.shape_cast %max3A_408 : vector<16xf32> to vector<1x1x16xf32>
      tpu.vector_store %arg7[%swap3A_410, %swap3A_411, %swap3A_412], %swap3A_415 {strides = array<i32>} : memref<3x96x128xf32, #tpu.memory_space<vmem>>, vector<1x1x16xf32>,
      %get3A_416 = arith.constant 2 : i32
      %get3A_417 = arith.index_cast %get3A_416 : i32 to index
      %get3A_418 = arith.index_cast %scan3A_386 : i32 to index
      %get3A_419 = arith.constant 32 : index
      %get3A_420 = tpu.vector_load %arg7[%get3A_417, %get3A_418, %get3A_419] {strides = array<i32>} : memref<3x96x128xf32, #tpu.memory_space<vmem>>, vector<1x1x16xf32>,
      %get3A_421 = vector.shape_cast %get3A_420 : vector<1x1x16xf32> to vector<16xf32>
      %max3A_422 = arith.constant 0.000000e+00 : f32
      %max3A_423 = vector.broadcast %max3A_422 : f32 to vector<16xf32>
      %max3A_424 = arith.maximumf %get3A_421, %max3A_423 : vector<16xf32>
      %swap3A_425 = arith.constant 2 : i32
      %swap3A_426 = arith.index_cast %swap3A_425 : i32 to index
      %swap3A_427 = arith.index_cast %scan3A_386 : i32 to index
      %swap3A_428 = arith.constant 32 : index
      %swap3A_429 = tpu.vector_load %arg7[%swap3A_426, %swap3A_427, %swap3A_428] {strides = array<i32>} : memref<3x96x128xf32, #tpu.memory_space<vmem>>, vector<1x1x16xf32>,
      %swap3A_430 = vector.shape_cast %swap3A_429 : vector<1x1x16xf32> to vector<16xf32>
      %swap3A_431 = vector.shape_cast %max3A_424 : vector<16xf32> to vector<1x1x16xf32>
      tpu.vector_store %arg7[%swap3A_426, %swap3A_427, %swap3A_428], %swap3A_431 {strides = array<i32>} : memref<3x96x128xf32, #tpu.memory_space<vmem>>, vector<1x1x16xf32>,
      %get3A_432 = arith.constant 2 : i32
      %get3A_433 = arith.index_cast %get3A_432 : i32 to index
      %get3A_434 = arith.index_cast %scan3A_386 : i32 to index
      %get3A_435 = arith.constant 48 : index
      %get3A_436 = tpu.vector_load %arg7[%get3A_433, %get3A_434, %get3A_435] {strides = array<i32>} : memref<3x96x128xf32, #tpu.memory_space<vmem>>, vector<1x1x16xf32>,
      %get3A_437 = vector.shape_cast %get3A_436 : vector<1x1x16xf32> to vector<16xf32>
      %max3A_438 = arith.constant 0.000000e+00 : f32
      %max3A_439 = vector.broadcast %max3A_438 : f32 to vector<16xf32>
      %max3A_440 = arith.maximumf %get3A_437, %max3A_439 : vector<16xf32>
      %swap3A_441 = arith.constant 2 : i32
      %swap3A_442 = arith.index_cast %swap3A_441 : i32 to index
      %swap3A_443 = arith.index_cast %scan3A_386 : i32 to index
      %swap3A_444 = arith.constant 48 : index
      %swap3A_445 = tpu.vector_load %arg7[%swap3A_442, %swap3A_443, %swap3A_444] {strides = array<i32>} : memref<3x96x128xf32, #tpu.memory_space<vmem>>, vector<1x1x16xf32>,
      %swap3A_446 = vector.shape_cast %swap3A_445 : vector<1x1x16xf32> to vector<16xf32>
      %swap3A_447 = vector.shape_cast %max3A_440 : vector<16xf32> to vector<1x1x16xf32>
      tpu.vector_store %arg7[%swap3A_442, %swap3A_443, %swap3A_444], %swap3A_447 {strides = array<i32>} : memref<3x96x128xf32, #tpu.memory_space<vmem>>, vector<1x1x16xf32>,
      %get3A_448 = arith.constant 2 : i32
      %get3A_449 = arith.index_cast %get3A_448 : i32 to index
      %get3A_450 = arith.index_cast %scan3A_386 : i32 to index
      %get3A_451 = arith.constant 64 : index
      %get3A_452 = tpu.vector_load %arg7[%get3A_449, %get3A_450, %get3A_451] {strides = array<i32>} : memref<3x96x128xf32, #tpu.memory_space<vmem>>, vector<1x1x16xf32>,
      %get3A_453 = vector.shape_cast %get3A_452 : vector<1x1x16xf32> to vector<16xf32>
      %max3A_454 = arith.constant 0.000000e+00 : f32
      %max3A_455 = vector.broadcast %max3A_454 : f32 to vector<16xf32>
      %max3A_456 = arith.maximumf %get3A_453, %max3A_455 : vector<16xf32>
      %swap3A_457 = arith.constant 2 : i32
      %swap3A_458 = arith.index_cast %swap3A_457 : i32 to index
      %swap3A_459 = arith.index_cast %scan3A_386 : i32 to index
      %swap3A_460 = arith.constant 64 : index
      %swap3A_461 = tpu.vector_load %arg7[%swap3A_458, %swap3A_459, %swap3A_460] {strides = array<i32>} : memref<3x96x128xf32, #tpu.memory_space<vmem>>, vector<1x1x16xf32>,
      %swap3A_462 = vector.shape_cast %swap3A_461 : vector<1x1x16xf32> to vector<16xf32>
      %swap3A_463 = vector.shape_cast %max3A_456 : vector<16xf32> to vector<1x1x16xf32>
      tpu.vector_store %arg7[%swap3A_458, %swap3A_459, %swap3A_460], %swap3A_463 {strides = array<i32>} : memref<3x96x128xf32, #tpu.memory_space<vmem>>, vector<1x1x16xf32>,
      %get3A_464 = arith.constant 2 : i32
      %get3A_465 = arith.index_cast %get3A_464 : i32 to index
      %get3A_466 = arith.index_cast %scan3A_386 : i32 to index
      %get3A_467 = arith.constant 80 : index
      %get3A_468 = tpu.vector_load %arg7[%get3A_465, %get3A_466, %get3A_467] {strides = array<i32>} : memref<3x96x128xf32, #tpu.memory_space<vmem>>, vector<1x1x16xf32>,
      %get3A_469 = vector.shape_cast %get3A_468 : vector<1x1x16xf32> to vector<16xf32>
      %max3A_470 = arith.constant 0.000000e+00 : f32
      %max3A_471 = vector.broadcast %max3A_470 : f32 to vector<16xf32>
      %max3A_472 = arith.maximumf %get3A_469, %max3A_471 : vector<16xf32>
      %swap3A_473 = arith.constant 2 : i32
      %swap3A_474 = arith.index_cast %swap3A_473 : i32 to index
      %swap3A_475 = arith.index_cast %scan3A_386 : i32 to index
      %swap3A_476 = arith.constant 80 : index
      %swap3A_477 = tpu.vector_load %arg7[%swap3A_474, %swap3A_475, %swap3A_476] {strides = array<i32>} : memref<3x96x128xf32, #tpu.memory_space<vmem>>, vector<1x1x16xf32>,
      %swap3A_478 = vector.shape_cast %swap3A_477 : vector<1x1x16xf32> to vector<16xf32>
      %swap3A_479 = vector.shape_cast %max3A_472 : vector<16xf32> to vector<1x1x16xf32>
      tpu.vector_store %arg7[%swap3A_474, %swap3A_475, %swap3A_476], %swap3A_479 {strides = array<i32>} : memref<3x96x128xf32, #tpu.memory_space<vmem>>, vector<1x1x16xf32>,
      %get3A_480 = arith.constant 2 : i32
      %get3A_481 = arith.index_cast %get3A_480 : i32 to index
      %get3A_482 = arith.index_cast %scan3A_386 : i32 to index
      %get3A_483 = arith.constant 96 : index
      %get3A_484 = tpu.vector_load %arg7[%get3A_481, %get3A_482, %get3A_483] {strides = array<i32>} : memref<3x96x128xf32, #tpu.memory_space<vmem>>, vector<1x1x16xf32>,
      %get3A_485 = vector.shape_cast %get3A_484 : vector<1x1x16xf32> to vector<16xf32>
      %max3A_486 = arith.constant 0.000000e+00 : f32
      %max3A_487 = vector.broadcast %max3A_486 : f32 to vector<16xf32>
      %max3A_488 = arith.maximumf %get3A_485, %max3A_487 : vector<16xf32>
      %swap3A_489 = arith.constant 2 : i32
      %swap3A_490 = arith.index_cast %swap3A_489 : i32 to index
      %swap3A_491 = arith.index_cast %scan3A_386 : i32 to index
      %swap3A_492 = arith.constant 96 : index
      %swap3A_493 = tpu.vector_load %arg7[%swap3A_490, %swap3A_491, %swap3A_492] {strides = array<i32>} : memref<3x96x128xf32, #tpu.memory_space<vmem>>, vector<1x1x16xf32>,
      %swap3A_494 = vector.shape_cast %swap3A_493 : vector<1x1x16xf32> to vector<16xf32>
      %swap3A_495 = vector.shape_cast %max3A_488 : vector<16xf32> to vector<1x1x16xf32>
      tpu.vector_store %arg7[%swap3A_490, %swap3A_491, %swap3A_492], %swap3A_495 {strides = array<i32>} : memref<3x96x128xf32, #tpu.memory_space<vmem>>, vector<1x1x16xf32>,
      %get3A_496 = arith.constant 2 : i32
      %get3A_497 = arith.index_cast %get3A_496 : i32 to index
      %get3A_498 = arith.index_cast %scan3A_386 : i32 to index
      %get3A_499 = arith.constant 112 : index
      %get3A_500 = tpu.vector_load %arg7[%get3A_497, %get3A_498, %get3A_499] {strides = array<i32>} : memref<3x96x128xf32, #tpu.memory_space<vmem>>, vector<1x1x16xf32>,
      %get3A_501 = vector.shape_cast %get3A_500 : vector<1x1x16xf32> to vector<16xf32>
      %max3A_502 = arith.constant 0.000000e+00 : f32
      %max3A_503 = vector.broadcast %max3A_502 : f32 to vector<16xf32>
      %max3A_504 = arith.maximumf %get3A_501, %max3A_503 : vector<16xf32>
      %swap3A_505 = arith.constant 2 : i32
      %swap3A_506 = arith.index_cast %swap3A_505 : i32 to index
      %swap3A_507 = arith.index_cast %scan3A_386 : i32 to index
      %swap3A_508 = arith.constant 112 : index
      %swap3A_509 = tpu.vector_load %arg7[%swap3A_506, %swap3A_507, %swap3A_508] {strides = array<i32>} : memref<3x96x128xf32, #tpu.memory_space<vmem>>, vector<1x1x16xf32>,
      %swap3A_510 = vector.shape_cast %swap3A_509 : vector<1x1x16xf32> to vector<16xf32>
      %swap3A_511 = vector.shape_cast %max3A_504 : vector<16xf32> to vector<1x1x16xf32>
      tpu.vector_store %arg7[%swap3A_506, %swap3A_507, %swap3A_508], %swap3A_511 {strides = array<i32>} : memref<3x96x128xf32, #tpu.memory_space<vmem>>, vector<1x1x16xf32>,
    }
    %scan3A_286 = arith.constant 96 : i32
    %dma_start3A_287 = arith.constant 2 : i32
    %dma_start3A_288 = arith.constant 0 : i32
    %dma_start3A_289 = arith.constant 2 : i32
    %dma_start3A_290 = arith.constant 1 : i32
    %dma_start3A_291 = arith.constant 0 : i32
    %dma_start3A_292 = arith.constant 0 : i32
    %dma_start3A_293 = tpu.memref_slice %arg7[%dma_start3A_287, %dma_start3A_291, %dma_start3A_292] : memref<3x96x128xf32, #tpu.memory_space<vmem>> -> memref<1x96x128xf32, #tpu.memory_space<vmem>>
    %dma_start3A_294 = tpu.memref_squeeze %dma_start3A_293 : memref<1x96x128xf32, #tpu.memory_space<vmem>> -> memref<96x128xf32, #tpu.memory_space<vmem>>
    %dma_start3A_295 = arith.constant 0 : i32
    %dma_start3A_296 = tpu.memref_slice %arg8[%dma_start3A_288, %dma_start3A_289, %dma_start3A_290, %dma_start3A_295] : memref<2x3x3x96xi32, #tpu.memory_space<vmem>> -> memref<1x1x1x96xi32, #tpu.memory_space<vmem>>
    %dma_start3A_297 = tpu.memref_squeeze %dma_start3A_296 : memref<1x1x1x96xi32, #tpu.memory_space<vmem>> -> memref<96xi32, #tpu.memory_space<vmem>>
    %dma_start3A_298 = arith.constant 0 : i32
    %dma_start3A_299 = arith.constant 0 : i32
    %dma_start3A_300 = tpu.memref_slice %arg6[%dma_start3A_298, %dma_start3A_299] : memref<10112x128xf32, #tpu.memory_space<vmem_shared>> -> memref<10112x128xf32, #tpu.memory_space<vmem_shared>>
    tpu.enqueue_indirect_dma source(%dma_start3A_294 : memref<96x128xf32, #tpu.memory_space<vmem>>) target(%dma_start3A_300 : memref<10112x128xf32, #tpu.memory_space<vmem_shared>>) offsets(%dma_start3A_297 : memref<96xi32, #tpu.memory_space<vmem>>) semaphore(%arg17 : memref<!tpu.dma_semaphore, #tpu.memory_space<semaphore_mem>>) {add = true}
    %sub3A_301 = arith.constant 1 : i32
    %sub3A_302 = arith.subi %select_n3A, %sub3A_301 : i32
    %jit3A_303 = arith.constant 2 : i32
    %div3A = arith.divsi %sub3A_302, %jit3A_303 : i32
    %sign3A = arith.constant 0 : i32
    %sign3A_304 = arith.cmpi sgt, %sub3A_302, %sign3A : i32
    %sign3A_305 = arith.extui %sign3A_304 : i1 to i32
    %sign3A_306 = arith.constant 0 : i32
    %sign3A_307 = arith.cmpi slt, %sub3A_302, %sign3A_306 : i32
    %sign3A_308 = arith.extui %sign3A_307 : i1 to i32
    %sign3A_309 = arith.subi %sign3A_305, %sign3A_308 : i32
    %sign3A_310 = arith.constant 0 : i32
    %sign3A_311 = arith.cmpi sgt, %jit3A_303, %sign3A_310 : i32
    %sign3A_312 = arith.extui %sign3A_311 : i1 to i32
    %sign3A_313 = arith.constant 0 : i32
    %sign3A_314 = arith.cmpi slt, %jit3A_303, %sign3A_313 : i32
    %sign3A_315 = arith.extui %sign3A_314 : i1 to i32
    %sign3A_316 = arith.subi %sign3A_312, %sign3A_315 : i32
    %ne3A = arith.cmpi ne, %sign3A_309, %sign3A_316 : i32
    %rem3A = arith.remsi %sub3A_302, %jit3A_303 : i32
    %ne3A_317 = arith.constant 0 : i32
    %ne3A_318 = arith.cmpi ne, %rem3A, %ne3A_317 : i32
    %and3A = arith.andi %ne3A, %ne3A_318 : i1
    %sub3A_319 = arith.constant 1 : i32
    %sub3A_320 = arith.subi %div3A, %sub3A_319 : i32
    %select_n3A_321 = arith.select %and3A, %sub3A_320, %div3A : i32
    %while3A = arith.constant 0 : i32
    %while3A_322 = arith.constant 0 : i32
    %while3A_323 = arith.subi %select_n3A_321, %while3A_322 : i32
    %while3A_324 = arith.addi %while3A_322, %while3A_323 : i32
    %while3A_325 = arith.constant 1 : i32
    %while3A_326 = arith.divsi %while3A_323, %while3A_325 : i32
    %while3A_327 = arith.muli %while3A_326, %while3A_325 : i32
    %while3A_328 = arith.addi %while3A_322, %while3A_327 : i32
    %while3A_329 = arith.constant 1 : i32
    scf.for %while3A_386 = %while3A_322 to %while3A_328 step %while3A_329  : i32 {
      %mul3A_387 = arith.constant 2 : i32
      %mul3A_388 = arith.muli %mul3A_387, %while3A_386 : i32
      %add3A_389 = arith.constant 1 : i32
      %add3A_390 = arith.addi %add3A_389, %mul3A_388 : i32
      %dma_wait3A_391 = arith.constant 1 : i32
      %dma_wait3A_392 = arith.constant 0 : i32
      %dma_wait3A_393 = arith.constant 0 : i32
      %dma_wait3A_394 = arith.constant 0 : i32
      %dma_wait3A_395 = tpu.memref_slice %arg8[%dma_wait3A_391, %dma_wait3A_392, %dma_wait3A_393, %dma_wait3A_394] : memref<2x3x3x96xi32, #tpu.memory_space<vmem>> -> memref<1x3x3x96xi32, #tpu.memory_space<vmem>>
      %dma_wait3A_396 = tpu.memref_squeeze %dma_wait3A_395 : memref<1x3x3x96xi32, #tpu.memory_space<vmem>> -> memref<3x3x96xi32, #tpu.memory_space<vmem>>
      %dma_wait3A_397 = arith.constant 0 : i32
      %dma_wait3A_398 = arith.constant 0 : i32
      %dma_wait3A_399 = arith.constant 0 : i32
      %dma_wait3A_400 = tpu.memref_slice %arg4[%dma_wait3A_397, %dma_wait3A_398, %dma_wait3A_399] : memref<3360x3x96xi32, #tpu.memory_space<hbm>> -> memref<3x3x96xi32, #tpu.memory_space<hbm>>
      %dma_wait3A_401 = arith.constant 0 : i32
      %dma_wait3A_402 = arith.constant 0 : i32
      %dma_wait3A_403 = arith.constant 0 : i32
      %dma_wait3A_404 = tpu.memref_slice %arg8[%dma_wait3A_391, %dma_wait3A_401, %dma_wait3A_402, %dma_wait3A_403] : memref<2x3x3x96xi32, #tpu.memory_space<vmem>> -> memref<1x3x3x96xi32, #tpu.memory_space<vmem>>
      %dma_wait3A_405 = tpu.memref_squeeze %dma_wait3A_404 : memref<1x3x3x96xi32, #tpu.memory_space<vmem>> -> memref<3x3x96xi32, #tpu.memory_space<vmem>>
      %dma_wait3A_406 = arith.constant 0 : i32
      %dma_wait3A_407 = arith.constant 0 : i32
      %dma_wait3A_408 = arith.constant 0 : i32
      %dma_wait3A_409 = tpu.memref_slice %arg4[%dma_wait3A_406, %dma_wait3A_407, %dma_wait3A_408] : memref<3360x3x96xi32, #tpu.memory_space<hbm>> -> memref<3x3x96xi32, #tpu.memory_space<hbm>>
      tpu.wait_dma2 semaphore(%arg19 : memref<!tpu.dma_semaphore, #tpu.memory_space<semaphore_mem>>) src(%dma_wait3A_409 : memref<3x3x96xi32, #tpu.memory_space<hbm>>) dst(%dma_wait3A_405 : memref<3x3x96xi32, #tpu.memory_space<vmem>>)
      %add3A_410 = arith.constant 1 : i32
      %add3A_411 = arith.addi %add3A_390, %add3A_410 : i32
      %lt3A_412 = arith.cmpi slt, %add3A_411, %select_n3A : i32
      %convert_element_type3A_413 = arith.extui %lt3A_412 : i1 to i32
      %cond3A_414 = arith.constant 0 : i32
      %cond3A_415 = arith.cmpi ne, %convert_element_type3A_413, %cond3A_414 : i32
      scf.if %cond3A_415 {
        %add3A_989 = arith.constant 1 : i32
        %add3A_990 = arith.addi %add3A_390, %add3A_989 : i32
        %mul3A_991 = arith.constant 3 : i32
        %mul3A_992 = arith.muli %add3A_990, %mul3A_991 : i32
        %add3A_993 = arith.addi %select_n3A_8, %mul3A_992 : i32
        %dma_start3A_994 = arith.constant 0 : i32
        %dma_start3A_995 = arith.constant 0 : i32
        %dma_start3A_996 = arith.constant 0 : i32
        %dma_start3A_997 = arith.constant 0 : i32
        %dma_start3A_998 = tpu.memref_slice %arg8[%dma_start3A_994, %dma_start3A_995, %dma_start3A_996, %dma_start3A_997] : memref<2x3x3x96xi32, #tpu.memory_space<vmem>> -> memref<1x3x3x96xi32, #tpu.memory_space<vmem>>
        %dma_start3A_999 = tpu.memref_squeeze %dma_start3A_998 : memref<1x3x3x96xi32, #tpu.memory_space<vmem>> -> memref<3x3x96xi32, #tpu.memory_space<vmem>>
        %dma_start3A_1000 = arith.constant 0 : i32
        %dma_start3A_1001 = arith.constant 0 : i32
        %dma_start3A_1002 = tpu.memref_slice %arg4[%add3A_993, %dma_start3A_1000, %dma_start3A_1001] : memref<3360x3x96xi32, #tpu.memory_space<hbm>> -> memref<3x3x96xi32, #tpu.memory_space<hbm>>
        %dma_start3A_1003 = arith.constant 0 : i32
        %dma_start3A_1004 = arith.constant 0 : i32
        %dma_start3A_1005 = arith.constant 0 : i32
        %dma_start3A_1006 = tpu.memref_slice %arg8[%dma_start3A_994, %dma_start3A_1003, %dma_start3A_1004, %dma_start3A_1005] : memref<2x3x3x96xi32, #tpu.memory_space<vmem>> -> memref<1x3x3x96xi32, #tpu.memory_space<vmem>>
        %dma_start3A_1007 = tpu.memref_squeeze %dma_start3A_1006 : memref<1x3x3x96xi32, #tpu.memory_space<vmem>> -> memref<3x3x96xi32, #tpu.memory_space<vmem>>
        %dma_start3A_1008 = arith.constant 0 : i32
        %dma_start3A_1009 = arith.constant 0 : i32
        %dma_start3A_1010 = tpu.memref_slice %arg4[%add3A_993, %dma_start3A_1008, %dma_start3A_1009] : memref<3360x3x96xi32, #tpu.memory_space<hbm>> -> memref<3x3x96xi32, #tpu.memory_space<hbm>>
        tpu.enqueue_dma source(%dma_start3A_1010 : memref<3x3x96xi32, #tpu.memory_space<hbm>>) target(%dma_start3A_1007 : memref<3x3x96xi32, #tpu.memory_space<vmem>>) target_semaphore(%arg18 : memref<!tpu.dma_semaphore, #tpu.memory_space<semaphore_mem>>)
      } else {
      }
      %dma_wait3A_416 = arith.constant 0 : i32
      %dma_wait3A_417 = arith.constant 0 : i32
      %dma_wait3A_418 = arith.constant 0 : i32
      %dma_wait3A_419 = tpu.memref_slice %arg7[%dma_wait3A_416, %dma_wait3A_417, %dma_wait3A_418] : memref<3x96x128xf32, #tpu.memory_space<vmem>> -> memref<1x96x128xf32, #tpu.memory_space<vmem>>
      %dma_wait3A_420 = tpu.memref_squeeze %dma_wait3A_419 : memref<1x96x128xf32, #tpu.memory_space<vmem>> -> memref<96x128xf32, #tpu.memory_space<vmem>>
      %dma_wait3A_421 = arith.constant 0 : i32
      %dma_wait3A_422 = arith.constant 0 : i32
      %dma_wait3A_423 = tpu.memref_slice %arg6[%dma_wait3A_421, %dma_wait3A_422] : memref<10112x128xf32, #tpu.memory_space<vmem_shared>> -> memref<96x128xf32, #tpu.memory_space<vmem_shared>>
      %dma_wait3A_424 = arith.constant 0 : i32
      %dma_wait3A_425 = arith.constant 0 : i32
      %dma_wait3A_426 = tpu.memref_slice %arg6[%dma_wait3A_424, %dma_wait3A_425] : memref<10112x128xf32, #tpu.memory_space<vmem_shared>> -> memref<96x128xf32, #tpu.memory_space<vmem_shared>>
      %dma_wait3A_427 = arith.constant 0 : i32
      %dma_wait3A_428 = arith.constant 0 : i32
      %dma_wait3A_429 = tpu.memref_slice %arg7[%dma_wait3A_416, %dma_wait3A_427, %dma_wait3A_428] : memref<3x96x128xf32, #tpu.memory_space<vmem>> -> memref<1x96x128xf32, #tpu.memory_space<vmem>>
      %dma_wait3A_430 = tpu.memref_squeeze %dma_wait3A_429 : memref<1x96x128xf32, #tpu.memory_space<vmem>> -> memref<96x128xf32, #tpu.memory_space<vmem>>
      tpu.wait_dma2 semaphore(%arg15 : memref<!tpu.dma_semaphore, #tpu.memory_space<semaphore_mem>>) src(%dma_wait3A_430 : memref<96x128xf32, #tpu.memory_space<vmem>>) dst(%dma_wait3A_426 : memref<96x128xf32, #tpu.memory_space<vmem_shared>>)
      %dma_start3A_431 = arith.constant 1 : i32
      %dma_start3A_432 = arith.constant 0 : i32
      %dma_start3A_433 = arith.constant 0 : i32
      %dma_start3A_434 = arith.constant 0 : i32
      %dma_start3A_435 = arith.constant 0 : i32
      %dma_start3A_436 = arith.constant 0 : i32
      %dma_start3A_437 = tpu.memref_slice %arg7[%dma_start3A_434, %dma_start3A_435, %dma_start3A_436] : memref<3x96x128xf32, #tpu.memory_space<vmem>> -> memref<1x96x128xf32, #tpu.memory_space<vmem>>
      %dma_start3A_438 = tpu.memref_squeeze %dma_start3A_437 : memref<1x96x128xf32, #tpu.memory_space<vmem>> -> memref<96x128xf32, #tpu.memory_space<vmem>>
      %dma_start3A_439 = arith.constant 0 : i32
      %dma_start3A_440 = tpu.memref_slice %arg8[%dma_start3A_431, %dma_start3A_432, %dma_start3A_433, %dma_start3A_439] : memref<2x3x3x96xi32, #tpu.memory_space<vmem>> -> memref<1x1x1x96xi32, #tpu.memory_space<vmem>>
      %dma_start3A_441 = tpu.memref_squeeze %dma_start3A_440 : memref<1x1x1x96xi32, #tpu.memory_space<vmem>> -> memref<96xi32, #tpu.memory_space<vmem>>
      %dma_start3A_442 = arith.constant 0 : i32
      %dma_start3A_443 = arith.constant 0 : i32
      %dma_start3A_444 = tpu.memref_slice %arg2[%dma_start3A_442, %dma_start3A_443] : memref<10000x128xf32, #tpu.memory_space<hbm>> -> memref<10000x128xf32, #tpu.memory_space<hbm>>
      tpu.enqueue_indirect_dma source(%dma_start3A_444 : memref<10000x128xf32, #tpu.memory_space<hbm>>) target(%dma_start3A_438 : memref<96x128xf32, #tpu.memory_space<vmem>>) offsets(%dma_start3A_441 : memref<96xi32, #tpu.memory_space<vmem>>) semaphore(%arg9 : memref<!tpu.dma_semaphore, #tpu.memory_space<semaphore_mem>>)
      %dma_wait3A_445 = arith.constant 1 : i32
      %dma_wait3A_446 = arith.constant 0 : i32
      %dma_wait3A_447 = arith.constant 0 : i32
      %dma_wait3A_448 = tpu.memref_slice %arg7[%dma_wait3A_445, %dma_wait3A_446, %dma_wait3A_447] : memref<3x96x128xf32, #tpu.memory_space<vmem>> -> memref<1x96x128xf32, #tpu.memory_space<vmem>>
      %dma_wait3A_449 = tpu.memref_squeeze %dma_wait3A_448 : memref<1x96x128xf32, #tpu.memory_space<vmem>> -> memref<96x128xf32, #tpu.memory_space<vmem>>
      %dma_wait3A_450 = arith.constant 0 : i32
      %dma_wait3A_451 = arith.constant 0 : i32
      %dma_wait3A_452 = tpu.memref_slice %arg6[%dma_wait3A_450, %dma_wait3A_451] : memref<10112x128xf32, #tpu.memory_space<vmem_shared>> -> memref<96x128xf32, #tpu.memory_space<vmem_shared>>
      %dma_wait3A_453 = arith.constant 0 : i32
      %dma_wait3A_454 = arith.constant 0 : i32
      %dma_wait3A_455 = tpu.memref_slice %arg6[%dma_wait3A_453, %dma_wait3A_454] : memref<10112x128xf32, #tpu.memory_space<vmem_shared>> -> memref<96x128xf32, #tpu.memory_space<vmem_shared>>
      %dma_wait3A_456 = arith.constant 0 : i32
      %dma_wait3A_457 = arith.constant 0 : i32
      %dma_wait3A_458 = tpu.memref_slice %arg7[%dma_wait3A_445, %dma_wait3A_456, %dma_wait3A_457] : memref<3x96x128xf32, #tpu.memory_space<vmem>> -> memref<1x96x128xf32, #tpu.memory_space<vmem>>
      %dma_wait3A_459 = tpu.memref_squeeze %dma_wait3A_458 : memref<1x96x128xf32, #tpu.memory_space<vmem>> -> memref<96x128xf32, #tpu.memory_space<vmem>>
      tpu.wait_dma2 semaphore(%arg16 : memref<!tpu.dma_semaphore, #tpu.memory_space<semaphore_mem>>) src(%dma_wait3A_459 : memref<96x128xf32, #tpu.memory_space<vmem>>) dst(%dma_wait3A_455 : memref<96x128xf32, #tpu.memory_space<vmem_shared>>)
      %dma_start3A_460 = arith.constant 1 : i32
      %dma_start3A_461 = arith.constant 1 : i32
      %dma_start3A_462 = arith.constant 0 : i32
      %dma_start3A_463 = arith.constant 1 : i32
      %dma_start3A_464 = arith.constant 0 : i32
      %dma_start3A_465 = arith.constant 0 : i32
      %dma_start3A_466 = tpu.memref_slice %arg7[%dma_start3A_463, %dma_start3A_464, %dma_start3A_465] : memref<3x96x128xf32, #tpu.memory_space<vmem>> -> memref<1x96x128xf32, #tpu.memory_space<vmem>>
      %dma_start3A_467 = tpu.memref_squeeze %dma_start3A_466 : memref<1x96x128xf32, #tpu.memory_space<vmem>> -> memref<96x128xf32, #tpu.memory_space<vmem>>
      %dma_start3A_468 = arith.constant 0 : i32
      %dma_start3A_469 = tpu.memref_slice %arg8[%dma_start3A_460, %dma_start3A_461, %dma_start3A_462, %dma_start3A_468] : memref<2x3x3x96xi32, #tpu.memory_space<vmem>> -> memref<1x1x1x96xi32, #tpu.memory_space<vmem>>
      %dma_start3A_470 = tpu.memref_squeeze %dma_start3A_469 : memref<1x1x1x96xi32, #tpu.memory_space<vmem>> -> memref<96xi32, #tpu.memory_space<vmem>>
      %dma_start3A_471 = arith.constant 0 : i32
      %dma_start3A_472 = arith.constant 0 : i32
      %dma_start3A_473 = tpu.memref_slice %arg2[%dma_start3A_471, %dma_start3A_472] : memref<10000x128xf32, #tpu.memory_space<hbm>> -> memref<10000x128xf32, #tpu.memory_space<hbm>>
      tpu.enqueue_indirect_dma source(%dma_start3A_473 : memref<10000x128xf32, #tpu.memory_space<hbm>>) target(%dma_start3A_467 : memref<96x128xf32, #tpu.memory_space<vmem>>) offsets(%dma_start3A_470 : memref<96xi32, #tpu.memory_space<vmem>>) semaphore(%arg10 : memref<!tpu.dma_semaphore, #tpu.memory_space<semaphore_mem>>)
      %dma_wait3A_474 = arith.constant 2 : i32
      %dma_wait3A_475 = arith.constant 0 : i32
      %dma_wait3A_476 = arith.constant 0 : i32
      %dma_wait3A_477 = tpu.memref_slice %arg7[%dma_wait3A_474, %dma_wait3A_475, %dma_wait3A_476] : memref<3x96x128xf32, #tpu.memory_space<vmem>> -> memref<1x96x128xf32, #tpu.memory_space<vmem>>
      %dma_wait3A_478 = tpu.memref_squeeze %dma_wait3A_477 : memref<1x96x128xf32, #tpu.memory_space<vmem>> -> memref<96x128xf32, #tpu.memory_space<vmem>>
      %dma_wait3A_479 = arith.constant 0 : i32
      %dma_wait3A_480 = arith.constant 0 : i32
      %dma_wait3A_481 = tpu.memref_slice %arg6[%dma_wait3A_479, %dma_wait3A_480] : memref<10112x128xf32, #tpu.memory_space<vmem_shared>> -> memref<96x128xf32, #tpu.memory_space<vmem_shared>>
      %dma_wait3A_482 = arith.constant 0 : i32
      %dma_wait3A_483 = arith.constant 0 : i32
      %dma_wait3A_484 = tpu.memref_slice %arg6[%dma_wait3A_482, %dma_wait3A_483] : memref<10112x128xf32, #tpu.memory_space<vmem_shared>> -> memref<96x128xf32, #tpu.memory_space<vmem_shared>>
      %dma_wait3A_485 = arith.constant 0 : i32
      %dma_wait3A_486 = arith.constant 0 : i32
      %dma_wait3A_487 = tpu.memref_slice %arg7[%dma_wait3A_474, %dma_wait3A_485, %dma_wait3A_486] : memref<3x96x128xf32, #tpu.memory_space<vmem>> -> memref<1x96x128xf32, #tpu.memory_space<vmem>>
      %dma_wait3A_488 = tpu.memref_squeeze %dma_wait3A_487 : memref<1x96x128xf32, #tpu.memory_space<vmem>> -> memref<96x128xf32, #tpu.memory_space<vmem>>
      tpu.wait_dma2 semaphore(%arg17 : memref<!tpu.dma_semaphore, #tpu.memory_space<semaphore_mem>>) src(%dma_wait3A_488 : memref<96x128xf32, #tpu.memory_space<vmem>>) dst(%dma_wait3A_484 : memref<96x128xf32, #tpu.memory_space<vmem_shared>>)
      %dma_start3A_489 = arith.constant 1 : i32
      %dma_start3A_490 = arith.constant 2 : i32
      %dma_start3A_491 = arith.constant 0 : i32
      %dma_start3A_492 = arith.constant 2 : i32
      %dma_start3A_493 = arith.constant 0 : i32
      %dma_start3A_494 = arith.constant 0 : i32
      %dma_start3A_495 = tpu.memref_slice %arg7[%dma_start3A_492, %dma_start3A_493, %dma_start3A_494] : memref<3x96x128xf32, #tpu.memory_space<vmem>> -> memref<1x96x128xf32, #tpu.memory_space<vmem>>
      %dma_start3A_496 = tpu.memref_squeeze %dma_start3A_495 : memref<1x96x128xf32, #tpu.memory_space<vmem>> -> memref<96x128xf32, #tpu.memory_space<vmem>>
      %dma_start3A_497 = arith.constant 0 : i32
      %dma_start3A_498 = tpu.memref_slice %arg8[%dma_start3A_489, %dma_start3A_490, %dma_start3A_491, %dma_start3A_497] : memref<2x3x3x96xi32, #tpu.memory_space<vmem>> -> memref<1x1x1x96xi32, #tpu.memory_space<vmem>>
      %dma_start3A_499 = tpu.memref_squeeze %dma_start3A_498 : memref<1x1x1x96xi32, #tpu.memory_space<vmem>> -> memref<96xi32, #tpu.memory_space<vmem>>
      %dma_start3A_500 = arith.constant 0 : i32
      %dma_start3A_501 = arith.constant 0 : i32
      %dma_start3A_502 = tpu.memref_slice %arg2[%dma_start3A_500, %dma_start3A_501] : memref<10000x128xf32, #tpu.memory_space<hbm>> -> memref<10000x128xf32, #tpu.memory_space<hbm>>
      tpu.enqueue_indirect_dma source(%dma_start3A_502 : memref<10000x128xf32, #tpu.memory_space<hbm>>) target(%dma_start3A_496 : memref<96x128xf32, #tpu.memory_space<vmem>>) offsets(%dma_start3A_499 : memref<96xi32, #tpu.memory_space<vmem>>) semaphore(%arg11 : memref<!tpu.dma_semaphore, #tpu.memory_space<semaphore_mem>>)
      %dma_wait3A_503 = arith.constant 1 : i32
      %dma_wait3A_504 = arith.constant 0 : i32
      %dma_wait3A_505 = arith.constant 0 : i32
      %dma_wait3A_506 = arith.constant 0 : i32
      %dma_wait3A_507 = arith.constant 0 : i32
      %dma_wait3A_508 = arith.constant 0 : i32
      %dma_wait3A_509 = tpu.memref_slice %arg7[%dma_wait3A_506, %dma_wait3A_507, %dma_wait3A_508] : memref<3x96x128xf32, #tpu.memory_space<vmem>> -> memref<1x96x128xf32, #tpu.memory_space<vmem>>
      %dma_wait3A_510 = tpu.memref_squeeze %dma_wait3A_509 : memref<1x96x128xf32, #tpu.memory_space<vmem>> -> memref<96x128xf32, #tpu.memory_space<vmem>>
      %dma_wait3A_511 = arith.constant 0 : i32
      %dma_wait3A_512 = tpu.memref_slice %arg8[%dma_wait3A_503, %dma_wait3A_504, %dma_wait3A_505, %dma_wait3A_511] : memref<2x3x3x96xi32, #tpu.memory_space<vmem>> -> memref<1x1x1x96xi32, #tpu.memory_space<vmem>>
      %dma_wait3A_513 = tpu.memref_squeeze %dma_wait3A_512 : memref<1x1x1x96xi32, #tpu.memory_space<vmem>> -> memref<96xi32, #tpu.memory_space<vmem>>
      %dma_wait3A_514 = arith.constant 0 : i32
      %dma_wait3A_515 = arith.constant 0 : i32
      %dma_wait3A_516 = tpu.memref_slice %arg2[%dma_wait3A_514, %dma_wait3A_515] : memref<10000x128xf32, #tpu.memory_space<hbm>> -> memref<10000x128xf32, #tpu.memory_space<hbm>>
      tpu.wait_indirect_dma semaphore(%arg9 : memref<!tpu.dma_semaphore, #tpu.memory_space<semaphore_mem>>) src(%dma_wait3A_516 : memref<10000x128xf32, #tpu.memory_space<hbm>>) dst(%dma_wait3A_510 : memref<96x128xf32, #tpu.memory_space<vmem>>)
      %dma_start3A_517 = arith.constant 1 : i32
      %dma_start3A_518 = arith.constant 0 : i32
      %dma_start3A_519 = arith.constant 2 : i32
      %dma_start3A_520 = arith.constant 0 : i32
      %dma_start3A_521 = arith.constant 0 : i32
      %dma_start3A_522 = arith.constant 0 : i32
      %dma_start3A_523 = tpu.memref_slice %arg7[%dma_start3A_520, %dma_start3A_521, %dma_start3A_522] : memref<3x96x128xf32, #tpu.memory_space<vmem>> -> memref<1x96x128xf32, #tpu.memory_space<vmem>>
      %dma_start3A_524 = tpu.memref_squeeze %dma_start3A_523 : memref<1x96x128xf32, #tpu.memory_space<vmem>> -> memref<96x128xf32, #tpu.memory_space<vmem>>
      %dma_start3A_525 = arith.constant 0 : i32
      %dma_start3A_526 = tpu.memref_slice %arg8[%dma_start3A_517, %dma_start3A_518, %dma_start3A_519, %dma_start3A_525] : memref<2x3x3x96xi32, #tpu.memory_space<vmem>> -> memref<1x1x1x96xi32, #tpu.memory_space<vmem>>
      %dma_start3A_527 = tpu.memref_squeeze %dma_start3A_526 : memref<1x1x1x96xi32, #tpu.memory_space<vmem>> -> memref<96xi32, #tpu.memory_space<vmem>>
      %dma_start3A_528 = arith.constant 0 : i32
      %dma_start3A_529 = arith.constant 0 : i32
      %dma_start3A_530 = tpu.memref_slice %arg3[%dma_start3A_528, %dma_start3A_529] : memref<10000x128xf32, #tpu.memory_space<hbm>> -> memref<10000x128xf32, #tpu.memory_space<hbm>>
      tpu.enqueue_indirect_dma source(%dma_start3A_530 : memref<10000x128xf32, #tpu.memory_space<hbm>>) target(%dma_start3A_524 : memref<96x128xf32, #tpu.memory_space<vmem>>) offsets(%dma_start3A_527 : memref<96xi32, #tpu.memory_space<vmem>>) semaphore(%arg12 : memref<!tpu.dma_semaphore, #tpu.memory_space<semaphore_mem>>) {add = true}
      %dma_wait3A_531 = arith.constant 1 : i32
      %dma_wait3A_532 = arith.constant 1 : i32
      %dma_wait3A_533 = arith.constant 0 : i32
      %dma_wait3A_534 = arith.constant 1 : i32
      %dma_wait3A_535 = arith.constant 0 : i32
      %dma_wait3A_536 = arith.constant 0 : i32
      %dma_wait3A_537 = tpu.memref_slice %arg7[%dma_wait3A_534, %dma_wait3A_535, %dma_wait3A_536] : memref<3x96x128xf32, #tpu.memory_space<vmem>> -> memref<1x96x128xf32, #tpu.memory_space<vmem>>
      %dma_wait3A_538 = tpu.memref_squeeze %dma_wait3A_537 : memref<1x96x128xf32, #tpu.memory_space<vmem>> -> memref<96x128xf32, #tpu.memory_space<vmem>>
      %dma_wait3A_539 = arith.constant 0 : i32
      %dma_wait3A_540 = tpu.memref_slice %arg8[%dma_wait3A_531, %dma_wait3A_532, %dma_wait3A_533, %dma_wait3A_539] : memref<2x3x3x96xi32, #tpu.memory_space<vmem>> -> memref<1x1x1x96xi32, #tpu.memory_space<vmem>>
      %dma_wait3A_541 = tpu.memref_squeeze %dma_wait3A_540 : memref<1x1x1x96xi32, #tpu.memory_space<vmem>> -> memref<96xi32, #tpu.memory_space<vmem>>
      %dma_wait3A_542 = arith.constant 0 : i32
      %dma_wait3A_543 = arith.constant 0 : i32
      %dma_wait3A_544 = tpu.memref_slice %arg2[%dma_wait3A_542, %dma_wait3A_543] : memref<10000x128xf32, #tpu.memory_space<hbm>> -> memref<10000x128xf32, #tpu.memory_space<hbm>>
      tpu.wait_indirect_dma semaphore(%arg10 : memref<!tpu.dma_semaphore, #tpu.memory_space<semaphore_mem>>) src(%dma_wait3A_544 : memref<10000x128xf32, #tpu.memory_space<hbm>>) dst(%dma_wait3A_538 : memref<96x128xf32, #tpu.memory_space<vmem>>)
      %dma_start3A_545 = arith.constant 1 : i32
      %dma_start3A_546 = arith.constant 1 : i32
      %dma_start3A_547 = arith.constant 2 : i32
      %dma_start3A_548 = arith.constant 1 : i32
      %dma_start3A_549 = arith.constant 0 : i32
      %dma_start3A_550 = arith.constant 0 : i32
      %dma_start3A_551 = tpu.memref_slice %arg7[%dma_start3A_548, %dma_start3A_549, %dma_start3A_550] : memref<3x96x128xf32, #tpu.memory_space<vmem>> -> memref<1x96x128xf32, #tpu.memory_space<vmem>>
      %dma_start3A_552 = tpu.memref_squeeze %dma_start3A_551 : memref<1x96x128xf32, #tpu.memory_space<vmem>> -> memref<96x128xf32, #tpu.memory_space<vmem>>
      %dma_start3A_553 = arith.constant 0 : i32
      %dma_start3A_554 = tpu.memref_slice %arg8[%dma_start3A_545, %dma_start3A_546, %dma_start3A_547, %dma_start3A_553] : memref<2x3x3x96xi32, #tpu.memory_space<vmem>> -> memref<1x1x1x96xi32, #tpu.memory_space<vmem>>
      %dma_start3A_555 = tpu.memref_squeeze %dma_start3A_554 : memref<1x1x1x96xi32, #tpu.memory_space<vmem>> -> memref<96xi32, #tpu.memory_space<vmem>>
      %dma_start3A_556 = arith.constant 0 : i32
      %dma_start3A_557 = arith.constant 0 : i32
      %dma_start3A_558 = tpu.memref_slice %arg3[%dma_start3A_556, %dma_start3A_557] : memref<10000x128xf32, #tpu.memory_space<hbm>> -> memref<10000x128xf32, #tpu.memory_space<hbm>>
      tpu.enqueue_indirect_dma source(%dma_start3A_558 : memref<10000x128xf32, #tpu.memory_space<hbm>>) target(%dma_start3A_552 : memref<96x128xf32, #tpu.memory_space<vmem>>) offsets(%dma_start3A_555 : memref<96xi32, #tpu.memory_space<vmem>>) semaphore(%arg13 : memref<!tpu.dma_semaphore, #tpu.memory_space<semaphore_mem>>) {add = true}
      %dma_wait3A_559 = arith.constant 1 : i32
      %dma_wait3A_560 = arith.constant 2 : i32
      %dma_wait3A_561 = arith.constant 0 : i32
      %dma_wait3A_562 = arith.constant 2 : i32
      %dma_wait3A_563 = arith.constant 0 : i32
      %dma_wait3A_564 = arith.constant 0 : i32
      %dma_wait3A_565 = tpu.memref_slice %arg7[%dma_wait3A_562, %dma_wait3A_563, %dma_wait3A_564] : memref<3x96x128xf32, #tpu.memory_space<vmem>> -> memref<1x96x128xf32, #tpu.memory_space<vmem>>
      %dma_wait3A_566 = tpu.memref_squeeze %dma_wait3A_565 : memref<1x96x128xf32, #tpu.memory_space<vmem>> -> memref<96x128xf32, #tpu.memory_space<vmem>>
      %dma_wait3A_567 = arith.constant 0 : i32
      %dma_wait3A_568 = tpu.memref_slice %arg8[%dma_wait3A_559, %dma_wait3A_560, %dma_wait3A_561, %dma_wait3A_567] : memref<2x3x3x96xi32, #tpu.memory_space<vmem>> -> memref<1x1x1x96xi32, #tpu.memory_space<vmem>>
      %dma_wait3A_569 = tpu.memref_squeeze %dma_wait3A_568 : memref<1x1x1x96xi32, #tpu.memory_space<vmem>> -> memref<96xi32, #tpu.memory_space<vmem>>
      %dma_wait3A_570 = arith.constant 0 : i32
      %dma_wait3A_571 = arith.constant 0 : i32
      %dma_wait3A_572 = tpu.memref_slice %arg2[%dma_wait3A_570, %dma_wait3A_571] : memref<10000x128xf32, #tpu.memory_space<hbm>> -> memref<10000x128xf32, #tpu.memory_space<hbm>>
      tpu.wait_indirect_dma semaphore(%arg11 : memref<!tpu.dma_semaphore, #tpu.memory_space<semaphore_mem>>) src(%dma_wait3A_572 : memref<10000x128xf32, #tpu.memory_space<hbm>>) dst(%dma_wait3A_566 : memref<96x128xf32, #tpu.memory_space<vmem>>)
      %dma_start3A_573 = arith.constant 1 : i32
      %dma_start3A_574 = arith.constant 2 : i32
      %dma_start3A_575 = arith.constant 2 : i32
      %dma_start3A_576 = arith.constant 2 : i32
      %dma_start3A_577 = arith.constant 0 : i32
      %dma_start3A_578 = arith.constant 0 : i32
      %dma_start3A_579 = tpu.memref_slice %arg7[%dma_start3A_576, %dma_start3A_577, %dma_start3A_578] : memref<3x96x128xf32, #tpu.memory_space<vmem>> -> memref<1x96x128xf32, #tpu.memory_space<vmem>>
      %dma_start3A_580 = tpu.memref_squeeze %dma_start3A_579 : memref<1x96x128xf32, #tpu.memory_space<vmem>> -> memref<96x128xf32, #tpu.memory_space<vmem>>
      %dma_start3A_581 = arith.constant 0 : i32
      %dma_start3A_582 = tpu.memref_slice %arg8[%dma_start3A_573, %dma_start3A_574, %dma_start3A_575, %dma_start3A_581] : memref<2x3x3x96xi32, #tpu.memory_space<vmem>> -> memref<1x1x1x96xi32, #tpu.memory_space<vmem>>
      %dma_start3A_583 = tpu.memref_squeeze %dma_start3A_582 : memref<1x1x1x96xi32, #tpu.memory_space<vmem>> -> memref<96xi32, #tpu.memory_space<vmem>>
      %dma_start3A_584 = arith.constant 0 : i32
      %dma_start3A_585 = arith.constant 0 : i32
      %dma_start3A_586 = tpu.memref_slice %arg3[%dma_start3A_584, %dma_start3A_585] : memref<10000x128xf32, #tpu.memory_space<hbm>> -> memref<10000x128xf32, #tpu.memory_space<hbm>>
      tpu.enqueue_indirect_dma source(%dma_start3A_586 : memref<10000x128xf32, #tpu.memory_space<hbm>>) target(%dma_start3A_580 : memref<96x128xf32, #tpu.memory_space<vmem>>) offsets(%dma_start3A_583 : memref<96xi32, #tpu.memory_space<vmem>>) semaphore(%arg14 : memref<!tpu.dma_semaphore, #tpu.memory_space<semaphore_mem>>) {add = true}
      %dma_wait3A_587 = arith.constant 1 : i32
      %dma_wait3A_588 = arith.constant 0 : i32
      %dma_wait3A_589 = arith.constant 2 : i32
      %dma_wait3A_590 = arith.constant 0 : i32
      %dma_wait3A_591 = arith.constant 0 : i32
      %dma_wait3A_592 = arith.constant 0 : i32
      %dma_wait3A_593 = tpu.memref_slice %arg7[%dma_wait3A_590, %dma_wait3A_591, %dma_wait3A_592] : memref<3x96x128xf32, #tpu.memory_space<vmem>> -> memref<1x96x128xf32, #tpu.memory_space<vmem>>
      %dma_wait3A_594 = tpu.memref_squeeze %dma_wait3A_593 : memref<1x96x128xf32, #tpu.memory_space<vmem>> -> memref<96x128xf32, #tpu.memory_space<vmem>>
      %dma_wait3A_595 = arith.constant 0 : i32
      %dma_wait3A_596 = tpu.memref_slice %arg8[%dma_wait3A_587, %dma_wait3A_588, %dma_wait3A_589, %dma_wait3A_595] : memref<2x3x3x96xi32, #tpu.memory_space<vmem>> -> memref<1x1x1x96xi32, #tpu.memory_space<vmem>>
      %dma_wait3A_597 = tpu.memref_squeeze %dma_wait3A_596 : memref<1x1x1x96xi32, #tpu.memory_space<vmem>> -> memref<96xi32, #tpu.memory_space<vmem>>
      %dma_wait3A_598 = arith.constant 0 : i32
      %dma_wait3A_599 = arith.constant 0 : i32
      %dma_wait3A_600 = tpu.memref_slice %arg3[%dma_wait3A_598, %dma_wait3A_599] : memref<10000x128xf32, #tpu.memory_space<hbm>> -> memref<10000x128xf32, #tpu.memory_space<hbm>>
      tpu.wait_indirect_dma semaphore(%arg12 : memref<!tpu.dma_semaphore, #tpu.memory_space<semaphore_mem>>) src(%dma_wait3A_600 : memref<10000x128xf32, #tpu.memory_space<hbm>>) dst(%dma_wait3A_594 : memref<96x128xf32, #tpu.memory_space<vmem>>)
      %scan3A_601 = arith.constant 0 : i32
      %scan3A_602 = arith.constant 0 : i32
      %scan3A_603 = arith.constant 96 : i32
      %scan3A_604 = arith.addi %scan3A_602, %scan3A_603 : i32
      %scan3A_605 = arith.constant 1 : i32
      scf.for %scan3A_989 = %scan3A_602 to %scan3A_604 step %scan3A_605  : i32 {
        %get3A = arith.constant 0 : i32
        %get3A_990 = arith.index_cast %get3A : i32 to index
        %get3A_991 = arith.index_cast %scan3A_989 : i32 to index
        %get3A_992 = arith.constant 0 : index
        %get3A_993 = tpu.vector_load %arg7[%get3A_990, %get3A_991, %get3A_992] {strides = array<i32>} : memref<3x96x128xf32, #tpu.memory_space<vmem>>, vector<1x1x16xf32>,
        %get3A_994 = vector.shape_cast %get3A_993 : vector<1x1x16xf32> to vector<16xf32>
        %max3A = arith.constant 0.000000e+00 : f32
        %max3A_995 = vector.broadcast %max3A : f32 to vector<16xf32>
        %max3A_996 = arith.maximumf %get3A_994, %max3A_995 : vector<16xf32>
        %swap3A = arith.constant 0 : i32
        %swap3A_997 = arith.index_cast %swap3A : i32 to index
        %swap3A_998 = arith.index_cast %scan3A_989 : i32 to index
        %swap3A_999 = arith.constant 0 : index
        %swap3A_1000 = tpu.vector_load %arg7[%swap3A_997, %swap3A_998, %swap3A_999] {strides = array<i32>} : memref<3x96x128xf32, #tpu.memory_space<vmem>>, vector<1x1x16xf32>,
        %swap3A_1001 = vector.shape_cast %swap3A_1000 : vector<1x1x16xf32> to vector<16xf32>
        %swap3A_1002 = vector.shape_cast %max3A_996 : vector<16xf32> to vector<1x1x16xf32>
        tpu.vector_store %arg7[%swap3A_997, %swap3A_998, %swap3A_999], %swap3A_1002 {strides = array<i32>} : memref<3x96x128xf32, #tpu.memory_space<vmem>>, vector<1x1x16xf32>,
        %get3A_1003 = arith.constant 0 : i32
        %get3A_1004 = arith.index_cast %get3A_1003 : i32 to index
        %get3A_1005 = arith.index_cast %scan3A_989 : i32 to index
        %get3A_1006 = arith.constant 16 : index
        %get3A_1007 = tpu.vector_load %arg7[%get3A_1004, %get3A_1005, %get3A_1006] {strides = array<i32>} : memref<3x96x128xf32, #tpu.memory_space<vmem>>, vector<1x1x16xf32>,
        %get3A_1008 = vector.shape_cast %get3A_1007 : vector<1x1x16xf32> to vector<16xf32>
        %max3A_1009 = arith.constant 0.000000e+00 : f32
        %max3A_1010 = vector.broadcast %max3A_1009 : f32 to vector<16xf32>
        %max3A_1011 = arith.maximumf %get3A_1008, %max3A_1010 : vector<16xf32>
        %swap3A_1012 = arith.constant 0 : i32
        %swap3A_1013 = arith.index_cast %swap3A_1012 : i32 to index
        %swap3A_1014 = arith.index_cast %scan3A_989 : i32 to index
        %swap3A_1015 = arith.constant 16 : index
        %swap3A_1016 = tpu.vector_load %arg7[%swap3A_1013, %swap3A_1014, %swap3A_1015] {strides = array<i32>} : memref<3x96x128xf32, #tpu.memory_space<vmem>>, vector<1x1x16xf32>,
        %swap3A_1017 = vector.shape_cast %swap3A_1016 : vector<1x1x16xf32> to vector<16xf32>
        %swap3A_1018 = vector.shape_cast %max3A_1011 : vector<16xf32> to vector<1x1x16xf32>
        tpu.vector_store %arg7[%swap3A_1013, %swap3A_1014, %swap3A_1015], %swap3A_1018 {strides = array<i32>} : memref<3x96x128xf32, #tpu.memory_space<vmem>>, vector<1x1x16xf32>,
        %get3A_1019 = arith.constant 0 : i32
        %get3A_1020 = arith.index_cast %get3A_1019 : i32 to index
        %get3A_1021 = arith.index_cast %scan3A_989 : i32 to index
        %get3A_1022 = arith.constant 32 : index
        %get3A_1023 = tpu.vector_load %arg7[%get3A_1020, %get3A_1021, %get3A_1022] {strides = array<i32>} : memref<3x96x128xf32, #tpu.memory_space<vmem>>, vector<1x1x16xf32>,
        %get3A_1024 = vector.shape_cast %get3A_1023 : vector<1x1x16xf32> to vector<16xf32>
        %max3A_1025 = arith.constant 0.000000e+00 : f32
        %max3A_1026 = vector.broadcast %max3A_1025 : f32 to vector<16xf32>
        %max3A_1027 = arith.maximumf %get3A_1024, %max3A_1026 : vector<16xf32>
        %swap3A_1028 = arith.constant 0 : i32
        %swap3A_1029 = arith.index_cast %swap3A_1028 : i32 to index
        %swap3A_1030 = arith.index_cast %scan3A_989 : i32 to index
        %swap3A_1031 = arith.constant 32 : index
        %swap3A_1032 = tpu.vector_load %arg7[%swap3A_1029, %swap3A_1030, %swap3A_1031] {strides = array<i32>} : memref<3x96x128xf32, #tpu.memory_space<vmem>>, vector<1x1x16xf32>,
        %swap3A_1033 = vector.shape_cast %swap3A_1032 : vector<1x1x16xf32> to vector<16xf32>
        %swap3A_1034 = vector.shape_cast %max3A_1027 : vector<16xf32> to vector<1x1x16xf32>
        tpu.vector_store %arg7[%swap3A_1029, %swap3A_1030, %swap3A_1031], %swap3A_1034 {strides = array<i32>} : memref<3x96x128xf32, #tpu.memory_space<vmem>>, vector<1x1x16xf32>,
        %get3A_1035 = arith.constant 0 : i32
        %get3A_1036 = arith.index_cast %get3A_1035 : i32 to index
        %get3A_1037 = arith.index_cast %scan3A_989 : i32 to index
        %get3A_1038 = arith.constant 48 : index
        %get3A_1039 = tpu.vector_load %arg7[%get3A_1036, %get3A_1037, %get3A_1038] {strides = array<i32>} : memref<3x96x128xf32, #tpu.memory_space<vmem>>, vector<1x1x16xf32>,
        %get3A_1040 = vector.shape_cast %get3A_1039 : vector<1x1x16xf32> to vector<16xf32>
        %max3A_1041 = arith.constant 0.000000e+00 : f32
        %max3A_1042 = vector.broadcast %max3A_1041 : f32 to vector<16xf32>
        %max3A_1043 = arith.maximumf %get3A_1040, %max3A_1042 : vector<16xf32>
        %swap3A_1044 = arith.constant 0 : i32
        %swap3A_1045 = arith.index_cast %swap3A_1044 : i32 to index
        %swap3A_1046 = arith.index_cast %scan3A_989 : i32 to index
        %swap3A_1047 = arith.constant 48 : index
        %swap3A_1048 = tpu.vector_load %arg7[%swap3A_1045, %swap3A_1046, %swap3A_1047] {strides = array<i32>} : memref<3x96x128xf32, #tpu.memory_space<vmem>>, vector<1x1x16xf32>,
        %swap3A_1049 = vector.shape_cast %swap3A_1048 : vector<1x1x16xf32> to vector<16xf32>
        %swap3A_1050 = vector.shape_cast %max3A_1043 : vector<16xf32> to vector<1x1x16xf32>
        tpu.vector_store %arg7[%swap3A_1045, %swap3A_1046, %swap3A_1047], %swap3A_1050 {strides = array<i32>} : memref<3x96x128xf32, #tpu.memory_space<vmem>>, vector<1x1x16xf32>,
        %get3A_1051 = arith.constant 0 : i32
        %get3A_1052 = arith.index_cast %get3A_1051 : i32 to index
        %get3A_1053 = arith.index_cast %scan3A_989 : i32 to index
        %get3A_1054 = arith.constant 64 : index
        %get3A_1055 = tpu.vector_load %arg7[%get3A_1052, %get3A_1053, %get3A_1054] {strides = array<i32>} : memref<3x96x128xf32, #tpu.memory_space<vmem>>, vector<1x1x16xf32>,
        %get3A_1056 = vector.shape_cast %get3A_1055 : vector<1x1x16xf32> to vector<16xf32>
        %max3A_1057 = arith.constant 0.000000e+00 : f32
        %max3A_1058 = vector.broadcast %max3A_1057 : f32 to vector<16xf32>
        %max3A_1059 = arith.maximumf %get3A_1056, %max3A_1058 : vector<16xf32>
        %swap3A_1060 = arith.constant 0 : i32
        %swap3A_1061 = arith.index_cast %swap3A_1060 : i32 to index
        %swap3A_1062 = arith.index_cast %scan3A_989 : i32 to index
        %swap3A_1063 = arith.constant 64 : index
        %swap3A_1064 = tpu.vector_load %arg7[%swap3A_1061, %swap3A_1062, %swap3A_1063] {strides = array<i32>} : memref<3x96x128xf32, #tpu.memory_space<vmem>>, vector<1x1x16xf32>,
        %swap3A_1065 = vector.shape_cast %swap3A_1064 : vector<1x1x16xf32> to vector<16xf32>
        %swap3A_1066 = vector.shape_cast %max3A_1059 : vector<16xf32> to vector<1x1x16xf32>
        tpu.vector_store %arg7[%swap3A_1061, %swap3A_1062, %swap3A_1063], %swap3A_1066 {strides = array<i32>} : memref<3x96x128xf32, #tpu.memory_space<vmem>>, vector<1x1x16xf32>,
        %get3A_1067 = arith.constant 0 : i32
        %get3A_1068 = arith.index_cast %get3A_1067 : i32 to index
        %get3A_1069 = arith.index_cast %scan3A_989 : i32 to index
        %get3A_1070 = arith.constant 80 : index
        %get3A_1071 = tpu.vector_load %arg7[%get3A_1068, %get3A_1069, %get3A_1070] {strides = array<i32>} : memref<3x96x128xf32, #tpu.memory_space<vmem>>, vector<1x1x16xf32>,
        %get3A_1072 = vector.shape_cast %get3A_1071 : vector<1x1x16xf32> to vector<16xf32>
        %max3A_1073 = arith.constant 0.000000e+00 : f32
        %max3A_1074 = vector.broadcast %max3A_1073 : f32 to vector<16xf32>
        %max3A_1075 = arith.maximumf %get3A_1072, %max3A_1074 : vector<16xf32>
        %swap3A_1076 = arith.constant 0 : i32
        %swap3A_1077 = arith.index_cast %swap3A_1076 : i32 to index
        %swap3A_1078 = arith.index_cast %scan3A_989 : i32 to index
        %swap3A_1079 = arith.constant 80 : index
        %swap3A_1080 = tpu.vector_load %arg7[%swap3A_1077, %swap3A_1078, %swap3A_1079] {strides = array<i32>} : memref<3x96x128xf32, #tpu.memory_space<vmem>>, vector<1x1x16xf32>,
        %swap3A_1081 = vector.shape_cast %swap3A_1080 : vector<1x1x16xf32> to vector<16xf32>
        %swap3A_1082 = vector.shape_cast %max3A_1075 : vector<16xf32> to vector<1x1x16xf32>
        tpu.vector_store %arg7[%swap3A_1077, %swap3A_1078, %swap3A_1079], %swap3A_1082 {strides = array<i32>} : memref<3x96x128xf32, #tpu.memory_space<vmem>>, vector<1x1x16xf32>,
        %get3A_1083 = arith.constant 0 : i32
        %get3A_1084 = arith.index_cast %get3A_1083 : i32 to index
        %get3A_1085 = arith.index_cast %scan3A_989 : i32 to index
        %get3A_1086 = arith.constant 96 : index
        %get3A_1087 = tpu.vector_load %arg7[%get3A_1084, %get3A_1085, %get3A_1086] {strides = array<i32>} : memref<3x96x128xf32, #tpu.memory_space<vmem>>, vector<1x1x16xf32>,
        %get3A_1088 = vector.shape_cast %get3A_1087 : vector<1x1x16xf32> to vector<16xf32>
        %max3A_1089 = arith.constant 0.000000e+00 : f32
        %max3A_1090 = vector.broadcast %max3A_1089 : f32 to vector<16xf32>
        %max3A_1091 = arith.maximumf %get3A_1088, %max3A_1090 : vector<16xf32>
        %swap3A_1092 = arith.constant 0 : i32
        %swap3A_1093 = arith.index_cast %swap3A_1092 : i32 to index
        %swap3A_1094 = arith.index_cast %scan3A_989 : i32 to index
        %swap3A_1095 = arith.constant 96 : index
        %swap3A_1096 = tpu.vector_load %arg7[%swap3A_1093, %swap3A_1094, %swap3A_1095] {strides = array<i32>} : memref<3x96x128xf32, #tpu.memory_space<vmem>>, vector<1x1x16xf32>,
        %swap3A_1097 = vector.shape_cast %swap3A_1096 : vector<1x1x16xf32> to vector<16xf32>
        %swap3A_1098 = vector.shape_cast %max3A_1091 : vector<16xf32> to vector<1x1x16xf32>
        tpu.vector_store %arg7[%swap3A_1093, %swap3A_1094, %swap3A_1095], %swap3A_1098 {strides = array<i32>} : memref<3x96x128xf32, #tpu.memory_space<vmem>>, vector<1x1x16xf32>,
        %get3A_1099 = arith.constant 0 : i32
        %get3A_1100 = arith.index_cast %get3A_1099 : i32 to index
        %get3A_1101 = arith.index_cast %scan3A_989 : i32 to index
        %get3A_1102 = arith.constant 112 : index
        %get3A_1103 = tpu.vector_load %arg7[%get3A_1100, %get3A_1101, %get3A_1102] {strides = array<i32>} : memref<3x96x128xf32, #tpu.memory_space<vmem>>, vector<1x1x16xf32>,
        %get3A_1104 = vector.shape_cast %get3A_1103 : vector<1x1x16xf32> to vector<16xf32>
        %max3A_1105 = arith.constant 0.000000e+00 : f32
        %max3A_1106 = vector.broadcast %max3A_1105 : f32 to vector<16xf32>
        %max3A_1107 = arith.maximumf %get3A_1104, %max3A_1106 : vector<16xf32>
        %swap3A_1108 = arith.constant 0 : i32
        %swap3A_1109 = arith.index_cast %swap3A_1108 : i32 to index
        %swap3A_1110 = arith.index_cast %scan3A_989 : i32 to index
        %swap3A_1111 = arith.constant 112 : index
        %swap3A_1112 = tpu.vector_load %arg7[%swap3A_1109, %swap3A_1110, %swap3A_1111] {strides = array<i32>} : memref<3x96x128xf32, #tpu.memory_space<vmem>>, vector<1x1x16xf32>,
        %swap3A_1113 = vector.shape_cast %swap3A_1112 : vector<1x1x16xf32> to vector<16xf32>
        %swap3A_1114 = vector.shape_cast %max3A_1107 : vector<16xf32> to vector<1x1x16xf32>
        tpu.vector_store %arg7[%swap3A_1109, %swap3A_1110, %swap3A_1111], %swap3A_1114 {strides = array<i32>} : memref<3x96x128xf32, #tpu.memory_space<vmem>>, vector<1x1x16xf32>,
      }
      %scan3A_606 = arith.constant 96 : i32
      %dma_start3A_607 = arith.constant 0 : i32
      %dma_start3A_608 = arith.constant 1 : i32
      %dma_start3A_609 = arith.constant 0 : i32
      %dma_start3A_610 = arith.constant 1 : i32
      %dma_start3A_611 = arith.constant 0 : i32
      %dma_start3A_612 = arith.constant 0 : i32
      %dma_start3A_613 = tpu.memref_slice %arg7[%dma_start3A_607, %dma_start3A_611, %dma_start3A_612] : memref<3x96x128xf32, #tpu.memory_space<vmem>> -> memref<1x96x128xf32, #tpu.memory_space<vmem>>
      %dma_start3A_614 = tpu.memref_squeeze %dma_start3A_613 : memref<1x96x128xf32, #tpu.memory_space<vmem>> -> memref<96x128xf32, #tpu.memory_space<vmem>>
      %dma_start3A_615 = arith.constant 0 : i32
      %dma_start3A_616 = tpu.memref_slice %arg8[%dma_start3A_608, %dma_start3A_609, %dma_start3A_610, %dma_start3A_615] : memref<2x3x3x96xi32, #tpu.memory_space<vmem>> -> memref<1x1x1x96xi32, #tpu.memory_space<vmem>>
      %dma_start3A_617 = tpu.memref_squeeze %dma_start3A_616 : memref<1x1x1x96xi32, #tpu.memory_space<vmem>> -> memref<96xi32, #tpu.memory_space<vmem>>
      %dma_start3A_618 = arith.constant 0 : i32
      %dma_start3A_619 = arith.constant 0 : i32
      %dma_start3A_620 = tpu.memref_slice %arg6[%dma_start3A_618, %dma_start3A_619] : memref<10112x128xf32, #tpu.memory_space<vmem_shared>> -> memref<10112x128xf32, #tpu.memory_space<vmem_shared>>
      tpu.enqueue_indirect_dma source(%dma_start3A_614 : memref<96x128xf32, #tpu.memory_space<vmem>>) target(%dma_start3A_620 : memref<10112x128xf32, #tpu.memory_space<vmem_shared>>) offsets(%dma_start3A_617 : memref<96xi32, #tpu.memory_space<vmem>>) semaphore(%arg15 : memref<!tpu.dma_semaphore, #tpu.memory_space<semaphore_mem>>) {add = true}
      %dma_wait3A_621 = arith.constant 1 : i32
      %dma_wait3A_622 = arith.constant 1 : i32
      %dma_wait3A_623 = arith.constant 2 : i32
      %dma_wait3A_624 = arith.constant 1 : i32
      %dma_wait3A_625 = arith.constant 0 : i32
      %dma_wait3A_626 = arith.constant 0 : i32
      %dma_wait3A_627 = tpu.memref_slice %arg7[%dma_wait3A_624, %dma_wait3A_625, %dma_wait3A_626] : memref<3x96x128xf32, #tpu.memory_space<vmem>> -> memref<1x96x128xf32, #tpu.memory_space<vmem>>
      %dma_wait3A_628 = tpu.memref_squeeze %dma_wait3A_627 : memref<1x96x128xf32, #tpu.memory_space<vmem>> -> memref<96x128xf32, #tpu.memory_space<vmem>>
      %dma_wait3A_629 = arith.constant 0 : i32
      %dma_wait3A_630 = tpu.memref_slice %arg8[%dma_wait3A_621, %dma_wait3A_622, %dma_wait3A_623, %dma_wait3A_629] : memref<2x3x3x96xi32, #tpu.memory_space<vmem>> -> memref<1x1x1x96xi32, #tpu.memory_space<vmem>>
      %dma_wait3A_631 = tpu.memref_squeeze %dma_wait3A_630 : memref<1x1x1x96xi32, #tpu.memory_space<vmem>> -> memref<96xi32, #tpu.memory_space<vmem>>
      %dma_wait3A_632 = arith.constant 0 : i32
      %dma_wait3A_633 = arith.constant 0 : i32
      %dma_wait3A_634 = tpu.memref_slice %arg3[%dma_wait3A_632, %dma_wait3A_633] : memref<10000x128xf32, #tpu.memory_space<hbm>> -> memref<10000x128xf32, #tpu.memory_space<hbm>>
      tpu.wait_indirect_dma semaphore(%arg13 : memref<!tpu.dma_semaphore, #tpu.memory_space<semaphore_mem>>) src(%dma_wait3A_634 : memref<10000x128xf32, #tpu.memory_space<hbm>>) dst(%dma_wait3A_628 : memref<96x128xf32, #tpu.memory_space<vmem>>)
      %scan3A_635 = arith.constant 0 : i32
      %scan3A_636 = arith.constant 0 : i32
      %scan3A_637 = arith.constant 96 : i32
      %scan3A_638 = arith.addi %scan3A_636, %scan3A_637 : i32
      %scan3A_639 = arith.constant 1 : i32
      scf.for %scan3A_989 = %scan3A_636 to %scan3A_638 step %scan3A_639  : i32 {
        %get3A = arith.constant 1 : i32
        %get3A_990 = arith.index_cast %get3A : i32 to index
        %get3A_991 = arith.index_cast %scan3A_989 : i32 to index
        %get3A_992 = arith.constant 0 : index
        %get3A_993 = tpu.vector_load %arg7[%get3A_990, %get3A_991, %get3A_992] {strides = array<i32>} : memref<3x96x128xf32, #tpu.memory_space<vmem>>, vector<1x1x16xf32>,
        %get3A_994 = vector.shape_cast %get3A_993 : vector<1x1x16xf32> to vector<16xf32>
        %max3A = arith.constant 0.000000e+00 : f32
        %max3A_995 = vector.broadcast %max3A : f32 to vector<16xf32>
        %max3A_996 = arith.maximumf %get3A_994, %max3A_995 : vector<16xf32>
        %swap3A = arith.constant 1 : i32
        %swap3A_997 = arith.index_cast %swap3A : i32 to index
        %swap3A_998 = arith.index_cast %scan3A_989 : i32 to index
        %swap3A_999 = arith.constant 0 : index
        %swap3A_1000 = tpu.vector_load %arg7[%swap3A_997, %swap3A_998, %swap3A_999] {strides = array<i32>} : memref<3x96x128xf32, #tpu.memory_space<vmem>>, vector<1x1x16xf32>,
        %swap3A_1001 = vector.shape_cast %swap3A_1000 : vector<1x1x16xf32> to vector<16xf32>
        %swap3A_1002 = vector.shape_cast %max3A_996 : vector<16xf32> to vector<1x1x16xf32>
        tpu.vector_store %arg7[%swap3A_997, %swap3A_998, %swap3A_999], %swap3A_1002 {strides = array<i32>} : memref<3x96x128xf32, #tpu.memory_space<vmem>>, vector<1x1x16xf32>,
        %get3A_1003 = arith.constant 1 : i32
        %get3A_1004 = arith.index_cast %get3A_1003 : i32 to index
        %get3A_1005 = arith.index_cast %scan3A_989 : i32 to index
        %get3A_1006 = arith.constant 16 : index
        %get3A_1007 = tpu.vector_load %arg7[%get3A_1004, %get3A_1005, %get3A_1006] {strides = array<i32>} : memref<3x96x128xf32, #tpu.memory_space<vmem>>, vector<1x1x16xf32>,
        %get3A_1008 = vector.shape_cast %get3A_1007 : vector<1x1x16xf32> to vector<16xf32>
        %max3A_1009 = arith.constant 0.000000e+00 : f32
        %max3A_1010 = vector.broadcast %max3A_1009 : f32 to vector<16xf32>
        %max3A_1011 = arith.maximumf %get3A_1008, %max3A_1010 : vector<16xf32>
        %swap3A_1012 = arith.constant 1 : i32
        %swap3A_1013 = arith.index_cast %swap3A_1012 : i32 to index
        %swap3A_1014 = arith.index_cast %scan3A_989 : i32 to index
        %swap3A_1015 = arith.constant 16 : index
        %swap3A_1016 = tpu.vector_load %arg7[%swap3A_1013, %swap3A_1014, %swap3A_1015] {strides = array<i32>} : memref<3x96x128xf32, #tpu.memory_space<vmem>>, vector<1x1x16xf32>,
        %swap3A_1017 = vector.shape_cast %swap3A_1016 : vector<1x1x16xf32> to vector<16xf32>
        %swap3A_1018 = vector.shape_cast %max3A_1011 : vector<16xf32> to vector<1x1x16xf32>
        tpu.vector_store %arg7[%swap3A_1013, %swap3A_1014, %swap3A_1015], %swap3A_1018 {strides = array<i32>} : memref<3x96x128xf32, #tpu.memory_space<vmem>>, vector<1x1x16xf32>,
        %get3A_1019 = arith.constant 1 : i32
        %get3A_1020 = arith.index_cast %get3A_1019 : i32 to index
        %get3A_1021 = arith.index_cast %scan3A_989 : i32 to index
        %get3A_1022 = arith.constant 32 : index
        %get3A_1023 = tpu.vector_load %arg7[%get3A_1020, %get3A_1021, %get3A_1022] {strides = array<i32>} : memref<3x96x128xf32, #tpu.memory_space<vmem>>, vector<1x1x16xf32>,
        %get3A_1024 = vector.shape_cast %get3A_1023 : vector<1x1x16xf32> to vector<16xf32>
        %max3A_1025 = arith.constant 0.000000e+00 : f32
        %max3A_1026 = vector.broadcast %max3A_1025 : f32 to vector<16xf32>
        %max3A_1027 = arith.maximumf %get3A_1024, %max3A_1026 : vector<16xf32>
        %swap3A_1028 = arith.constant 1 : i32
        %swap3A_1029 = arith.index_cast %swap3A_1028 : i32 to index
        %swap3A_1030 = arith.index_cast %scan3A_989 : i32 to index
        %swap3A_1031 = arith.constant 32 : index
        %swap3A_1032 = tpu.vector_load %arg7[%swap3A_1029, %swap3A_1030, %swap3A_1031] {strides = array<i32>} : memref<3x96x128xf32, #tpu.memory_space<vmem>>, vector<1x1x16xf32>,
        %swap3A_1033 = vector.shape_cast %swap3A_1032 : vector<1x1x16xf32> to vector<16xf32>
        %swap3A_1034 = vector.shape_cast %max3A_1027 : vector<16xf32> to vector<1x1x16xf32>
        tpu.vector_store %arg7[%swap3A_1029, %swap3A_1030, %swap3A_1031], %swap3A_1034 {strides = array<i32>} : memref<3x96x128xf32, #tpu.memory_space<vmem>>, vector<1x1x16xf32>,
        %get3A_1035 = arith.constant 1 : i32
        %get3A_1036 = arith.index_cast %get3A_1035 : i32 to index
        %get3A_1037 = arith.index_cast %scan3A_989 : i32 to index
        %get3A_1038 = arith.constant 48 : index
        %get3A_1039 = tpu.vector_load %arg7[%get3A_1036, %get3A_1037, %get3A_1038] {strides = array<i32>} : memref<3x96x128xf32, #tpu.memory_space<vmem>>, vector<1x1x16xf32>,
        %get3A_1040 = vector.shape_cast %get3A_1039 : vector<1x1x16xf32> to vector<16xf32>
        %max3A_1041 = arith.constant 0.000000e+00 : f32
        %max3A_1042 = vector.broadcast %max3A_1041 : f32 to vector<16xf32>
        %max3A_1043 = arith.maximumf %get3A_1040, %max3A_1042 : vector<16xf32>
        %swap3A_1044 = arith.constant 1 : i32
        %swap3A_1045 = arith.index_cast %swap3A_1044 : i32 to index
        %swap3A_1046 = arith.index_cast %scan3A_989 : i32 to index
        %swap3A_1047 = arith.constant 48 : index
        %swap3A_1048 = tpu.vector_load %arg7[%swap3A_1045, %swap3A_1046, %swap3A_1047] {strides = array<i32>} : memref<3x96x128xf32, #tpu.memory_space<vmem>>, vector<1x1x16xf32>,
        %swap3A_1049 = vector.shape_cast %swap3A_1048 : vector<1x1x16xf32> to vector<16xf32>
        %swap3A_1050 = vector.shape_cast %max3A_1043 : vector<16xf32> to vector<1x1x16xf32>
        tpu.vector_store %arg7[%swap3A_1045, %swap3A_1046, %swap3A_1047], %swap3A_1050 {strides = array<i32>} : memref<3x96x128xf32, #tpu.memory_space<vmem>>, vector<1x1x16xf32>,
        %get3A_1051 = arith.constant 1 : i32
        %get3A_1052 = arith.index_cast %get3A_1051 : i32 to index
        %get3A_1053 = arith.index_cast %scan3A_989 : i32 to index
        %get3A_1054 = arith.constant 64 : index
        %get3A_1055 = tpu.vector_load %arg7[%get3A_1052, %get3A_1053, %get3A_1054] {strides = array<i32>} : memref<3x96x128xf32, #tpu.memory_space<vmem>>, vector<1x1x16xf32>,
        %get3A_1056 = vector.shape_cast %get3A_1055 : vector<1x1x16xf32> to vector<16xf32>
        %max3A_1057 = arith.constant 0.000000e+00 : f32
        %max3A_1058 = vector.broadcast %max3A_1057 : f32 to vector<16xf32>
        %max3A_1059 = arith.maximumf %get3A_1056, %max3A_1058 : vector<16xf32>
        %swap3A_1060 = arith.constant 1 : i32
        %swap3A_1061 = arith.index_cast %swap3A_1060 : i32 to index
        %swap3A_1062 = arith.index_cast %scan3A_989 : i32 to index
        %swap3A_1063 = arith.constant 64 : index
        %swap3A_1064 = tpu.vector_load %arg7[%swap3A_1061, %swap3A_1062, %swap3A_1063] {strides = array<i32>} : memref<3x96x128xf32, #tpu.memory_space<vmem>>, vector<1x1x16xf32>,
        %swap3A_1065 = vector.shape_cast %swap3A_1064 : vector<1x1x16xf32> to vector<16xf32>
        %swap3A_1066 = vector.shape_cast %max3A_1059 : vector<16xf32> to vector<1x1x16xf32>
        tpu.vector_store %arg7[%swap3A_1061, %swap3A_1062, %swap3A_1063], %swap3A_1066 {strides = array<i32>} : memref<3x96x128xf32, #tpu.memory_space<vmem>>, vector<1x1x16xf32>,
        %get3A_1067 = arith.constant 1 : i32
        %get3A_1068 = arith.index_cast %get3A_1067 : i32 to index
        %get3A_1069 = arith.index_cast %scan3A_989 : i32 to index
        %get3A_1070 = arith.constant 80 : index
        %get3A_1071 = tpu.vector_load %arg7[%get3A_1068, %get3A_1069, %get3A_1070] {strides = array<i32>} : memref<3x96x128xf32, #tpu.memory_space<vmem>>, vector<1x1x16xf32>,
        %get3A_1072 = vector.shape_cast %get3A_1071 : vector<1x1x16xf32> to vector<16xf32>
        %max3A_1073 = arith.constant 0.000000e+00 : f32
        %max3A_1074 = vector.broadcast %max3A_1073 : f32 to vector<16xf32>
        %max3A_1075 = arith.maximumf %get3A_1072, %max3A_1074 : vector<16xf32>
        %swap3A_1076 = arith.constant 1 : i32
        %swap3A_1077 = arith.index_cast %swap3A_1076 : i32 to index
        %swap3A_1078 = arith.index_cast %scan3A_989 : i32 to index
        %swap3A_1079 = arith.constant 80 : index
        %swap3A_1080 = tpu.vector_load %arg7[%swap3A_1077, %swap3A_1078, %swap3A_1079] {strides = array<i32>} : memref<3x96x128xf32, #tpu.memory_space<vmem>>, vector<1x1x16xf32>,
        %swap3A_1081 = vector.shape_cast %swap3A_1080 : vector<1x1x16xf32> to vector<16xf32>
        %swap3A_1082 = vector.shape_cast %max3A_1075 : vector<16xf32> to vector<1x1x16xf32>
        tpu.vector_store %arg7[%swap3A_1077, %swap3A_1078, %swap3A_1079], %swap3A_1082 {strides = array<i32>} : memref<3x96x128xf32, #tpu.memory_space<vmem>>, vector<1x1x16xf32>,
        %get3A_1083 = arith.constant 1 : i32
        %get3A_1084 = arith.index_cast %get3A_1083 : i32 to index
        %get3A_1085 = arith.index_cast %scan3A_989 : i32 to index
        %get3A_1086 = arith.constant 96 : index
        %get3A_1087 = tpu.vector_load %arg7[%get3A_1084, %get3A_1085, %get3A_1086] {strides = array<i32>} : memref<3x96x128xf32, #tpu.memory_space<vmem>>, vector<1x1x16xf32>,
        %get3A_1088 = vector.shape_cast %get3A_1087 : vector<1x1x16xf32> to vector<16xf32>
        %max3A_1089 = arith.constant 0.000000e+00 : f32
        %max3A_1090 = vector.broadcast %max3A_1089 : f32 to vector<16xf32>
        %max3A_1091 = arith.maximumf %get3A_1088, %max3A_1090 : vector<16xf32>
        %swap3A_1092 = arith.constant 1 : i32
        %swap3A_1093 = arith.index_cast %swap3A_1092 : i32 to index
        %swap3A_1094 = arith.index_cast %scan3A_989 : i32 to index
        %swap3A_1095 = arith.constant 96 : index
        %swap3A_1096 = tpu.vector_load %arg7[%swap3A_1093, %swap3A_1094, %swap3A_1095] {strides = array<i32>} : memref<3x96x128xf32, #tpu.memory_space<vmem>>, vector<1x1x16xf32>,
        %swap3A_1097 = vector.shape_cast %swap3A_1096 : vector<1x1x16xf32> to vector<16xf32>
        %swap3A_1098 = vector.shape_cast %max3A_1091 : vector<16xf32> to vector<1x1x16xf32>
        tpu.vector_store %arg7[%swap3A_1093, %swap3A_1094, %swap3A_1095], %swap3A_1098 {strides = array<i32>} : memref<3x96x128xf32, #tpu.memory_space<vmem>>, vector<1x1x16xf32>,
        %get3A_1099 = arith.constant 1 : i32
        %get3A_1100 = arith.index_cast %get3A_1099 : i32 to index
        %get3A_1101 = arith.index_cast %scan3A_989 : i32 to index
        %get3A_1102 = arith.constant 112 : index
        %get3A_1103 = tpu.vector_load %arg7[%get3A_1100, %get3A_1101, %get3A_1102] {strides = array<i32>} : memref<3x96x128xf32, #tpu.memory_space<vmem>>, vector<1x1x16xf32>,
        %get3A_1104 = vector.shape_cast %get3A_1103 : vector<1x1x16xf32> to vector<16xf32>
        %max3A_1105 = arith.constant 0.000000e+00 : f32
        %max3A_1106 = vector.broadcast %max3A_1105 : f32 to vector<16xf32>
        %max3A_1107 = arith.maximumf %get3A_1104, %max3A_1106 : vector<16xf32>
        %swap3A_1108 = arith.constant 1 : i32
        %swap3A_1109 = arith.index_cast %swap3A_1108 : i32 to index
        %swap3A_1110 = arith.index_cast %scan3A_989 : i32 to index
        %swap3A_1111 = arith.constant 112 : index
        %swap3A_1112 = tpu.vector_load %arg7[%swap3A_1109, %swap3A_1110, %swap3A_1111] {strides = array<i32>} : memref<3x96x128xf32, #tpu.memory_space<vmem>>, vector<1x1x16xf32>,
        %swap3A_1113 = vector.shape_cast %swap3A_1112 : vector<1x1x16xf32> to vector<16xf32>
        %swap3A_1114 = vector.shape_cast %max3A_1107 : vector<16xf32> to vector<1x1x16xf32>
        tpu.vector_store %arg7[%swap3A_1109, %swap3A_1110, %swap3A_1111], %swap3A_1114 {strides = array<i32>} : memref<3x96x128xf32, #tpu.memory_space<vmem>>, vector<1x1x16xf32>,
      }
      %scan3A_640 = arith.constant 96 : i32
      %dma_start3A_641 = arith.constant 1 : i32
      %dma_start3A_642 = arith.constant 1 : i32
      %dma_start3A_643 = arith.constant 1 : i32
      %dma_start3A_644 = arith.constant 1 : i32
      %dma_start3A_645 = arith.constant 0 : i32
      %dma_start3A_646 = arith.constant 0 : i32
      %dma_start3A_647 = tpu.memref_slice %arg7[%dma_start3A_641, %dma_start3A_645, %dma_start3A_646] : memref<3x96x128xf32, #tpu.memory_space<vmem>> -> memref<1x96x128xf32, #tpu.memory_space<vmem>>
      %dma_start3A_648 = tpu.memref_squeeze %dma_start3A_647 : memref<1x96x128xf32, #tpu.memory_space<vmem>> -> memref<96x128xf32, #tpu.memory_space<vmem>>
      %dma_start3A_649 = arith.constant 0 : i32
      %dma_start3A_650 = tpu.memref_slice %arg8[%dma_start3A_642, %dma_start3A_643, %dma_start3A_644, %dma_start3A_649] : memref<2x3x3x96xi32, #tpu.memory_space<vmem>> -> memref<1x1x1x96xi32, #tpu.memory_space<vmem>>
      %dma_start3A_651 = tpu.memref_squeeze %dma_start3A_650 : memref<1x1x1x96xi32, #tpu.memory_space<vmem>> -> memref<96xi32, #tpu.memory_space<vmem>>
      %dma_start3A_652 = arith.constant 0 : i32
      %dma_start3A_653 = arith.constant 0 : i32
      %dma_start3A_654 = tpu.memref_slice %arg6[%dma_start3A_652, %dma_start3A_653] : memref<10112x128xf32, #tpu.memory_space<vmem_shared>> -> memref<10112x128xf32, #tpu.memory_space<vmem_shared>>
      tpu.enqueue_indirect_dma source(%dma_start3A_648 : memref<96x128xf32, #tpu.memory_space<vmem>>) target(%dma_start3A_654 : memref<10112x128xf32, #tpu.memory_space<vmem_shared>>) offsets(%dma_start3A_651 : memref<96xi32, #tpu.memory_space<vmem>>) semaphore(%arg16 : memref<!tpu.dma_semaphore, #tpu.memory_space<semaphore_mem>>) {add = true}
      %dma_wait3A_655 = arith.constant 1 : i32
      %dma_wait3A_656 = arith.constant 2 : i32
      %dma_wait3A_657 = arith.constant 2 : i32
      %dma_wait3A_658 = arith.constant 2 : i32
      %dma_wait3A_659 = arith.constant 0 : i32
      %dma_wait3A_660 = arith.constant 0 : i32
      %dma_wait3A_661 = tpu.memref_slice %arg7[%dma_wait3A_658, %dma_wait3A_659, %dma_wait3A_660] : memref<3x96x128xf32, #tpu.memory_space<vmem>> -> memref<1x96x128xf32, #tpu.memory_space<vmem>>
      %dma_wait3A_662 = tpu.memref_squeeze %dma_wait3A_661 : memref<1x96x128xf32, #tpu.memory_space<vmem>> -> memref<96x128xf32, #tpu.memory_space<vmem>>
      %dma_wait3A_663 = arith.constant 0 : i32
      %dma_wait3A_664 = tpu.memref_slice %arg8[%dma_wait3A_655, %dma_wait3A_656, %dma_wait3A_657, %dma_wait3A_663] : memref<2x3x3x96xi32, #tpu.memory_space<vmem>> -> memref<1x1x1x96xi32, #tpu.memory_space<vmem>>
      %dma_wait3A_665 = tpu.memref_squeeze %dma_wait3A_664 : memref<1x1x1x96xi32, #tpu.memory_space<vmem>> -> memref<96xi32, #tpu.memory_space<vmem>>
      %dma_wait3A_666 = arith.constant 0 : i32
      %dma_wait3A_667 = arith.constant 0 : i32
      %dma_wait3A_668 = tpu.memref_slice %arg3[%dma_wait3A_666, %dma_wait3A_667] : memref<10000x128xf32, #tpu.memory_space<hbm>> -> memref<10000x128xf32, #tpu.memory_space<hbm>>
      tpu.wait_indirect_dma semaphore(%arg14 : memref<!tpu.dma_semaphore, #tpu.memory_space<semaphore_mem>>) src(%dma_wait3A_668 : memref<10000x128xf32, #tpu.memory_space<hbm>>) dst(%dma_wait3A_662 : memref<96x128xf32, #tpu.memory_space<vmem>>)
      %scan3A_669 = arith.constant 0 : i32
      %scan3A_670 = arith.constant 0 : i32
      %scan3A_671 = arith.constant 96 : i32
      %scan3A_672 = arith.addi %scan3A_670, %scan3A_671 : i32
      %scan3A_673 = arith.constant 1 : i32
      scf.for %scan3A_989 = %scan3A_670 to %scan3A_672 step %scan3A_673  : i32 {
        %get3A = arith.constant 2 : i32
        %get3A_990 = arith.index_cast %get3A : i32 to index
        %get3A_991 = arith.index_cast %scan3A_989 : i32 to index
        %get3A_992 = arith.constant 0 : index
        %get3A_993 = tpu.vector_load %arg7[%get3A_990, %get3A_991, %get3A_992] {strides = array<i32>} : memref<3x96x128xf32, #tpu.memory_space<vmem>>, vector<1x1x16xf32>,
        %get3A_994 = vector.shape_cast %get3A_993 : vector<1x1x16xf32> to vector<16xf32>
        %max3A = arith.constant 0.000000e+00 : f32
        %max3A_995 = vector.broadcast %max3A : f32 to vector<16xf32>
        %max3A_996 = arith.maximumf %get3A_994, %max3A_995 : vector<16xf32>
        %swap3A = arith.constant 2 : i32
        %swap3A_997 = arith.index_cast %swap3A : i32 to index
        %swap3A_998 = arith.index_cast %scan3A_989 : i32 to index
        %swap3A_999 = arith.constant 0 : index
        %swap3A_1000 = tpu.vector_load %arg7[%swap3A_997, %swap3A_998, %swap3A_999] {strides = array<i32>} : memref<3x96x128xf32, #tpu.memory_space<vmem>>, vector<1x1x16xf32>,
        %swap3A_1001 = vector.shape_cast %swap3A_1000 : vector<1x1x16xf32> to vector<16xf32>
        %swap3A_1002 = vector.shape_cast %max3A_996 : vector<16xf32> to vector<1x1x16xf32>
        tpu.vector_store %arg7[%swap3A_997, %swap3A_998, %swap3A_999], %swap3A_1002 {strides = array<i32>} : memref<3x96x128xf32, #tpu.memory_space<vmem>>, vector<1x1x16xf32>,
        %get3A_1003 = arith.constant 2 : i32
        %get3A_1004 = arith.index_cast %get3A_1003 : i32 to index
        %get3A_1005 = arith.index_cast %scan3A_989 : i32 to index
        %get3A_1006 = arith.constant 16 : index
        %get3A_1007 = tpu.vector_load %arg7[%get3A_1004, %get3A_1005, %get3A_1006] {strides = array<i32>} : memref<3x96x128xf32, #tpu.memory_space<vmem>>, vector<1x1x16xf32>,
        %get3A_1008 = vector.shape_cast %get3A_1007 : vector<1x1x16xf32> to vector<16xf32>
        %max3A_1009 = arith.constant 0.000000e+00 : f32
        %max3A_1010 = vector.broadcast %max3A_1009 : f32 to vector<16xf32>
        %max3A_1011 = arith.maximumf %get3A_1008, %max3A_1010 : vector<16xf32>
        %swap3A_1012 = arith.constant 2 : i32
        %swap3A_1013 = arith.index_cast %swap3A_1012 : i32 to index
        %swap3A_1014 = arith.index_cast %scan3A_989 : i32 to index
        %swap3A_1015 = arith.constant 16 : index
        %swap3A_1016 = tpu.vector_load %arg7[%swap3A_1013, %swap3A_1014, %swap3A_1015] {strides = array<i32>} : memref<3x96x128xf32, #tpu.memory_space<vmem>>, vector<1x1x16xf32>,
        %swap3A_1017 = vector.shape_cast %swap3A_1016 : vector<1x1x16xf32> to vector<16xf32>
        %swap3A_1018 = vector.shape_cast %max3A_1011 : vector<16xf32> to vector<1x1x16xf32>
        tpu.vector_store %arg7[%swap3A_1013, %swap3A_1014, %swap3A_1015], %swap3A_1018 {strides = array<i32>} : memref<3x96x128xf32, #tpu.memory_space<vmem>>, vector<1x1x16xf32>,
        %get3A_1019 = arith.constant 2 : i32
        %get3A_1020 = arith.index_cast %get3A_1019 : i32 to index
        %get3A_1021 = arith.index_cast %scan3A_989 : i32 to index
        %get3A_1022 = arith.constant 32 : index
        %get3A_1023 = tpu.vector_load %arg7[%get3A_1020, %get3A_1021, %get3A_1022] {strides = array<i32>} : memref<3x96x128xf32, #tpu.memory_space<vmem>>, vector<1x1x16xf32>,
        %get3A_1024 = vector.shape_cast %get3A_1023 : vector<1x1x16xf32> to vector<16xf32>
        %max3A_1025 = arith.constant 0.000000e+00 : f32
        %max3A_1026 = vector.broadcast %max3A_1025 : f32 to vector<16xf32>
        %max3A_1027 = arith.maximumf %get3A_1024, %max3A_1026 : vector<16xf32>
        %swap3A_1028 = arith.constant 2 : i32
        %swap3A_1029 = arith.index_cast %swap3A_1028 : i32 to index
        %swap3A_1030 = arith.index_cast %scan3A_989 : i32 to index
        %swap3A_1031 = arith.constant 32 : index
        %swap3A_1032 = tpu.vector_load %arg7[%swap3A_1029, %swap3A_1030, %swap3A_1031] {strides = array<i32>} : memref<3x96x128xf32, #tpu.memory_space<vmem>>, vector<1x1x16xf32>,
        %swap3A_1033 = vector.shape_cast %swap3A_1032 : vector<1x1x16xf32> to vector<16xf32>
        %swap3A_1034 = vector.shape_cast %max3A_1027 : vector<16xf32> to vector<1x1x16xf32>
        tpu.vector_store %arg7[%swap3A_1029, %swap3A_1030, %swap3A_1031], %swap3A_1034 {strides = array<i32>} : memref<3x96x128xf32, #tpu.memory_space<vmem>>, vector<1x1x16xf32>,
        %get3A_1035 = arith.constant 2 : i32
        %get3A_1036 = arith.index_cast %get3A_1035 : i32 to index
        %get3A_1037 = arith.index_cast %scan3A_989 : i32 to index
        %get3A_1038 = arith.constant 48 : index
        %get3A_1039 = tpu.vector_load %arg7[%get3A_1036, %get3A_1037, %get3A_1038] {strides = array<i32>} : memref<3x96x128xf32, #tpu.memory_space<vmem>>, vector<1x1x16xf32>,
        %get3A_1040 = vector.shape_cast %get3A_1039 : vector<1x1x16xf32> to vector<16xf32>
        %max3A_1041 = arith.constant 0.000000e+00 : f32
        %max3A_1042 = vector.broadcast %max3A_1041 : f32 to vector<16xf32>
        %max3A_1043 = arith.maximumf %get3A_1040, %max3A_1042 : vector<16xf32>
        %swap3A_1044 = arith.constant 2 : i32
        %swap3A_1045 = arith.index_cast %swap3A_1044 : i32 to index
        %swap3A_1046 = arith.index_cast %scan3A_989 : i32 to index
        %swap3A_1047 = arith.constant 48 : index
        %swap3A_1048 = tpu.vector_load %arg7[%swap3A_1045, %swap3A_1046, %swap3A_1047] {strides = array<i32>} : memref<3x96x128xf32, #tpu.memory_space<vmem>>, vector<1x1x16xf32>,
        %swap3A_1049 = vector.shape_cast %swap3A_1048 : vector<1x1x16xf32> to vector<16xf32>
        %swap3A_1050 = vector.shape_cast %max3A_1043 : vector<16xf32> to vector<1x1x16xf32>
        tpu.vector_store %arg7[%swap3A_1045, %swap3A_1046, %swap3A_1047], %swap3A_1050 {strides = array<i32>} : memref<3x96x128xf32, #tpu.memory_space<vmem>>, vector<1x1x16xf32>,
        %get3A_1051 = arith.constant 2 : i32
        %get3A_1052 = arith.index_cast %get3A_1051 : i32 to index
        %get3A_1053 = arith.index_cast %scan3A_989 : i32 to index
        %get3A_1054 = arith.constant 64 : index
        %get3A_1055 = tpu.vector_load %arg7[%get3A_1052, %get3A_1053, %get3A_1054] {strides = array<i32>} : memref<3x96x128xf32, #tpu.memory_space<vmem>>, vector<1x1x16xf32>,
        %get3A_1056 = vector.shape_cast %get3A_1055 : vector<1x1x16xf32> to vector<16xf32>
        %max3A_1057 = arith.constant 0.000000e+00 : f32
        %max3A_1058 = vector.broadcast %max3A_1057 : f32 to vector<16xf32>
        %max3A_1059 = arith.maximumf %get3A_1056, %max3A_1058 : vector<16xf32>
        %swap3A_1060 = arith.constant 2 : i32
        %swap3A_1061 = arith.index_cast %swap3A_1060 : i32 to index
        %swap3A_1062 = arith.index_cast %scan3A_989 : i32 to index
        %swap3A_1063 = arith.constant 64 : index
        %swap3A_1064 = tpu.vector_load %arg7[%swap3A_1061, %swap3A_1062, %swap3A_1063] {strides = array<i32>} : memref<3x96x128xf32, #tpu.memory_space<vmem>>, vector<1x1x16xf32>,
        %swap3A_1065 = vector.shape_cast %swap3A_1064 : vector<1x1x16xf32> to vector<16xf32>
        %swap3A_1066 = vector.shape_cast %max3A_1059 : vector<16xf32> to vector<1x1x16xf32>
        tpu.vector_store %arg7[%swap3A_1061, %swap3A_1062, %swap3A_1063], %swap3A_1066 {strides = array<i32>} : memref<3x96x128xf32, #tpu.memory_space<vmem>>, vector<1x1x16xf32>,
        %get3A_1067 = arith.constant 2 : i32
        %get3A_1068 = arith.index_cast %get3A_1067 : i32 to index
        %get3A_1069 = arith.index_cast %scan3A_989 : i32 to index
        %get3A_1070 = arith.constant 80 : index
        %get3A_1071 = tpu.vector_load %arg7[%get3A_1068, %get3A_1069, %get3A_1070] {strides = array<i32>} : memref<3x96x128xf32, #tpu.memory_space<vmem>>, vector<1x1x16xf32>,
        %get3A_1072 = vector.shape_cast %get3A_1071 : vector<1x1x16xf32> to vector<16xf32>
        %max3A_1073 = arith.constant 0.000000e+00 : f32
        %max3A_1074 = vector.broadcast %max3A_1073 : f32 to vector<16xf32>
        %max3A_1075 = arith.maximumf %get3A_1072, %max3A_1074 : vector<16xf32>
        %swap3A_1076 = arith.constant 2 : i32
        %swap3A_1077 = arith.index_cast %swap3A_1076 : i32 to index
        %swap3A_1078 = arith.index_cast %scan3A_989 : i32 to index
        %swap3A_1079 = arith.constant 80 : index
        %swap3A_1080 = tpu.vector_load %arg7[%swap3A_1077, %swap3A_1078, %swap3A_1079] {strides = array<i32>} : memref<3x96x128xf32, #tpu.memory_space<vmem>>, vector<1x1x16xf32>,
        %swap3A_1081 = vector.shape_cast %swap3A_1080 : vector<1x1x16xf32> to vector<16xf32>
        %swap3A_1082 = vector.shape_cast %max3A_1075 : vector<16xf32> to vector<1x1x16xf32>
        tpu.vector_store %arg7[%swap3A_1077, %swap3A_1078, %swap3A_1079], %swap3A_1082 {strides = array<i32>} : memref<3x96x128xf32, #tpu.memory_space<vmem>>, vector<1x1x16xf32>,
        %get3A_1083 = arith.constant 2 : i32
        %get3A_1084 = arith.index_cast %get3A_1083 : i32 to index
        %get3A_1085 = arith.index_cast %scan3A_989 : i32 to index
        %get3A_1086 = arith.constant 96 : index
        %get3A_1087 = tpu.vector_load %arg7[%get3A_1084, %get3A_1085, %get3A_1086] {strides = array<i32>} : memref<3x96x128xf32, #tpu.memory_space<vmem>>, vector<1x1x16xf32>,
        %get3A_1088 = vector.shape_cast %get3A_1087 : vector<1x1x16xf32> to vector<16xf32>
        %max3A_1089 = arith.constant 0.000000e+00 : f32
        %max3A_1090 = vector.broadcast %max3A_1089 : f32 to vector<16xf32>
        %max3A_1091 = arith.maximumf %get3A_1088, %max3A_1090 : vector<16xf32>
        %swap3A_1092 = arith.constant 2 : i32
        %swap3A_1093 = arith.index_cast %swap3A_1092 : i32 to index
        %swap3A_1094 = arith.index_cast %scan3A_989 : i32 to index
        %swap3A_1095 = arith.constant 96 : index
        %swap3A_1096 = tpu.vector_load %arg7[%swap3A_1093, %swap3A_1094, %swap3A_1095] {strides = array<i32>} : memref<3x96x128xf32, #tpu.memory_space<vmem>>, vector<1x1x16xf32>,
        %swap3A_1097 = vector.shape_cast %swap3A_1096 : vector<1x1x16xf32> to vector<16xf32>
        %swap3A_1098 = vector.shape_cast %max3A_1091 : vector<16xf32> to vector<1x1x16xf32>
        tpu.vector_store %arg7[%swap3A_1093, %swap3A_1094, %swap3A_1095], %swap3A_1098 {strides = array<i32>} : memref<3x96x128xf32, #tpu.memory_space<vmem>>, vector<1x1x16xf32>,
        %get3A_1099 = arith.constant 2 : i32
        %get3A_1100 = arith.index_cast %get3A_1099 : i32 to index
        %get3A_1101 = arith.index_cast %scan3A_989 : i32 to index
        %get3A_1102 = arith.constant 112 : index
        %get3A_1103 = tpu.vector_load %arg7[%get3A_1100, %get3A_1101, %get3A_1102] {strides = array<i32>} : memref<3x96x128xf32, #tpu.memory_space<vmem>>, vector<1x1x16xf32>,
        %get3A_1104 = vector.shape_cast %get3A_1103 : vector<1x1x16xf32> to vector<16xf32>
        %max3A_1105 = arith.constant 0.000000e+00 : f32
        %max3A_1106 = vector.broadcast %max3A_1105 : f32 to vector<16xf32>
        %max3A_1107 = arith.maximumf %get3A_1104, %max3A_1106 : vector<16xf32>
        %swap3A_1108 = arith.constant 2 : i32
        %swap3A_1109 = arith.index_cast %swap3A_1108 : i32 to index
        %swap3A_1110 = arith.index_cast %scan3A_989 : i32 to index
        %swap3A_1111 = arith.constant 112 : index
        %swap3A_1112 = tpu.vector_load %arg7[%swap3A_1109, %swap3A_1110, %swap3A_1111] {strides = array<i32>} : memref<3x96x128xf32, #tpu.memory_space<vmem>>, vector<1x1x16xf32>,
        %swap3A_1113 = vector.shape_cast %swap3A_1112 : vector<1x1x16xf32> to vector<16xf32>
        %swap3A_1114 = vector.shape_cast %max3A_1107 : vector<16xf32> to vector<1x1x16xf32>
        tpu.vector_store %arg7[%swap3A_1109, %swap3A_1110, %swap3A_1111], %swap3A_1114 {strides = array<i32>} : memref<3x96x128xf32, #tpu.memory_space<vmem>>, vector<1x1x16xf32>,
      }
      %scan3A_674 = arith.constant 96 : i32
      %dma_start3A_675 = arith.constant 2 : i32
      %dma_start3A_676 = arith.constant 1 : i32
      %dma_start3A_677 = arith.constant 2 : i32
      %dma_start3A_678 = arith.constant 1 : i32
      %dma_start3A_679 = arith.constant 0 : i32
      %dma_start3A_680 = arith.constant 0 : i32
      %dma_start3A_681 = tpu.memref_slice %arg7[%dma_start3A_675, %dma_start3A_679, %dma_start3A_680] : memref<3x96x128xf32, #tpu.memory_space<vmem>> -> memref<1x96x128xf32, #tpu.memory_space<vmem>>
      %dma_start3A_682 = tpu.memref_squeeze %dma_start3A_681 : memref<1x96x128xf32, #tpu.memory_space<vmem>> -> memref<96x128xf32, #tpu.memory_space<vmem>>
      %dma_start3A_683 = arith.constant 0 : i32
      %dma_start3A_684 = tpu.memref_slice %arg8[%dma_start3A_676, %dma_start3A_677, %dma_start3A_678, %dma_start3A_683] : memref<2x3x3x96xi32, #tpu.memory_space<vmem>> -> memref<1x1x1x96xi32, #tpu.memory_space<vmem>>
      %dma_start3A_685 = tpu.memref_squeeze %dma_start3A_684 : memref<1x1x1x96xi32, #tpu.memory_space<vmem>> -> memref<96xi32, #tpu.memory_space<vmem>>
      %dma_start3A_686 = arith.constant 0 : i32
      %dma_start3A_687 = arith.constant 0 : i32
      %dma_start3A_688 = tpu.memref_slice %arg6[%dma_start3A_686, %dma_start3A_687] : memref<10112x128xf32, #tpu.memory_space<vmem_shared>> -> memref<10112x128xf32, #tpu.memory_space<vmem_shared>>
      tpu.enqueue_indirect_dma source(%dma_start3A_682 : memref<96x128xf32, #tpu.memory_space<vmem>>) target(%dma_start3A_688 : memref<10112x128xf32, #tpu.memory_space<vmem_shared>>) offsets(%dma_start3A_685 : memref<96xi32, #tpu.memory_space<vmem>>) semaphore(%arg17 : memref<!tpu.dma_semaphore, #tpu.memory_space<semaphore_mem>>) {add = true}
      %dma_wait3A_689 = arith.constant 0 : i32
      %dma_wait3A_690 = arith.constant 0 : i32
      %dma_wait3A_691 = arith.constant 0 : i32
      %dma_wait3A_692 = arith.constant 0 : i32
      %dma_wait3A_693 = tpu.memref_slice %arg8[%dma_wait3A_689, %dma_wait3A_690, %dma_wait3A_691, %dma_wait3A_692] : memref<2x3x3x96xi32, #tpu.memory_space<vmem>> -> memref<1x3x3x96xi32, #tpu.memory_space<vmem>>
      %dma_wait3A_694 = tpu.memref_squeeze %dma_wait3A_693 : memref<1x3x3x96xi32, #tpu.memory_space<vmem>> -> memref<3x3x96xi32, #tpu.memory_space<vmem>>
      %dma_wait3A_695 = arith.constant 0 : i32
      %dma_wait3A_696 = arith.constant 0 : i32
      %dma_wait3A_697 = arith.constant 0 : i32
      %dma_wait3A_698 = tpu.memref_slice %arg4[%dma_wait3A_695, %dma_wait3A_696, %dma_wait3A_697] : memref<3360x3x96xi32, #tpu.memory_space<hbm>> -> memref<3x3x96xi32, #tpu.memory_space<hbm>>
      %dma_wait3A_699 = arith.constant 0 : i32
      %dma_wait3A_700 = arith.constant 0 : i32
      %dma_wait3A_701 = arith.constant 0 : i32
      %dma_wait3A_702 = tpu.memref_slice %arg8[%dma_wait3A_689, %dma_wait3A_699, %dma_wait3A_700, %dma_wait3A_701] : memref<2x3x3x96xi32, #tpu.memory_space<vmem>> -> memref<1x3x3x96xi32, #tpu.memory_space<vmem>>
      %dma_wait3A_703 = tpu.memref_squeeze %dma_wait3A_702 : memref<1x3x3x96xi32, #tpu.memory_space<vmem>> -> memref<3x3x96xi32, #tpu.memory_space<vmem>>
      %dma_wait3A_704 = arith.constant 0 : i32
      %dma_wait3A_705 = arith.constant 0 : i32
      %dma_wait3A_706 = arith.constant 0 : i32
      %dma_wait3A_707 = tpu.memref_slice %arg4[%dma_wait3A_704, %dma_wait3A_705, %dma_wait3A_706] : memref<3360x3x96xi32, #tpu.memory_space<hbm>> -> memref<3x3x96xi32, #tpu.memory_space<hbm>>
      tpu.wait_dma2 semaphore(%arg18 : memref<!tpu.dma_semaphore, #tpu.memory_space<semaphore_mem>>) src(%dma_wait3A_707 : memref<3x3x96xi32, #tpu.memory_space<hbm>>) dst(%dma_wait3A_703 : memref<3x3x96xi32, #tpu.memory_space<vmem>>)
      %add3A_708 = arith.constant 1 : i32
      %add3A_709 = arith.addi %add3A_390, %add3A_708 : i32
      %add3A_710 = arith.constant 1 : i32
      %add3A_711 = arith.addi %add3A_709, %add3A_710 : i32
      %lt3A_712 = arith.cmpi slt, %add3A_711, %select_n3A : i32
      %convert_element_type3A_713 = arith.extui %lt3A_712 : i1 to i32
      %cond3A_714 = arith.constant 0 : i32
      %cond3A_715 = arith.cmpi ne, %convert_element_type3A_713, %cond3A_714 : i32
      scf.if %cond3A_715 {
        %add3A_989 = arith.constant 1 : i32
        %add3A_990 = arith.addi %add3A_709, %add3A_989 : i32
        %mul3A_991 = arith.constant 3 : i32
        %mul3A_992 = arith.muli %add3A_990, %mul3A_991 : i32
        %add3A_993 = arith.addi %select_n3A_8, %mul3A_992 : i32
        %dma_start3A_994 = arith.constant 1 : i32
        %dma_start3A_995 = arith.constant 0 : i32
        %dma_start3A_996 = arith.constant 0 : i32
        %dma_start3A_997 = arith.constant 0 : i32
        %dma_start3A_998 = tpu.memref_slice %arg8[%dma_start3A_994, %dma_start3A_995, %dma_start3A_996, %dma_start3A_997] : memref<2x3x3x96xi32, #tpu.memory_space<vmem>> -> memref<1x3x3x96xi32, #tpu.memory_space<vmem>>
        %dma_start3A_999 = tpu.memref_squeeze %dma_start3A_998 : memref<1x3x3x96xi32, #tpu.memory_space<vmem>> -> memref<3x3x96xi32, #tpu.memory_space<vmem>>
        %dma_start3A_1000 = arith.constant 0 : i32
        %dma_start3A_1001 = arith.constant 0 : i32
        %dma_start3A_1002 = tpu.memref_slice %arg4[%add3A_993, %dma_start3A_1000, %dma_start3A_1001] : memref<3360x3x96xi32, #tpu.memory_space<hbm>> -> memref<3x3x96xi32, #tpu.memory_space<hbm>>
        %dma_start3A_1003 = arith.constant 0 : i32
        %dma_start3A_1004 = arith.constant 0 : i32
        %dma_start3A_1005 = arith.constant 0 : i32
        %dma_start3A_1006 = tpu.memref_slice %arg8[%dma_start3A_994, %dma_start3A_1003, %dma_start3A_1004, %dma_start3A_1005] : memref<2x3x3x96xi32, #tpu.memory_space<vmem>> -> memref<1x3x3x96xi32, #tpu.memory_space<vmem>>
        %dma_start3A_1007 = tpu.memref_squeeze %dma_start3A_1006 : memref<1x3x3x96xi32, #tpu.memory_space<vmem>> -> memref<3x3x96xi32, #tpu.memory_space<vmem>>
        %dma_start3A_1008 = arith.constant 0 : i32
        %dma_start3A_1009 = arith.constant 0 : i32
        %dma_start3A_1010 = tpu.memref_slice %arg4[%add3A_993, %dma_start3A_1008, %dma_start3A_1009] : memref<3360x3x96xi32, #tpu.memory_space<hbm>> -> memref<3x3x96xi32, #tpu.memory_space<hbm>>
        tpu.enqueue_dma source(%dma_start3A_1010 : memref<3x3x96xi32, #tpu.memory_space<hbm>>) target(%dma_start3A_1007 : memref<3x3x96xi32, #tpu.memory_space<vmem>>) target_semaphore(%arg19 : memref<!tpu.dma_semaphore, #tpu.memory_space<semaphore_mem>>)
      } else {
      }
      %dma_wait3A_716 = arith.constant 0 : i32
      %dma_wait3A_717 = arith.constant 0 : i32
      %dma_wait3A_718 = arith.constant 0 : i32
      %dma_wait3A_719 = tpu.memref_slice %arg7[%dma_wait3A_716, %dma_wait3A_717, %dma_wait3A_718] : memref<3x96x128xf32, #tpu.memory_space<vmem>> -> memref<1x96x128xf32, #tpu.memory_space<vmem>>
      %dma_wait3A_720 = tpu.memref_squeeze %dma_wait3A_719 : memref<1x96x128xf32, #tpu.memory_space<vmem>> -> memref<96x128xf32, #tpu.memory_space<vmem>>
      %dma_wait3A_721 = arith.constant 0 : i32
      %dma_wait3A_722 = arith.constant 0 : i32
      %dma_wait3A_723 = tpu.memref_slice %arg6[%dma_wait3A_721, %dma_wait3A_722] : memref<10112x128xf32, #tpu.memory_space<vmem_shared>> -> memref<96x128xf32, #tpu.memory_space<vmem_shared>>
      %dma_wait3A_724 = arith.constant 0 : i32
      %dma_wait3A_725 = arith.constant 0 : i32
      %dma_wait3A_726 = tpu.memref_slice %arg6[%dma_wait3A_724, %dma_wait3A_725] : memref<10112x128xf32, #tpu.memory_space<vmem_shared>> -> memref<96x128xf32, #tpu.memory_space<vmem_shared>>
      %dma_wait3A_727 = arith.constant 0 : i32
      %dma_wait3A_728 = arith.constant 0 : i32
      %dma_wait3A_729 = tpu.memref_slice %arg7[%dma_wait3A_716, %dma_wait3A_727, %dma_wait3A_728] : memref<3x96x128xf32, #tpu.memory_space<vmem>> -> memref<1x96x128xf32, #tpu.memory_space<vmem>>
      %dma_wait3A_730 = tpu.memref_squeeze %dma_wait3A_729 : memref<1x96x128xf32, #tpu.memory_space<vmem>> -> memref<96x128xf32, #tpu.memory_space<vmem>>
      tpu.wait_dma2 semaphore(%arg15 : memref<!tpu.dma_semaphore, #tpu.memory_space<semaphore_mem>>) src(%dma_wait3A_730 : memref<96x128xf32, #tpu.memory_space<vmem>>) dst(%dma_wait3A_726 : memref<96x128xf32, #tpu.memory_space<vmem_shared>>)
      %dma_start3A_731 = arith.constant 0 : i32
      %dma_start3A_732 = arith.constant 0 : i32
      %dma_start3A_733 = arith.constant 0 : i32
      %dma_start3A_734 = arith.constant 0 : i32
      %dma_start3A_735 = arith.constant 0 : i32
      %dma_start3A_736 = arith.constant 0 : i32
      %dma_start3A_737 = tpu.memref_slice %arg7[%dma_start3A_734, %dma_start3A_735, %dma_start3A_736] : memref<3x96x128xf32, #tpu.memory_space<vmem>> -> memref<1x96x128xf32, #tpu.memory_space<vmem>>
      %dma_start3A_738 = tpu.memref_squeeze %dma_start3A_737 : memref<1x96x128xf32, #tpu.memory_space<vmem>> -> memref<96x128xf32, #tpu.memory_space<vmem>>
      %dma_start3A_739 = arith.constant 0 : i32
      %dma_start3A_740 = tpu.memref_slice %arg8[%dma_start3A_731, %dma_start3A_732, %dma_start3A_733, %dma_start3A_739] : memref<2x3x3x96xi32, #tpu.memory_space<vmem>> -> memref<1x1x1x96xi32, #tpu.memory_space<vmem>>
      %dma_start3A_741 = tpu.memref_squeeze %dma_start3A_740 : memref<1x1x1x96xi32, #tpu.memory_space<vmem>> -> memref<96xi32, #tpu.memory_space<vmem>>
      %dma_start3A_742 = arith.constant 0 : i32
      %dma_start3A_743 = arith.constant 0 : i32
      %dma_start3A_744 = tpu.memref_slice %arg2[%dma_start3A_742, %dma_start3A_743] : memref<10000x128xf32, #tpu.memory_space<hbm>> -> memref<10000x128xf32, #tpu.memory_space<hbm>>
      tpu.enqueue_indirect_dma source(%dma_start3A_744 : memref<10000x128xf32, #tpu.memory_space<hbm>>) target(%dma_start3A_738 : memref<96x128xf32, #tpu.memory_space<vmem>>) offsets(%dma_start3A_741 : memref<96xi32, #tpu.memory_space<vmem>>) semaphore(%arg9 : memref<!tpu.dma_semaphore, #tpu.memory_space<semaphore_mem>>)
      %dma_wait3A_745 = arith.constant 1 : i32
      %dma_wait3A_746 = arith.constant 0 : i32
      %dma_wait3A_747 = arith.constant 0 : i32
      %dma_wait3A_748 = tpu.memref_slice %arg7[%dma_wait3A_745, %dma_wait3A_746, %dma_wait3A_747] : memref<3x96x128xf32, #tpu.memory_space<vmem>> -> memref<1x96x128xf32, #tpu.memory_space<vmem>>
      %dma_wait3A_749 = tpu.memref_squeeze %dma_wait3A_748 : memref<1x96x128xf32, #tpu.memory_space<vmem>> -> memref<96x128xf32, #tpu.memory_space<vmem>>
      %dma_wait3A_750 = arith.constant 0 : i32
      %dma_wait3A_751 = arith.constant 0 : i32
      %dma_wait3A_752 = tpu.memref_slice %arg6[%dma_wait3A_750, %dma_wait3A_751] : memref<10112x128xf32, #tpu.memory_space<vmem_shared>> -> memref<96x128xf32, #tpu.memory_space<vmem_shared>>
      %dma_wait3A_753 = arith.constant 0 : i32
      %dma_wait3A_754 = arith.constant 0 : i32
      %dma_wait3A_755 = tpu.memref_slice %arg6[%dma_wait3A_753, %dma_wait3A_754] : memref<10112x128xf32, #tpu.memory_space<vmem_shared>> -> memref<96x128xf32, #tpu.memory_space<vmem_shared>>
      %dma_wait3A_756 = arith.constant 0 : i32
      %dma_wait3A_757 = arith.constant 0 : i32
      %dma_wait3A_758 = tpu.memref_slice %arg7[%dma_wait3A_745, %dma_wait3A_756, %dma_wait3A_757] : memref<3x96x128xf32, #tpu.memory_space<vmem>> -> memref<1x96x128xf32, #tpu.memory_space<vmem>>
      %dma_wait3A_759 = tpu.memref_squeeze %dma_wait3A_758 : memref<1x96x128xf32, #tpu.memory_space<vmem>> -> memref<96x128xf32, #tpu.memory_space<vmem>>
      tpu.wait_dma2 semaphore(%arg16 : memref<!tpu.dma_semaphore, #tpu.memory_space<semaphore_mem>>) src(%dma_wait3A_759 : memref<96x128xf32, #tpu.memory_space<vmem>>) dst(%dma_wait3A_755 : memref<96x128xf32, #tpu.memory_space<vmem_shared>>)
      %dma_start3A_760 = arith.constant 0 : i32
      %dma_start3A_761 = arith.constant 1 : i32
      %dma_start3A_762 = arith.constant 0 : i32
      %dma_start3A_763 = arith.constant 1 : i32
      %dma_start3A_764 = arith.constant 0 : i32
      %dma_start3A_765 = arith.constant 0 : i32
      %dma_start3A_766 = tpu.memref_slice %arg7[%dma_start3A_763, %dma_start3A_764, %dma_start3A_765] : memref<3x96x128xf32, #tpu.memory_space<vmem>> -> memref<1x96x128xf32, #tpu.memory_space<vmem>>
      %dma_start3A_767 = tpu.memref_squeeze %dma_start3A_766 : memref<1x96x128xf32, #tpu.memory_space<vmem>> -> memref<96x128xf32, #tpu.memory_space<vmem>>
      %dma_start3A_768 = arith.constant 0 : i32
      %dma_start3A_769 = tpu.memref_slice %arg8[%dma_start3A_760, %dma_start3A_761, %dma_start3A_762, %dma_start3A_768] : memref<2x3x3x96xi32, #tpu.memory_space<vmem>> -> memref<1x1x1x96xi32, #tpu.memory_space<vmem>>
      %dma_start3A_770 = tpu.memref_squeeze %dma_start3A_769 : memref<1x1x1x96xi32, #tpu.memory_space<vmem>> -> memref<96xi32, #tpu.memory_space<vmem>>
      %dma_start3A_771 = arith.constant 0 : i32
      %dma_start3A_772 = arith.constant 0 : i32
      %dma_start3A_773 = tpu.memref_slice %arg2[%dma_start3A_771, %dma_start3A_772] : memref<10000x128xf32, #tpu.memory_space<hbm>> -> memref<10000x128xf32, #tpu.memory_space<hbm>>
      tpu.enqueue_indirect_dma source(%dma_start3A_773 : memref<10000x128xf32, #tpu.memory_space<hbm>>) target(%dma_start3A_767 : memref<96x128xf32, #tpu.memory_space<vmem>>) offsets(%dma_start3A_770 : memref<96xi32, #tpu.memory_space<vmem>>) semaphore(%arg10 : memref<!tpu.dma_semaphore, #tpu.memory_space<semaphore_mem>>)
      %dma_wait3A_774 = arith.constant 2 : i32
      %dma_wait3A_775 = arith.constant 0 : i32
      %dma_wait3A_776 = arith.constant 0 : i32
      %dma_wait3A_777 = tpu.memref_slice %arg7[%dma_wait3A_774, %dma_wait3A_775, %dma_wait3A_776] : memref<3x96x128xf32, #tpu.memory_space<vmem>> -> memref<1x96x128xf32, #tpu.memory_space<vmem>>
      %dma_wait3A_778 = tpu.memref_squeeze %dma_wait3A_777 : memref<1x96x128xf32, #tpu.memory_space<vmem>> -> memref<96x128xf32, #tpu.memory_space<vmem>>
      %dma_wait3A_779 = arith.constant 0 : i32
      %dma_wait3A_780 = arith.constant 0 : i32
      %dma_wait3A_781 = tpu.memref_slice %arg6[%dma_wait3A_779, %dma_wait3A_780] : memref<10112x128xf32, #tpu.memory_space<vmem_shared>> -> memref<96x128xf32, #tpu.memory_space<vmem_shared>>
      %dma_wait3A_782 = arith.constant 0 : i32
      %dma_wait3A_783 = arith.constant 0 : i32
      %dma_wait3A_784 = tpu.memref_slice %arg6[%dma_wait3A_782, %dma_wait3A_783] : memref<10112x128xf32, #tpu.memory_space<vmem_shared>> -> memref<96x128xf32, #tpu.memory_space<vmem_shared>>
      %dma_wait3A_785 = arith.constant 0 : i32
      %dma_wait3A_786 = arith.constant 0 : i32
      %dma_wait3A_787 = tpu.memref_slice %arg7[%dma_wait3A_774, %dma_wait3A_785, %dma_wait3A_786] : memref<3x96x128xf32, #tpu.memory_space<vmem>> -> memref<1x96x128xf32, #tpu.memory_space<vmem>>
      %dma_wait3A_788 = tpu.memref_squeeze %dma_wait3A_787 : memref<1x96x128xf32, #tpu.memory_space<vmem>> -> memref<96x128xf32, #tpu.memory_space<vmem>>
      tpu.wait_dma2 semaphore(%arg17 : memref<!tpu.dma_semaphore, #tpu.memory_space<semaphore_mem>>) src(%dma_wait3A_788 : memref<96x128xf32, #tpu.memory_space<vmem>>) dst(%dma_wait3A_784 : memref<96x128xf32, #tpu.memory_space<vmem_shared>>)
      %dma_start3A_789 = arith.constant 0 : i32
      %dma_start3A_790 = arith.constant 2 : i32
      %dma_start3A_791 = arith.constant 0 : i32
      %dma_start3A_792 = arith.constant 2 : i32
      %dma_start3A_793 = arith.constant 0 : i32
      %dma_start3A_794 = arith.constant 0 : i32
      %dma_start3A_795 = tpu.memref_slice %arg7[%dma_start3A_792, %dma_start3A_793, %dma_start3A_794] : memref<3x96x128xf32, #tpu.memory_space<vmem>> -> memref<1x96x128xf32, #tpu.memory_space<vmem>>
      %dma_start3A_796 = tpu.memref_squeeze %dma_start3A_795 : memref<1x96x128xf32, #tpu.memory_space<vmem>> -> memref<96x128xf32, #tpu.memory_space<vmem>>
      %dma_start3A_797 = arith.constant 0 : i32
      %dma_start3A_798 = tpu.memref_slice %arg8[%dma_start3A_789, %dma_start3A_790, %dma_start3A_791, %dma_start3A_797] : memref<2x3x3x96xi32, #tpu.memory_space<vmem>> -> memref<1x1x1x96xi32, #tpu.memory_space<vmem>>
      %dma_start3A_799 = tpu.memref_squeeze %dma_start3A_798 : memref<1x1x1x96xi32, #tpu.memory_space<vmem>> -> memref<96xi32, #tpu.memory_space<vmem>>
      %dma_start3A_800 = arith.constant 0 : i32
      %dma_start3A_801 = arith.constant 0 : i32
      %dma_start3A_802 = tpu.memref_slice %arg2[%dma_start3A_800, %dma_start3A_801] : memref<10000x128xf32, #tpu.memory_space<hbm>> -> memref<10000x128xf32, #tpu.memory_space<hbm>>
      tpu.enqueue_indirect_dma source(%dma_start3A_802 : memref<10000x128xf32, #tpu.memory_space<hbm>>) target(%dma_start3A_796 : memref<96x128xf32, #tpu.memory_space<vmem>>) offsets(%dma_start3A_799 : memref<96xi32, #tpu.memory_space<vmem>>) semaphore(%arg11 : memref<!tpu.dma_semaphore, #tpu.memory_space<semaphore_mem>>)
      %dma_wait3A_803 = arith.constant 0 : i32
      %dma_wait3A_804 = arith.constant 0 : i32
      %dma_wait3A_805 = arith.constant 0 : i32
      %dma_wait3A_806 = arith.constant 0 : i32
      %dma_wait3A_807 = arith.constant 0 : i32
      %dma_wait3A_808 = arith.constant 0 : i32
      %dma_wait3A_809 = tpu.memref_slice %arg7[%dma_wait3A_806, %dma_wait3A_807, %dma_wait3A_808] : memref<3x96x128xf32, #tpu.memory_space<vmem>> -> memref<1x96x128xf32, #tpu.memory_space<vmem>>
      %dma_wait3A_810 = tpu.memref_squeeze %dma_wait3A_809 : memref<1x96x128xf32, #tpu.memory_space<vmem>> -> memref<96x128xf32, #tpu.memory_space<vmem>>
      %dma_wait3A_811 = arith.constant 0 : i32
      %dma_wait3A_812 = tpu.memref_slice %arg8[%dma_wait3A_803, %dma_wait3A_804, %dma_wait3A_805, %dma_wait3A_811] : memref<2x3x3x96xi32, #tpu.memory_space<vmem>> -> memref<1x1x1x96xi32, #tpu.memory_space<vmem>>
      %dma_wait3A_813 = tpu.memref_squeeze %dma_wait3A_812 : memref<1x1x1x96xi32, #tpu.memory_space<vmem>> -> memref<96xi32, #tpu.memory_space<vmem>>
      %dma_wait3A_814 = arith.constant 0 : i32
      %dma_wait3A_815 = arith.constant 0 : i32
      %dma_wait3A_816 = tpu.memref_slice %arg2[%dma_wait3A_814, %dma_wait3A_815] : memref<10000x128xf32, #tpu.memory_space<hbm>> -> memref<10000x128xf32, #tpu.memory_space<hbm>>
      tpu.wait_indirect_dma semaphore(%arg9 : memref<!tpu.dma_semaphore, #tpu.memory_space<semaphore_mem>>) src(%dma_wait3A_816 : memref<10000x128xf32, #tpu.memory_space<hbm>>) dst(%dma_wait3A_810 : memref<96x128xf32, #tpu.memory_space<vmem>>)
      %dma_start3A_817 = arith.constant 0 : i32
      %dma_start3A_818 = arith.constant 0 : i32
      %dma_start3A_819 = arith.constant 2 : i32
      %dma_start3A_820 = arith.constant 0 : i32
      %dma_start3A_821 = arith.constant 0 : i32
      %dma_start3A_822 = arith.constant 0 : i32
      %dma_start3A_823 = tpu.memref_slice %arg7[%dma_start3A_820, %dma_start3A_821, %dma_start3A_822] : memref<3x96x128xf32, #tpu.memory_space<vmem>> -> memref<1x96x128xf32, #tpu.memory_space<vmem>>
      %dma_start3A_824 = tpu.memref_squeeze %dma_start3A_823 : memref<1x96x128xf32, #tpu.memory_space<vmem>> -> memref<96x128xf32, #tpu.memory_space<vmem>>
      %dma_start3A_825 = arith.constant 0 : i32
      %dma_start3A_826 = tpu.memref_slice %arg8[%dma_start3A_817, %dma_start3A_818, %dma_start3A_819, %dma_start3A_825] : memref<2x3x3x96xi32, #tpu.memory_space<vmem>> -> memref<1x1x1x96xi32, #tpu.memory_space<vmem>>
      %dma_start3A_827 = tpu.memref_squeeze %dma_start3A_826 : memref<1x1x1x96xi32, #tpu.memory_space<vmem>> -> memref<96xi32, #tpu.memory_space<vmem>>
      %dma_start3A_828 = arith.constant 0 : i32
      %dma_start3A_829 = arith.constant 0 : i32
      %dma_start3A_830 = tpu.memref_slice %arg3[%dma_start3A_828, %dma_start3A_829] : memref<10000x128xf32, #tpu.memory_space<hbm>> -> memref<10000x128xf32, #tpu.memory_space<hbm>>
      tpu.enqueue_indirect_dma source(%dma_start3A_830 : memref<10000x128xf32, #tpu.memory_space<hbm>>) target(%dma_start3A_824 : memref<96x128xf32, #tpu.memory_space<vmem>>) offsets(%dma_start3A_827 : memref<96xi32, #tpu.memory_space<vmem>>) semaphore(%arg12 : memref<!tpu.dma_semaphore, #tpu.memory_space<semaphore_mem>>) {add = true}
      %dma_wait3A_831 = arith.constant 0 : i32
      %dma_wait3A_832 = arith.constant 1 : i32
      %dma_wait3A_833 = arith.constant 0 : i32
      %dma_wait3A_834 = arith.constant 1 : i32
      %dma_wait3A_835 = arith.constant 0 : i32
      %dma_wait3A_836 = arith.constant 0 : i32
      %dma_wait3A_837 = tpu.memref_slice %arg7[%dma_wait3A_834, %dma_wait3A_835, %dma_wait3A_836] : memref<3x96x128xf32, #tpu.memory_space<vmem>> -> memref<1x96x128xf32, #tpu.memory_space<vmem>>
      %dma_wait3A_838 = tpu.memref_squeeze %dma_wait3A_837 : memref<1x96x128xf32, #tpu.memory_space<vmem>> -> memref<96x128xf32, #tpu.memory_space<vmem>>
      %dma_wait3A_839 = arith.constant 0 : i32
      %dma_wait3A_840 = tpu.memref_slice %arg8[%dma_wait3A_831, %dma_wait3A_832, %dma_wait3A_833, %dma_wait3A_839] : memref<2x3x3x96xi32, #tpu.memory_space<vmem>> -> memref<1x1x1x96xi32, #tpu.memory_space<vmem>>
      %dma_wait3A_841 = tpu.memref_squeeze %dma_wait3A_840 : memref<1x1x1x96xi32, #tpu.memory_space<vmem>> -> memref<96xi32, #tpu.memory_space<vmem>>
      %dma_wait3A_842 = arith.constant 0 : i32
      %dma_wait3A_843 = arith.constant 0 : i32
      %dma_wait3A_844 = tpu.memref_slice %arg2[%dma_wait3A_842, %dma_wait3A_843] : memref<10000x128xf32, #tpu.memory_space<hbm>> -> memref<10000x128xf32, #tpu.memory_space<hbm>>
      tpu.wait_indirect_dma semaphore(%arg10 : memref<!tpu.dma_semaphore, #tpu.memory_space<semaphore_mem>>) src(%dma_wait3A_844 : memref<10000x128xf32, #tpu.memory_space<hbm>>) dst(%dma_wait3A_838 : memref<96x128xf32, #tpu.memory_space<vmem>>)
      %dma_start3A_845 = arith.constant 0 : i32
      %dma_start3A_846 = arith.constant 1 : i32
      %dma_start3A_847 = arith.constant 2 : i32
      %dma_start3A_848 = arith.constant 1 : i32
      %dma_start3A_849 = arith.constant 0 : i32
      %dma_start3A_850 = arith.constant 0 : i32
      %dma_start3A_851 = tpu.memref_slice %arg7[%dma_start3A_848, %dma_start3A_849, %dma_start3A_850] : memref<3x96x128xf32, #tpu.memory_space<vmem>> -> memref<1x96x128xf32, #tpu.memory_space<vmem>>
      %dma_start3A_852 = tpu.memref_squeeze %dma_start3A_851 : memref<1x96x128xf32, #tpu.memory_space<vmem>> -> memref<96x128xf32, #tpu.memory_space<vmem>>
      %dma_start3A_853 = arith.constant 0 : i32
      %dma_start3A_854 = tpu.memref_slice %arg8[%dma_start3A_845, %dma_start3A_846, %dma_start3A_847, %dma_start3A_853] : memref<2x3x3x96xi32, #tpu.memory_space<vmem>> -> memref<1x1x1x96xi32, #tpu.memory_space<vmem>>
      %dma_start3A_855 = tpu.memref_squeeze %dma_start3A_854 : memref<1x1x1x96xi32, #tpu.memory_space<vmem>> -> memref<96xi32, #tpu.memory_space<vmem>>
      %dma_start3A_856 = arith.constant 0 : i32
      %dma_start3A_857 = arith.constant 0 : i32
      %dma_start3A_858 = tpu.memref_slice %arg3[%dma_start3A_856, %dma_start3A_857] : memref<10000x128xf32, #tpu.memory_space<hbm>> -> memref<10000x128xf32, #tpu.memory_space<hbm>>
      tpu.enqueue_indirect_dma source(%dma_start3A_858 : memref<10000x128xf32, #tpu.memory_space<hbm>>) target(%dma_start3A_852 : memref<96x128xf32, #tpu.memory_space<vmem>>) offsets(%dma_start3A_855 : memref<96xi32, #tpu.memory_space<vmem>>) semaphore(%arg13 : memref<!tpu.dma_semaphore, #tpu.memory_space<semaphore_mem>>) {add = true}
      %dma_wait3A_859 = arith.constant 0 : i32
      %dma_wait3A_860 = arith.constant 2 : i32
      %dma_wait3A_861 = arith.constant 0 : i32
      %dma_wait3A_862 = arith.constant 2 : i32
      %dma_wait3A_863 = arith.constant 0 : i32
      %dma_wait3A_864 = arith.constant 0 : i32
      %dma_wait3A_865 = tpu.memref_slice %arg7[%dma_wait3A_862, %dma_wait3A_863, %dma_wait3A_864] : memref<3x96x128xf32, #tpu.memory_space<vmem>> -> memref<1x96x128xf32, #tpu.memory_space<vmem>>
      %dma_wait3A_866 = tpu.memref_squeeze %dma_wait3A_865 : memref<1x96x128xf32, #tpu.memory_space<vmem>> -> memref<96x128xf32, #tpu.memory_space<vmem>>
      %dma_wait3A_867 = arith.constant 0 : i32
      %dma_wait3A_868 = tpu.memref_slice %arg8[%dma_wait3A_859, %dma_wait3A_860, %dma_wait3A_861, %dma_wait3A_867] : memref<2x3x3x96xi32, #tpu.memory_space<vmem>> -> memref<1x1x1x96xi32, #tpu.memory_space<vmem>>
      %dma_wait3A_869 = tpu.memref_squeeze %dma_wait3A_868 : memref<1x1x1x96xi32, #tpu.memory_space<vmem>> -> memref<96xi32, #tpu.memory_space<vmem>>
      %dma_wait3A_870 = arith.constant 0 : i32
      %dma_wait3A_871 = arith.constant 0 : i32
      %dma_wait3A_872 = tpu.memref_slice %arg2[%dma_wait3A_870, %dma_wait3A_871] : memref<10000x128xf32, #tpu.memory_space<hbm>> -> memref<10000x128xf32, #tpu.memory_space<hbm>>
      tpu.wait_indirect_dma semaphore(%arg11 : memref<!tpu.dma_semaphore, #tpu.memory_space<semaphore_mem>>) src(%dma_wait3A_872 : memref<10000x128xf32, #tpu.memory_space<hbm>>) dst(%dma_wait3A_866 : memref<96x128xf32, #tpu.memory_space<vmem>>)
      %dma_start3A_873 = arith.constant 0 : i32
      %dma_start3A_874 = arith.constant 2 : i32
      %dma_start3A_875 = arith.constant 2 : i32
      %dma_start3A_876 = arith.constant 2 : i32
      %dma_start3A_877 = arith.constant 0 : i32
      %dma_start3A_878 = arith.constant 0 : i32
      %dma_start3A_879 = tpu.memref_slice %arg7[%dma_start3A_876, %dma_start3A_877, %dma_start3A_878] : memref<3x96x128xf32, #tpu.memory_space<vmem>> -> memref<1x96x128xf32, #tpu.memory_space<vmem>>
      %dma_start3A_880 = tpu.memref_squeeze %dma_start3A_879 : memref<1x96x128xf32, #tpu.memory_space<vmem>> -> memref<96x128xf32, #tpu.memory_space<vmem>>
      %dma_start3A_881 = arith.constant 0 : i32
      %dma_start3A_882 = tpu.memref_slice %arg8[%dma_start3A_873, %dma_start3A_874, %dma_start3A_875, %dma_start3A_881] : memref<2x3x3x96xi32, #tpu.memory_space<vmem>> -> memref<1x1x1x96xi32, #tpu.memory_space<vmem>>
      %dma_start3A_883 = tpu.memref_squeeze %dma_start3A_882 : memref<1x1x1x96xi32, #tpu.memory_space<vmem>> -> memref<96xi32, #tpu.memory_space<vmem>>
      %dma_start3A_884 = arith.constant 0 : i32
      %dma_start3A_885 = arith.constant 0 : i32
      %dma_start3A_886 = tpu.memref_slice %arg3[%dma_start3A_884, %dma_start3A_885] : memref<10000x128xf32, #tpu.memory_space<hbm>> -> memref<10000x128xf32, #tpu.memory_space<hbm>>
      tpu.enqueue_indirect_dma source(%dma_start3A_886 : memref<10000x128xf32, #tpu.memory_space<hbm>>) target(%dma_start3A_880 : memref<96x128xf32, #tpu.memory_space<vmem>>) offsets(%dma_start3A_883 : memref<96xi32, #tpu.memory_space<vmem>>) semaphore(%arg14 : memref<!tpu.dma_semaphore, #tpu.memory_space<semaphore_mem>>) {add = true}
      %dma_wait3A_887 = arith.constant 0 : i32
      %dma_wait3A_888 = arith.constant 0 : i32
      %dma_wait3A_889 = arith.constant 2 : i32
      %dma_wait3A_890 = arith.constant 0 : i32
      %dma_wait3A_891 = arith.constant 0 : i32
      %dma_wait3A_892 = arith.constant 0 : i32
      %dma_wait3A_893 = tpu.memref_slice %arg7[%dma_wait3A_890, %dma_wait3A_891, %dma_wait3A_892] : memref<3x96x128xf32, #tpu.memory_space<vmem>> -> memref<1x96x128xf32, #tpu.memory_space<vmem>>
      %dma_wait3A_894 = tpu.memref_squeeze %dma_wait3A_893 : memref<1x96x128xf32, #tpu.memory_space<vmem>> -> memref<96x128xf32, #tpu.memory_space<vmem>>
      %dma_wait3A_895 = arith.constant 0 : i32
      %dma_wait3A_896 = tpu.memref_slice %arg8[%dma_wait3A_887, %dma_wait3A_888, %dma_wait3A_889, %dma_wait3A_895] : memref<2x3x3x96xi32, #tpu.memory_space<vmem>> -> memref<1x1x1x96xi32, #tpu.memory_space<vmem>>
      %dma_wait3A_897 = tpu.memref_squeeze %dma_wait3A_896 : memref<1x1x1x96xi32, #tpu.memory_space<vmem>> -> memref<96xi32, #tpu.memory_space<vmem>>
      %dma_wait3A_898 = arith.constant 0 : i32
      %dma_wait3A_899 = arith.constant 0 : i32
      %dma_wait3A_900 = tpu.memref_slice %arg3[%dma_wait3A_898, %dma_wait3A_899] : memref<10000x128xf32, #tpu.memory_space<hbm>> -> memref<10000x128xf32, #tpu.memory_space<hbm>>
      tpu.wait_indirect_dma semaphore(%arg12 : memref<!tpu.dma_semaphore, #tpu.memory_space<semaphore_mem>>) src(%dma_wait3A_900 : memref<10000x128xf32, #tpu.memory_space<hbm>>) dst(%dma_wait3A_894 : memref<96x128xf32, #tpu.memory_space<vmem>>)
      %scan3A_901 = arith.constant 0 : i32
      %scan3A_902 = arith.constant 0 : i32
      %scan3A_903 = arith.constant 96 : i32
      %scan3A_904 = arith.addi %scan3A_902, %scan3A_903 : i32
      %scan3A_905 = arith.constant 1 : i32
      scf.for %scan3A_989 = %scan3A_902 to %scan3A_904 step %scan3A_905  : i32 {
        %get3A = arith.constant 0 : i32
        %get3A_990 = arith.index_cast %get3A : i32 to index
        %get3A_991 = arith.index_cast %scan3A_989 : i32 to index
        %get3A_992 = arith.constant 0 : index
        %get3A_993 = tpu.vector_load %arg7[%get3A_990, %get3A_991, %get3A_992] {strides = array<i32>} : memref<3x96x128xf32, #tpu.memory_space<vmem>>, vector<1x1x16xf32>,
        %get3A_994 = vector.shape_cast %get3A_993 : vector<1x1x16xf32> to vector<16xf32>
        %max3A = arith.constant 0.000000e+00 : f32
        %max3A_995 = vector.broadcast %max3A : f32 to vector<16xf32>
        %max3A_996 = arith.maximumf %get3A_994, %max3A_995 : vector<16xf32>
        %swap3A = arith.constant 0 : i32
        %swap3A_997 = arith.index_cast %swap3A : i32 to index
        %swap3A_998 = arith.index_cast %scan3A_989 : i32 to index
        %swap3A_999 = arith.constant 0 : index
        %swap3A_1000 = tpu.vector_load %arg7[%swap3A_997, %swap3A_998, %swap3A_999] {strides = array<i32>} : memref<3x96x128xf32, #tpu.memory_space<vmem>>, vector<1x1x16xf32>,
        %swap3A_1001 = vector.shape_cast %swap3A_1000 : vector<1x1x16xf32> to vector<16xf32>
        %swap3A_1002 = vector.shape_cast %max3A_996 : vector<16xf32> to vector<1x1x16xf32>
        tpu.vector_store %arg7[%swap3A_997, %swap3A_998, %swap3A_999], %swap3A_1002 {strides = array<i32>} : memref<3x96x128xf32, #tpu.memory_space<vmem>>, vector<1x1x16xf32>,
        %get3A_1003 = arith.constant 0 : i32
        %get3A_1004 = arith.index_cast %get3A_1003 : i32 to index
        %get3A_1005 = arith.index_cast %scan3A_989 : i32 to index
        %get3A_1006 = arith.constant 16 : index
        %get3A_1007 = tpu.vector_load %arg7[%get3A_1004, %get3A_1005, %get3A_1006] {strides = array<i32>} : memref<3x96x128xf32, #tpu.memory_space<vmem>>, vector<1x1x16xf32>,
        %get3A_1008 = vector.shape_cast %get3A_1007 : vector<1x1x16xf32> to vector<16xf32>
        %max3A_1009 = arith.constant 0.000000e+00 : f32
        %max3A_1010 = vector.broadcast %max3A_1009 : f32 to vector<16xf32>
        %max3A_1011 = arith.maximumf %get3A_1008, %max3A_1010 : vector<16xf32>
        %swap3A_1012 = arith.constant 0 : i32
        %swap3A_1013 = arith.index_cast %swap3A_1012 : i32 to index
        %swap3A_1014 = arith.index_cast %scan3A_989 : i32 to index
        %swap3A_1015 = arith.constant 16 : index
        %swap3A_1016 = tpu.vector_load %arg7[%swap3A_1013, %swap3A_1014, %swap3A_1015] {strides = array<i32>} : memref<3x96x128xf32, #tpu.memory_space<vmem>>, vector<1x1x16xf32>,
        %swap3A_1017 = vector.shape_cast %swap3A_1016 : vector<1x1x16xf32> to vector<16xf32>
        %swap3A_1018 = vector.shape_cast %max3A_1011 : vector<16xf32> to vector<1x1x16xf32>
        tpu.vector_store %arg7[%swap3A_1013, %swap3A_1014, %swap3A_1015], %swap3A_1018 {strides = array<i32>} : memref<3x96x128xf32, #tpu.memory_space<vmem>>, vector<1x1x16xf32>,
        %get3A_1019 = arith.constant 0 : i32
        %get3A_1020 = arith.index_cast %get3A_1019 : i32 to index
        %get3A_1021 = arith.index_cast %scan3A_989 : i32 to index
        %get3A_1022 = arith.constant 32 : index
        %get3A_1023 = tpu.vector_load %arg7[%get3A_1020, %get3A_1021, %get3A_1022] {strides = array<i32>} : memref<3x96x128xf32, #tpu.memory_space<vmem>>, vector<1x1x16xf32>,
        %get3A_1024 = vector.shape_cast %get3A_1023 : vector<1x1x16xf32> to vector<16xf32>
        %max3A_1025 = arith.constant 0.000000e+00 : f32
        %max3A_1026 = vector.broadcast %max3A_1025 : f32 to vector<16xf32>
        %max3A_1027 = arith.maximumf %get3A_1024, %max3A_1026 : vector<16xf32>
        %swap3A_1028 = arith.constant 0 : i32
        %swap3A_1029 = arith.index_cast %swap3A_1028 : i32 to index
        %swap3A_1030 = arith.index_cast %scan3A_989 : i32 to index
        %swap3A_1031 = arith.constant 32 : index
        %swap3A_1032 = tpu.vector_load %arg7[%swap3A_1029, %swap3A_1030, %swap3A_1031] {strides = array<i32>} : memref<3x96x128xf32, #tpu.memory_space<vmem>>, vector<1x1x16xf32>,
        %swap3A_1033 = vector.shape_cast %swap3A_1032 : vector<1x1x16xf32> to vector<16xf32>
        %swap3A_1034 = vector.shape_cast %max3A_1027 : vector<16xf32> to vector<1x1x16xf32>
        tpu.vector_store %arg7[%swap3A_1029, %swap3A_1030, %swap3A_1031], %swap3A_1034 {strides = array<i32>} : memref<3x96x128xf32, #tpu.memory_space<vmem>>, vector<1x1x16xf32>,
        %get3A_1035 = arith.constant 0 : i32
        %get3A_1036 = arith.index_cast %get3A_1035 : i32 to index
        %get3A_1037 = arith.index_cast %scan3A_989 : i32 to index
        %get3A_1038 = arith.constant 48 : index
        %get3A_1039 = tpu.vector_load %arg7[%get3A_1036, %get3A_1037, %get3A_1038] {strides = array<i32>} : memref<3x96x128xf32, #tpu.memory_space<vmem>>, vector<1x1x16xf32>,
        %get3A_1040 = vector.shape_cast %get3A_1039 : vector<1x1x16xf32> to vector<16xf32>
        %max3A_1041 = arith.constant 0.000000e+00 : f32
        %max3A_1042 = vector.broadcast %max3A_1041 : f32 to vector<16xf32>
        %max3A_1043 = arith.maximumf %get3A_1040, %max3A_1042 : vector<16xf32>
        %swap3A_1044 = arith.constant 0 : i32
        %swap3A_1045 = arith.index_cast %swap3A_1044 : i32 to index
        %swap3A_1046 = arith.index_cast %scan3A_989 : i32 to index
        %swap3A_1047 = arith.constant 48 : index
        %swap3A_1048 = tpu.vector_load %arg7[%swap3A_1045, %swap3A_1046, %swap3A_1047] {strides = array<i32>} : memref<3x96x128xf32, #tpu.memory_space<vmem>>, vector<1x1x16xf32>,
        %swap3A_1049 = vector.shape_cast %swap3A_1048 : vector<1x1x16xf32> to vector<16xf32>
        %swap3A_1050 = vector.shape_cast %max3A_1043 : vector<16xf32> to vector<1x1x16xf32>
        tpu.vector_store %arg7[%swap3A_1045, %swap3A_1046, %swap3A_1047], %swap3A_1050 {strides = array<i32>} : memref<3x96x128xf32, #tpu.memory_space<vmem>>, vector<1x1x16xf32>,
        %get3A_1051 = arith.constant 0 : i32
        %get3A_1052 = arith.index_cast %get3A_1051 : i32 to index
        %get3A_1053 = arith.index_cast %scan3A_989 : i32 to index
        %get3A_1054 = arith.constant 64 : index
        %get3A_1055 = tpu.vector_load %arg7[%get3A_1052, %get3A_1053, %get3A_1054] {strides = array<i32>} : memref<3x96x128xf32, #tpu.memory_space<vmem>>, vector<1x1x16xf32>,
        %get3A_1056 = vector.shape_cast %get3A_1055 : vector<1x1x16xf32> to vector<16xf32>
        %max3A_1057 = arith.constant 0.000000e+00 : f32
        %max3A_1058 = vector.broadcast %max3A_1057 : f32 to vector<16xf32>
        %max3A_1059 = arith.maximumf %get3A_1056, %max3A_1058 : vector<16xf32>
        %swap3A_1060 = arith.constant 0 : i32
        %swap3A_1061 = arith.index_cast %swap3A_1060 : i32 to index
        %swap3A_1062 = arith.index_cast %scan3A_989 : i32 to index
        %swap3A_1063 = arith.constant 64 : index
        %swap3A_1064 = tpu.vector_load %arg7[%swap3A_1061, %swap3A_1062, %swap3A_1063] {strides = array<i32>} : memref<3x96x128xf32, #tpu.memory_space<vmem>>, vector<1x1x16xf32>,
        %swap3A_1065 = vector.shape_cast %swap3A_1064 : vector<1x1x16xf32> to vector<16xf32>
        %swap3A_1066 = vector.shape_cast %max3A_1059 : vector<16xf32> to vector<1x1x16xf32>
        tpu.vector_store %arg7[%swap3A_1061, %swap3A_1062, %swap3A_1063], %swap3A_1066 {strides = array<i32>} : memref<3x96x128xf32, #tpu.memory_space<vmem>>, vector<1x1x16xf32>,
        %get3A_1067 = arith.constant 0 : i32
        %get3A_1068 = arith.index_cast %get3A_1067 : i32 to index
        %get3A_1069 = arith.index_cast %scan3A_989 : i32 to index
        %get3A_1070 = arith.constant 80 : index
        %get3A_1071 = tpu.vector_load %arg7[%get3A_1068, %get3A_1069, %get3A_1070] {strides = array<i32>} : memref<3x96x128xf32, #tpu.memory_space<vmem>>, vector<1x1x16xf32>,
        %get3A_1072 = vector.shape_cast %get3A_1071 : vector<1x1x16xf32> to vector<16xf32>
        %max3A_1073 = arith.constant 0.000000e+00 : f32
        %max3A_1074 = vector.broadcast %max3A_1073 : f32 to vector<16xf32>
        %max3A_1075 = arith.maximumf %get3A_1072, %max3A_1074 : vector<16xf32>
        %swap3A_1076 = arith.constant 0 : i32
        %swap3A_1077 = arith.index_cast %swap3A_1076 : i32 to index
        %swap3A_1078 = arith.index_cast %scan3A_989 : i32 to index
        %swap3A_1079 = arith.constant 80 : index
        %swap3A_1080 = tpu.vector_load %arg7[%swap3A_1077, %swap3A_1078, %swap3A_1079] {strides = array<i32>} : memref<3x96x128xf32, #tpu.memory_space<vmem>>, vector<1x1x16xf32>,
        %swap3A_1081 = vector.shape_cast %swap3A_1080 : vector<1x1x16xf32> to vector<16xf32>
        %swap3A_1082 = vector.shape_cast %max3A_1075 : vector<16xf32> to vector<1x1x16xf32>
        tpu.vector_store %arg7[%swap3A_1077, %swap3A_1078, %swap3A_1079], %swap3A_1082 {strides = array<i32>} : memref<3x96x128xf32, #tpu.memory_space<vmem>>, vector<1x1x16xf32>,
        %get3A_1083 = arith.constant 0 : i32
        %get3A_1084 = arith.index_cast %get3A_1083 : i32 to index
        %get3A_1085 = arith.index_cast %scan3A_989 : i32 to index
        %get3A_1086 = arith.constant 96 : index
        %get3A_1087 = tpu.vector_load %arg7[%get3A_1084, %get3A_1085, %get3A_1086] {strides = array<i32>} : memref<3x96x128xf32, #tpu.memory_space<vmem>>, vector<1x1x16xf32>,
        %get3A_1088 = vector.shape_cast %get3A_1087 : vector<1x1x16xf32> to vector<16xf32>
        %max3A_1089 = arith.constant 0.000000e+00 : f32
        %max3A_1090 = vector.broadcast %max3A_1089 : f32 to vector<16xf32>
        %max3A_1091 = arith.maximumf %get3A_1088, %max3A_1090 : vector<16xf32>
        %swap3A_1092 = arith.constant 0 : i32
        %swap3A_1093 = arith.index_cast %swap3A_1092 : i32 to index
        %swap3A_1094 = arith.index_cast %scan3A_989 : i32 to index
        %swap3A_1095 = arith.constant 96 : index
        %swap3A_1096 = tpu.vector_load %arg7[%swap3A_1093, %swap3A_1094, %swap3A_1095] {strides = array<i32>} : memref<3x96x128xf32, #tpu.memory_space<vmem>>, vector<1x1x16xf32>,
        %swap3A_1097 = vector.shape_cast %swap3A_1096 : vector<1x1x16xf32> to vector<16xf32>
        %swap3A_1098 = vector.shape_cast %max3A_1091 : vector<16xf32> to vector<1x1x16xf32>
        tpu.vector_store %arg7[%swap3A_1093, %swap3A_1094, %swap3A_1095], %swap3A_1098 {strides = array<i32>} : memref<3x96x128xf32, #tpu.memory_space<vmem>>, vector<1x1x16xf32>,
        %get3A_1099 = arith.constant 0 : i32
        %get3A_1100 = arith.index_cast %get3A_1099 : i32 to index
        %get3A_1101 = arith.index_cast %scan3A_989 : i32 to index
        %get3A_1102 = arith.constant 112 : index
        %get3A_1103 = tpu.vector_load %arg7[%get3A_1100, %get3A_1101, %get3A_1102] {strides = array<i32>} : memref<3x96x128xf32, #tpu.memory_space<vmem>>, vector<1x1x16xf32>,
        %get3A_1104 = vector.shape_cast %get3A_1103 : vector<1x1x16xf32> to vector<16xf32>
        %max3A_1105 = arith.constant 0.000000e+00 : f32
        %max3A_1106 = vector.broadcast %max3A_1105 : f32 to vector<16xf32>
        %max3A_1107 = arith.maximumf %get3A_1104, %max3A_1106 : vector<16xf32>
        %swap3A_1108 = arith.constant 0 : i32
        %swap3A_1109 = arith.index_cast %swap3A_1108 : i32 to index
        %swap3A_1110 = arith.index_cast %scan3A_989 : i32 to index
        %swap3A_1111 = arith.constant 112 : index
        %swap3A_1112 = tpu.vector_load %arg7[%swap3A_1109, %swap3A_1110, %swap3A_1111] {strides = array<i32>} : memref<3x96x128xf32, #tpu.memory_space<vmem>>, vector<1x1x16xf32>,
        %swap3A_1113 = vector.shape_cast %swap3A_1112 : vector<1x1x16xf32> to vector<16xf32>
        %swap3A_1114 = vector.shape_cast %max3A_1107 : vector<16xf32> to vector<1x1x16xf32>
        tpu.vector_store %arg7[%swap3A_1109, %swap3A_1110, %swap3A_1111], %swap3A_1114 {strides = array<i32>} : memref<3x96x128xf32, #tpu.memory_space<vmem>>, vector<1x1x16xf32>,
      }
      %scan3A_906 = arith.constant 96 : i32
      %dma_start3A_907 = arith.constant 0 : i32
      %dma_start3A_908 = arith.constant 0 : i32
      %dma_start3A_909 = arith.constant 0 : i32
      %dma_start3A_910 = arith.constant 1 : i32
      %dma_start3A_911 = arith.constant 0 : i32
      %dma_start3A_912 = arith.constant 0 : i32
      %dma_start3A_913 = tpu.memref_slice %arg7[%dma_start3A_907, %dma_start3A_911, %dma_start3A_912] : memref<3x96x128xf32, #tpu.memory_space<vmem>> -> memref<1x96x128xf32, #tpu.memory_space<vmem>>
      %dma_start3A_914 = tpu.memref_squeeze %dma_start3A_913 : memref<1x96x128xf32, #tpu.memory_space<vmem>> -> memref<96x128xf32, #tpu.memory_space<vmem>>
      %dma_start3A_915 = arith.constant 0 : i32
      %dma_start3A_916 = tpu.memref_slice %arg8[%dma_start3A_908, %dma_start3A_909, %dma_start3A_910, %dma_start3A_915] : memref<2x3x3x96xi32, #tpu.memory_space<vmem>> -> memref<1x1x1x96xi32, #tpu.memory_space<vmem>>
      %dma_start3A_917 = tpu.memref_squeeze %dma_start3A_916 : memref<1x1x1x96xi32, #tpu.memory_space<vmem>> -> memref<96xi32, #tpu.memory_space<vmem>>
      %dma_start3A_918 = arith.constant 0 : i32
      %dma_start3A_919 = arith.constant 0 : i32
      %dma_start3A_920 = tpu.memref_slice %arg6[%dma_start3A_918, %dma_start3A_919] : memref<10112x128xf32, #tpu.memory_space<vmem_shared>> -> memref<10112x128xf32, #tpu.memory_space<vmem_shared>>
      tpu.enqueue_indirect_dma source(%dma_start3A_914 : memref<96x128xf32, #tpu.memory_space<vmem>>) target(%dma_start3A_920 : memref<10112x128xf32, #tpu.memory_space<vmem_shared>>) offsets(%dma_start3A_917 : memref<96xi32, #tpu.memory_space<vmem>>) semaphore(%arg15 : memref<!tpu.dma_semaphore, #tpu.memory_space<semaphore_mem>>) {add = true}
      %dma_wait3A_921 = arith.constant 0 : i32
      %dma_wait3A_922 = arith.constant 1 : i32
      %dma_wait3A_923 = arith.constant 2 : i32
      %dma_wait3A_924 = arith.constant 1 : i32
      %dma_wait3A_925 = arith.constant 0 : i32
      %dma_wait3A_926 = arith.constant 0 : i32
      %dma_wait3A_927 = tpu.memref_slice %arg7[%dma_wait3A_924, %dma_wait3A_925, %dma_wait3A_926] : memref<3x96x128xf32, #tpu.memory_space<vmem>> -> memref<1x96x128xf32, #tpu.memory_space<vmem>>
      %dma_wait3A_928 = tpu.memref_squeeze %dma_wait3A_927 : memref<1x96x128xf32, #tpu.memory_space<vmem>> -> memref<96x128xf32, #tpu.memory_space<vmem>>
      %dma_wait3A_929 = arith.constant 0 : i32
      %dma_wait3A_930 = tpu.memref_slice %arg8[%dma_wait3A_921, %dma_wait3A_922, %dma_wait3A_923, %dma_wait3A_929] : memref<2x3x3x96xi32, #tpu.memory_space<vmem>> -> memref<1x1x1x96xi32, #tpu.memory_space<vmem>>
      %dma_wait3A_931 = tpu.memref_squeeze %dma_wait3A_930 : memref<1x1x1x96xi32, #tpu.memory_space<vmem>> -> memref<96xi32, #tpu.memory_space<vmem>>
      %dma_wait3A_932 = arith.constant 0 : i32
      %dma_wait3A_933 = arith.constant 0 : i32
      %dma_wait3A_934 = tpu.memref_slice %arg3[%dma_wait3A_932, %dma_wait3A_933] : memref<10000x128xf32, #tpu.memory_space<hbm>> -> memref<10000x128xf32, #tpu.memory_space<hbm>>
      tpu.wait_indirect_dma semaphore(%arg13 : memref<!tpu.dma_semaphore, #tpu.memory_space<semaphore_mem>>) src(%dma_wait3A_934 : memref<10000x128xf32, #tpu.memory_space<hbm>>) dst(%dma_wait3A_928 : memref<96x128xf32, #tpu.memory_space<vmem>>)
      %scan3A_935 = arith.constant 0 : i32
      %scan3A_936 = arith.constant 0 : i32
      %scan3A_937 = arith.constant 96 : i32
      %scan3A_938 = arith.addi %scan3A_936, %scan3A_937 : i32
      %scan3A_939 = arith.constant 1 : i32
      scf.for %scan3A_989 = %scan3A_936 to %scan3A_938 step %scan3A_939  : i32 {
        %get3A = arith.constant 1 : i32
        %get3A_990 = arith.index_cast %get3A : i32 to index
        %get3A_991 = arith.index_cast %scan3A_989 : i32 to index
        %get3A_992 = arith.constant 0 : index
        %get3A_993 = tpu.vector_load %arg7[%get3A_990, %get3A_991, %get3A_992] {strides = array<i32>} : memref<3x96x128xf32, #tpu.memory_space<vmem>>, vector<1x1x16xf32>,
        %get3A_994 = vector.shape_cast %get3A_993 : vector<1x1x16xf32> to vector<16xf32>
        %max3A = arith.constant 0.000000e+00 : f32
        %max3A_995 = vector.broadcast %max3A : f32 to vector<16xf32>
        %max3A_996 = arith.maximumf %get3A_994, %max3A_995 : vector<16xf32>
        %swap3A = arith.constant 1 : i32
        %swap3A_997 = arith.index_cast %swap3A : i32 to index
        %swap3A_998 = arith.index_cast %scan3A_989 : i32 to index
        %swap3A_999 = arith.constant 0 : index
        %swap3A_1000 = tpu.vector_load %arg7[%swap3A_997, %swap3A_998, %swap3A_999] {strides = array<i32>} : memref<3x96x128xf32, #tpu.memory_space<vmem>>, vector<1x1x16xf32>,
        %swap3A_1001 = vector.shape_cast %swap3A_1000 : vector<1x1x16xf32> to vector<16xf32>
        %swap3A_1002 = vector.shape_cast %max3A_996 : vector<16xf32> to vector<1x1x16xf32>
        tpu.vector_store %arg7[%swap3A_997, %swap3A_998, %swap3A_999], %swap3A_1002 {strides = array<i32>} : memref<3x96x128xf32, #tpu.memory_space<vmem>>, vector<1x1x16xf32>,
        %get3A_1003 = arith.constant 1 : i32
        %get3A_1004 = arith.index_cast %get3A_1003 : i32 to index
        %get3A_1005 = arith.index_cast %scan3A_989 : i32 to index
        %get3A_1006 = arith.constant 16 : index
        %get3A_1007 = tpu.vector_load %arg7[%get3A_1004, %get3A_1005, %get3A_1006] {strides = array<i32>} : memref<3x96x128xf32, #tpu.memory_space<vmem>>, vector<1x1x16xf32>,
        %get3A_1008 = vector.shape_cast %get3A_1007 : vector<1x1x16xf32> to vector<16xf32>
        %max3A_1009 = arith.constant 0.000000e+00 : f32
        %max3A_1010 = vector.broadcast %max3A_1009 : f32 to vector<16xf32>
        %max3A_1011 = arith.maximumf %get3A_1008, %max3A_1010 : vector<16xf32>
        %swap3A_1012 = arith.constant 1 : i32
        %swap3A_1013 = arith.index_cast %swap3A_1012 : i32 to index
        %swap3A_1014 = arith.index_cast %scan3A_989 : i32 to index
        %swap3A_1015 = arith.constant 16 : index
        %swap3A_1016 = tpu.vector_load %arg7[%swap3A_1013, %swap3A_1014, %swap3A_1015] {strides = array<i32>} : memref<3x96x128xf32, #tpu.memory_space<vmem>>, vector<1x1x16xf32>,
        %swap3A_1017 = vector.shape_cast %swap3A_1016 : vector<1x1x16xf32> to vector<16xf32>
        %swap3A_1018 = vector.shape_cast %max3A_1011 : vector<16xf32> to vector<1x1x16xf32>
        tpu.vector_store %arg7[%swap3A_1013, %swap3A_1014, %swap3A_1015], %swap3A_1018 {strides = array<i32>} : memref<3x96x128xf32, #tpu.memory_space<vmem>>, vector<1x1x16xf32>,
        %get3A_1019 = arith.constant 1 : i32
        %get3A_1020 = arith.index_cast %get3A_1019 : i32 to index
        %get3A_1021 = arith.index_cast %scan3A_989 : i32 to index
        %get3A_1022 = arith.constant 32 : index
        %get3A_1023 = tpu.vector_load %arg7[%get3A_1020, %get3A_1021, %get3A_1022] {strides = array<i32>} : memref<3x96x128xf32, #tpu.memory_space<vmem>>, vector<1x1x16xf32>,
        %get3A_1024 = vector.shape_cast %get3A_1023 : vector<1x1x16xf32> to vector<16xf32>
        %max3A_1025 = arith.constant 0.000000e+00 : f32
        %max3A_1026 = vector.broadcast %max3A_1025 : f32 to vector<16xf32>
        %max3A_1027 = arith.maximumf %get3A_1024, %max3A_1026 : vector<16xf32>
        %swap3A_1028 = arith.constant 1 : i32
        %swap3A_1029 = arith.index_cast %swap3A_1028 : i32 to index
        %swap3A_1030 = arith.index_cast %scan3A_989 : i32 to index
        %swap3A_1031 = arith.constant 32 : index
        %swap3A_1032 = tpu.vector_load %arg7[%swap3A_1029, %swap3A_1030, %swap3A_1031] {strides = array<i32>} : memref<3x96x128xf32, #tpu.memory_space<vmem>>, vector<1x1x16xf32>,
        %swap3A_1033 = vector.shape_cast %swap3A_1032 : vector<1x1x16xf32> to vector<16xf32>
        %swap3A_1034 = vector.shape_cast %max3A_1027 : vector<16xf32> to vector<1x1x16xf32>
        tpu.vector_store %arg7[%swap3A_1029, %swap3A_1030, %swap3A_1031], %swap3A_1034 {strides = array<i32>} : memref<3x96x128xf32, #tpu.memory_space<vmem>>, vector<1x1x16xf32>,
        %get3A_1035 = arith.constant 1 : i32
        %get3A_1036 = arith.index_cast %get3A_1035 : i32 to index
        %get3A_1037 = arith.index_cast %scan3A_989 : i32 to index
        %get3A_1038 = arith.constant 48 : index
        %get3A_1039 = tpu.vector_load %arg7[%get3A_1036, %get3A_1037, %get3A_1038] {strides = array<i32>} : memref<3x96x128xf32, #tpu.memory_space<vmem>>, vector<1x1x16xf32>,
        %get3A_1040 = vector.shape_cast %get3A_1039 : vector<1x1x16xf32> to vector<16xf32>
        %max3A_1041 = arith.constant 0.000000e+00 : f32
        %max3A_1042 = vector.broadcast %max3A_1041 : f32 to vector<16xf32>
        %max3A_1043 = arith.maximumf %get3A_1040, %max3A_1042 : vector<16xf32>
        %swap3A_1044 = arith.constant 1 : i32
        %swap3A_1045 = arith.index_cast %swap3A_1044 : i32 to index
        %swap3A_1046 = arith.index_cast %scan3A_989 : i32 to index
        %swap3A_1047 = arith.constant 48 : index
        %swap3A_1048 = tpu.vector_load %arg7[%swap3A_1045, %swap3A_1046, %swap3A_1047] {strides = array<i32>} : memref<3x96x128xf32, #tpu.memory_space<vmem>>, vector<1x1x16xf32>,
        %swap3A_1049 = vector.shape_cast %swap3A_1048 : vector<1x1x16xf32> to vector<16xf32>
        %swap3A_1050 = vector.shape_cast %max3A_1043 : vector<16xf32> to vector<1x1x16xf32>
        tpu.vector_store %arg7[%swap3A_1045, %swap3A_1046, %swap3A_1047], %swap3A_1050 {strides = array<i32>} : memref<3x96x128xf32, #tpu.memory_space<vmem>>, vector<1x1x16xf32>,
        %get3A_1051 = arith.constant 1 : i32
        %get3A_1052 = arith.index_cast %get3A_1051 : i32 to index
        %get3A_1053 = arith.index_cast %scan3A_989 : i32 to index
        %get3A_1054 = arith.constant 64 : index
        %get3A_1055 = tpu.vector_load %arg7[%get3A_1052, %get3A_1053, %get3A_1054] {strides = array<i32>} : memref<3x96x128xf32, #tpu.memory_space<vmem>>, vector<1x1x16xf32>,
        %get3A_1056 = vector.shape_cast %get3A_1055 : vector<1x1x16xf32> to vector<16xf32>
        %max3A_1057 = arith.constant 0.000000e+00 : f32
        %max3A_1058 = vector.broadcast %max3A_1057 : f32 to vector<16xf32>
        %max3A_1059 = arith.maximumf %get3A_1056, %max3A_1058 : vector<16xf32>
        %swap3A_1060 = arith.constant 1 : i32
        %swap3A_1061 = arith.index_cast %swap3A_1060 : i32 to index
        %swap3A_1062 = arith.index_cast %scan3A_989 : i32 to index
        %swap3A_1063 = arith.constant 64 : index
        %swap3A_1064 = tpu.vector_load %arg7[%swap3A_1061, %swap3A_1062, %swap3A_1063] {strides = array<i32>} : memref<3x96x128xf32, #tpu.memory_space<vmem>>, vector<1x1x16xf32>,
        %swap3A_1065 = vector.shape_cast %swap3A_1064 : vector<1x1x16xf32> to vector<16xf32>
        %swap3A_1066 = vector.shape_cast %max3A_1059 : vector<16xf32> to vector<1x1x16xf32>
        tpu.vector_store %arg7[%swap3A_1061, %swap3A_1062, %swap3A_1063], %swap3A_1066 {strides = array<i32>} : memref<3x96x128xf32, #tpu.memory_space<vmem>>, vector<1x1x16xf32>,
        %get3A_1067 = arith.constant 1 : i32
        %get3A_1068 = arith.index_cast %get3A_1067 : i32 to index
        %get3A_1069 = arith.index_cast %scan3A_989 : i32 to index
        %get3A_1070 = arith.constant 80 : index
        %get3A_1071 = tpu.vector_load %arg7[%get3A_1068, %get3A_1069, %get3A_1070] {strides = array<i32>} : memref<3x96x128xf32, #tpu.memory_space<vmem>>, vector<1x1x16xf32>,
        %get3A_1072 = vector.shape_cast %get3A_1071 : vector<1x1x16xf32> to vector<16xf32>
        %max3A_1073 = arith.constant 0.000000e+00 : f32
        %max3A_1074 = vector.broadcast %max3A_1073 : f32 to vector<16xf32>
        %max3A_1075 = arith.maximumf %get3A_1072, %max3A_1074 : vector<16xf32>
        %swap3A_1076 = arith.constant 1 : i32
        %swap3A_1077 = arith.index_cast %swap3A_1076 : i32 to index
        %swap3A_1078 = arith.index_cast %scan3A_989 : i32 to index
        %swap3A_1079 = arith.constant 80 : index
        %swap3A_1080 = tpu.vector_load %arg7[%swap3A_1077, %swap3A_1078, %swap3A_1079] {strides = array<i32>} : memref<3x96x128xf32, #tpu.memory_space<vmem>>, vector<1x1x16xf32>,
        %swap3A_1081 = vector.shape_cast %swap3A_1080 : vector<1x1x16xf32> to vector<16xf32>
        %swap3A_1082 = vector.shape_cast %max3A_1075 : vector<16xf32> to vector<1x1x16xf32>
        tpu.vector_store %arg7[%swap3A_1077, %swap3A_1078, %swap3A_1079], %swap3A_1082 {strides = array<i32>} : memref<3x96x128xf32, #tpu.memory_space<vmem>>, vector<1x1x16xf32>,
        %get3A_1083 = arith.constant 1 : i32
        %get3A_1084 = arith.index_cast %get3A_1083 : i32 to index
        %get3A_1085 = arith.index_cast %scan3A_989 : i32 to index
        %get3A_1086 = arith.constant 96 : index
        %get3A_1087 = tpu.vector_load %arg7[%get3A_1084, %get3A_1085, %get3A_1086] {strides = array<i32>} : memref<3x96x128xf32, #tpu.memory_space<vmem>>, vector<1x1x16xf32>,
        %get3A_1088 = vector.shape_cast %get3A_1087 : vector<1x1x16xf32> to vector<16xf32>
        %max3A_1089 = arith.constant 0.000000e+00 : f32
        %max3A_1090 = vector.broadcast %max3A_1089 : f32 to vector<16xf32>
        %max3A_1091 = arith.maximumf %get3A_1088, %max3A_1090 : vector<16xf32>
        %swap3A_1092 = arith.constant 1 : i32
        %swap3A_1093 = arith.index_cast %swap3A_1092 : i32 to index
        %swap3A_1094 = arith.index_cast %scan3A_989 : i32 to index
        %swap3A_1095 = arith.constant 96 : index
        %swap3A_1096 = tpu.vector_load %arg7[%swap3A_1093, %swap3A_1094, %swap3A_1095] {strides = array<i32>} : memref<3x96x128xf32, #tpu.memory_space<vmem>>, vector<1x1x16xf32>,
        %swap3A_1097 = vector.shape_cast %swap3A_1096 : vector<1x1x16xf32> to vector<16xf32>
        %swap3A_1098 = vector.shape_cast %max3A_1091 : vector<16xf32> to vector<1x1x16xf32>
        tpu.vector_store %arg7[%swap3A_1093, %swap3A_1094, %swap3A_1095], %swap3A_1098 {strides = array<i32>} : memref<3x96x128xf32, #tpu.memory_space<vmem>>, vector<1x1x16xf32>,
        %get3A_1099 = arith.constant 1 : i32
        %get3A_1100 = arith.index_cast %get3A_1099 : i32 to index
        %get3A_1101 = arith.index_cast %scan3A_989 : i32 to index
        %get3A_1102 = arith.constant 112 : index
        %get3A_1103 = tpu.vector_load %arg7[%get3A_1100, %get3A_1101, %get3A_1102] {strides = array<i32>} : memref<3x96x128xf32, #tpu.memory_space<vmem>>, vector<1x1x16xf32>,
        %get3A_1104 = vector.shape_cast %get3A_1103 : vector<1x1x16xf32> to vector<16xf32>
        %max3A_1105 = arith.constant 0.000000e+00 : f32
        %max3A_1106 = vector.broadcast %max3A_1105 : f32 to vector<16xf32>
        %max3A_1107 = arith.maximumf %get3A_1104, %max3A_1106 : vector<16xf32>
        %swap3A_1108 = arith.constant 1 : i32
        %swap3A_1109 = arith.index_cast %swap3A_1108 : i32 to index
        %swap3A_1110 = arith.index_cast %scan3A_989 : i32 to index
        %swap3A_1111 = arith.constant 112 : index
        %swap3A_1112 = tpu.vector_load %arg7[%swap3A_1109, %swap3A_1110, %swap3A_1111] {strides = array<i32>} : memref<3x96x128xf32, #tpu.memory_space<vmem>>, vector<1x1x16xf32>,
        %swap3A_1113 = vector.shape_cast %swap3A_1112 : vector<1x1x16xf32> to vector<16xf32>
        %swap3A_1114 = vector.shape_cast %max3A_1107 : vector<16xf32> to vector<1x1x16xf32>
        tpu.vector_store %arg7[%swap3A_1109, %swap3A_1110, %swap3A_1111], %swap3A_1114 {strides = array<i32>} : memref<3x96x128xf32, #tpu.memory_space<vmem>>, vector<1x1x16xf32>,
      }
      %scan3A_940 = arith.constant 96 : i32
      %dma_start3A_941 = arith.constant 1 : i32
      %dma_start3A_942 = arith.constant 0 : i32
      %dma_start3A_943 = arith.constant 1 : i32
      %dma_start3A_944 = arith.constant 1 : i32
      %dma_start3A_945 = arith.constant 0 : i32
      %dma_start3A_946 = arith.constant 0 : i32
      %dma_start3A_947 = tpu.memref_slice %arg7[%dma_start3A_941, %dma_start3A_945, %dma_start3A_946] : memref<3x96x128xf32, #tpu.memory_space<vmem>> -> memref<1x96x128xf32, #tpu.memory_space<vmem>>
      %dma_start3A_948 = tpu.memref_squeeze %dma_start3A_947 : memref<1x96x128xf32, #tpu.memory_space<vmem>> -> memref<96x128xf32, #tpu.memory_space<vmem>>
      %dma_start3A_949 = arith.constant 0 : i32
      %dma_start3A_950 = tpu.memref_slice %arg8[%dma_start3A_942, %dma_start3A_943, %dma_start3A_944, %dma_start3A_949] : memref<2x3x3x96xi32, #tpu.memory_space<vmem>> -> memref<1x1x1x96xi32, #tpu.memory_space<vmem>>
      %dma_start3A_951 = tpu.memref_squeeze %dma_start3A_950 : memref<1x1x1x96xi32, #tpu.memory_space<vmem>> -> memref<96xi32, #tpu.memory_space<vmem>>
      %dma_start3A_952 = arith.constant 0 : i32
      %dma_start3A_953 = arith.constant 0 : i32
      %dma_start3A_954 = tpu.memref_slice %arg6[%dma_start3A_952, %dma_start3A_953] : memref<10112x128xf32, #tpu.memory_space<vmem_shared>> -> memref<10112x128xf32, #tpu.memory_space<vmem_shared>>
      tpu.enqueue_indirect_dma source(%dma_start3A_948 : memref<96x128xf32, #tpu.memory_space<vmem>>) target(%dma_start3A_954 : memref<10112x128xf32, #tpu.memory_space<vmem_shared>>) offsets(%dma_start3A_951 : memref<96xi32, #tpu.memory_space<vmem>>) semaphore(%arg16 : memref<!tpu.dma_semaphore, #tpu.memory_space<semaphore_mem>>) {add = true}
      %dma_wait3A_955 = arith.constant 0 : i32
      %dma_wait3A_956 = arith.constant 2 : i32
      %dma_wait3A_957 = arith.constant 2 : i32
      %dma_wait3A_958 = arith.constant 2 : i32
      %dma_wait3A_959 = arith.constant 0 : i32
      %dma_wait3A_960 = arith.constant 0 : i32
      %dma_wait3A_961 = tpu.memref_slice %arg7[%dma_wait3A_958, %dma_wait3A_959, %dma_wait3A_960] : memref<3x96x128xf32, #tpu.memory_space<vmem>> -> memref<1x96x128xf32, #tpu.memory_space<vmem>>
      %dma_wait3A_962 = tpu.memref_squeeze %dma_wait3A_961 : memref<1x96x128xf32, #tpu.memory_space<vmem>> -> memref<96x128xf32, #tpu.memory_space<vmem>>
      %dma_wait3A_963 = arith.constant 0 : i32
      %dma_wait3A_964 = tpu.memref_slice %arg8[%dma_wait3A_955, %dma_wait3A_956, %dma_wait3A_957, %dma_wait3A_963] : memref<2x3x3x96xi32, #tpu.memory_space<vmem>> -> memref<1x1x1x96xi32, #tpu.memory_space<vmem>>
      %dma_wait3A_965 = tpu.memref_squeeze %dma_wait3A_964 : memref<1x1x1x96xi32, #tpu.memory_space<vmem>> -> memref<96xi32, #tpu.memory_space<vmem>>
      %dma_wait3A_966 = arith.constant 0 : i32
      %dma_wait3A_967 = arith.constant 0 : i32
      %dma_wait3A_968 = tpu.memref_slice %arg3[%dma_wait3A_966, %dma_wait3A_967] : memref<10000x128xf32, #tpu.memory_space<hbm>> -> memref<10000x128xf32, #tpu.memory_space<hbm>>
      tpu.wait_indirect_dma semaphore(%arg14 : memref<!tpu.dma_semaphore, #tpu.memory_space<semaphore_mem>>) src(%dma_wait3A_968 : memref<10000x128xf32, #tpu.memory_space<hbm>>) dst(%dma_wait3A_962 : memref<96x128xf32, #tpu.memory_space<vmem>>)
      %scan3A_969 = arith.constant 0 : i32
      %scan3A_970 = arith.constant 0 : i32
      %scan3A_971 = arith.constant 96 : i32
      %scan3A_972 = arith.addi %scan3A_970, %scan3A_971 : i32
      %scan3A_973 = arith.constant 1 : i32
      scf.for %scan3A_989 = %scan3A_970 to %scan3A_972 step %scan3A_973  : i32 {
        %get3A = arith.constant 2 : i32
        %get3A_990 = arith.index_cast %get3A : i32 to index
        %get3A_991 = arith.index_cast %scan3A_989 : i32 to index
        %get3A_992 = arith.constant 0 : index
        %get3A_993 = tpu.vector_load %arg7[%get3A_990, %get3A_991, %get3A_992] {strides = array<i32>} : memref<3x96x128xf32, #tpu.memory_space<vmem>>, vector<1x1x16xf32>,
        %get3A_994 = vector.shape_cast %get3A_993 : vector<1x1x16xf32> to vector<16xf32>
        %max3A = arith.constant 0.000000e+00 : f32
        %max3A_995 = vector.broadcast %max3A : f32 to vector<16xf32>
        %max3A_996 = arith.maximumf %get3A_994, %max3A_995 : vector<16xf32>
        %swap3A = arith.constant 2 : i32
        %swap3A_997 = arith.index_cast %swap3A : i32 to index
        %swap3A_998 = arith.index_cast %scan3A_989 : i32 to index
        %swap3A_999 = arith.constant 0 : index
        %swap3A_1000 = tpu.vector_load %arg7[%swap3A_997, %swap3A_998, %swap3A_999] {strides = array<i32>} : memref<3x96x128xf32, #tpu.memory_space<vmem>>, vector<1x1x16xf32>,
        %swap3A_1001 = vector.shape_cast %swap3A_1000 : vector<1x1x16xf32> to vector<16xf32>
        %swap3A_1002 = vector.shape_cast %max3A_996 : vector<16xf32> to vector<1x1x16xf32>
        tpu.vector_store %arg7[%swap3A_997, %swap3A_998, %swap3A_999], %swap3A_1002 {strides = array<i32>} : memref<3x96x128xf32, #tpu.memory_space<vmem>>, vector<1x1x16xf32>,
        %get3A_1003 = arith.constant 2 : i32
        %get3A_1004 = arith.index_cast %get3A_1003 : i32 to index
        %get3A_1005 = arith.index_cast %scan3A_989 : i32 to index
        %get3A_1006 = arith.constant 16 : index
        %get3A_1007 = tpu.vector_load %arg7[%get3A_1004, %get3A_1005, %get3A_1006] {strides = array<i32>} : memref<3x96x128xf32, #tpu.memory_space<vmem>>, vector<1x1x16xf32>,
        %get3A_1008 = vector.shape_cast %get3A_1007 : vector<1x1x16xf32> to vector<16xf32>
        %max3A_1009 = arith.constant 0.000000e+00 : f32
        %max3A_1010 = vector.broadcast %max3A_1009 : f32 to vector<16xf32>
        %max3A_1011 = arith.maximumf %get3A_1008, %max3A_1010 : vector<16xf32>
        %swap3A_1012 = arith.constant 2 : i32
        %swap3A_1013 = arith.index_cast %swap3A_1012 : i32 to index
        %swap3A_1014 = arith.index_cast %scan3A_989 : i32 to index
        %swap3A_1015 = arith.constant 16 : index
        %swap3A_1016 = tpu.vector_load %arg7[%swap3A_1013, %swap3A_1014, %swap3A_1015] {strides = array<i32>} : memref<3x96x128xf32, #tpu.memory_space<vmem>>, vector<1x1x16xf32>,
        %swap3A_1017 = vector.shape_cast %swap3A_1016 : vector<1x1x16xf32> to vector<16xf32>
        %swap3A_1018 = vector.shape_cast %max3A_1011 : vector<16xf32> to vector<1x1x16xf32>
        tpu.vector_store %arg7[%swap3A_1013, %swap3A_1014, %swap3A_1015], %swap3A_1018 {strides = array<i32>} : memref<3x96x128xf32, #tpu.memory_space<vmem>>, vector<1x1x16xf32>,
        %get3A_1019 = arith.constant 2 : i32
        %get3A_1020 = arith.index_cast %get3A_1019 : i32 to index
        %get3A_1021 = arith.index_cast %scan3A_989 : i32 to index
        %get3A_1022 = arith.constant 32 : index
        %get3A_1023 = tpu.vector_load %arg7[%get3A_1020, %get3A_1021, %get3A_1022] {strides = array<i32>} : memref<3x96x128xf32, #tpu.memory_space<vmem>>, vector<1x1x16xf32>,
        %get3A_1024 = vector.shape_cast %get3A_1023 : vector<1x1x16xf32> to vector<16xf32>
        %max3A_1025 = arith.constant 0.000000e+00 : f32
        %max3A_1026 = vector.broadcast %max3A_1025 : f32 to vector<16xf32>
        %max3A_1027 = arith.maximumf %get3A_1024, %max3A_1026 : vector<16xf32>
        %swap3A_1028 = arith.constant 2 : i32
        %swap3A_1029 = arith.index_cast %swap3A_1028 : i32 to index
        %swap3A_1030 = arith.index_cast %scan3A_989 : i32 to index
        %swap3A_1031 = arith.constant 32 : index
        %swap3A_1032 = tpu.vector_load %arg7[%swap3A_1029, %swap3A_1030, %swap3A_1031] {strides = array<i32>} : memref<3x96x128xf32, #tpu.memory_space<vmem>>, vector<1x1x16xf32>,
        %swap3A_1033 = vector.shape_cast %swap3A_1032 : vector<1x1x16xf32> to vector<16xf32>
        %swap3A_1034 = vector.shape_cast %max3A_1027 : vector<16xf32> to vector<1x1x16xf32>
        tpu.vector_store %arg7[%swap3A_1029, %swap3A_1030, %swap3A_1031], %swap3A_1034 {strides = array<i32>} : memref<3x96x128xf32, #tpu.memory_space<vmem>>, vector<1x1x16xf32>,
        %get3A_1035 = arith.constant 2 : i32
        %get3A_1036 = arith.index_cast %get3A_1035 : i32 to index
        %get3A_1037 = arith.index_cast %scan3A_989 : i32 to index
        %get3A_1038 = arith.constant 48 : index
        %get3A_1039 = tpu.vector_load %arg7[%get3A_1036, %get3A_1037, %get3A_1038] {strides = array<i32>} : memref<3x96x128xf32, #tpu.memory_space<vmem>>, vector<1x1x16xf32>,
        %get3A_1040 = vector.shape_cast %get3A_1039 : vector<1x1x16xf32> to vector<16xf32>
        %max3A_1041 = arith.constant 0.000000e+00 : f32
        %max3A_1042 = vector.broadcast %max3A_1041 : f32 to vector<16xf32>
        %max3A_1043 = arith.maximumf %get3A_1040, %max3A_1042 : vector<16xf32>
        %swap3A_1044 = arith.constant 2 : i32
        %swap3A_1045 = arith.index_cast %swap3A_1044 : i32 to index
        %swap3A_1046 = arith.index_cast %scan3A_989 : i32 to index
        %swap3A_1047 = arith.constant 48 : index
        %swap3A_1048 = tpu.vector_load %arg7[%swap3A_1045, %swap3A_1046, %swap3A_1047] {strides = array<i32>} : memref<3x96x128xf32, #tpu.memory_space<vmem>>, vector<1x1x16xf32>,
        %swap3A_1049 = vector.shape_cast %swap3A_1048 : vector<1x1x16xf32> to vector<16xf32>
        %swap3A_1050 = vector.shape_cast %max3A_1043 : vector<16xf32> to vector<1x1x16xf32>
        tpu.vector_store %arg7[%swap3A_1045, %swap3A_1046, %swap3A_1047], %swap3A_1050 {strides = array<i32>} : memref<3x96x128xf32, #tpu.memory_space<vmem>>, vector<1x1x16xf32>,
        %get3A_1051 = arith.constant 2 : i32
        %get3A_1052 = arith.index_cast %get3A_1051 : i32 to index
        %get3A_1053 = arith.index_cast %scan3A_989 : i32 to index
        %get3A_1054 = arith.constant 64 : index
        %get3A_1055 = tpu.vector_load %arg7[%get3A_1052, %get3A_1053, %get3A_1054] {strides = array<i32>} : memref<3x96x128xf32, #tpu.memory_space<vmem>>, vector<1x1x16xf32>,
        %get3A_1056 = vector.shape_cast %get3A_1055 : vector<1x1x16xf32> to vector<16xf32>
        %max3A_1057 = arith.constant 0.000000e+00 : f32
        %max3A_1058 = vector.broadcast %max3A_1057 : f32 to vector<16xf32>
        %max3A_1059 = arith.maximumf %get3A_1056, %max3A_1058 : vector<16xf32>
        %swap3A_1060 = arith.constant 2 : i32
        %swap3A_1061 = arith.index_cast %swap3A_1060 : i32 to index
        %swap3A_1062 = arith.index_cast %scan3A_989 : i32 to index
        %swap3A_1063 = arith.constant 64 : index
        %swap3A_1064 = tpu.vector_load %arg7[%swap3A_1061, %swap3A_1062, %swap3A_1063] {strides = array<i32>} : memref<3x96x128xf32, #tpu.memory_space<vmem>>, vector<1x1x16xf32>,
        %swap3A_1065 = vector.shape_cast %swap3A_1064 : vector<1x1x16xf32> to vector<16xf32>
        %swap3A_1066 = vector.shape_cast %max3A_1059 : vector<16xf32> to vector<1x1x16xf32>
        tpu.vector_store %arg7[%swap3A_1061, %swap3A_1062, %swap3A_1063], %swap3A_1066 {strides = array<i32>} : memref<3x96x128xf32, #tpu.memory_space<vmem>>, vector<1x1x16xf32>,
        %get3A_1067 = arith.constant 2 : i32
        %get3A_1068 = arith.index_cast %get3A_1067 : i32 to index
        %get3A_1069 = arith.index_cast %scan3A_989 : i32 to index
        %get3A_1070 = arith.constant 80 : index
        %get3A_1071 = tpu.vector_load %arg7[%get3A_1068, %get3A_1069, %get3A_1070] {strides = array<i32>} : memref<3x96x128xf32, #tpu.memory_space<vmem>>, vector<1x1x16xf32>,
        %get3A_1072 = vector.shape_cast %get3A_1071 : vector<1x1x16xf32> to vector<16xf32>
        %max3A_1073 = arith.constant 0.000000e+00 : f32
        %max3A_1074 = vector.broadcast %max3A_1073 : f32 to vector<16xf32>
        %max3A_1075 = arith.maximumf %get3A_1072, %max3A_1074 : vector<16xf32>
        %swap3A_1076 = arith.constant 2 : i32
        %swap3A_1077 = arith.index_cast %swap3A_1076 : i32 to index
        %swap3A_1078 = arith.index_cast %scan3A_989 : i32 to index
        %swap3A_1079 = arith.constant 80 : index
        %swap3A_1080 = tpu.vector_load %arg7[%swap3A_1077, %swap3A_1078, %swap3A_1079] {strides = array<i32>} : memref<3x96x128xf32, #tpu.memory_space<vmem>>, vector<1x1x16xf32>,
        %swap3A_1081 = vector.shape_cast %swap3A_1080 : vector<1x1x16xf32> to vector<16xf32>
        %swap3A_1082 = vector.shape_cast %max3A_1075 : vector<16xf32> to vector<1x1x16xf32>
        tpu.vector_store %arg7[%swap3A_1077, %swap3A_1078, %swap3A_1079], %swap3A_1082 {strides = array<i32>} : memref<3x96x128xf32, #tpu.memory_space<vmem>>, vector<1x1x16xf32>,
        %get3A_1083 = arith.constant 2 : i32
        %get3A_1084 = arith.index_cast %get3A_1083 : i32 to index
        %get3A_1085 = arith.index_cast %scan3A_989 : i32 to index
        %get3A_1086 = arith.constant 96 : index
        %get3A_1087 = tpu.vector_load %arg7[%get3A_1084, %get3A_1085, %get3A_1086] {strides = array<i32>} : memref<3x96x128xf32, #tpu.memory_space<vmem>>, vector<1x1x16xf32>,
        %get3A_1088 = vector.shape_cast %get3A_1087 : vector<1x1x16xf32> to vector<16xf32>
        %max3A_1089 = arith.constant 0.000000e+00 : f32
        %max3A_1090 = vector.broadcast %max3A_1089 : f32 to vector<16xf32>
        %max3A_1091 = arith.maximumf %get3A_1088, %max3A_1090 : vector<16xf32>
        %swap3A_1092 = arith.constant 2 : i32
        %swap3A_1093 = arith.index_cast %swap3A_1092 : i32 to index
        %swap3A_1094 = arith.index_cast %scan3A_989 : i32 to index
        %swap3A_1095 = arith.constant 96 : index
        %swap3A_1096 = tpu.vector_load %arg7[%swap3A_1093, %swap3A_1094, %swap3A_1095] {strides = array<i32>} : memref<3x96x128xf32, #tpu.memory_space<vmem>>, vector<1x1x16xf32>,
        %swap3A_1097 = vector.shape_cast %swap3A_1096 : vector<1x1x16xf32> to vector<16xf32>
        %swap3A_1098 = vector.shape_cast %max3A_1091 : vector<16xf32> to vector<1x1x16xf32>
        tpu.vector_store %arg7[%swap3A_1093, %swap3A_1094, %swap3A_1095], %swap3A_1098 {strides = array<i32>} : memref<3x96x128xf32, #tpu.memory_space<vmem>>, vector<1x1x16xf32>,
        %get3A_1099 = arith.constant 2 : i32
        %get3A_1100 = arith.index_cast %get3A_1099 : i32 to index
        %get3A_1101 = arith.index_cast %scan3A_989 : i32 to index
        %get3A_1102 = arith.constant 112 : index
        %get3A_1103 = tpu.vector_load %arg7[%get3A_1100, %get3A_1101, %get3A_1102] {strides = array<i32>} : memref<3x96x128xf32, #tpu.memory_space<vmem>>, vector<1x1x16xf32>,
        %get3A_1104 = vector.shape_cast %get3A_1103 : vector<1x1x16xf32> to vector<16xf32>
        %max3A_1105 = arith.constant 0.000000e+00 : f32
        %max3A_1106 = vector.broadcast %max3A_1105 : f32 to vector<16xf32>
        %max3A_1107 = arith.maximumf %get3A_1104, %max3A_1106 : vector<16xf32>
        %swap3A_1108 = arith.constant 2 : i32
        %swap3A_1109 = arith.index_cast %swap3A_1108 : i32 to index
        %swap3A_1110 = arith.index_cast %scan3A_989 : i32 to index
        %swap3A_1111 = arith.constant 112 : index
        %swap3A_1112 = tpu.vector_load %arg7[%swap3A_1109, %swap3A_1110, %swap3A_1111] {strides = array<i32>} : memref<3x96x128xf32, #tpu.memory_space<vmem>>, vector<1x1x16xf32>,
        %swap3A_1113 = vector.shape_cast %swap3A_1112 : vector<1x1x16xf32> to vector<16xf32>
        %swap3A_1114 = vector.shape_cast %max3A_1107 : vector<16xf32> to vector<1x1x16xf32>
        tpu.vector_store %arg7[%swap3A_1109, %swap3A_1110, %swap3A_1111], %swap3A_1114 {strides = array<i32>} : memref<3x96x128xf32, #tpu.memory_space<vmem>>, vector<1x1x16xf32>,
      }
      %scan3A_974 = arith.constant 96 : i32
      %dma_start3A_975 = arith.constant 2 : i32
      %dma_start3A_976 = arith.constant 0 : i32
      %dma_start3A_977 = arith.constant 2 : i32
      %dma_start3A_978 = arith.constant 1 : i32
      %dma_start3A_979 = arith.constant 0 : i32
      %dma_start3A_980 = arith.constant 0 : i32
      %dma_start3A_981 = tpu.memref_slice %arg7[%dma_start3A_975, %dma_start3A_979, %dma_start3A_980] : memref<3x96x128xf32, #tpu.memory_space<vmem>> -> memref<1x96x128xf32, #tpu.memory_space<vmem>>
      %dma_start3A_982 = tpu.memref_squeeze %dma_start3A_981 : memref<1x96x128xf32, #tpu.memory_space<vmem>> -> memref<96x128xf32, #tpu.memory_space<vmem>>
      %dma_start3A_983 = arith.constant 0 : i32
      %dma_start3A_984 = tpu.memref_slice %arg8[%dma_start3A_976, %dma_start3A_977, %dma_start3A_978, %dma_start3A_983] : memref<2x3x3x96xi32, #tpu.memory_space<vmem>> -> memref<1x1x1x96xi32, #tpu.memory_space<vmem>>
      %dma_start3A_985 = tpu.memref_squeeze %dma_start3A_984 : memref<1x1x1x96xi32, #tpu.memory_space<vmem>> -> memref<96xi32, #tpu.memory_space<vmem>>
      %dma_start3A_986 = arith.constant 0 : i32
      %dma_start3A_987 = arith.constant 0 : i32
      %dma_start3A_988 = tpu.memref_slice %arg6[%dma_start3A_986, %dma_start3A_987] : memref<10112x128xf32, #tpu.memory_space<vmem_shared>> -> memref<10112x128xf32, #tpu.memory_space<vmem_shared>>
      tpu.enqueue_indirect_dma source(%dma_start3A_982 : memref<96x128xf32, #tpu.memory_space<vmem>>) target(%dma_start3A_988 : memref<10112x128xf32, #tpu.memory_space<vmem_shared>>) offsets(%dma_start3A_985 : memref<96xi32, #tpu.memory_space<vmem>>) semaphore(%arg17 : memref<!tpu.dma_semaphore, #tpu.memory_space<semaphore_mem>>) {add = true}
    }
    %while3A_330 = arith.constant 1 : i32
    scf.for %while3A_386 = %while3A_328 to %while3A_324 step %while3A_330  : i32 {
      %mul3A_387 = arith.constant 2 : i32
      %mul3A_388 = arith.muli %mul3A_387, %while3A_386 : i32
      %add3A_389 = arith.constant 1 : i32
      %add3A_390 = arith.addi %add3A_389, %mul3A_388 : i32
      %dma_wait3A_391 = arith.constant 1 : i32
      %dma_wait3A_392 = arith.constant 0 : i32
      %dma_wait3A_393 = arith.constant 0 : i32
      %dma_wait3A_394 = arith.constant 0 : i32
      %dma_wait3A_395 = tpu.memref_slice %arg8[%dma_wait3A_391, %dma_wait3A_392, %dma_wait3A_393, %dma_wait3A_394] : memref<2x3x3x96xi32, #tpu.memory_space<vmem>> -> memref<1x3x3x96xi32, #tpu.memory_space<vmem>>
      %dma_wait3A_396 = tpu.memref_squeeze %dma_wait3A_395 : memref<1x3x3x96xi32, #tpu.memory_space<vmem>> -> memref<3x3x96xi32, #tpu.memory_space<vmem>>
      %dma_wait3A_397 = arith.constant 0 : i32
      %dma_wait3A_398 = arith.constant 0 : i32
      %dma_wait3A_399 = arith.constant 0 : i32
      %dma_wait3A_400 = tpu.memref_slice %arg4[%dma_wait3A_397, %dma_wait3A_398, %dma_wait3A_399] : memref<3360x3x96xi32, #tpu.memory_space<hbm>> -> memref<3x3x96xi32, #tpu.memory_space<hbm>>
      %dma_wait3A_401 = arith.constant 0 : i32
      %dma_wait3A_402 = arith.constant 0 : i32
      %dma_wait3A_403 = arith.constant 0 : i32
      %dma_wait3A_404 = tpu.memref_slice %arg8[%dma_wait3A_391, %dma_wait3A_401, %dma_wait3A_402, %dma_wait3A_403] : memref<2x3x3x96xi32, #tpu.memory_space<vmem>> -> memref<1x3x3x96xi32, #tpu.memory_space<vmem>>
      %dma_wait3A_405 = tpu.memref_squeeze %dma_wait3A_404 : memref<1x3x3x96xi32, #tpu.memory_space<vmem>> -> memref<3x3x96xi32, #tpu.memory_space<vmem>>
      %dma_wait3A_406 = arith.constant 0 : i32
      %dma_wait3A_407 = arith.constant 0 : i32
      %dma_wait3A_408 = arith.constant 0 : i32
      %dma_wait3A_409 = tpu.memref_slice %arg4[%dma_wait3A_406, %dma_wait3A_407, %dma_wait3A_408] : memref<3360x3x96xi32, #tpu.memory_space<hbm>> -> memref<3x3x96xi32, #tpu.memory_space<hbm>>
      tpu.wait_dma2 semaphore(%arg19 : memref<!tpu.dma_semaphore, #tpu.memory_space<semaphore_mem>>) src(%dma_wait3A_409 : memref<3x3x96xi32, #tpu.memory_space<hbm>>) dst(%dma_wait3A_405 : memref<3x3x96xi32, #tpu.memory_space<vmem>>)
      %add3A_410 = arith.constant 1 : i32
      %add3A_411 = arith.addi %add3A_390, %add3A_410 : i32
      %lt3A_412 = arith.cmpi slt, %add3A_411, %select_n3A : i32
      %convert_element_type3A_413 = arith.extui %lt3A_412 : i1 to i32
      %cond3A_414 = arith.constant 0 : i32
      %cond3A_415 = arith.cmpi ne, %convert_element_type3A_413, %cond3A_414 : i32
      scf.if %cond3A_415 {
        %add3A_989 = arith.constant 1 : i32
        %add3A_990 = arith.addi %add3A_390, %add3A_989 : i32
        %mul3A_991 = arith.constant 3 : i32
        %mul3A_992 = arith.muli %add3A_990, %mul3A_991 : i32
        %add3A_993 = arith.addi %select_n3A_8, %mul3A_992 : i32
        %dma_start3A_994 = arith.constant 0 : i32
        %dma_start3A_995 = arith.constant 0 : i32
        %dma_start3A_996 = arith.constant 0 : i32
        %dma_start3A_997 = arith.constant 0 : i32
        %dma_start3A_998 = tpu.memref_slice %arg8[%dma_start3A_994, %dma_start3A_995, %dma_start3A_996, %dma_start3A_997] : memref<2x3x3x96xi32, #tpu.memory_space<vmem>> -> memref<1x3x3x96xi32, #tpu.memory_space<vmem>>
        %dma_start3A_999 = tpu.memref_squeeze %dma_start3A_998 : memref<1x3x3x96xi32, #tpu.memory_space<vmem>> -> memref<3x3x96xi32, #tpu.memory_space<vmem>>
        %dma_start3A_1000 = arith.constant 0 : i32
        %dma_start3A_1001 = arith.constant 0 : i32
        %dma_start3A_1002 = tpu.memref_slice %arg4[%add3A_993, %dma_start3A_1000, %dma_start3A_1001] : memref<3360x3x96xi32, #tpu.memory_space<hbm>> -> memref<3x3x96xi32, #tpu.memory_space<hbm>>
        %dma_start3A_1003 = arith.constant 0 : i32
        %dma_start3A_1004 = arith.constant 0 : i32
        %dma_start3A_1005 = arith.constant 0 : i32
        %dma_start3A_1006 = tpu.memref_slice %arg8[%dma_start3A_994, %dma_start3A_1003, %dma_start3A_1004, %dma_start3A_1005] : memref<2x3x3x96xi32, #tpu.memory_space<vmem>> -> memref<1x3x3x96xi32, #tpu.memory_space<vmem>>
        %dma_start3A_1007 = tpu.memref_squeeze %dma_start3A_1006 : memref<1x3x3x96xi32, #tpu.memory_space<vmem>> -> memref<3x3x96xi32, #tpu.memory_space<vmem>>
        %dma_start3A_1008 = arith.constant 0 : i32
        %dma_start3A_1009 = arith.constant 0 : i32
        %dma_start3A_1010 = tpu.memref_slice %arg4[%add3A_993, %dma_start3A_1008, %dma_start3A_1009] : memref<3360x3x96xi32, #tpu.memory_space<hbm>> -> memref<3x3x96xi32, #tpu.memory_space<hbm>>
        tpu.enqueue_dma source(%dma_start3A_1010 : memref<3x3x96xi32, #tpu.memory_space<hbm>>) target(%dma_start3A_1007 : memref<3x3x96xi32, #tpu.memory_space<vmem>>) target_semaphore(%arg18 : memref<!tpu.dma_semaphore, #tpu.memory_space<semaphore_mem>>)
      } else {
      }
      %dma_wait3A_416 = arith.constant 0 : i32
      %dma_wait3A_417 = arith.constant 0 : i32
      %dma_wait3A_418 = arith.constant 0 : i32
      %dma_wait3A_419 = tpu.memref_slice %arg7[%dma_wait3A_416, %dma_wait3A_417, %dma_wait3A_418] : memref<3x96x128xf32, #tpu.memory_space<vmem>> -> memref<1x96x128xf32, #tpu.memory_space<vmem>>
      %dma_wait3A_420 = tpu.memref_squeeze %dma_wait3A_419 : memref<1x96x128xf32, #tpu.memory_space<vmem>> -> memref<96x128xf32, #tpu.memory_space<vmem>>
      %dma_wait3A_421 = arith.constant 0 : i32
      %dma_wait3A_422 = arith.constant 0 : i32
      %dma_wait3A_423 = tpu.memref_slice %arg6[%dma_wait3A_421, %dma_wait3A_422] : memref<10112x128xf32, #tpu.memory_space<vmem_shared>> -> memref<96x128xf32, #tpu.memory_space<vmem_shared>>
      %dma_wait3A_424 = arith.constant 0 : i32
      %dma_wait3A_425 = arith.constant 0 : i32
      %dma_wait3A_426 = tpu.memref_slice %arg6[%dma_wait3A_424, %dma_wait3A_425] : memref<10112x128xf32, #tpu.memory_space<vmem_shared>> -> memref<96x128xf32, #tpu.memory_space<vmem_shared>>
      %dma_wait3A_427 = arith.constant 0 : i32
      %dma_wait3A_428 = arith.constant 0 : i32
      %dma_wait3A_429 = tpu.memref_slice %arg7[%dma_wait3A_416, %dma_wait3A_427, %dma_wait3A_428] : memref<3x96x128xf32, #tpu.memory_space<vmem>> -> memref<1x96x128xf32, #tpu.memory_space<vmem>>
      %dma_wait3A_430 = tpu.memref_squeeze %dma_wait3A_429 : memref<1x96x128xf32, #tpu.memory_space<vmem>> -> memref<96x128xf32, #tpu.memory_space<vmem>>
      tpu.wait_dma2 semaphore(%arg15 : memref<!tpu.dma_semaphore, #tpu.memory_space<semaphore_mem>>) src(%dma_wait3A_430 : memref<96x128xf32, #tpu.memory_space<vmem>>) dst(%dma_wait3A_426 : memref<96x128xf32, #tpu.memory_space<vmem_shared>>)
      %dma_start3A_431 = arith.constant 1 : i32
      %dma_start3A_432 = arith.constant 0 : i32
      %dma_start3A_433 = arith.constant 0 : i32
      %dma_start3A_434 = arith.constant 0 : i32
      %dma_start3A_435 = arith.constant 0 : i32
      %dma_start3A_436 = arith.constant 0 : i32
      %dma_start3A_437 = tpu.memref_slice %arg7[%dma_start3A_434, %dma_start3A_435, %dma_start3A_436] : memref<3x96x128xf32, #tpu.memory_space<vmem>> -> memref<1x96x128xf32, #tpu.memory_space<vmem>>
      %dma_start3A_438 = tpu.memref_squeeze %dma_start3A_437 : memref<1x96x128xf32, #tpu.memory_space<vmem>> -> memref<96x128xf32, #tpu.memory_space<vmem>>
      %dma_start3A_439 = arith.constant 0 : i32
      %dma_start3A_440 = tpu.memref_slice %arg8[%dma_start3A_431, %dma_start3A_432, %dma_start3A_433, %dma_start3A_439] : memref<2x3x3x96xi32, #tpu.memory_space<vmem>> -> memref<1x1x1x96xi32, #tpu.memory_space<vmem>>
      %dma_start3A_441 = tpu.memref_squeeze %dma_start3A_440 : memref<1x1x1x96xi32, #tpu.memory_space<vmem>> -> memref<96xi32, #tpu.memory_space<vmem>>
      %dma_start3A_442 = arith.constant 0 : i32
      %dma_start3A_443 = arith.constant 0 : i32
      %dma_start3A_444 = tpu.memref_slice %arg2[%dma_start3A_442, %dma_start3A_443] : memref<10000x128xf32, #tpu.memory_space<hbm>> -> memref<10000x128xf32, #tpu.memory_space<hbm>>
      tpu.enqueue_indirect_dma source(%dma_start3A_444 : memref<10000x128xf32, #tpu.memory_space<hbm>>) target(%dma_start3A_438 : memref<96x128xf32, #tpu.memory_space<vmem>>) offsets(%dma_start3A_441 : memref<96xi32, #tpu.memory_space<vmem>>) semaphore(%arg9 : memref<!tpu.dma_semaphore, #tpu.memory_space<semaphore_mem>>)
      %dma_wait3A_445 = arith.constant 1 : i32
      %dma_wait3A_446 = arith.constant 0 : i32
      %dma_wait3A_447 = arith.constant 0 : i32
      %dma_wait3A_448 = tpu.memref_slice %arg7[%dma_wait3A_445, %dma_wait3A_446, %dma_wait3A_447] : memref<3x96x128xf32, #tpu.memory_space<vmem>> -> memref<1x96x128xf32, #tpu.memory_space<vmem>>
      %dma_wait3A_449 = tpu.memref_squeeze %dma_wait3A_448 : memref<1x96x128xf32, #tpu.memory_space<vmem>> -> memref<96x128xf32, #tpu.memory_space<vmem>>
      %dma_wait3A_450 = arith.constant 0 : i32
      %dma_wait3A_451 = arith.constant 0 : i32
      %dma_wait3A_452 = tpu.memref_slice %arg6[%dma_wait3A_450, %dma_wait3A_451] : memref<10112x128xf32, #tpu.memory_space<vmem_shared>> -> memref<96x128xf32, #tpu.memory_space<vmem_shared>>
      %dma_wait3A_453 = arith.constant 0 : i32
      %dma_wait3A_454 = arith.constant 0 : i32
      %dma_wait3A_455 = tpu.memref_slice %arg6[%dma_wait3A_453, %dma_wait3A_454] : memref<10112x128xf32, #tpu.memory_space<vmem_shared>> -> memref<96x128xf32, #tpu.memory_space<vmem_shared>>
      %dma_wait3A_456 = arith.constant 0 : i32
      %dma_wait3A_457 = arith.constant 0 : i32
      %dma_wait3A_458 = tpu.memref_slice %arg7[%dma_wait3A_445, %dma_wait3A_456, %dma_wait3A_457] : memref<3x96x128xf32, #tpu.memory_space<vmem>> -> memref<1x96x128xf32, #tpu.memory_space<vmem>>
      %dma_wait3A_459 = tpu.memref_squeeze %dma_wait3A_458 : memref<1x96x128xf32, #tpu.memory_space<vmem>> -> memref<96x128xf32, #tpu.memory_space<vmem>>
      tpu.wait_dma2 semaphore(%arg16 : memref<!tpu.dma_semaphore, #tpu.memory_space<semaphore_mem>>) src(%dma_wait3A_459 : memref<96x128xf32, #tpu.memory_space<vmem>>) dst(%dma_wait3A_455 : memref<96x128xf32, #tpu.memory_space<vmem_shared>>)
      %dma_start3A_460 = arith.constant 1 : i32
      %dma_start3A_461 = arith.constant 1 : i32
      %dma_start3A_462 = arith.constant 0 : i32
      %dma_start3A_463 = arith.constant 1 : i32
      %dma_start3A_464 = arith.constant 0 : i32
      %dma_start3A_465 = arith.constant 0 : i32
      %dma_start3A_466 = tpu.memref_slice %arg7[%dma_start3A_463, %dma_start3A_464, %dma_start3A_465] : memref<3x96x128xf32, #tpu.memory_space<vmem>> -> memref<1x96x128xf32, #tpu.memory_space<vmem>>
      %dma_start3A_467 = tpu.memref_squeeze %dma_start3A_466 : memref<1x96x128xf32, #tpu.memory_space<vmem>> -> memref<96x128xf32, #tpu.memory_space<vmem>>
      %dma_start3A_468 = arith.constant 0 : i32
      %dma_start3A_469 = tpu.memref_slice %arg8[%dma_start3A_460, %dma_start3A_461, %dma_start3A_462, %dma_start3A_468] : memref<2x3x3x96xi32, #tpu.memory_space<vmem>> -> memref<1x1x1x96xi32, #tpu.memory_space<vmem>>
      %dma_start3A_470 = tpu.memref_squeeze %dma_start3A_469 : memref<1x1x1x96xi32, #tpu.memory_space<vmem>> -> memref<96xi32, #tpu.memory_space<vmem>>
      %dma_start3A_471 = arith.constant 0 : i32
      %dma_start3A_472 = arith.constant 0 : i32
      %dma_start3A_473 = tpu.memref_slice %arg2[%dma_start3A_471, %dma_start3A_472] : memref<10000x128xf32, #tpu.memory_space<hbm>> -> memref<10000x128xf32, #tpu.memory_space<hbm>>
      tpu.enqueue_indirect_dma source(%dma_start3A_473 : memref<10000x128xf32, #tpu.memory_space<hbm>>) target(%dma_start3A_467 : memref<96x128xf32, #tpu.memory_space<vmem>>) offsets(%dma_start3A_470 : memref<96xi32, #tpu.memory_space<vmem>>) semaphore(%arg10 : memref<!tpu.dma_semaphore, #tpu.memory_space<semaphore_mem>>)
      %dma_wait3A_474 = arith.constant 2 : i32
      %dma_wait3A_475 = arith.constant 0 : i32
      %dma_wait3A_476 = arith.constant 0 : i32
      %dma_wait3A_477 = tpu.memref_slice %arg7[%dma_wait3A_474, %dma_wait3A_475, %dma_wait3A_476] : memref<3x96x128xf32, #tpu.memory_space<vmem>> -> memref<1x96x128xf32, #tpu.memory_space<vmem>>
      %dma_wait3A_478 = tpu.memref_squeeze %dma_wait3A_477 : memref<1x96x128xf32, #tpu.memory_space<vmem>> -> memref<96x128xf32, #tpu.memory_space<vmem>>
      %dma_wait3A_479 = arith.constant 0 : i32
      %dma_wait3A_480 = arith.constant 0 : i32
      %dma_wait3A_481 = tpu.memref_slice %arg6[%dma_wait3A_479, %dma_wait3A_480] : memref<10112x128xf32, #tpu.memory_space<vmem_shared>> -> memref<96x128xf32, #tpu.memory_space<vmem_shared>>
      %dma_wait3A_482 = arith.constant 0 : i32
      %dma_wait3A_483 = arith.constant 0 : i32
      %dma_wait3A_484 = tpu.memref_slice %arg6[%dma_wait3A_482, %dma_wait3A_483] : memref<10112x128xf32, #tpu.memory_space<vmem_shared>> -> memref<96x128xf32, #tpu.memory_space<vmem_shared>>
      %dma_wait3A_485 = arith.constant 0 : i32
      %dma_wait3A_486 = arith.constant 0 : i32
      %dma_wait3A_487 = tpu.memref_slice %arg7[%dma_wait3A_474, %dma_wait3A_485, %dma_wait3A_486] : memref<3x96x128xf32, #tpu.memory_space<vmem>> -> memref<1x96x128xf32, #tpu.memory_space<vmem>>
      %dma_wait3A_488 = tpu.memref_squeeze %dma_wait3A_487 : memref<1x96x128xf32, #tpu.memory_space<vmem>> -> memref<96x128xf32, #tpu.memory_space<vmem>>
      tpu.wait_dma2 semaphore(%arg17 : memref<!tpu.dma_semaphore, #tpu.memory_space<semaphore_mem>>) src(%dma_wait3A_488 : memref<96x128xf32, #tpu.memory_space<vmem>>) dst(%dma_wait3A_484 : memref<96x128xf32, #tpu.memory_space<vmem_shared>>)
      %dma_start3A_489 = arith.constant 1 : i32
      %dma_start3A_490 = arith.constant 2 : i32
      %dma_start3A_491 = arith.constant 0 : i32
      %dma_start3A_492 = arith.constant 2 : i32
      %dma_start3A_493 = arith.constant 0 : i32
      %dma_start3A_494 = arith.constant 0 : i32
      %dma_start3A_495 = tpu.memref_slice %arg7[%dma_start3A_492, %dma_start3A_493, %dma_start3A_494] : memref<3x96x128xf32, #tpu.memory_space<vmem>> -> memref<1x96x128xf32, #tpu.memory_space<vmem>>
      %dma_start3A_496 = tpu.memref_squeeze %dma_start3A_495 : memref<1x96x128xf32, #tpu.memory_space<vmem>> -> memref<96x128xf32, #tpu.memory_space<vmem>>
      %dma_start3A_497 = arith.constant 0 : i32
      %dma_start3A_498 = tpu.memref_slice %arg8[%dma_start3A_489, %dma_start3A_490, %dma_start3A_491, %dma_start3A_497] : memref<2x3x3x96xi32, #tpu.memory_space<vmem>> -> memref<1x1x1x96xi32, #tpu.memory_space<vmem>>
      %dma_start3A_499 = tpu.memref_squeeze %dma_start3A_498 : memref<1x1x1x96xi32, #tpu.memory_space<vmem>> -> memref<96xi32, #tpu.memory_space<vmem>>
      %dma_start3A_500 = arith.constant 0 : i32
      %dma_start3A_501 = arith.constant 0 : i32
      %dma_start3A_502 = tpu.memref_slice %arg2[%dma_start3A_500, %dma_start3A_501] : memref<10000x128xf32, #tpu.memory_space<hbm>> -> memref<10000x128xf32, #tpu.memory_space<hbm>>
      tpu.enqueue_indirect_dma source(%dma_start3A_502 : memref<10000x128xf32, #tpu.memory_space<hbm>>) target(%dma_start3A_496 : memref<96x128xf32, #tpu.memory_space<vmem>>) offsets(%dma_start3A_499 : memref<96xi32, #tpu.memory_space<vmem>>) semaphore(%arg11 : memref<!tpu.dma_semaphore, #tpu.memory_space<semaphore_mem>>)
      %dma_wait3A_503 = arith.constant 1 : i32
      %dma_wait3A_504 = arith.constant 0 : i32
      %dma_wait3A_505 = arith.constant 0 : i32
      %dma_wait3A_506 = arith.constant 0 : i32
      %dma_wait3A_507 = arith.constant 0 : i32
      %dma_wait3A_508 = arith.constant 0 : i32
      %dma_wait3A_509 = tpu.memref_slice %arg7[%dma_wait3A_506, %dma_wait3A_507, %dma_wait3A_508] : memref<3x96x128xf32, #tpu.memory_space<vmem>> -> memref<1x96x128xf32, #tpu.memory_space<vmem>>
      %dma_wait3A_510 = tpu.memref_squeeze %dma_wait3A_509 : memref<1x96x128xf32, #tpu.memory_space<vmem>> -> memref<96x128xf32, #tpu.memory_space<vmem>>
      %dma_wait3A_511 = arith.constant 0 : i32
      %dma_wait3A_512 = tpu.memref_slice %arg8[%dma_wait3A_503, %dma_wait3A_504, %dma_wait3A_505, %dma_wait3A_511] : memref<2x3x3x96xi32, #tpu.memory_space<vmem>> -> memref<1x1x1x96xi32, #tpu.memory_space<vmem>>
      %dma_wait3A_513 = tpu.memref_squeeze %dma_wait3A_512 : memref<1x1x1x96xi32, #tpu.memory_space<vmem>> -> memref<96xi32, #tpu.memory_space<vmem>>
      %dma_wait3A_514 = arith.constant 0 : i32
      %dma_wait3A_515 = arith.constant 0 : i32
      %dma_wait3A_516 = tpu.memref_slice %arg2[%dma_wait3A_514, %dma_wait3A_515] : memref<10000x128xf32, #tpu.memory_space<hbm>> -> memref<10000x128xf32, #tpu.memory_space<hbm>>
      tpu.wait_indirect_dma semaphore(%arg9 : memref<!tpu.dma_semaphore, #tpu.memory_space<semaphore_mem>>) src(%dma_wait3A_516 : memref<10000x128xf32, #tpu.memory_space<hbm>>) dst(%dma_wait3A_510 : memref<96x128xf32, #tpu.memory_space<vmem>>)
      %dma_start3A_517 = arith.constant 1 : i32
      %dma_start3A_518 = arith.constant 0 : i32
      %dma_start3A_519 = arith.constant 2 : i32
      %dma_start3A_520 = arith.constant 0 : i32
      %dma_start3A_521 = arith.constant 0 : i32
      %dma_start3A_522 = arith.constant 0 : i32
      %dma_start3A_523 = tpu.memref_slice %arg7[%dma_start3A_520, %dma_start3A_521, %dma_start3A_522] : memref<3x96x128xf32, #tpu.memory_space<vmem>> -> memref<1x96x128xf32, #tpu.memory_space<vmem>>
      %dma_start3A_524 = tpu.memref_squeeze %dma_start3A_523 : memref<1x96x128xf32, #tpu.memory_space<vmem>> -> memref<96x128xf32, #tpu.memory_space<vmem>>
      %dma_start3A_525 = arith.constant 0 : i32
      %dma_start3A_526 = tpu.memref_slice %arg8[%dma_start3A_517, %dma_start3A_518, %dma_start3A_519, %dma_start3A_525] : memref<2x3x3x96xi32, #tpu.memory_space<vmem>> -> memref<1x1x1x96xi32, #tpu.memory_space<vmem>>
      %dma_start3A_527 = tpu.memref_squeeze %dma_start3A_526 : memref<1x1x1x96xi32, #tpu.memory_space<vmem>> -> memref<96xi32, #tpu.memory_space<vmem>>
      %dma_start3A_528 = arith.constant 0 : i32
      %dma_start3A_529 = arith.constant 0 : i32
      %dma_start3A_530 = tpu.memref_slice %arg3[%dma_start3A_528, %dma_start3A_529] : memref<10000x128xf32, #tpu.memory_space<hbm>> -> memref<10000x128xf32, #tpu.memory_space<hbm>>
      tpu.enqueue_indirect_dma source(%dma_start3A_530 : memref<10000x128xf32, #tpu.memory_space<hbm>>) target(%dma_start3A_524 : memref<96x128xf32, #tpu.memory_space<vmem>>) offsets(%dma_start3A_527 : memref<96xi32, #tpu.memory_space<vmem>>) semaphore(%arg12 : memref<!tpu.dma_semaphore, #tpu.memory_space<semaphore_mem>>) {add = true}
      %dma_wait3A_531 = arith.constant 1 : i32
      %dma_wait3A_532 = arith.constant 1 : i32
      %dma_wait3A_533 = arith.constant 0 : i32
      %dma_wait3A_534 = arith.constant 1 : i32
      %dma_wait3A_535 = arith.constant 0 : i32
      %dma_wait3A_536 = arith.constant 0 : i32
      %dma_wait3A_537 = tpu.memref_slice %arg7[%dma_wait3A_534, %dma_wait3A_535, %dma_wait3A_536] : memref<3x96x128xf32, #tpu.memory_space<vmem>> -> memref<1x96x128xf32, #tpu.memory_space<vmem>>
      %dma_wait3A_538 = tpu.memref_squeeze %dma_wait3A_537 : memref<1x96x128xf32, #tpu.memory_space<vmem>> -> memref<96x128xf32, #tpu.memory_space<vmem>>
      %dma_wait3A_539 = arith.constant 0 : i32
      %dma_wait3A_540 = tpu.memref_slice %arg8[%dma_wait3A_531, %dma_wait3A_532, %dma_wait3A_533, %dma_wait3A_539] : memref<2x3x3x96xi32, #tpu.memory_space<vmem>> -> memref<1x1x1x96xi32, #tpu.memory_space<vmem>>
      %dma_wait3A_541 = tpu.memref_squeeze %dma_wait3A_540 : memref<1x1x1x96xi32, #tpu.memory_space<vmem>> -> memref<96xi32, #tpu.memory_space<vmem>>
      %dma_wait3A_542 = arith.constant 0 : i32
      %dma_wait3A_543 = arith.constant 0 : i32
      %dma_wait3A_544 = tpu.memref_slice %arg2[%dma_wait3A_542, %dma_wait3A_543] : memref<10000x128xf32, #tpu.memory_space<hbm>> -> memref<10000x128xf32, #tpu.memory_space<hbm>>
      tpu.wait_indirect_dma semaphore(%arg10 : memref<!tpu.dma_semaphore, #tpu.memory_space<semaphore_mem>>) src(%dma_wait3A_544 : memref<10000x128xf32, #tpu.memory_space<hbm>>) dst(%dma_wait3A_538 : memref<96x128xf32, #tpu.memory_space<vmem>>)
      %dma_start3A_545 = arith.constant 1 : i32
      %dma_start3A_546 = arith.constant 1 : i32
      %dma_start3A_547 = arith.constant 2 : i32
      %dma_start3A_548 = arith.constant 1 : i32
      %dma_start3A_549 = arith.constant 0 : i32
      %dma_start3A_550 = arith.constant 0 : i32
      %dma_start3A_551 = tpu.memref_slice %arg7[%dma_start3A_548, %dma_start3A_549, %dma_start3A_550] : memref<3x96x128xf32, #tpu.memory_space<vmem>> -> memref<1x96x128xf32, #tpu.memory_space<vmem>>
      %dma_start3A_552 = tpu.memref_squeeze %dma_start3A_551 : memref<1x96x128xf32, #tpu.memory_space<vmem>> -> memref<96x128xf32, #tpu.memory_space<vmem>>
      %dma_start3A_553 = arith.constant 0 : i32
      %dma_start3A_554 = tpu.memref_slice %arg8[%dma_start3A_545, %dma_start3A_546, %dma_start3A_547, %dma_start3A_553] : memref<2x3x3x96xi32, #tpu.memory_space<vmem>> -> memref<1x1x1x96xi32, #tpu.memory_space<vmem>>
      %dma_start3A_555 = tpu.memref_squeeze %dma_start3A_554 : memref<1x1x1x96xi32, #tpu.memory_space<vmem>> -> memref<96xi32, #tpu.memory_space<vmem>>
      %dma_start3A_556 = arith.constant 0 : i32
      %dma_start3A_557 = arith.constant 0 : i32
      %dma_start3A_558 = tpu.memref_slice %arg3[%dma_start3A_556, %dma_start3A_557] : memref<10000x128xf32, #tpu.memory_space<hbm>> -> memref<10000x128xf32, #tpu.memory_space<hbm>>
      tpu.enqueue_indirect_dma source(%dma_start3A_558 : memref<10000x128xf32, #tpu.memory_space<hbm>>) target(%dma_start3A_552 : memref<96x128xf32, #tpu.memory_space<vmem>>) offsets(%dma_start3A_555 : memref<96xi32, #tpu.memory_space<vmem>>) semaphore(%arg13 : memref<!tpu.dma_semaphore, #tpu.memory_space<semaphore_mem>>) {add = true}
      %dma_wait3A_559 = arith.constant 1 : i32
      %dma_wait3A_560 = arith.constant 2 : i32
      %dma_wait3A_561 = arith.constant 0 : i32
      %dma_wait3A_562 = arith.constant 2 : i32
      %dma_wait3A_563 = arith.constant 0 : i32
      %dma_wait3A_564 = arith.constant 0 : i32
      %dma_wait3A_565 = tpu.memref_slice %arg7[%dma_wait3A_562, %dma_wait3A_563, %dma_wait3A_564] : memref<3x96x128xf32, #tpu.memory_space<vmem>> -> memref<1x96x128xf32, #tpu.memory_space<vmem>>
      %dma_wait3A_566 = tpu.memref_squeeze %dma_wait3A_565 : memref<1x96x128xf32, #tpu.memory_space<vmem>> -> memref<96x128xf32, #tpu.memory_space<vmem>>
      %dma_wait3A_567 = arith.constant 0 : i32
      %dma_wait3A_568 = tpu.memref_slice %arg8[%dma_wait3A_559, %dma_wait3A_560, %dma_wait3A_561, %dma_wait3A_567] : memref<2x3x3x96xi32, #tpu.memory_space<vmem>> -> memref<1x1x1x96xi32, #tpu.memory_space<vmem>>
      %dma_wait3A_569 = tpu.memref_squeeze %dma_wait3A_568 : memref<1x1x1x96xi32, #tpu.memory_space<vmem>> -> memref<96xi32, #tpu.memory_space<vmem>>
      %dma_wait3A_570 = arith.constant 0 : i32
      %dma_wait3A_571 = arith.constant 0 : i32
      %dma_wait3A_572 = tpu.memref_slice %arg2[%dma_wait3A_570, %dma_wait3A_571] : memref<10000x128xf32, #tpu.memory_space<hbm>> -> memref<10000x128xf32, #tpu.memory_space<hbm>>
      tpu.wait_indirect_dma semaphore(%arg11 : memref<!tpu.dma_semaphore, #tpu.memory_space<semaphore_mem>>) src(%dma_wait3A_572 : memref<10000x128xf32, #tpu.memory_space<hbm>>) dst(%dma_wait3A_566 : memref<96x128xf32, #tpu.memory_space<vmem>>)
      %dma_start3A_573 = arith.constant 1 : i32
      %dma_start3A_574 = arith.constant 2 : i32
      %dma_start3A_575 = arith.constant 2 : i32
      %dma_start3A_576 = arith.constant 2 : i32
      %dma_start3A_577 = arith.constant 0 : i32
      %dma_start3A_578 = arith.constant 0 : i32
      %dma_start3A_579 = tpu.memref_slice %arg7[%dma_start3A_576, %dma_start3A_577, %dma_start3A_578] : memref<3x96x128xf32, #tpu.memory_space<vmem>> -> memref<1x96x128xf32, #tpu.memory_space<vmem>>
      %dma_start3A_580 = tpu.memref_squeeze %dma_start3A_579 : memref<1x96x128xf32, #tpu.memory_space<vmem>> -> memref<96x128xf32, #tpu.memory_space<vmem>>
      %dma_start3A_581 = arith.constant 0 : i32
      %dma_start3A_582 = tpu.memref_slice %arg8[%dma_start3A_573, %dma_start3A_574, %dma_start3A_575, %dma_start3A_581] : memref<2x3x3x96xi32, #tpu.memory_space<vmem>> -> memref<1x1x1x96xi32, #tpu.memory_space<vmem>>
      %dma_start3A_583 = tpu.memref_squeeze %dma_start3A_582 : memref<1x1x1x96xi32, #tpu.memory_space<vmem>> -> memref<96xi32, #tpu.memory_space<vmem>>
      %dma_start3A_584 = arith.constant 0 : i32
      %dma_start3A_585 = arith.constant 0 : i32
      %dma_start3A_586 = tpu.memref_slice %arg3[%dma_start3A_584, %dma_start3A_585] : memref<10000x128xf32, #tpu.memory_space<hbm>> -> memref<10000x128xf32, #tpu.memory_space<hbm>>
      tpu.enqueue_indirect_dma source(%dma_start3A_586 : memref<10000x128xf32, #tpu.memory_space<hbm>>) target(%dma_start3A_580 : memref<96x128xf32, #tpu.memory_space<vmem>>) offsets(%dma_start3A_583 : memref<96xi32, #tpu.memory_space<vmem>>) semaphore(%arg14 : memref<!tpu.dma_semaphore, #tpu.memory_space<semaphore_mem>>) {add = true}
      %dma_wait3A_587 = arith.constant 1 : i32
      %dma_wait3A_588 = arith.constant 0 : i32
      %dma_wait3A_589 = arith.constant 2 : i32
      %dma_wait3A_590 = arith.constant 0 : i32
      %dma_wait3A_591 = arith.constant 0 : i32
      %dma_wait3A_592 = arith.constant 0 : i32
      %dma_wait3A_593 = tpu.memref_slice %arg7[%dma_wait3A_590, %dma_wait3A_591, %dma_wait3A_592] : memref<3x96x128xf32, #tpu.memory_space<vmem>> -> memref<1x96x128xf32, #tpu.memory_space<vmem>>
      %dma_wait3A_594 = tpu.memref_squeeze %dma_wait3A_593 : memref<1x96x128xf32, #tpu.memory_space<vmem>> -> memref<96x128xf32, #tpu.memory_space<vmem>>
      %dma_wait3A_595 = arith.constant 0 : i32
      %dma_wait3A_596 = tpu.memref_slice %arg8[%dma_wait3A_587, %dma_wait3A_588, %dma_wait3A_589, %dma_wait3A_595] : memref<2x3x3x96xi32, #tpu.memory_space<vmem>> -> memref<1x1x1x96xi32, #tpu.memory_space<vmem>>
      %dma_wait3A_597 = tpu.memref_squeeze %dma_wait3A_596 : memref<1x1x1x96xi32, #tpu.memory_space<vmem>> -> memref<96xi32, #tpu.memory_space<vmem>>
      %dma_wait3A_598 = arith.constant 0 : i32
      %dma_wait3A_599 = arith.constant 0 : i32
      %dma_wait3A_600 = tpu.memref_slice %arg3[%dma_wait3A_598, %dma_wait3A_599] : memref<10000x128xf32, #tpu.memory_space<hbm>> -> memref<10000x128xf32, #tpu.memory_space<hbm>>
      tpu.wait_indirect_dma semaphore(%arg12 : memref<!tpu.dma_semaphore, #tpu.memory_space<semaphore_mem>>) src(%dma_wait3A_600 : memref<10000x128xf32, #tpu.memory_space<hbm>>) dst(%dma_wait3A_594 : memref<96x128xf32, #tpu.memory_space<vmem>>)
      %scan3A_601 = arith.constant 0 : i32
      %scan3A_602 = arith.constant 0 : i32
      %scan3A_603 = arith.constant 96 : i32
      %scan3A_604 = arith.addi %scan3A_602, %scan3A_603 : i32
      %scan3A_605 = arith.constant 1 : i32
      scf.for %scan3A_989 = %scan3A_602 to %scan3A_604 step %scan3A_605  : i32 {
        %get3A = arith.constant 0 : i32
        %get3A_990 = arith.index_cast %get3A : i32 to index
        %get3A_991 = arith.index_cast %scan3A_989 : i32 to index
        %get3A_992 = arith.constant 0 : index
        %get3A_993 = tpu.vector_load %arg7[%get3A_990, %get3A_991, %get3A_992] {strides = array<i32>} : memref<3x96x128xf32, #tpu.memory_space<vmem>>, vector<1x1x16xf32>,
        %get3A_994 = vector.shape_cast %get3A_993 : vector<1x1x16xf32> to vector<16xf32>
        %max3A = arith.constant 0.000000e+00 : f32
        %max3A_995 = vector.broadcast %max3A : f32 to vector<16xf32>
        %max3A_996 = arith.maximumf %get3A_994, %max3A_995 : vector<16xf32>
        %swap3A = arith.constant 0 : i32
        %swap3A_997 = arith.index_cast %swap3A : i32 to index
        %swap3A_998 = arith.index_cast %scan3A_989 : i32 to index
        %swap3A_999 = arith.constant 0 : index
        %swap3A_1000 = tpu.vector_load %arg7[%swap3A_997, %swap3A_998, %swap3A_999] {strides = array<i32>} : memref<3x96x128xf32, #tpu.memory_space<vmem>>, vector<1x1x16xf32>,
        %swap3A_1001 = vector.shape_cast %swap3A_1000 : vector<1x1x16xf32> to vector<16xf32>
        %swap3A_1002 = vector.shape_cast %max3A_996 : vector<16xf32> to vector<1x1x16xf32>
        tpu.vector_store %arg7[%swap3A_997, %swap3A_998, %swap3A_999], %swap3A_1002 {strides = array<i32>} : memref<3x96x128xf32, #tpu.memory_space<vmem>>, vector<1x1x16xf32>,
        %get3A_1003 = arith.constant 0 : i32
        %get3A_1004 = arith.index_cast %get3A_1003 : i32 to index
        %get3A_1005 = arith.index_cast %scan3A_989 : i32 to index
        %get3A_1006 = arith.constant 16 : index
        %get3A_1007 = tpu.vector_load %arg7[%get3A_1004, %get3A_1005, %get3A_1006] {strides = array<i32>} : memref<3x96x128xf32, #tpu.memory_space<vmem>>, vector<1x1x16xf32>,
        %get3A_1008 = vector.shape_cast %get3A_1007 : vector<1x1x16xf32> to vector<16xf32>
        %max3A_1009 = arith.constant 0.000000e+00 : f32
        %max3A_1010 = vector.broadcast %max3A_1009 : f32 to vector<16xf32>
        %max3A_1011 = arith.maximumf %get3A_1008, %max3A_1010 : vector<16xf32>
        %swap3A_1012 = arith.constant 0 : i32
        %swap3A_1013 = arith.index_cast %swap3A_1012 : i32 to index
        %swap3A_1014 = arith.index_cast %scan3A_989 : i32 to index
        %swap3A_1015 = arith.constant 16 : index
        %swap3A_1016 = tpu.vector_load %arg7[%swap3A_1013, %swap3A_1014, %swap3A_1015] {strides = array<i32>} : memref<3x96x128xf32, #tpu.memory_space<vmem>>, vector<1x1x16xf32>,
        %swap3A_1017 = vector.shape_cast %swap3A_1016 : vector<1x1x16xf32> to vector<16xf32>
        %swap3A_1018 = vector.shape_cast %max3A_1011 : vector<16xf32> to vector<1x1x16xf32>
        tpu.vector_store %arg7[%swap3A_1013, %swap3A_1014, %swap3A_1015], %swap3A_1018 {strides = array<i32>} : memref<3x96x128xf32, #tpu.memory_space<vmem>>, vector<1x1x16xf32>,
        %get3A_1019 = arith.constant 0 : i32
        %get3A_1020 = arith.index_cast %get3A_1019 : i32 to index
        %get3A_1021 = arith.index_cast %scan3A_989 : i32 to index
        %get3A_1022 = arith.constant 32 : index
        %get3A_1023 = tpu.vector_load %arg7[%get3A_1020, %get3A_1021, %get3A_1022] {strides = array<i32>} : memref<3x96x128xf32, #tpu.memory_space<vmem>>, vector<1x1x16xf32>,
        %get3A_1024 = vector.shape_cast %get3A_1023 : vector<1x1x16xf32> to vector<16xf32>
        %max3A_1025 = arith.constant 0.000000e+00 : f32
        %max3A_1026 = vector.broadcast %max3A_1025 : f32 to vector<16xf32>
        %max3A_1027 = arith.maximumf %get3A_1024, %max3A_1026 : vector<16xf32>
        %swap3A_1028 = arith.constant 0 : i32
        %swap3A_1029 = arith.index_cast %swap3A_1028 : i32 to index
        %swap3A_1030 = arith.index_cast %scan3A_989 : i32 to index
        %swap3A_1031 = arith.constant 32 : index
        %swap3A_1032 = tpu.vector_load %arg7[%swap3A_1029, %swap3A_1030, %swap3A_1031] {strides = array<i32>} : memref<3x96x128xf32, #tpu.memory_space<vmem>>, vector<1x1x16xf32>,
        %swap3A_1033 = vector.shape_cast %swap3A_1032 : vector<1x1x16xf32> to vector<16xf32>
        %swap3A_1034 = vector.shape_cast %max3A_1027 : vector<16xf32> to vector<1x1x16xf32>
        tpu.vector_store %arg7[%swap3A_1029, %swap3A_1030, %swap3A_1031], %swap3A_1034 {strides = array<i32>} : memref<3x96x128xf32, #tpu.memory_space<vmem>>, vector<1x1x16xf32>,
        %get3A_1035 = arith.constant 0 : i32
        %get3A_1036 = arith.index_cast %get3A_1035 : i32 to index
        %get3A_1037 = arith.index_cast %scan3A_989 : i32 to index
        %get3A_1038 = arith.constant 48 : index
        %get3A_1039 = tpu.vector_load %arg7[%get3A_1036, %get3A_1037, %get3A_1038] {strides = array<i32>} : memref<3x96x128xf32, #tpu.memory_space<vmem>>, vector<1x1x16xf32>,
        %get3A_1040 = vector.shape_cast %get3A_1039 : vector<1x1x16xf32> to vector<16xf32>
        %max3A_1041 = arith.constant 0.000000e+00 : f32
        %max3A_1042 = vector.broadcast %max3A_1041 : f32 to vector<16xf32>
        %max3A_1043 = arith.maximumf %get3A_1040, %max3A_1042 : vector<16xf32>
        %swap3A_1044 = arith.constant 0 : i32
        %swap3A_1045 = arith.index_cast %swap3A_1044 : i32 to index
        %swap3A_1046 = arith.index_cast %scan3A_989 : i32 to index
        %swap3A_1047 = arith.constant 48 : index
        %swap3A_1048 = tpu.vector_load %arg7[%swap3A_1045, %swap3A_1046, %swap3A_1047] {strides = array<i32>} : memref<3x96x128xf32, #tpu.memory_space<vmem>>, vector<1x1x16xf32>,
        %swap3A_1049 = vector.shape_cast %swap3A_1048 : vector<1x1x16xf32> to vector<16xf32>
        %swap3A_1050 = vector.shape_cast %max3A_1043 : vector<16xf32> to vector<1x1x16xf32>
        tpu.vector_store %arg7[%swap3A_1045, %swap3A_1046, %swap3A_1047], %swap3A_1050 {strides = array<i32>} : memref<3x96x128xf32, #tpu.memory_space<vmem>>, vector<1x1x16xf32>,
        %get3A_1051 = arith.constant 0 : i32
        %get3A_1052 = arith.index_cast %get3A_1051 : i32 to index
        %get3A_1053 = arith.index_cast %scan3A_989 : i32 to index
        %get3A_1054 = arith.constant 64 : index
        %get3A_1055 = tpu.vector_load %arg7[%get3A_1052, %get3A_1053, %get3A_1054] {strides = array<i32>} : memref<3x96x128xf32, #tpu.memory_space<vmem>>, vector<1x1x16xf32>,
        %get3A_1056 = vector.shape_cast %get3A_1055 : vector<1x1x16xf32> to vector<16xf32>
        %max3A_1057 = arith.constant 0.000000e+00 : f32
        %max3A_1058 = vector.broadcast %max3A_1057 : f32 to vector<16xf32>
        %max3A_1059 = arith.maximumf %get3A_1056, %max3A_1058 : vector<16xf32>
        %swap3A_1060 = arith.constant 0 : i32
        %swap3A_1061 = arith.index_cast %swap3A_1060 : i32 to index
        %swap3A_1062 = arith.index_cast %scan3A_989 : i32 to index
        %swap3A_1063 = arith.constant 64 : index
        %swap3A_1064 = tpu.vector_load %arg7[%swap3A_1061, %swap3A_1062, %swap3A_1063] {strides = array<i32>} : memref<3x96x128xf32, #tpu.memory_space<vmem>>, vector<1x1x16xf32>,
        %swap3A_1065 = vector.shape_cast %swap3A_1064 : vector<1x1x16xf32> to vector<16xf32>
        %swap3A_1066 = vector.shape_cast %max3A_1059 : vector<16xf32> to vector<1x1x16xf32>
        tpu.vector_store %arg7[%swap3A_1061, %swap3A_1062, %swap3A_1063], %swap3A_1066 {strides = array<i32>} : memref<3x96x128xf32, #tpu.memory_space<vmem>>, vector<1x1x16xf32>,
        %get3A_1067 = arith.constant 0 : i32
        %get3A_1068 = arith.index_cast %get3A_1067 : i32 to index
        %get3A_1069 = arith.index_cast %scan3A_989 : i32 to index
        %get3A_1070 = arith.constant 80 : index
        %get3A_1071 = tpu.vector_load %arg7[%get3A_1068, %get3A_1069, %get3A_1070] {strides = array<i32>} : memref<3x96x128xf32, #tpu.memory_space<vmem>>, vector<1x1x16xf32>,
        %get3A_1072 = vector.shape_cast %get3A_1071 : vector<1x1x16xf32> to vector<16xf32>
        %max3A_1073 = arith.constant 0.000000e+00 : f32
        %max3A_1074 = vector.broadcast %max3A_1073 : f32 to vector<16xf32>
        %max3A_1075 = arith.maximumf %get3A_1072, %max3A_1074 : vector<16xf32>
        %swap3A_1076 = arith.constant 0 : i32
        %swap3A_1077 = arith.index_cast %swap3A_1076 : i32 to index
        %swap3A_1078 = arith.index_cast %scan3A_989 : i32 to index
        %swap3A_1079 = arith.constant 80 : index
        %swap3A_1080 = tpu.vector_load %arg7[%swap3A_1077, %swap3A_1078, %swap3A_1079] {strides = array<i32>} : memref<3x96x128xf32, #tpu.memory_space<vmem>>, vector<1x1x16xf32>,
        %swap3A_1081 = vector.shape_cast %swap3A_1080 : vector<1x1x16xf32> to vector<16xf32>
        %swap3A_1082 = vector.shape_cast %max3A_1075 : vector<16xf32> to vector<1x1x16xf32>
        tpu.vector_store %arg7[%swap3A_1077, %swap3A_1078, %swap3A_1079], %swap3A_1082 {strides = array<i32>} : memref<3x96x128xf32, #tpu.memory_space<vmem>>, vector<1x1x16xf32>,
        %get3A_1083 = arith.constant 0 : i32
        %get3A_1084 = arith.index_cast %get3A_1083 : i32 to index
        %get3A_1085 = arith.index_cast %scan3A_989 : i32 to index
        %get3A_1086 = arith.constant 96 : index
        %get3A_1087 = tpu.vector_load %arg7[%get3A_1084, %get3A_1085, %get3A_1086] {strides = array<i32>} : memref<3x96x128xf32, #tpu.memory_space<vmem>>, vector<1x1x16xf32>,
        %get3A_1088 = vector.shape_cast %get3A_1087 : vector<1x1x16xf32> to vector<16xf32>
        %max3A_1089 = arith.constant 0.000000e+00 : f32
        %max3A_1090 = vector.broadcast %max3A_1089 : f32 to vector<16xf32>
        %max3A_1091 = arith.maximumf %get3A_1088, %max3A_1090 : vector<16xf32>
        %swap3A_1092 = arith.constant 0 : i32
        %swap3A_1093 = arith.index_cast %swap3A_1092 : i32 to index
        %swap3A_1094 = arith.index_cast %scan3A_989 : i32 to index
        %swap3A_1095 = arith.constant 96 : index
        %swap3A_1096 = tpu.vector_load %arg7[%swap3A_1093, %swap3A_1094, %swap3A_1095] {strides = array<i32>} : memref<3x96x128xf32, #tpu.memory_space<vmem>>, vector<1x1x16xf32>,
        %swap3A_1097 = vector.shape_cast %swap3A_1096 : vector<1x1x16xf32> to vector<16xf32>
        %swap3A_1098 = vector.shape_cast %max3A_1091 : vector<16xf32> to vector<1x1x16xf32>
        tpu.vector_store %arg7[%swap3A_1093, %swap3A_1094, %swap3A_1095], %swap3A_1098 {strides = array<i32>} : memref<3x96x128xf32, #tpu.memory_space<vmem>>, vector<1x1x16xf32>,
        %get3A_1099 = arith.constant 0 : i32
        %get3A_1100 = arith.index_cast %get3A_1099 : i32 to index
        %get3A_1101 = arith.index_cast %scan3A_989 : i32 to index
        %get3A_1102 = arith.constant 112 : index
        %get3A_1103 = tpu.vector_load %arg7[%get3A_1100, %get3A_1101, %get3A_1102] {strides = array<i32>} : memref<3x96x128xf32, #tpu.memory_space<vmem>>, vector<1x1x16xf32>,
        %get3A_1104 = vector.shape_cast %get3A_1103 : vector<1x1x16xf32> to vector<16xf32>
        %max3A_1105 = arith.constant 0.000000e+00 : f32
        %max3A_1106 = vector.broadcast %max3A_1105 : f32 to vector<16xf32>
        %max3A_1107 = arith.maximumf %get3A_1104, %max3A_1106 : vector<16xf32>
        %swap3A_1108 = arith.constant 0 : i32
        %swap3A_1109 = arith.index_cast %swap3A_1108 : i32 to index
        %swap3A_1110 = arith.index_cast %scan3A_989 : i32 to index
        %swap3A_1111 = arith.constant 112 : index
        %swap3A_1112 = tpu.vector_load %arg7[%swap3A_1109, %swap3A_1110, %swap3A_1111] {strides = array<i32>} : memref<3x96x128xf32, #tpu.memory_space<vmem>>, vector<1x1x16xf32>,
        %swap3A_1113 = vector.shape_cast %swap3A_1112 : vector<1x1x16xf32> to vector<16xf32>
        %swap3A_1114 = vector.shape_cast %max3A_1107 : vector<16xf32> to vector<1x1x16xf32>
        tpu.vector_store %arg7[%swap3A_1109, %swap3A_1110, %swap3A_1111], %swap3A_1114 {strides = array<i32>} : memref<3x96x128xf32, #tpu.memory_space<vmem>>, vector<1x1x16xf32>,
      }
      %scan3A_606 = arith.constant 96 : i32
      %dma_start3A_607 = arith.constant 0 : i32
      %dma_start3A_608 = arith.constant 1 : i32
      %dma_start3A_609 = arith.constant 0 : i32
      %dma_start3A_610 = arith.constant 1 : i32
      %dma_start3A_611 = arith.constant 0 : i32
      %dma_start3A_612 = arith.constant 0 : i32
      %dma_start3A_613 = tpu.memref_slice %arg7[%dma_start3A_607, %dma_start3A_611, %dma_start3A_612] : memref<3x96x128xf32, #tpu.memory_space<vmem>> -> memref<1x96x128xf32, #tpu.memory_space<vmem>>
      %dma_start3A_614 = tpu.memref_squeeze %dma_start3A_613 : memref<1x96x128xf32, #tpu.memory_space<vmem>> -> memref<96x128xf32, #tpu.memory_space<vmem>>
      %dma_start3A_615 = arith.constant 0 : i32
      %dma_start3A_616 = tpu.memref_slice %arg8[%dma_start3A_608, %dma_start3A_609, %dma_start3A_610, %dma_start3A_615] : memref<2x3x3x96xi32, #tpu.memory_space<vmem>> -> memref<1x1x1x96xi32, #tpu.memory_space<vmem>>
      %dma_start3A_617 = tpu.memref_squeeze %dma_start3A_616 : memref<1x1x1x96xi32, #tpu.memory_space<vmem>> -> memref<96xi32, #tpu.memory_space<vmem>>
      %dma_start3A_618 = arith.constant 0 : i32
      %dma_start3A_619 = arith.constant 0 : i32
      %dma_start3A_620 = tpu.memref_slice %arg6[%dma_start3A_618, %dma_start3A_619] : memref<10112x128xf32, #tpu.memory_space<vmem_shared>> -> memref<10112x128xf32, #tpu.memory_space<vmem_shared>>
      tpu.enqueue_indirect_dma source(%dma_start3A_614 : memref<96x128xf32, #tpu.memory_space<vmem>>) target(%dma_start3A_620 : memref<10112x128xf32, #tpu.memory_space<vmem_shared>>) offsets(%dma_start3A_617 : memref<96xi32, #tpu.memory_space<vmem>>) semaphore(%arg15 : memref<!tpu.dma_semaphore, #tpu.memory_space<semaphore_mem>>) {add = true}
      %dma_wait3A_621 = arith.constant 1 : i32
      %dma_wait3A_622 = arith.constant 1 : i32
      %dma_wait3A_623 = arith.constant 2 : i32
      %dma_wait3A_624 = arith.constant 1 : i32
      %dma_wait3A_625 = arith.constant 0 : i32
      %dma_wait3A_626 = arith.constant 0 : i32
      %dma_wait3A_627 = tpu.memref_slice %arg7[%dma_wait3A_624, %dma_wait3A_625, %dma_wait3A_626] : memref<3x96x128xf32, #tpu.memory_space<vmem>> -> memref<1x96x128xf32, #tpu.memory_space<vmem>>
      %dma_wait3A_628 = tpu.memref_squeeze %dma_wait3A_627 : memref<1x96x128xf32, #tpu.memory_space<vmem>> -> memref<96x128xf32, #tpu.memory_space<vmem>>
      %dma_wait3A_629 = arith.constant 0 : i32
      %dma_wait3A_630 = tpu.memref_slice %arg8[%dma_wait3A_621, %dma_wait3A_622, %dma_wait3A_623, %dma_wait3A_629] : memref<2x3x3x96xi32, #tpu.memory_space<vmem>> -> memref<1x1x1x96xi32, #tpu.memory_space<vmem>>
      %dma_wait3A_631 = tpu.memref_squeeze %dma_wait3A_630 : memref<1x1x1x96xi32, #tpu.memory_space<vmem>> -> memref<96xi32, #tpu.memory_space<vmem>>
      %dma_wait3A_632 = arith.constant 0 : i32
      %dma_wait3A_633 = arith.constant 0 : i32
      %dma_wait3A_634 = tpu.memref_slice %arg3[%dma_wait3A_632, %dma_wait3A_633] : memref<10000x128xf32, #tpu.memory_space<hbm>> -> memref<10000x128xf32, #tpu.memory_space<hbm>>
      tpu.wait_indirect_dma semaphore(%arg13 : memref<!tpu.dma_semaphore, #tpu.memory_space<semaphore_mem>>) src(%dma_wait3A_634 : memref<10000x128xf32, #tpu.memory_space<hbm>>) dst(%dma_wait3A_628 : memref<96x128xf32, #tpu.memory_space<vmem>>)
      %scan3A_635 = arith.constant 0 : i32
      %scan3A_636 = arith.constant 0 : i32
      %scan3A_637 = arith.constant 96 : i32
      %scan3A_638 = arith.addi %scan3A_636, %scan3A_637 : i32
      %scan3A_639 = arith.constant 1 : i32
      scf.for %scan3A_989 = %scan3A_636 to %scan3A_638 step %scan3A_639  : i32 {
        %get3A = arith.constant 1 : i32
        %get3A_990 = arith.index_cast %get3A : i32 to index
        %get3A_991 = arith.index_cast %scan3A_989 : i32 to index
        %get3A_992 = arith.constant 0 : index
        %get3A_993 = tpu.vector_load %arg7[%get3A_990, %get3A_991, %get3A_992] {strides = array<i32>} : memref<3x96x128xf32, #tpu.memory_space<vmem>>, vector<1x1x16xf32>,
        %get3A_994 = vector.shape_cast %get3A_993 : vector<1x1x16xf32> to vector<16xf32>
        %max3A = arith.constant 0.000000e+00 : f32
        %max3A_995 = vector.broadcast %max3A : f32 to vector<16xf32>
        %max3A_996 = arith.maximumf %get3A_994, %max3A_995 : vector<16xf32>
        %swap3A = arith.constant 1 : i32
        %swap3A_997 = arith.index_cast %swap3A : i32 to index
        %swap3A_998 = arith.index_cast %scan3A_989 : i32 to index
        %swap3A_999 = arith.constant 0 : index
        %swap3A_1000 = tpu.vector_load %arg7[%swap3A_997, %swap3A_998, %swap3A_999] {strides = array<i32>} : memref<3x96x128xf32, #tpu.memory_space<vmem>>, vector<1x1x16xf32>,
        %swap3A_1001 = vector.shape_cast %swap3A_1000 : vector<1x1x16xf32> to vector<16xf32>
        %swap3A_1002 = vector.shape_cast %max3A_996 : vector<16xf32> to vector<1x1x16xf32>
        tpu.vector_store %arg7[%swap3A_997, %swap3A_998, %swap3A_999], %swap3A_1002 {strides = array<i32>} : memref<3x96x128xf32, #tpu.memory_space<vmem>>, vector<1x1x16xf32>,
        %get3A_1003 = arith.constant 1 : i32
        %get3A_1004 = arith.index_cast %get3A_1003 : i32 to index
        %get3A_1005 = arith.index_cast %scan3A_989 : i32 to index
        %get3A_1006 = arith.constant 16 : index
        %get3A_1007 = tpu.vector_load %arg7[%get3A_1004, %get3A_1005, %get3A_1006] {strides = array<i32>} : memref<3x96x128xf32, #tpu.memory_space<vmem>>, vector<1x1x16xf32>,
        %get3A_1008 = vector.shape_cast %get3A_1007 : vector<1x1x16xf32> to vector<16xf32>
        %max3A_1009 = arith.constant 0.000000e+00 : f32
        %max3A_1010 = vector.broadcast %max3A_1009 : f32 to vector<16xf32>
        %max3A_1011 = arith.maximumf %get3A_1008, %max3A_1010 : vector<16xf32>
        %swap3A_1012 = arith.constant 1 : i32
        %swap3A_1013 = arith.index_cast %swap3A_1012 : i32 to index
        %swap3A_1014 = arith.index_cast %scan3A_989 : i32 to index
        %swap3A_1015 = arith.constant 16 : index
        %swap3A_1016 = tpu.vector_load %arg7[%swap3A_1013, %swap3A_1014, %swap3A_1015] {strides = array<i32>} : memref<3x96x128xf32, #tpu.memory_space<vmem>>, vector<1x1x16xf32>,
        %swap3A_1017 = vector.shape_cast %swap3A_1016 : vector<1x1x16xf32> to vector<16xf32>
        %swap3A_1018 = vector.shape_cast %max3A_1011 : vector<16xf32> to vector<1x1x16xf32>
        tpu.vector_store %arg7[%swap3A_1013, %swap3A_1014, %swap3A_1015], %swap3A_1018 {strides = array<i32>} : memref<3x96x128xf32, #tpu.memory_space<vmem>>, vector<1x1x16xf32>,
        %get3A_1019 = arith.constant 1 : i32
        %get3A_1020 = arith.index_cast %get3A_1019 : i32 to index
        %get3A_1021 = arith.index_cast %scan3A_989 : i32 to index
        %get3A_1022 = arith.constant 32 : index
        %get3A_1023 = tpu.vector_load %arg7[%get3A_1020, %get3A_1021, %get3A_1022] {strides = array<i32>} : memref<3x96x128xf32, #tpu.memory_space<vmem>>, vector<1x1x16xf32>,
        %get3A_1024 = vector.shape_cast %get3A_1023 : vector<1x1x16xf32> to vector<16xf32>
        %max3A_1025 = arith.constant 0.000000e+00 : f32
        %max3A_1026 = vector.broadcast %max3A_1025 : f32 to vector<16xf32>
        %max3A_1027 = arith.maximumf %get3A_1024, %max3A_1026 : vector<16xf32>
        %swap3A_1028 = arith.constant 1 : i32
        %swap3A_1029 = arith.index_cast %swap3A_1028 : i32 to index
        %swap3A_1030 = arith.index_cast %scan3A_989 : i32 to index
        %swap3A_1031 = arith.constant 32 : index
        %swap3A_1032 = tpu.vector_load %arg7[%swap3A_1029, %swap3A_1030, %swap3A_1031] {strides = array<i32>} : memref<3x96x128xf32, #tpu.memory_space<vmem>>, vector<1x1x16xf32>,
        %swap3A_1033 = vector.shape_cast %swap3A_1032 : vector<1x1x16xf32> to vector<16xf32>
        %swap3A_1034 = vector.shape_cast %max3A_1027 : vector<16xf32> to vector<1x1x16xf32>
        tpu.vector_store %arg7[%swap3A_1029, %swap3A_1030, %swap3A_1031], %swap3A_1034 {strides = array<i32>} : memref<3x96x128xf32, #tpu.memory_space<vmem>>, vector<1x1x16xf32>,
        %get3A_1035 = arith.constant 1 : i32
        %get3A_1036 = arith.index_cast %get3A_1035 : i32 to index
        %get3A_1037 = arith.index_cast %scan3A_989 : i32 to index
        %get3A_1038 = arith.constant 48 : index
        %get3A_1039 = tpu.vector_load %arg7[%get3A_1036, %get3A_1037, %get3A_1038] {strides = array<i32>} : memref<3x96x128xf32, #tpu.memory_space<vmem>>, vector<1x1x16xf32>,
        %get3A_1040 = vector.shape_cast %get3A_1039 : vector<1x1x16xf32> to vector<16xf32>
        %max3A_1041 = arith.constant 0.000000e+00 : f32
        %max3A_1042 = vector.broadcast %max3A_1041 : f32 to vector<16xf32>
        %max3A_1043 = arith.maximumf %get3A_1040, %max3A_1042 : vector<16xf32>
        %swap3A_1044 = arith.constant 1 : i32
        %swap3A_1045 = arith.index_cast %swap3A_1044 : i32 to index
        %swap3A_1046 = arith.index_cast %scan3A_989 : i32 to index
        %swap3A_1047 = arith.constant 48 : index
        %swap3A_1048 = tpu.vector_load %arg7[%swap3A_1045, %swap3A_1046, %swap3A_1047] {strides = array<i32>} : memref<3x96x128xf32, #tpu.memory_space<vmem>>, vector<1x1x16xf32>,
        %swap3A_1049 = vector.shape_cast %swap3A_1048 : vector<1x1x16xf32> to vector<16xf32>
        %swap3A_1050 = vector.shape_cast %max3A_1043 : vector<16xf32> to vector<1x1x16xf32>
        tpu.vector_store %arg7[%swap3A_1045, %swap3A_1046, %swap3A_1047], %swap3A_1050 {strides = array<i32>} : memref<3x96x128xf32, #tpu.memory_space<vmem>>, vector<1x1x16xf32>,
        %get3A_1051 = arith.constant 1 : i32
        %get3A_1052 = arith.index_cast %get3A_1051 : i32 to index
        %get3A_1053 = arith.index_cast %scan3A_989 : i32 to index
        %get3A_1054 = arith.constant 64 : index
        %get3A_1055 = tpu.vector_load %arg7[%get3A_1052, %get3A_1053, %get3A_1054] {strides = array<i32>} : memref<3x96x128xf32, #tpu.memory_space<vmem>>, vector<1x1x16xf32>,
        %get3A_1056 = vector.shape_cast %get3A_1055 : vector<1x1x16xf32> to vector<16xf32>
        %max3A_1057 = arith.constant 0.000000e+00 : f32
        %max3A_1058 = vector.broadcast %max3A_1057 : f32 to vector<16xf32>
        %max3A_1059 = arith.maximumf %get3A_1056, %max3A_1058 : vector<16xf32>
        %swap3A_1060 = arith.constant 1 : i32
        %swap3A_1061 = arith.index_cast %swap3A_1060 : i32 to index
        %swap3A_1062 = arith.index_cast %scan3A_989 : i32 to index
        %swap3A_1063 = arith.constant 64 : index
        %swap3A_1064 = tpu.vector_load %arg7[%swap3A_1061, %swap3A_1062, %swap3A_1063] {strides = array<i32>} : memref<3x96x128xf32, #tpu.memory_space<vmem>>, vector<1x1x16xf32>,
        %swap3A_1065 = vector.shape_cast %swap3A_1064 : vector<1x1x16xf32> to vector<16xf32>
        %swap3A_1066 = vector.shape_cast %max3A_1059 : vector<16xf32> to vector<1x1x16xf32>
        tpu.vector_store %arg7[%swap3A_1061, %swap3A_1062, %swap3A_1063], %swap3A_1066 {strides = array<i32>} : memref<3x96x128xf32, #tpu.memory_space<vmem>>, vector<1x1x16xf32>,
        %get3A_1067 = arith.constant 1 : i32
        %get3A_1068 = arith.index_cast %get3A_1067 : i32 to index
        %get3A_1069 = arith.index_cast %scan3A_989 : i32 to index
        %get3A_1070 = arith.constant 80 : index
        %get3A_1071 = tpu.vector_load %arg7[%get3A_1068, %get3A_1069, %get3A_1070] {strides = array<i32>} : memref<3x96x128xf32, #tpu.memory_space<vmem>>, vector<1x1x16xf32>,
        %get3A_1072 = vector.shape_cast %get3A_1071 : vector<1x1x16xf32> to vector<16xf32>
        %max3A_1073 = arith.constant 0.000000e+00 : f32
        %max3A_1074 = vector.broadcast %max3A_1073 : f32 to vector<16xf32>
        %max3A_1075 = arith.maximumf %get3A_1072, %max3A_1074 : vector<16xf32>
        %swap3A_1076 = arith.constant 1 : i32
        %swap3A_1077 = arith.index_cast %swap3A_1076 : i32 to index
        %swap3A_1078 = arith.index_cast %scan3A_989 : i32 to index
        %swap3A_1079 = arith.constant 80 : index
        %swap3A_1080 = tpu.vector_load %arg7[%swap3A_1077, %swap3A_1078, %swap3A_1079] {strides = array<i32>} : memref<3x96x128xf32, #tpu.memory_space<vmem>>, vector<1x1x16xf32>,
        %swap3A_1081 = vector.shape_cast %swap3A_1080 : vector<1x1x16xf32> to vector<16xf32>
        %swap3A_1082 = vector.shape_cast %max3A_1075 : vector<16xf32> to vector<1x1x16xf32>
        tpu.vector_store %arg7[%swap3A_1077, %swap3A_1078, %swap3A_1079], %swap3A_1082 {strides = array<i32>} : memref<3x96x128xf32, #tpu.memory_space<vmem>>, vector<1x1x16xf32>,
        %get3A_1083 = arith.constant 1 : i32
        %get3A_1084 = arith.index_cast %get3A_1083 : i32 to index
        %get3A_1085 = arith.index_cast %scan3A_989 : i32 to index
        %get3A_1086 = arith.constant 96 : index
        %get3A_1087 = tpu.vector_load %arg7[%get3A_1084, %get3A_1085, %get3A_1086] {strides = array<i32>} : memref<3x96x128xf32, #tpu.memory_space<vmem>>, vector<1x1x16xf32>,
        %get3A_1088 = vector.shape_cast %get3A_1087 : vector<1x1x16xf32> to vector<16xf32>
        %max3A_1089 = arith.constant 0.000000e+00 : f32
        %max3A_1090 = vector.broadcast %max3A_1089 : f32 to vector<16xf32>
        %max3A_1091 = arith.maximumf %get3A_1088, %max3A_1090 : vector<16xf32>
        %swap3A_1092 = arith.constant 1 : i32
        %swap3A_1093 = arith.index_cast %swap3A_1092 : i32 to index
        %swap3A_1094 = arith.index_cast %scan3A_989 : i32 to index
        %swap3A_1095 = arith.constant 96 : index
        %swap3A_1096 = tpu.vector_load %arg7[%swap3A_1093, %swap3A_1094, %swap3A_1095] {strides = array<i32>} : memref<3x96x128xf32, #tpu.memory_space<vmem>>, vector<1x1x16xf32>,
        %swap3A_1097 = vector.shape_cast %swap3A_1096 : vector<1x1x16xf32> to vector<16xf32>
        %swap3A_1098 = vector.shape_cast %max3A_1091 : vector<16xf32> to vector<1x1x16xf32>
        tpu.vector_store %arg7[%swap3A_1093, %swap3A_1094, %swap3A_1095], %swap3A_1098 {strides = array<i32>} : memref<3x96x128xf32, #tpu.memory_space<vmem>>, vector<1x1x16xf32>,
        %get3A_1099 = arith.constant 1 : i32
        %get3A_1100 = arith.index_cast %get3A_1099 : i32 to index
        %get3A_1101 = arith.index_cast %scan3A_989 : i32 to index
        %get3A_1102 = arith.constant 112 : index
        %get3A_1103 = tpu.vector_load %arg7[%get3A_1100, %get3A_1101, %get3A_1102] {strides = array<i32>} : memref<3x96x128xf32, #tpu.memory_space<vmem>>, vector<1x1x16xf32>,
        %get3A_1104 = vector.shape_cast %get3A_1103 : vector<1x1x16xf32> to vector<16xf32>
        %max3A_1105 = arith.constant 0.000000e+00 : f32
        %max3A_1106 = vector.broadcast %max3A_1105 : f32 to vector<16xf32>
        %max3A_1107 = arith.maximumf %get3A_1104, %max3A_1106 : vector<16xf32>
        %swap3A_1108 = arith.constant 1 : i32
        %swap3A_1109 = arith.index_cast %swap3A_1108 : i32 to index
        %swap3A_1110 = arith.index_cast %scan3A_989 : i32 to index
        %swap3A_1111 = arith.constant 112 : index
        %swap3A_1112 = tpu.vector_load %arg7[%swap3A_1109, %swap3A_1110, %swap3A_1111] {strides = array<i32>} : memref<3x96x128xf32, #tpu.memory_space<vmem>>, vector<1x1x16xf32>,
        %swap3A_1113 = vector.shape_cast %swap3A_1112 : vector<1x1x16xf32> to vector<16xf32>
        %swap3A_1114 = vector.shape_cast %max3A_1107 : vector<16xf32> to vector<1x1x16xf32>
        tpu.vector_store %arg7[%swap3A_1109, %swap3A_1110, %swap3A_1111], %swap3A_1114 {strides = array<i32>} : memref<3x96x128xf32, #tpu.memory_space<vmem>>, vector<1x1x16xf32>,
      }
      %scan3A_640 = arith.constant 96 : i32
      %dma_start3A_641 = arith.constant 1 : i32
      %dma_start3A_642 = arith.constant 1 : i32
      %dma_start3A_643 = arith.constant 1 : i32
      %dma_start3A_644 = arith.constant 1 : i32
      %dma_start3A_645 = arith.constant 0 : i32
      %dma_start3A_646 = arith.constant 0 : i32
      %dma_start3A_647 = tpu.memref_slice %arg7[%dma_start3A_641, %dma_start3A_645, %dma_start3A_646] : memref<3x96x128xf32, #tpu.memory_space<vmem>> -> memref<1x96x128xf32, #tpu.memory_space<vmem>>
      %dma_start3A_648 = tpu.memref_squeeze %dma_start3A_647 : memref<1x96x128xf32, #tpu.memory_space<vmem>> -> memref<96x128xf32, #tpu.memory_space<vmem>>
      %dma_start3A_649 = arith.constant 0 : i32
      %dma_start3A_650 = tpu.memref_slice %arg8[%dma_start3A_642, %dma_start3A_643, %dma_start3A_644, %dma_start3A_649] : memref<2x3x3x96xi32, #tpu.memory_space<vmem>> -> memref<1x1x1x96xi32, #tpu.memory_space<vmem>>
      %dma_start3A_651 = tpu.memref_squeeze %dma_start3A_650 : memref<1x1x1x96xi32, #tpu.memory_space<vmem>> -> memref<96xi32, #tpu.memory_space<vmem>>
      %dma_start3A_652 = arith.constant 0 : i32
      %dma_start3A_653 = arith.constant 0 : i32
      %dma_start3A_654 = tpu.memref_slice %arg6[%dma_start3A_652, %dma_start3A_653] : memref<10112x128xf32, #tpu.memory_space<vmem_shared>> -> memref<10112x128xf32, #tpu.memory_space<vmem_shared>>
      tpu.enqueue_indirect_dma source(%dma_start3A_648 : memref<96x128xf32, #tpu.memory_space<vmem>>) target(%dma_start3A_654 : memref<10112x128xf32, #tpu.memory_space<vmem_shared>>) offsets(%dma_start3A_651 : memref<96xi32, #tpu.memory_space<vmem>>) semaphore(%arg16 : memref<!tpu.dma_semaphore, #tpu.memory_space<semaphore_mem>>) {add = true}
      %dma_wait3A_655 = arith.constant 1 : i32
      %dma_wait3A_656 = arith.constant 2 : i32
      %dma_wait3A_657 = arith.constant 2 : i32
      %dma_wait3A_658 = arith.constant 2 : i32
      %dma_wait3A_659 = arith.constant 0 : i32
      %dma_wait3A_660 = arith.constant 0 : i32
      %dma_wait3A_661 = tpu.memref_slice %arg7[%dma_wait3A_658, %dma_wait3A_659, %dma_wait3A_660] : memref<3x96x128xf32, #tpu.memory_space<vmem>> -> memref<1x96x128xf32, #tpu.memory_space<vmem>>
      %dma_wait3A_662 = tpu.memref_squeeze %dma_wait3A_661 : memref<1x96x128xf32, #tpu.memory_space<vmem>> -> memref<96x128xf32, #tpu.memory_space<vmem>>
      %dma_wait3A_663 = arith.constant 0 : i32
      %dma_wait3A_664 = tpu.memref_slice %arg8[%dma_wait3A_655, %dma_wait3A_656, %dma_wait3A_657, %dma_wait3A_663] : memref<2x3x3x96xi32, #tpu.memory_space<vmem>> -> memref<1x1x1x96xi32, #tpu.memory_space<vmem>>
      %dma_wait3A_665 = tpu.memref_squeeze %dma_wait3A_664 : memref<1x1x1x96xi32, #tpu.memory_space<vmem>> -> memref<96xi32, #tpu.memory_space<vmem>>
      %dma_wait3A_666 = arith.constant 0 : i32
      %dma_wait3A_667 = arith.constant 0 : i32
      %dma_wait3A_668 = tpu.memref_slice %arg3[%dma_wait3A_666, %dma_wait3A_667] : memref<10000x128xf32, #tpu.memory_space<hbm>> -> memref<10000x128xf32, #tpu.memory_space<hbm>>
      tpu.wait_indirect_dma semaphore(%arg14 : memref<!tpu.dma_semaphore, #tpu.memory_space<semaphore_mem>>) src(%dma_wait3A_668 : memref<10000x128xf32, #tpu.memory_space<hbm>>) dst(%dma_wait3A_662 : memref<96x128xf32, #tpu.memory_space<vmem>>)
      %scan3A_669 = arith.constant 0 : i32
      %scan3A_670 = arith.constant 0 : i32
      %scan3A_671 = arith.constant 96 : i32
      %scan3A_672 = arith.addi %scan3A_670, %scan3A_671 : i32
      %scan3A_673 = arith.constant 1 : i32
      scf.for %scan3A_989 = %scan3A_670 to %scan3A_672 step %scan3A_673  : i32 {
        %get3A = arith.constant 2 : i32
        %get3A_990 = arith.index_cast %get3A : i32 to index
        %get3A_991 = arith.index_cast %scan3A_989 : i32 to index
        %get3A_992 = arith.constant 0 : index
        %get3A_993 = tpu.vector_load %arg7[%get3A_990, %get3A_991, %get3A_992] {strides = array<i32>} : memref<3x96x128xf32, #tpu.memory_space<vmem>>, vector<1x1x16xf32>,
        %get3A_994 = vector.shape_cast %get3A_993 : vector<1x1x16xf32> to vector<16xf32>
        %max3A = arith.constant 0.000000e+00 : f32
        %max3A_995 = vector.broadcast %max3A : f32 to vector<16xf32>
        %max3A_996 = arith.maximumf %get3A_994, %max3A_995 : vector<16xf32>
        %swap3A = arith.constant 2 : i32
        %swap3A_997 = arith.index_cast %swap3A : i32 to index
        %swap3A_998 = arith.index_cast %scan3A_989 : i32 to index
        %swap3A_999 = arith.constant 0 : index
        %swap3A_1000 = tpu.vector_load %arg7[%swap3A_997, %swap3A_998, %swap3A_999] {strides = array<i32>} : memref<3x96x128xf32, #tpu.memory_space<vmem>>, vector<1x1x16xf32>,
        %swap3A_1001 = vector.shape_cast %swap3A_1000 : vector<1x1x16xf32> to vector<16xf32>
        %swap3A_1002 = vector.shape_cast %max3A_996 : vector<16xf32> to vector<1x1x16xf32>
        tpu.vector_store %arg7[%swap3A_997, %swap3A_998, %swap3A_999], %swap3A_1002 {strides = array<i32>} : memref<3x96x128xf32, #tpu.memory_space<vmem>>, vector<1x1x16xf32>,
        %get3A_1003 = arith.constant 2 : i32
        %get3A_1004 = arith.index_cast %get3A_1003 : i32 to index
        %get3A_1005 = arith.index_cast %scan3A_989 : i32 to index
        %get3A_1006 = arith.constant 16 : index
        %get3A_1007 = tpu.vector_load %arg7[%get3A_1004, %get3A_1005, %get3A_1006] {strides = array<i32>} : memref<3x96x128xf32, #tpu.memory_space<vmem>>, vector<1x1x16xf32>,
        %get3A_1008 = vector.shape_cast %get3A_1007 : vector<1x1x16xf32> to vector<16xf32>
        %max3A_1009 = arith.constant 0.000000e+00 : f32
        %max3A_1010 = vector.broadcast %max3A_1009 : f32 to vector<16xf32>
        %max3A_1011 = arith.maximumf %get3A_1008, %max3A_1010 : vector<16xf32>
        %swap3A_1012 = arith.constant 2 : i32
        %swap3A_1013 = arith.index_cast %swap3A_1012 : i32 to index
        %swap3A_1014 = arith.index_cast %scan3A_989 : i32 to index
        %swap3A_1015 = arith.constant 16 : index
        %swap3A_1016 = tpu.vector_load %arg7[%swap3A_1013, %swap3A_1014, %swap3A_1015] {strides = array<i32>} : memref<3x96x128xf32, #tpu.memory_space<vmem>>, vector<1x1x16xf32>,
        %swap3A_1017 = vector.shape_cast %swap3A_1016 : vector<1x1x16xf32> to vector<16xf32>
        %swap3A_1018 = vector.shape_cast %max3A_1011 : vector<16xf32> to vector<1x1x16xf32>
        tpu.vector_store %arg7[%swap3A_1013, %swap3A_1014, %swap3A_1015], %swap3A_1018 {strides = array<i32>} : memref<3x96x128xf32, #tpu.memory_space<vmem>>, vector<1x1x16xf32>,
        %get3A_1019 = arith.constant 2 : i32
        %get3A_1020 = arith.index_cast %get3A_1019 : i32 to index
        %get3A_1021 = arith.index_cast %scan3A_989 : i32 to index
        %get3A_1022 = arith.constant 32 : index
        %get3A_1023 = tpu.vector_load %arg7[%get3A_1020, %get3A_1021, %get3A_1022] {strides = array<i32>} : memref<3x96x128xf32, #tpu.memory_space<vmem>>, vector<1x1x16xf32>,
        %get3A_1024 = vector.shape_cast %get3A_1023 : vector<1x1x16xf32> to vector<16xf32>
        %max3A_1025 = arith.constant 0.000000e+00 : f32
        %max3A_1026 = vector.broadcast %max3A_1025 : f32 to vector<16xf32>
        %max3A_1027 = arith.maximumf %get3A_1024, %max3A_1026 : vector<16xf32>
        %swap3A_1028 = arith.constant 2 : i32
        %swap3A_1029 = arith.index_cast %swap3A_1028 : i32 to index
        %swap3A_1030 = arith.index_cast %scan3A_989 : i32 to index
        %swap3A_1031 = arith.constant 32 : index
        %swap3A_1032 = tpu.vector_load %arg7[%swap3A_1029, %swap3A_1030, %swap3A_1031] {strides = array<i32>} : memref<3x96x128xf32, #tpu.memory_space<vmem>>, vector<1x1x16xf32>,
        %swap3A_1033 = vector.shape_cast %swap3A_1032 : vector<1x1x16xf32> to vector<16xf32>
        %swap3A_1034 = vector.shape_cast %max3A_1027 : vector<16xf32> to vector<1x1x16xf32>
        tpu.vector_store %arg7[%swap3A_1029, %swap3A_1030, %swap3A_1031], %swap3A_1034 {strides = array<i32>} : memref<3x96x128xf32, #tpu.memory_space<vmem>>, vector<1x1x16xf32>,
        %get3A_1035 = arith.constant 2 : i32
        %get3A_1036 = arith.index_cast %get3A_1035 : i32 to index
        %get3A_1037 = arith.index_cast %scan3A_989 : i32 to index
        %get3A_1038 = arith.constant 48 : index
        %get3A_1039 = tpu.vector_load %arg7[%get3A_1036, %get3A_1037, %get3A_1038] {strides = array<i32>} : memref<3x96x128xf32, #tpu.memory_space<vmem>>, vector<1x1x16xf32>,
        %get3A_1040 = vector.shape_cast %get3A_1039 : vector<1x1x16xf32> to vector<16xf32>
        %max3A_1041 = arith.constant 0.000000e+00 : f32
        %max3A_1042 = vector.broadcast %max3A_1041 : f32 to vector<16xf32>
        %max3A_1043 = arith.maximumf %get3A_1040, %max3A_1042 : vector<16xf32>
        %swap3A_1044 = arith.constant 2 : i32
        %swap3A_1045 = arith.index_cast %swap3A_1044 : i32 to index
        %swap3A_1046 = arith.index_cast %scan3A_989 : i32 to index
        %swap3A_1047 = arith.constant 48 : index
        %swap3A_1048 = tpu.vector_load %arg7[%swap3A_1045, %swap3A_1046, %swap3A_1047] {strides = array<i32>} : memref<3x96x128xf32, #tpu.memory_space<vmem>>, vector<1x1x16xf32>,
        %swap3A_1049 = vector.shape_cast %swap3A_1048 : vector<1x1x16xf32> to vector<16xf32>
        %swap3A_1050 = vector.shape_cast %max3A_1043 : vector<16xf32> to vector<1x1x16xf32>
        tpu.vector_store %arg7[%swap3A_1045, %swap3A_1046, %swap3A_1047], %swap3A_1050 {strides = array<i32>} : memref<3x96x128xf32, #tpu.memory_space<vmem>>, vector<1x1x16xf32>,
        %get3A_1051 = arith.constant 2 : i32
        %get3A_1052 = arith.index_cast %get3A_1051 : i32 to index
        %get3A_1053 = arith.index_cast %scan3A_989 : i32 to index
        %get3A_1054 = arith.constant 64 : index
        %get3A_1055 = tpu.vector_load %arg7[%get3A_1052, %get3A_1053, %get3A_1054] {strides = array<i32>} : memref<3x96x128xf32, #tpu.memory_space<vmem>>, vector<1x1x16xf32>,
        %get3A_1056 = vector.shape_cast %get3A_1055 : vector<1x1x16xf32> to vector<16xf32>
        %max3A_1057 = arith.constant 0.000000e+00 : f32
        %max3A_1058 = vector.broadcast %max3A_1057 : f32 to vector<16xf32>
        %max3A_1059 = arith.maximumf %get3A_1056, %max3A_1058 : vector<16xf32>
        %swap3A_1060 = arith.constant 2 : i32
        %swap3A_1061 = arith.index_cast %swap3A_1060 : i32 to index
        %swap3A_1062 = arith.index_cast %scan3A_989 : i32 to index
        %swap3A_1063 = arith.constant 64 : index
        %swap3A_1064 = tpu.vector_load %arg7[%swap3A_1061, %swap3A_1062, %swap3A_1063] {strides = array<i32>} : memref<3x96x128xf32, #tpu.memory_space<vmem>>, vector<1x1x16xf32>,
        %swap3A_1065 = vector.shape_cast %swap3A_1064 : vector<1x1x16xf32> to vector<16xf32>
        %swap3A_1066 = vector.shape_cast %max3A_1059 : vector<16xf32> to vector<1x1x16xf32>
        tpu.vector_store %arg7[%swap3A_1061, %swap3A_1062, %swap3A_1063], %swap3A_1066 {strides = array<i32>} : memref<3x96x128xf32, #tpu.memory_space<vmem>>, vector<1x1x16xf32>,
        %get3A_1067 = arith.constant 2 : i32
        %get3A_1068 = arith.index_cast %get3A_1067 : i32 to index
        %get3A_1069 = arith.index_cast %scan3A_989 : i32 to index
        %get3A_1070 = arith.constant 80 : index
        %get3A_1071 = tpu.vector_load %arg7[%get3A_1068, %get3A_1069, %get3A_1070] {strides = array<i32>} : memref<3x96x128xf32, #tpu.memory_space<vmem>>, vector<1x1x16xf32>,
        %get3A_1072 = vector.shape_cast %get3A_1071 : vector<1x1x16xf32> to vector<16xf32>
        %max3A_1073 = arith.constant 0.000000e+00 : f32
        %max3A_1074 = vector.broadcast %max3A_1073 : f32 to vector<16xf32>
        %max3A_1075 = arith.maximumf %get3A_1072, %max3A_1074 : vector<16xf32>
        %swap3A_1076 = arith.constant 2 : i32
        %swap3A_1077 = arith.index_cast %swap3A_1076 : i32 to index
        %swap3A_1078 = arith.index_cast %scan3A_989 : i32 to index
        %swap3A_1079 = arith.constant 80 : index
        %swap3A_1080 = tpu.vector_load %arg7[%swap3A_1077, %swap3A_1078, %swap3A_1079] {strides = array<i32>} : memref<3x96x128xf32, #tpu.memory_space<vmem>>, vector<1x1x16xf32>,
        %swap3A_1081 = vector.shape_cast %swap3A_1080 : vector<1x1x16xf32> to vector<16xf32>
        %swap3A_1082 = vector.shape_cast %max3A_1075 : vector<16xf32> to vector<1x1x16xf32>
        tpu.vector_store %arg7[%swap3A_1077, %swap3A_1078, %swap3A_1079], %swap3A_1082 {strides = array<i32>} : memref<3x96x128xf32, #tpu.memory_space<vmem>>, vector<1x1x16xf32>,
        %get3A_1083 = arith.constant 2 : i32
        %get3A_1084 = arith.index_cast %get3A_1083 : i32 to index
        %get3A_1085 = arith.index_cast %scan3A_989 : i32 to index
        %get3A_1086 = arith.constant 96 : index
        %get3A_1087 = tpu.vector_load %arg7[%get3A_1084, %get3A_1085, %get3A_1086] {strides = array<i32>} : memref<3x96x128xf32, #tpu.memory_space<vmem>>, vector<1x1x16xf32>,
        %get3A_1088 = vector.shape_cast %get3A_1087 : vector<1x1x16xf32> to vector<16xf32>
        %max3A_1089 = arith.constant 0.000000e+00 : f32
        %max3A_1090 = vector.broadcast %max3A_1089 : f32 to vector<16xf32>
        %max3A_1091 = arith.maximumf %get3A_1088, %max3A_1090 : vector<16xf32>
        %swap3A_1092 = arith.constant 2 : i32
        %swap3A_1093 = arith.index_cast %swap3A_1092 : i32 to index
        %swap3A_1094 = arith.index_cast %scan3A_989 : i32 to index
        %swap3A_1095 = arith.constant 96 : index
        %swap3A_1096 = tpu.vector_load %arg7[%swap3A_1093, %swap3A_1094, %swap3A_1095] {strides = array<i32>} : memref<3x96x128xf32, #tpu.memory_space<vmem>>, vector<1x1x16xf32>,
        %swap3A_1097 = vector.shape_cast %swap3A_1096 : vector<1x1x16xf32> to vector<16xf32>
        %swap3A_1098 = vector.shape_cast %max3A_1091 : vector<16xf32> to vector<1x1x16xf32>
        tpu.vector_store %arg7[%swap3A_1093, %swap3A_1094, %swap3A_1095], %swap3A_1098 {strides = array<i32>} : memref<3x96x128xf32, #tpu.memory_space<vmem>>, vector<1x1x16xf32>,
        %get3A_1099 = arith.constant 2 : i32
        %get3A_1100 = arith.index_cast %get3A_1099 : i32 to index
        %get3A_1101 = arith.index_cast %scan3A_989 : i32 to index
        %get3A_1102 = arith.constant 112 : index
        %get3A_1103 = tpu.vector_load %arg7[%get3A_1100, %get3A_1101, %get3A_1102] {strides = array<i32>} : memref<3x96x128xf32, #tpu.memory_space<vmem>>, vector<1x1x16xf32>,
        %get3A_1104 = vector.shape_cast %get3A_1103 : vector<1x1x16xf32> to vector<16xf32>
        %max3A_1105 = arith.constant 0.000000e+00 : f32
        %max3A_1106 = vector.broadcast %max3A_1105 : f32 to vector<16xf32>
        %max3A_1107 = arith.maximumf %get3A_1104, %max3A_1106 : vector<16xf32>
        %swap3A_1108 = arith.constant 2 : i32
        %swap3A_1109 = arith.index_cast %swap3A_1108 : i32 to index
        %swap3A_1110 = arith.index_cast %scan3A_989 : i32 to index
        %swap3A_1111 = arith.constant 112 : index
        %swap3A_1112 = tpu.vector_load %arg7[%swap3A_1109, %swap3A_1110, %swap3A_1111] {strides = array<i32>} : memref<3x96x128xf32, #tpu.memory_space<vmem>>, vector<1x1x16xf32>,
        %swap3A_1113 = vector.shape_cast %swap3A_1112 : vector<1x1x16xf32> to vector<16xf32>
        %swap3A_1114 = vector.shape_cast %max3A_1107 : vector<16xf32> to vector<1x1x16xf32>
        tpu.vector_store %arg7[%swap3A_1109, %swap3A_1110, %swap3A_1111], %swap3A_1114 {strides = array<i32>} : memref<3x96x128xf32, #tpu.memory_space<vmem>>, vector<1x1x16xf32>,
      }
      %scan3A_674 = arith.constant 96 : i32
      %dma_start3A_675 = arith.constant 2 : i32
      %dma_start3A_676 = arith.constant 1 : i32
      %dma_start3A_677 = arith.constant 2 : i32
      %dma_start3A_678 = arith.constant 1 : i32
      %dma_start3A_679 = arith.constant 0 : i32
      %dma_start3A_680 = arith.constant 0 : i32
      %dma_start3A_681 = tpu.memref_slice %arg7[%dma_start3A_675, %dma_start3A_679, %dma_start3A_680] : memref<3x96x128xf32, #tpu.memory_space<vmem>> -> memref<1x96x128xf32, #tpu.memory_space<vmem>>
      %dma_start3A_682 = tpu.memref_squeeze %dma_start3A_681 : memref<1x96x128xf32, #tpu.memory_space<vmem>> -> memref<96x128xf32, #tpu.memory_space<vmem>>
      %dma_start3A_683 = arith.constant 0 : i32
      %dma_start3A_684 = tpu.memref_slice %arg8[%dma_start3A_676, %dma_start3A_677, %dma_start3A_678, %dma_start3A_683] : memref<2x3x3x96xi32, #tpu.memory_space<vmem>> -> memref<1x1x1x96xi32, #tpu.memory_space<vmem>>
      %dma_start3A_685 = tpu.memref_squeeze %dma_start3A_684 : memref<1x1x1x96xi32, #tpu.memory_space<vmem>> -> memref<96xi32, #tpu.memory_space<vmem>>
      %dma_start3A_686 = arith.constant 0 : i32
      %dma_start3A_687 = arith.constant 0 : i32
      %dma_start3A_688 = tpu.memref_slice %arg6[%dma_start3A_686, %dma_start3A_687] : memref<10112x128xf32, #tpu.memory_space<vmem_shared>> -> memref<10112x128xf32, #tpu.memory_space<vmem_shared>>
      tpu.enqueue_indirect_dma source(%dma_start3A_682 : memref<96x128xf32, #tpu.memory_space<vmem>>) target(%dma_start3A_688 : memref<10112x128xf32, #tpu.memory_space<vmem_shared>>) offsets(%dma_start3A_685 : memref<96xi32, #tpu.memory_space<vmem>>) semaphore(%arg17 : memref<!tpu.dma_semaphore, #tpu.memory_space<semaphore_mem>>) {add = true}
      %dma_wait3A_689 = arith.constant 0 : i32
      %dma_wait3A_690 = arith.constant 0 : i32
      %dma_wait3A_691 = arith.constant 0 : i32
      %dma_wait3A_692 = arith.constant 0 : i32
      %dma_wait3A_693 = tpu.memref_slice %arg8[%dma_wait3A_689, %dma_wait3A_690, %dma_wait3A_691, %dma_wait3A_692] : memref<2x3x3x96xi32, #tpu.memory_space<vmem>> -> memref<1x3x3x96xi32, #tpu.memory_space<vmem>>
      %dma_wait3A_694 = tpu.memref_squeeze %dma_wait3A_693 : memref<1x3x3x96xi32, #tpu.memory_space<vmem>> -> memref<3x3x96xi32, #tpu.memory_space<vmem>>
      %dma_wait3A_695 = arith.constant 0 : i32
      %dma_wait3A_696 = arith.constant 0 : i32
      %dma_wait3A_697 = arith.constant 0 : i32
      %dma_wait3A_698 = tpu.memref_slice %arg4[%dma_wait3A_695, %dma_wait3A_696, %dma_wait3A_697] : memref<3360x3x96xi32, #tpu.memory_space<hbm>> -> memref<3x3x96xi32, #tpu.memory_space<hbm>>
      %dma_wait3A_699 = arith.constant 0 : i32
      %dma_wait3A_700 = arith.constant 0 : i32
      %dma_wait3A_701 = arith.constant 0 : i32
      %dma_wait3A_702 = tpu.memref_slice %arg8[%dma_wait3A_689, %dma_wait3A_699, %dma_wait3A_700, %dma_wait3A_701] : memref<2x3x3x96xi32, #tpu.memory_space<vmem>> -> memref<1x3x3x96xi32, #tpu.memory_space<vmem>>
      %dma_wait3A_703 = tpu.memref_squeeze %dma_wait3A_702 : memref<1x3x3x96xi32, #tpu.memory_space<vmem>> -> memref<3x3x96xi32, #tpu.memory_space<vmem>>
      %dma_wait3A_704 = arith.constant 0 : i32
      %dma_wait3A_705 = arith.constant 0 : i32
      %dma_wait3A_706 = arith.constant 0 : i32
      %dma_wait3A_707 = tpu.memref_slice %arg4[%dma_wait3A_704, %dma_wait3A_705, %dma_wait3A_706] : memref<3360x3x96xi32, #tpu.memory_space<hbm>> -> memref<3x3x96xi32, #tpu.memory_space<hbm>>
      tpu.wait_dma2 semaphore(%arg18 : memref<!tpu.dma_semaphore, #tpu.memory_space<semaphore_mem>>) src(%dma_wait3A_707 : memref<3x3x96xi32, #tpu.memory_space<hbm>>) dst(%dma_wait3A_703 : memref<3x3x96xi32, #tpu.memory_space<vmem>>)
      %add3A_708 = arith.constant 1 : i32
      %add3A_709 = arith.addi %add3A_390, %add3A_708 : i32
      %add3A_710 = arith.constant 1 : i32
      %add3A_711 = arith.addi %add3A_709, %add3A_710 : i32
      %lt3A_712 = arith.cmpi slt, %add3A_711, %select_n3A : i32
      %convert_element_type3A_713 = arith.extui %lt3A_712 : i1 to i32
      %cond3A_714 = arith.constant 0 : i32
      %cond3A_715 = arith.cmpi ne, %convert_element_type3A_713, %cond3A_714 : i32
      scf.if %cond3A_715 {
        %add3A_989 = arith.constant 1 : i32
        %add3A_990 = arith.addi %add3A_709, %add3A_989 : i32
        %mul3A_991 = arith.constant 3 : i32
        %mul3A_992 = arith.muli %add3A_990, %mul3A_991 : i32
        %add3A_993 = arith.addi %select_n3A_8, %mul3A_992 : i32
        %dma_start3A_994 = arith.constant 1 : i32
        %dma_start3A_995 = arith.constant 0 : i32
        %dma_start3A_996 = arith.constant 0 : i32
        %dma_start3A_997 = arith.constant 0 : i32
        %dma_start3A_998 = tpu.memref_slice %arg8[%dma_start3A_994, %dma_start3A_995, %dma_start3A_996, %dma_start3A_997] : memref<2x3x3x96xi32, #tpu.memory_space<vmem>> -> memref<1x3x3x96xi32, #tpu.memory_space<vmem>>
        %dma_start3A_999 = tpu.memref_squeeze %dma_start3A_998 : memref<1x3x3x96xi32, #tpu.memory_space<vmem>> -> memref<3x3x96xi32, #tpu.memory_space<vmem>>
        %dma_start3A_1000 = arith.constant 0 : i32
        %dma_start3A_1001 = arith.constant 0 : i32
        %dma_start3A_1002 = tpu.memref_slice %arg4[%add3A_993, %dma_start3A_1000, %dma_start3A_1001] : memref<3360x3x96xi32, #tpu.memory_space<hbm>> -> memref<3x3x96xi32, #tpu.memory_space<hbm>>
        %dma_start3A_1003 = arith.constant 0 : i32
        %dma_start3A_1004 = arith.constant 0 : i32
        %dma_start3A_1005 = arith.constant 0 : i32
        %dma_start3A_1006 = tpu.memref_slice %arg8[%dma_start3A_994, %dma_start3A_1003, %dma_start3A_1004, %dma_start3A_1005] : memref<2x3x3x96xi32, #tpu.memory_space<vmem>> -> memref<1x3x3x96xi32, #tpu.memory_space<vmem>>
        %dma_start3A_1007 = tpu.memref_squeeze %dma_start3A_1006 : memref<1x3x3x96xi32, #tpu.memory_space<vmem>> -> memref<3x3x96xi32, #tpu.memory_space<vmem>>
        %dma_start3A_1008 = arith.constant 0 : i32
        %dma_start3A_1009 = arith.constant 0 : i32
        %dma_start3A_1010 = tpu.memref_slice %arg4[%add3A_993, %dma_start3A_1008, %dma_start3A_1009] : memref<3360x3x96xi32, #tpu.memory_space<hbm>> -> memref<3x3x96xi32, #tpu.memory_space<hbm>>
        tpu.enqueue_dma source(%dma_start3A_1010 : memref<3x3x96xi32, #tpu.memory_space<hbm>>) target(%dma_start3A_1007 : memref<3x3x96xi32, #tpu.memory_space<vmem>>) target_semaphore(%arg19 : memref<!tpu.dma_semaphore, #tpu.memory_space<semaphore_mem>>)
      } else {
      }
      %dma_wait3A_716 = arith.constant 0 : i32
      %dma_wait3A_717 = arith.constant 0 : i32
      %dma_wait3A_718 = arith.constant 0 : i32
      %dma_wait3A_719 = tpu.memref_slice %arg7[%dma_wait3A_716, %dma_wait3A_717, %dma_wait3A_718] : memref<3x96x128xf32, #tpu.memory_space<vmem>> -> memref<1x96x128xf32, #tpu.memory_space<vmem>>
      %dma_wait3A_720 = tpu.memref_squeeze %dma_wait3A_719 : memref<1x96x128xf32, #tpu.memory_space<vmem>> -> memref<96x128xf32, #tpu.memory_space<vmem>>
      %dma_wait3A_721 = arith.constant 0 : i32
      %dma_wait3A_722 = arith.constant 0 : i32
      %dma_wait3A_723 = tpu.memref_slice %arg6[%dma_wait3A_721, %dma_wait3A_722] : memref<10112x128xf32, #tpu.memory_space<vmem_shared>> -> memref<96x128xf32, #tpu.memory_space<vmem_shared>>
      %dma_wait3A_724 = arith.constant 0 : i32
      %dma_wait3A_725 = arith.constant 0 : i32
      %dma_wait3A_726 = tpu.memref_slice %arg6[%dma_wait3A_724, %dma_wait3A_725] : memref<10112x128xf32, #tpu.memory_space<vmem_shared>> -> memref<96x128xf32, #tpu.memory_space<vmem_shared>>
      %dma_wait3A_727 = arith.constant 0 : i32
      %dma_wait3A_728 = arith.constant 0 : i32
      %dma_wait3A_729 = tpu.memref_slice %arg7[%dma_wait3A_716, %dma_wait3A_727, %dma_wait3A_728] : memref<3x96x128xf32, #tpu.memory_space<vmem>> -> memref<1x96x128xf32, #tpu.memory_space<vmem>>
      %dma_wait3A_730 = tpu.memref_squeeze %dma_wait3A_729 : memref<1x96x128xf32, #tpu.memory_space<vmem>> -> memref<96x128xf32, #tpu.memory_space<vmem>>
      tpu.wait_dma2 semaphore(%arg15 : memref<!tpu.dma_semaphore, #tpu.memory_space<semaphore_mem>>) src(%dma_wait3A_730 : memref<96x128xf32, #tpu.memory_space<vmem>>) dst(%dma_wait3A_726 : memref<96x128xf32, #tpu.memory_space<vmem_shared>>)
      %dma_start3A_731 = arith.constant 0 : i32
      %dma_start3A_732 = arith.constant 0 : i32
      %dma_start3A_733 = arith.constant 0 : i32
      %dma_start3A_734 = arith.constant 0 : i32
      %dma_start3A_735 = arith.constant 0 : i32
      %dma_start3A_736 = arith.constant 0 : i32
      %dma_start3A_737 = tpu.memref_slice %arg7[%dma_start3A_734, %dma_start3A_735, %dma_start3A_736] : memref<3x96x128xf32, #tpu.memory_space<vmem>> -> memref<1x96x128xf32, #tpu.memory_space<vmem>>
      %dma_start3A_738 = tpu.memref_squeeze %dma_start3A_737 : memref<1x96x128xf32, #tpu.memory_space<vmem>> -> memref<96x128xf32, #tpu.memory_space<vmem>>
      %dma_start3A_739 = arith.constant 0 : i32
      %dma_start3A_740 = tpu.memref_slice %arg8[%dma_start3A_731, %dma_start3A_732, %dma_start3A_733, %dma_start3A_739] : memref<2x3x3x96xi32, #tpu.memory_space<vmem>> -> memref<1x1x1x96xi32, #tpu.memory_space<vmem>>
      %dma_start3A_741 = tpu.memref_squeeze %dma_start3A_740 : memref<1x1x1x96xi32, #tpu.memory_space<vmem>> -> memref<96xi32, #tpu.memory_space<vmem>>
      %dma_start3A_742 = arith.constant 0 : i32
      %dma_start3A_743 = arith.constant 0 : i32
      %dma_start3A_744 = tpu.memref_slice %arg2[%dma_start3A_742, %dma_start3A_743] : memref<10000x128xf32, #tpu.memory_space<hbm>> -> memref<10000x128xf32, #tpu.memory_space<hbm>>
      tpu.enqueue_indirect_dma source(%dma_start3A_744 : memref<10000x128xf32, #tpu.memory_space<hbm>>) target(%dma_start3A_738 : memref<96x128xf32, #tpu.memory_space<vmem>>) offsets(%dma_start3A_741 : memref<96xi32, #tpu.memory_space<vmem>>) semaphore(%arg9 : memref<!tpu.dma_semaphore, #tpu.memory_space<semaphore_mem>>)
      %dma_wait3A_745 = arith.constant 1 : i32
      %dma_wait3A_746 = arith.constant 0 : i32
      %dma_wait3A_747 = arith.constant 0 : i32
      %dma_wait3A_748 = tpu.memref_slice %arg7[%dma_wait3A_745, %dma_wait3A_746, %dma_wait3A_747] : memref<3x96x128xf32, #tpu.memory_space<vmem>> -> memref<1x96x128xf32, #tpu.memory_space<vmem>>
      %dma_wait3A_749 = tpu.memref_squeeze %dma_wait3A_748 : memref<1x96x128xf32, #tpu.memory_space<vmem>> -> memref<96x128xf32, #tpu.memory_space<vmem>>
      %dma_wait3A_750 = arith.constant 0 : i32
      %dma_wait3A_751 = arith.constant 0 : i32
      %dma_wait3A_752 = tpu.memref_slice %arg6[%dma_wait3A_750, %dma_wait3A_751] : memref<10112x128xf32, #tpu.memory_space<vmem_shared>> -> memref<96x128xf32, #tpu.memory_space<vmem_shared>>
      %dma_wait3A_753 = arith.constant 0 : i32
      %dma_wait3A_754 = arith.constant 0 : i32
      %dma_wait3A_755 = tpu.memref_slice %arg6[%dma_wait3A_753, %dma_wait3A_754] : memref<10112x128xf32, #tpu.memory_space<vmem_shared>> -> memref<96x128xf32, #tpu.memory_space<vmem_shared>>
      %dma_wait3A_756 = arith.constant 0 : i32
      %dma_wait3A_757 = arith.constant 0 : i32
      %dma_wait3A_758 = tpu.memref_slice %arg7[%dma_wait3A_745, %dma_wait3A_756, %dma_wait3A_757] : memref<3x96x128xf32, #tpu.memory_space<vmem>> -> memref<1x96x128xf32, #tpu.memory_space<vmem>>
      %dma_wait3A_759 = tpu.memref_squeeze %dma_wait3A_758 : memref<1x96x128xf32, #tpu.memory_space<vmem>> -> memref<96x128xf32, #tpu.memory_space<vmem>>
      tpu.wait_dma2 semaphore(%arg16 : memref<!tpu.dma_semaphore, #tpu.memory_space<semaphore_mem>>) src(%dma_wait3A_759 : memref<96x128xf32, #tpu.memory_space<vmem>>) dst(%dma_wait3A_755 : memref<96x128xf32, #tpu.memory_space<vmem_shared>>)
      %dma_start3A_760 = arith.constant 0 : i32
      %dma_start3A_761 = arith.constant 1 : i32
      %dma_start3A_762 = arith.constant 0 : i32
      %dma_start3A_763 = arith.constant 1 : i32
      %dma_start3A_764 = arith.constant 0 : i32
      %dma_start3A_765 = arith.constant 0 : i32
      %dma_start3A_766 = tpu.memref_slice %arg7[%dma_start3A_763, %dma_start3A_764, %dma_start3A_765] : memref<3x96x128xf32, #tpu.memory_space<vmem>> -> memref<1x96x128xf32, #tpu.memory_space<vmem>>
      %dma_start3A_767 = tpu.memref_squeeze %dma_start3A_766 : memref<1x96x128xf32, #tpu.memory_space<vmem>> -> memref<96x128xf32, #tpu.memory_space<vmem>>
      %dma_start3A_768 = arith.constant 0 : i32
      %dma_start3A_769 = tpu.memref_slice %arg8[%dma_start3A_760, %dma_start3A_761, %dma_start3A_762, %dma_start3A_768] : memref<2x3x3x96xi32, #tpu.memory_space<vmem>> -> memref<1x1x1x96xi32, #tpu.memory_space<vmem>>
      %dma_start3A_770 = tpu.memref_squeeze %dma_start3A_769 : memref<1x1x1x96xi32, #tpu.memory_space<vmem>> -> memref<96xi32, #tpu.memory_space<vmem>>
      %dma_start3A_771 = arith.constant 0 : i32
      %dma_start3A_772 = arith.constant 0 : i32
      %dma_start3A_773 = tpu.memref_slice %arg2[%dma_start3A_771, %dma_start3A_772] : memref<10000x128xf32, #tpu.memory_space<hbm>> -> memref<10000x128xf32, #tpu.memory_space<hbm>>
      tpu.enqueue_indirect_dma source(%dma_start3A_773 : memref<10000x128xf32, #tpu.memory_space<hbm>>) target(%dma_start3A_767 : memref<96x128xf32, #tpu.memory_space<vmem>>) offsets(%dma_start3A_770 : memref<96xi32, #tpu.memory_space<vmem>>) semaphore(%arg10 : memref<!tpu.dma_semaphore, #tpu.memory_space<semaphore_mem>>)
      %dma_wait3A_774 = arith.constant 2 : i32
      %dma_wait3A_775 = arith.constant 0 : i32
      %dma_wait3A_776 = arith.constant 0 : i32
      %dma_wait3A_777 = tpu.memref_slice %arg7[%dma_wait3A_774, %dma_wait3A_775, %dma_wait3A_776] : memref<3x96x128xf32, #tpu.memory_space<vmem>> -> memref<1x96x128xf32, #tpu.memory_space<vmem>>
      %dma_wait3A_778 = tpu.memref_squeeze %dma_wait3A_777 : memref<1x96x128xf32, #tpu.memory_space<vmem>> -> memref<96x128xf32, #tpu.memory_space<vmem>>
      %dma_wait3A_779 = arith.constant 0 : i32
      %dma_wait3A_780 = arith.constant 0 : i32
      %dma_wait3A_781 = tpu.memref_slice %arg6[%dma_wait3A_779, %dma_wait3A_780] : memref<10112x128xf32, #tpu.memory_space<vmem_shared>> -> memref<96x128xf32, #tpu.memory_space<vmem_shared>>
      %dma_wait3A_782 = arith.constant 0 : i32
      %dma_wait3A_783 = arith.constant 0 : i32
      %dma_wait3A_784 = tpu.memref_slice %arg6[%dma_wait3A_782, %dma_wait3A_783] : memref<10112x128xf32, #tpu.memory_space<vmem_shared>> -> memref<96x128xf32, #tpu.memory_space<vmem_shared>>
      %dma_wait3A_785 = arith.constant 0 : i32
      %dma_wait3A_786 = arith.constant 0 : i32
      %dma_wait3A_787 = tpu.memref_slice %arg7[%dma_wait3A_774, %dma_wait3A_785, %dma_wait3A_786] : memref<3x96x128xf32, #tpu.memory_space<vmem>> -> memref<1x96x128xf32, #tpu.memory_space<vmem>>
      %dma_wait3A_788 = tpu.memref_squeeze %dma_wait3A_787 : memref<1x96x128xf32, #tpu.memory_space<vmem>> -> memref<96x128xf32, #tpu.memory_space<vmem>>
      tpu.wait_dma2 semaphore(%arg17 : memref<!tpu.dma_semaphore, #tpu.memory_space<semaphore_mem>>) src(%dma_wait3A_788 : memref<96x128xf32, #tpu.memory_space<vmem>>) dst(%dma_wait3A_784 : memref<96x128xf32, #tpu.memory_space<vmem_shared>>)
      %dma_start3A_789 = arith.constant 0 : i32
      %dma_start3A_790 = arith.constant 2 : i32
      %dma_start3A_791 = arith.constant 0 : i32
      %dma_start3A_792 = arith.constant 2 : i32
      %dma_start3A_793 = arith.constant 0 : i32
      %dma_start3A_794 = arith.constant 0 : i32
      %dma_start3A_795 = tpu.memref_slice %arg7[%dma_start3A_792, %dma_start3A_793, %dma_start3A_794] : memref<3x96x128xf32, #tpu.memory_space<vmem>> -> memref<1x96x128xf32, #tpu.memory_space<vmem>>
      %dma_start3A_796 = tpu.memref_squeeze %dma_start3A_795 : memref<1x96x128xf32, #tpu.memory_space<vmem>> -> memref<96x128xf32, #tpu.memory_space<vmem>>
      %dma_start3A_797 = arith.constant 0 : i32
      %dma_start3A_798 = tpu.memref_slice %arg8[%dma_start3A_789, %dma_start3A_790, %dma_start3A_791, %dma_start3A_797] : memref<2x3x3x96xi32, #tpu.memory_space<vmem>> -> memref<1x1x1x96xi32, #tpu.memory_space<vmem>>
      %dma_start3A_799 = tpu.memref_squeeze %dma_start3A_798 : memref<1x1x1x96xi32, #tpu.memory_space<vmem>> -> memref<96xi32, #tpu.memory_space<vmem>>
      %dma_start3A_800 = arith.constant 0 : i32
      %dma_start3A_801 = arith.constant 0 : i32
      %dma_start3A_802 = tpu.memref_slice %arg2[%dma_start3A_800, %dma_start3A_801] : memref<10000x128xf32, #tpu.memory_space<hbm>> -> memref<10000x128xf32, #tpu.memory_space<hbm>>
      tpu.enqueue_indirect_dma source(%dma_start3A_802 : memref<10000x128xf32, #tpu.memory_space<hbm>>) target(%dma_start3A_796 : memref<96x128xf32, #tpu.memory_space<vmem>>) offsets(%dma_start3A_799 : memref<96xi32, #tpu.memory_space<vmem>>) semaphore(%arg11 : memref<!tpu.dma_semaphore, #tpu.memory_space<semaphore_mem>>)
      %dma_wait3A_803 = arith.constant 0 : i32
      %dma_wait3A_804 = arith.constant 0 : i32
      %dma_wait3A_805 = arith.constant 0 : i32
      %dma_wait3A_806 = arith.constant 0 : i32
      %dma_wait3A_807 = arith.constant 0 : i32
      %dma_wait3A_808 = arith.constant 0 : i32
      %dma_wait3A_809 = tpu.memref_slice %arg7[%dma_wait3A_806, %dma_wait3A_807, %dma_wait3A_808] : memref<3x96x128xf32, #tpu.memory_space<vmem>> -> memref<1x96x128xf32, #tpu.memory_space<vmem>>
      %dma_wait3A_810 = tpu.memref_squeeze %dma_wait3A_809 : memref<1x96x128xf32, #tpu.memory_space<vmem>> -> memref<96x128xf32, #tpu.memory_space<vmem>>
      %dma_wait3A_811 = arith.constant 0 : i32
      %dma_wait3A_812 = tpu.memref_slice %arg8[%dma_wait3A_803, %dma_wait3A_804, %dma_wait3A_805, %dma_wait3A_811] : memref<2x3x3x96xi32, #tpu.memory_space<vmem>> -> memref<1x1x1x96xi32, #tpu.memory_space<vmem>>
      %dma_wait3A_813 = tpu.memref_squeeze %dma_wait3A_812 : memref<1x1x1x96xi32, #tpu.memory_space<vmem>> -> memref<96xi32, #tpu.memory_space<vmem>>
      %dma_wait3A_814 = arith.constant 0 : i32
      %dma_wait3A_815 = arith.constant 0 : i32
      %dma_wait3A_816 = tpu.memref_slice %arg2[%dma_wait3A_814, %dma_wait3A_815] : memref<10000x128xf32, #tpu.memory_space<hbm>> -> memref<10000x128xf32, #tpu.memory_space<hbm>>
      tpu.wait_indirect_dma semaphore(%arg9 : memref<!tpu.dma_semaphore, #tpu.memory_space<semaphore_mem>>) src(%dma_wait3A_816 : memref<10000x128xf32, #tpu.memory_space<hbm>>) dst(%dma_wait3A_810 : memref<96x128xf32, #tpu.memory_space<vmem>>)
      %dma_start3A_817 = arith.constant 0 : i32
      %dma_start3A_818 = arith.constant 0 : i32
      %dma_start3A_819 = arith.constant 2 : i32
      %dma_start3A_820 = arith.constant 0 : i32
      %dma_start3A_821 = arith.constant 0 : i32
      %dma_start3A_822 = arith.constant 0 : i32
      %dma_start3A_823 = tpu.memref_slice %arg7[%dma_start3A_820, %dma_start3A_821, %dma_start3A_822] : memref<3x96x128xf32, #tpu.memory_space<vmem>> -> memref<1x96x128xf32, #tpu.memory_space<vmem>>
      %dma_start3A_824 = tpu.memref_squeeze %dma_start3A_823 : memref<1x96x128xf32, #tpu.memory_space<vmem>> -> memref<96x128xf32, #tpu.memory_space<vmem>>
      %dma_start3A_825 = arith.constant 0 : i32
      %dma_start3A_826 = tpu.memref_slice %arg8[%dma_start3A_817, %dma_start3A_818, %dma_start3A_819, %dma_start3A_825] : memref<2x3x3x96xi32, #tpu.memory_space<vmem>> -> memref<1x1x1x96xi32, #tpu.memory_space<vmem>>
      %dma_start3A_827 = tpu.memref_squeeze %dma_start3A_826 : memref<1x1x1x96xi32, #tpu.memory_space<vmem>> -> memref<96xi32, #tpu.memory_space<vmem>>
      %dma_start3A_828 = arith.constant 0 : i32
      %dma_start3A_829 = arith.constant 0 : i32
      %dma_start3A_830 = tpu.memref_slice %arg3[%dma_start3A_828, %dma_start3A_829] : memref<10000x128xf32, #tpu.memory_space<hbm>> -> memref<10000x128xf32, #tpu.memory_space<hbm>>
      tpu.enqueue_indirect_dma source(%dma_start3A_830 : memref<10000x128xf32, #tpu.memory_space<hbm>>) target(%dma_start3A_824 : memref<96x128xf32, #tpu.memory_space<vmem>>) offsets(%dma_start3A_827 : memref<96xi32, #tpu.memory_space<vmem>>) semaphore(%arg12 : memref<!tpu.dma_semaphore, #tpu.memory_space<semaphore_mem>>) {add = true}
      %dma_wait3A_831 = arith.constant 0 : i32
      %dma_wait3A_832 = arith.constant 1 : i32
      %dma_wait3A_833 = arith.constant 0 : i32
      %dma_wait3A_834 = arith.constant 1 : i32
      %dma_wait3A_835 = arith.constant 0 : i32
      %dma_wait3A_836 = arith.constant 0 : i32
      %dma_wait3A_837 = tpu.memref_slice %arg7[%dma_wait3A_834, %dma_wait3A_835, %dma_wait3A_836] : memref<3x96x128xf32, #tpu.memory_space<vmem>> -> memref<1x96x128xf32, #tpu.memory_space<vmem>>
      %dma_wait3A_838 = tpu.memref_squeeze %dma_wait3A_837 : memref<1x96x128xf32, #tpu.memory_space<vmem>> -> memref<96x128xf32, #tpu.memory_space<vmem>>
      %dma_wait3A_839 = arith.constant 0 : i32
      %dma_wait3A_840 = tpu.memref_slice %arg8[%dma_wait3A_831, %dma_wait3A_832, %dma_wait3A_833, %dma_wait3A_839] : memref<2x3x3x96xi32, #tpu.memory_space<vmem>> -> memref<1x1x1x96xi32, #tpu.memory_space<vmem>>
      %dma_wait3A_841 = tpu.memref_squeeze %dma_wait3A_840 : memref<1x1x1x96xi32, #tpu.memory_space<vmem>> -> memref<96xi32, #tpu.memory_space<vmem>>
      %dma_wait3A_842 = arith.constant 0 : i32
      %dma_wait3A_843 = arith.constant 0 : i32
      %dma_wait3A_844 = tpu.memref_slice %arg2[%dma_wait3A_842, %dma_wait3A_843] : memref<10000x128xf32, #tpu.memory_space<hbm>> -> memref<10000x128xf32, #tpu.memory_space<hbm>>
      tpu.wait_indirect_dma semaphore(%arg10 : memref<!tpu.dma_semaphore, #tpu.memory_space<semaphore_mem>>) src(%dma_wait3A_844 : memref<10000x128xf32, #tpu.memory_space<hbm>>) dst(%dma_wait3A_838 : memref<96x128xf32, #tpu.memory_space<vmem>>)
      %dma_start3A_845 = arith.constant 0 : i32
      %dma_start3A_846 = arith.constant 1 : i32
      %dma_start3A_847 = arith.constant 2 : i32
      %dma_start3A_848 = arith.constant 1 : i32
      %dma_start3A_849 = arith.constant 0 : i32
      %dma_start3A_850 = arith.constant 0 : i32
      %dma_start3A_851 = tpu.memref_slice %arg7[%dma_start3A_848, %dma_start3A_849, %dma_start3A_850] : memref<3x96x128xf32, #tpu.memory_space<vmem>> -> memref<1x96x128xf32, #tpu.memory_space<vmem>>
      %dma_start3A_852 = tpu.memref_squeeze %dma_start3A_851 : memref<1x96x128xf32, #tpu.memory_space<vmem>> -> memref<96x128xf32, #tpu.memory_space<vmem>>
      %dma_start3A_853 = arith.constant 0 : i32
      %dma_start3A_854 = tpu.memref_slice %arg8[%dma_start3A_845, %dma_start3A_846, %dma_start3A_847, %dma_start3A_853] : memref<2x3x3x96xi32, #tpu.memory_space<vmem>> -> memref<1x1x1x96xi32, #tpu.memory_space<vmem>>
      %dma_start3A_855 = tpu.memref_squeeze %dma_start3A_854 : memref<1x1x1x96xi32, #tpu.memory_space<vmem>> -> memref<96xi32, #tpu.memory_space<vmem>>
      %dma_start3A_856 = arith.constant 0 : i32
      %dma_start3A_857 = arith.constant 0 : i32
      %dma_start3A_858 = tpu.memref_slice %arg3[%dma_start3A_856, %dma_start3A_857] : memref<10000x128xf32, #tpu.memory_space<hbm>> -> memref<10000x128xf32, #tpu.memory_space<hbm>>
      tpu.enqueue_indirect_dma source(%dma_start3A_858 : memref<10000x128xf32, #tpu.memory_space<hbm>>) target(%dma_start3A_852 : memref<96x128xf32, #tpu.memory_space<vmem>>) offsets(%dma_start3A_855 : memref<96xi32, #tpu.memory_space<vmem>>) semaphore(%arg13 : memref<!tpu.dma_semaphore, #tpu.memory_space<semaphore_mem>>) {add = true}
      %dma_wait3A_859 = arith.constant 0 : i32
      %dma_wait3A_860 = arith.constant 2 : i32
      %dma_wait3A_861 = arith.constant 0 : i32
      %dma_wait3A_862 = arith.constant 2 : i32
      %dma_wait3A_863 = arith.constant 0 : i32
      %dma_wait3A_864 = arith.constant 0 : i32
      %dma_wait3A_865 = tpu.memref_slice %arg7[%dma_wait3A_862, %dma_wait3A_863, %dma_wait3A_864] : memref<3x96x128xf32, #tpu.memory_space<vmem>> -> memref<1x96x128xf32, #tpu.memory_space<vmem>>
      %dma_wait3A_866 = tpu.memref_squeeze %dma_wait3A_865 : memref<1x96x128xf32, #tpu.memory_space<vmem>> -> memref<96x128xf32, #tpu.memory_space<vmem>>
      %dma_wait3A_867 = arith.constant 0 : i32
      %dma_wait3A_868 = tpu.memref_slice %arg8[%dma_wait3A_859, %dma_wait3A_860, %dma_wait3A_861, %dma_wait3A_867] : memref<2x3x3x96xi32, #tpu.memory_space<vmem>> -> memref<1x1x1x96xi32, #tpu.memory_space<vmem>>
      %dma_wait3A_869 = tpu.memref_squeeze %dma_wait3A_868 : memref<1x1x1x96xi32, #tpu.memory_space<vmem>> -> memref<96xi32, #tpu.memory_space<vmem>>
      %dma_wait3A_870 = arith.constant 0 : i32
      %dma_wait3A_871 = arith.constant 0 : i32
      %dma_wait3A_872 = tpu.memref_slice %arg2[%dma_wait3A_870, %dma_wait3A_871] : memref<10000x128xf32, #tpu.memory_space<hbm>> -> memref<10000x128xf32, #tpu.memory_space<hbm>>
      tpu.wait_indirect_dma semaphore(%arg11 : memref<!tpu.dma_semaphore, #tpu.memory_space<semaphore_mem>>) src(%dma_wait3A_872 : memref<10000x128xf32, #tpu.memory_space<hbm>>) dst(%dma_wait3A_866 : memref<96x128xf32, #tpu.memory_space<vmem>>)
      %dma_start3A_873 = arith.constant 0 : i32
      %dma_start3A_874 = arith.constant 2 : i32
      %dma_start3A_875 = arith.constant 2 : i32
      %dma_start3A_876 = arith.constant 2 : i32
      %dma_start3A_877 = arith.constant 0 : i32
      %dma_start3A_878 = arith.constant 0 : i32
      %dma_start3A_879 = tpu.memref_slice %arg7[%dma_start3A_876, %dma_start3A_877, %dma_start3A_878] : memref<3x96x128xf32, #tpu.memory_space<vmem>> -> memref<1x96x128xf32, #tpu.memory_space<vmem>>
      %dma_start3A_880 = tpu.memref_squeeze %dma_start3A_879 : memref<1x96x128xf32, #tpu.memory_space<vmem>> -> memref<96x128xf32, #tpu.memory_space<vmem>>
      %dma_start3A_881 = arith.constant 0 : i32
      %dma_start3A_882 = tpu.memref_slice %arg8[%dma_start3A_873, %dma_start3A_874, %dma_start3A_875, %dma_start3A_881] : memref<2x3x3x96xi32, #tpu.memory_space<vmem>> -> memref<1x1x1x96xi32, #tpu.memory_space<vmem>>
      %dma_start3A_883 = tpu.memref_squeeze %dma_start3A_882 : memref<1x1x1x96xi32, #tpu.memory_space<vmem>> -> memref<96xi32, #tpu.memory_space<vmem>>
      %dma_start3A_884 = arith.constant 0 : i32
      %dma_start3A_885 = arith.constant 0 : i32
      %dma_start3A_886 = tpu.memref_slice %arg3[%dma_start3A_884, %dma_start3A_885] : memref<10000x128xf32, #tpu.memory_space<hbm>> -> memref<10000x128xf32, #tpu.memory_space<hbm>>
      tpu.enqueue_indirect_dma source(%dma_start3A_886 : memref<10000x128xf32, #tpu.memory_space<hbm>>) target(%dma_start3A_880 : memref<96x128xf32, #tpu.memory_space<vmem>>) offsets(%dma_start3A_883 : memref<96xi32, #tpu.memory_space<vmem>>) semaphore(%arg14 : memref<!tpu.dma_semaphore, #tpu.memory_space<semaphore_mem>>) {add = true}
      %dma_wait3A_887 = arith.constant 0 : i32
      %dma_wait3A_888 = arith.constant 0 : i32
      %dma_wait3A_889 = arith.constant 2 : i32
      %dma_wait3A_890 = arith.constant 0 : i32
      %dma_wait3A_891 = arith.constant 0 : i32
      %dma_wait3A_892 = arith.constant 0 : i32
      %dma_wait3A_893 = tpu.memref_slice %arg7[%dma_wait3A_890, %dma_wait3A_891, %dma_wait3A_892] : memref<3x96x128xf32, #tpu.memory_space<vmem>> -> memref<1x96x128xf32, #tpu.memory_space<vmem>>
      %dma_wait3A_894 = tpu.memref_squeeze %dma_wait3A_893 : memref<1x96x128xf32, #tpu.memory_space<vmem>> -> memref<96x128xf32, #tpu.memory_space<vmem>>
      %dma_wait3A_895 = arith.constant 0 : i32
      %dma_wait3A_896 = tpu.memref_slice %arg8[%dma_wait3A_887, %dma_wait3A_888, %dma_wait3A_889, %dma_wait3A_895] : memref<2x3x3x96xi32, #tpu.memory_space<vmem>> -> memref<1x1x1x96xi32, #tpu.memory_space<vmem>>
      %dma_wait3A_897 = tpu.memref_squeeze %dma_wait3A_896 : memref<1x1x1x96xi32, #tpu.memory_space<vmem>> -> memref<96xi32, #tpu.memory_space<vmem>>
      %dma_wait3A_898 = arith.constant 0 : i32
      %dma_wait3A_899 = arith.constant 0 : i32
      %dma_wait3A_900 = tpu.memref_slice %arg3[%dma_wait3A_898, %dma_wait3A_899] : memref<10000x128xf32, #tpu.memory_space<hbm>> -> memref<10000x128xf32, #tpu.memory_space<hbm>>
      tpu.wait_indirect_dma semaphore(%arg12 : memref<!tpu.dma_semaphore, #tpu.memory_space<semaphore_mem>>) src(%dma_wait3A_900 : memref<10000x128xf32, #tpu.memory_space<hbm>>) dst(%dma_wait3A_894 : memref<96x128xf32, #tpu.memory_space<vmem>>)
      %scan3A_901 = arith.constant 0 : i32
      %scan3A_902 = arith.constant 0 : i32
      %scan3A_903 = arith.constant 96 : i32
      %scan3A_904 = arith.addi %scan3A_902, %scan3A_903 : i32
      %scan3A_905 = arith.constant 1 : i32
      scf.for %scan3A_989 = %scan3A_902 to %scan3A_904 step %scan3A_905  : i32 {
        %get3A = arith.constant 0 : i32
        %get3A_990 = arith.index_cast %get3A : i32 to index
        %get3A_991 = arith.index_cast %scan3A_989 : i32 to index
        %get3A_992 = arith.constant 0 : index
        %get3A_993 = tpu.vector_load %arg7[%get3A_990, %get3A_991, %get3A_992] {strides = array<i32>} : memref<3x96x128xf32, #tpu.memory_space<vmem>>, vector<1x1x16xf32>,
        %get3A_994 = vector.shape_cast %get3A_993 : vector<1x1x16xf32> to vector<16xf32>
        %max3A = arith.constant 0.000000e+00 : f32
        %max3A_995 = vector.broadcast %max3A : f32 to vector<16xf32>
        %max3A_996 = arith.maximumf %get3A_994, %max3A_995 : vector<16xf32>
        %swap3A = arith.constant 0 : i32
        %swap3A_997 = arith.index_cast %swap3A : i32 to index
        %swap3A_998 = arith.index_cast %scan3A_989 : i32 to index
        %swap3A_999 = arith.constant 0 : index
        %swap3A_1000 = tpu.vector_load %arg7[%swap3A_997, %swap3A_998, %swap3A_999] {strides = array<i32>} : memref<3x96x128xf32, #tpu.memory_space<vmem>>, vector<1x1x16xf32>,
        %swap3A_1001 = vector.shape_cast %swap3A_1000 : vector<1x1x16xf32> to vector<16xf32>
        %swap3A_1002 = vector.shape_cast %max3A_996 : vector<16xf32> to vector<1x1x16xf32>
        tpu.vector_store %arg7[%swap3A_997, %swap3A_998, %swap3A_999], %swap3A_1002 {strides = array<i32>} : memref<3x96x128xf32, #tpu.memory_space<vmem>>, vector<1x1x16xf32>,
        %get3A_1003 = arith.constant 0 : i32
        %get3A_1004 = arith.index_cast %get3A_1003 : i32 to index
        %get3A_1005 = arith.index_cast %scan3A_989 : i32 to index
        %get3A_1006 = arith.constant 16 : index
        %get3A_1007 = tpu.vector_load %arg7[%get3A_1004, %get3A_1005, %get3A_1006] {strides = array<i32>} : memref<3x96x128xf32, #tpu.memory_space<vmem>>, vector<1x1x16xf32>,
        %get3A_1008 = vector.shape_cast %get3A_1007 : vector<1x1x16xf32> to vector<16xf32>
        %max3A_1009 = arith.constant 0.000000e+00 : f32
        %max3A_1010 = vector.broadcast %max3A_1009 : f32 to vector<16xf32>
        %max3A_1011 = arith.maximumf %get3A_1008, %max3A_1010 : vector<16xf32>
        %swap3A_1012 = arith.constant 0 : i32
        %swap3A_1013 = arith.index_cast %swap3A_1012 : i32 to index
        %swap3A_1014 = arith.index_cast %scan3A_989 : i32 to index
        %swap3A_1015 = arith.constant 16 : index
        %swap3A_1016 = tpu.vector_load %arg7[%swap3A_1013, %swap3A_1014, %swap3A_1015] {strides = array<i32>} : memref<3x96x128xf32, #tpu.memory_space<vmem>>, vector<1x1x16xf32>,
        %swap3A_1017 = vector.shape_cast %swap3A_1016 : vector<1x1x16xf32> to vector<16xf32>
        %swap3A_1018 = vector.shape_cast %max3A_1011 : vector<16xf32> to vector<1x1x16xf32>
        tpu.vector_store %arg7[%swap3A_1013, %swap3A_1014, %swap3A_1015], %swap3A_1018 {strides = array<i32>} : memref<3x96x128xf32, #tpu.memory_space<vmem>>, vector<1x1x16xf32>,
        %get3A_1019 = arith.constant 0 : i32
        %get3A_1020 = arith.index_cast %get3A_1019 : i32 to index
        %get3A_1021 = arith.index_cast %scan3A_989 : i32 to index
        %get3A_1022 = arith.constant 32 : index
        %get3A_1023 = tpu.vector_load %arg7[%get3A_1020, %get3A_1021, %get3A_1022] {strides = array<i32>} : memref<3x96x128xf32, #tpu.memory_space<vmem>>, vector<1x1x16xf32>,
        %get3A_1024 = vector.shape_cast %get3A_1023 : vector<1x1x16xf32> to vector<16xf32>
        %max3A_1025 = arith.constant 0.000000e+00 : f32
        %max3A_1026 = vector.broadcast %max3A_1025 : f32 to vector<16xf32>
        %max3A_1027 = arith.maximumf %get3A_1024, %max3A_1026 : vector<16xf32>
        %swap3A_1028 = arith.constant 0 : i32
        %swap3A_1029 = arith.index_cast %swap3A_1028 : i32 to index
        %swap3A_1030 = arith.index_cast %scan3A_989 : i32 to index
        %swap3A_1031 = arith.constant 32 : index
        %swap3A_1032 = tpu.vector_load %arg7[%swap3A_1029, %swap3A_1030, %swap3A_1031] {strides = array<i32>} : memref<3x96x128xf32, #tpu.memory_space<vmem>>, vector<1x1x16xf32>,
        %swap3A_1033 = vector.shape_cast %swap3A_1032 : vector<1x1x16xf32> to vector<16xf32>
        %swap3A_1034 = vector.shape_cast %max3A_1027 : vector<16xf32> to vector<1x1x16xf32>
        tpu.vector_store %arg7[%swap3A_1029, %swap3A_1030, %swap3A_1031], %swap3A_1034 {strides = array<i32>} : memref<3x96x128xf32, #tpu.memory_space<vmem>>, vector<1x1x16xf32>,
        %get3A_1035 = arith.constant 0 : i32
        %get3A_1036 = arith.index_cast %get3A_1035 : i32 to index
        %get3A_1037 = arith.index_cast %scan3A_989 : i32 to index
        %get3A_1038 = arith.constant 48 : index
        %get3A_1039 = tpu.vector_load %arg7[%get3A_1036, %get3A_1037, %get3A_1038] {strides = array<i32>} : memref<3x96x128xf32, #tpu.memory_space<vmem>>, vector<1x1x16xf32>,
        %get3A_1040 = vector.shape_cast %get3A_1039 : vector<1x1x16xf32> to vector<16xf32>
        %max3A_1041 = arith.constant 0.000000e+00 : f32
        %max3A_1042 = vector.broadcast %max3A_1041 : f32 to vector<16xf32>
        %max3A_1043 = arith.maximumf %get3A_1040, %max3A_1042 : vector<16xf32>
        %swap3A_1044 = arith.constant 0 : i32
        %swap3A_1045 = arith.index_cast %swap3A_1044 : i32 to index
        %swap3A_1046 = arith.index_cast %scan3A_989 : i32 to index
        %swap3A_1047 = arith.constant 48 : index
        %swap3A_1048 = tpu.vector_load %arg7[%swap3A_1045, %swap3A_1046, %swap3A_1047] {strides = array<i32>} : memref<3x96x128xf32, #tpu.memory_space<vmem>>, vector<1x1x16xf32>,
        %swap3A_1049 = vector.shape_cast %swap3A_1048 : vector<1x1x16xf32> to vector<16xf32>
        %swap3A_1050 = vector.shape_cast %max3A_1043 : vector<16xf32> to vector<1x1x16xf32>
        tpu.vector_store %arg7[%swap3A_1045, %swap3A_1046, %swap3A_1047], %swap3A_1050 {strides = array<i32>} : memref<3x96x128xf32, #tpu.memory_space<vmem>>, vector<1x1x16xf32>,
        %get3A_1051 = arith.constant 0 : i32
        %get3A_1052 = arith.index_cast %get3A_1051 : i32 to index
        %get3A_1053 = arith.index_cast %scan3A_989 : i32 to index
        %get3A_1054 = arith.constant 64 : index
        %get3A_1055 = tpu.vector_load %arg7[%get3A_1052, %get3A_1053, %get3A_1054] {strides = array<i32>} : memref<3x96x128xf32, #tpu.memory_space<vmem>>, vector<1x1x16xf32>,
        %get3A_1056 = vector.shape_cast %get3A_1055 : vector<1x1x16xf32> to vector<16xf32>
        %max3A_1057 = arith.constant 0.000000e+00 : f32
        %max3A_1058 = vector.broadcast %max3A_1057 : f32 to vector<16xf32>
        %max3A_1059 = arith.maximumf %get3A_1056, %max3A_1058 : vector<16xf32>
        %swap3A_1060 = arith.constant 0 : i32
        %swap3A_1061 = arith.index_cast %swap3A_1060 : i32 to index
        %swap3A_1062 = arith.index_cast %scan3A_989 : i32 to index
        %swap3A_1063 = arith.constant 64 : index
        %swap3A_1064 = tpu.vector_load %arg7[%swap3A_1061, %swap3A_1062, %swap3A_1063] {strides = array<i32>} : memref<3x96x128xf32, #tpu.memory_space<vmem>>, vector<1x1x16xf32>,
        %swap3A_1065 = vector.shape_cast %swap3A_1064 : vector<1x1x16xf32> to vector<16xf32>
        %swap3A_1066 = vector.shape_cast %max3A_1059 : vector<16xf32> to vector<1x1x16xf32>
        tpu.vector_store %arg7[%swap3A_1061, %swap3A_1062, %swap3A_1063], %swap3A_1066 {strides = array<i32>} : memref<3x96x128xf32, #tpu.memory_space<vmem>>, vector<1x1x16xf32>,
        %get3A_1067 = arith.constant 0 : i32
        %get3A_1068 = arith.index_cast %get3A_1067 : i32 to index
        %get3A_1069 = arith.index_cast %scan3A_989 : i32 to index
        %get3A_1070 = arith.constant 80 : index
        %get3A_1071 = tpu.vector_load %arg7[%get3A_1068, %get3A_1069, %get3A_1070] {strides = array<i32>} : memref<3x96x128xf32, #tpu.memory_space<vmem>>, vector<1x1x16xf32>,
        %get3A_1072 = vector.shape_cast %get3A_1071 : vector<1x1x16xf32> to vector<16xf32>
        %max3A_1073 = arith.constant 0.000000e+00 : f32
        %max3A_1074 = vector.broadcast %max3A_1073 : f32 to vector<16xf32>
        %max3A_1075 = arith.maximumf %get3A_1072, %max3A_1074 : vector<16xf32>
        %swap3A_1076 = arith.constant 0 : i32
        %swap3A_1077 = arith.index_cast %swap3A_1076 : i32 to index
        %swap3A_1078 = arith.index_cast %scan3A_989 : i32 to index
        %swap3A_1079 = arith.constant 80 : index
        %swap3A_1080 = tpu.vector_load %arg7[%swap3A_1077, %swap3A_1078, %swap3A_1079] {strides = array<i32>} : memref<3x96x128xf32, #tpu.memory_space<vmem>>, vector<1x1x16xf32>,
        %swap3A_1081 = vector.shape_cast %swap3A_1080 : vector<1x1x16xf32> to vector<16xf32>
        %swap3A_1082 = vector.shape_cast %max3A_1075 : vector<16xf32> to vector<1x1x16xf32>
        tpu.vector_store %arg7[%swap3A_1077, %swap3A_1078, %swap3A_1079], %swap3A_1082 {strides = array<i32>} : memref<3x96x128xf32, #tpu.memory_space<vmem>>, vector<1x1x16xf32>,
        %get3A_1083 = arith.constant 0 : i32
        %get3A_1084 = arith.index_cast %get3A_1083 : i32 to index
        %get3A_1085 = arith.index_cast %scan3A_989 : i32 to index
        %get3A_1086 = arith.constant 96 : index
        %get3A_1087 = tpu.vector_load %arg7[%get3A_1084, %get3A_1085, %get3A_1086] {strides = array<i32>} : memref<3x96x128xf32, #tpu.memory_space<vmem>>, vector<1x1x16xf32>,
        %get3A_1088 = vector.shape_cast %get3A_1087 : vector<1x1x16xf32> to vector<16xf32>
        %max3A_1089 = arith.constant 0.000000e+00 : f32
        %max3A_1090 = vector.broadcast %max3A_1089 : f32 to vector<16xf32>
        %max3A_1091 = arith.maximumf %get3A_1088, %max3A_1090 : vector<16xf32>
        %swap3A_1092 = arith.constant 0 : i32
        %swap3A_1093 = arith.index_cast %swap3A_1092 : i32 to index
        %swap3A_1094 = arith.index_cast %scan3A_989 : i32 to index
        %swap3A_1095 = arith.constant 96 : index
        %swap3A_1096 = tpu.vector_load %arg7[%swap3A_1093, %swap3A_1094, %swap3A_1095] {strides = array<i32>} : memref<3x96x128xf32, #tpu.memory_space<vmem>>, vector<1x1x16xf32>,
        %swap3A_1097 = vector.shape_cast %swap3A_1096 : vector<1x1x16xf32> to vector<16xf32>
        %swap3A_1098 = vector.shape_cast %max3A_1091 : vector<16xf32> to vector<1x1x16xf32>
        tpu.vector_store %arg7[%swap3A_1093, %swap3A_1094, %swap3A_1095], %swap3A_1098 {strides = array<i32>} : memref<3x96x128xf32, #tpu.memory_space<vmem>>, vector<1x1x16xf32>,
        %get3A_1099 = arith.constant 0 : i32
        %get3A_1100 = arith.index_cast %get3A_1099 : i32 to index
        %get3A_1101 = arith.index_cast %scan3A_989 : i32 to index
        %get3A_1102 = arith.constant 112 : index
        %get3A_1103 = tpu.vector_load %arg7[%get3A_1100, %get3A_1101, %get3A_1102] {strides = array<i32>} : memref<3x96x128xf32, #tpu.memory_space<vmem>>, vector<1x1x16xf32>,
        %get3A_1104 = vector.shape_cast %get3A_1103 : vector<1x1x16xf32> to vector<16xf32>
        %max3A_1105 = arith.constant 0.000000e+00 : f32
        %max3A_1106 = vector.broadcast %max3A_1105 : f32 to vector<16xf32>
        %max3A_1107 = arith.maximumf %get3A_1104, %max3A_1106 : vector<16xf32>
        %swap3A_1108 = arith.constant 0 : i32
        %swap3A_1109 = arith.index_cast %swap3A_1108 : i32 to index
        %swap3A_1110 = arith.index_cast %scan3A_989 : i32 to index
        %swap3A_1111 = arith.constant 112 : index
        %swap3A_1112 = tpu.vector_load %arg7[%swap3A_1109, %swap3A_1110, %swap3A_1111] {strides = array<i32>} : memref<3x96x128xf32, #tpu.memory_space<vmem>>, vector<1x1x16xf32>,
        %swap3A_1113 = vector.shape_cast %swap3A_1112 : vector<1x1x16xf32> to vector<16xf32>
        %swap3A_1114 = vector.shape_cast %max3A_1107 : vector<16xf32> to vector<1x1x16xf32>
        tpu.vector_store %arg7[%swap3A_1109, %swap3A_1110, %swap3A_1111], %swap3A_1114 {strides = array<i32>} : memref<3x96x128xf32, #tpu.memory_space<vmem>>, vector<1x1x16xf32>,
      }
      %scan3A_906 = arith.constant 96 : i32
      %dma_start3A_907 = arith.constant 0 : i32
      %dma_start3A_908 = arith.constant 0 : i32
      %dma_start3A_909 = arith.constant 0 : i32
      %dma_start3A_910 = arith.constant 1 : i32
      %dma_start3A_911 = arith.constant 0 : i32
      %dma_start3A_912 = arith.constant 0 : i32
      %dma_start3A_913 = tpu.memref_slice %arg7[%dma_start3A_907, %dma_start3A_911, %dma_start3A_912] : memref<3x96x128xf32, #tpu.memory_space<vmem>> -> memref<1x96x128xf32, #tpu.memory_space<vmem>>
      %dma_start3A_914 = tpu.memref_squeeze %dma_start3A_913 : memref<1x96x128xf32, #tpu.memory_space<vmem>> -> memref<96x128xf32, #tpu.memory_space<vmem>>
      %dma_start3A_915 = arith.constant 0 : i32
      %dma_start3A_916 = tpu.memref_slice %arg8[%dma_start3A_908, %dma_start3A_909, %dma_start3A_910, %dma_start3A_915] : memref<2x3x3x96xi32, #tpu.memory_space<vmem>> -> memref<1x1x1x96xi32, #tpu.memory_space<vmem>>
      %dma_start3A_917 = tpu.memref_squeeze %dma_start3A_916 : memref<1x1x1x96xi32, #tpu.memory_space<vmem>> -> memref<96xi32, #tpu.memory_space<vmem>>
      %dma_start3A_918 = arith.constant 0 : i32
      %dma_start3A_919 = arith.constant 0 : i32
      %dma_start3A_920 = tpu.memref_slice %arg6[%dma_start3A_918, %dma_start3A_919] : memref<10112x128xf32, #tpu.memory_space<vmem_shared>> -> memref<10112x128xf32, #tpu.memory_space<vmem_shared>>
      tpu.enqueue_indirect_dma source(%dma_start3A_914 : memref<96x128xf32, #tpu.memory_space<vmem>>) target(%dma_start3A_920 : memref<10112x128xf32, #tpu.memory_space<vmem_shared>>) offsets(%dma_start3A_917 : memref<96xi32, #tpu.memory_space<vmem>>) semaphore(%arg15 : memref<!tpu.dma_semaphore, #tpu.memory_space<semaphore_mem>>) {add = true}
      %dma_wait3A_921 = arith.constant 0 : i32
      %dma_wait3A_922 = arith.constant 1 : i32
      %dma_wait3A_923 = arith.constant 2 : i32
      %dma_wait3A_924 = arith.constant 1 : i32
      %dma_wait3A_925 = arith.constant 0 : i32
      %dma_wait3A_926 = arith.constant 0 : i32
      %dma_wait3A_927 = tpu.memref_slice %arg7[%dma_wait3A_924, %dma_wait3A_925, %dma_wait3A_926] : memref<3x96x128xf32, #tpu.memory_space<vmem>> -> memref<1x96x128xf32, #tpu.memory_space<vmem>>
      %dma_wait3A_928 = tpu.memref_squeeze %dma_wait3A_927 : memref<1x96x128xf32, #tpu.memory_space<vmem>> -> memref<96x128xf32, #tpu.memory_space<vmem>>
      %dma_wait3A_929 = arith.constant 0 : i32
      %dma_wait3A_930 = tpu.memref_slice %arg8[%dma_wait3A_921, %dma_wait3A_922, %dma_wait3A_923, %dma_wait3A_929] : memref<2x3x3x96xi32, #tpu.memory_space<vmem>> -> memref<1x1x1x96xi32, #tpu.memory_space<vmem>>
      %dma_wait3A_931 = tpu.memref_squeeze %dma_wait3A_930 : memref<1x1x1x96xi32, #tpu.memory_space<vmem>> -> memref<96xi32, #tpu.memory_space<vmem>>
      %dma_wait3A_932 = arith.constant 0 : i32
      %dma_wait3A_933 = arith.constant 0 : i32
      %dma_wait3A_934 = tpu.memref_slice %arg3[%dma_wait3A_932, %dma_wait3A_933] : memref<10000x128xf32, #tpu.memory_space<hbm>> -> memref<10000x128xf32, #tpu.memory_space<hbm>>
      tpu.wait_indirect_dma semaphore(%arg13 : memref<!tpu.dma_semaphore, #tpu.memory_space<semaphore_mem>>) src(%dma_wait3A_934 : memref<10000x128xf32, #tpu.memory_space<hbm>>) dst(%dma_wait3A_928 : memref<96x128xf32, #tpu.memory_space<vmem>>)
      %scan3A_935 = arith.constant 0 : i32
      %scan3A_936 = arith.constant 0 : i32
      %scan3A_937 = arith.constant 96 : i32
      %scan3A_938 = arith.addi %scan3A_936, %scan3A_937 : i32
      %scan3A_939 = arith.constant 1 : i32
      scf.for %scan3A_989 = %scan3A_936 to %scan3A_938 step %scan3A_939  : i32 {
        %get3A = arith.constant 1 : i32
        %get3A_990 = arith.index_cast %get3A : i32 to index
        %get3A_991 = arith.index_cast %scan3A_989 : i32 to index
        %get3A_992 = arith.constant 0 : index
        %get3A_993 = tpu.vector_load %arg7[%get3A_990, %get3A_991, %get3A_992] {strides = array<i32>} : memref<3x96x128xf32, #tpu.memory_space<vmem>>, vector<1x1x16xf32>,
        %get3A_994 = vector.shape_cast %get3A_993 : vector<1x1x16xf32> to vector<16xf32>
        %max3A = arith.constant 0.000000e+00 : f32
        %max3A_995 = vector.broadcast %max3A : f32 to vector<16xf32>
        %max3A_996 = arith.maximumf %get3A_994, %max3A_995 : vector<16xf32>
        %swap3A = arith.constant 1 : i32
        %swap3A_997 = arith.index_cast %swap3A : i32 to index
        %swap3A_998 = arith.index_cast %scan3A_989 : i32 to index
        %swap3A_999 = arith.constant 0 : index
        %swap3A_1000 = tpu.vector_load %arg7[%swap3A_997, %swap3A_998, %swap3A_999] {strides = array<i32>} : memref<3x96x128xf32, #tpu.memory_space<vmem>>, vector<1x1x16xf32>,
        %swap3A_1001 = vector.shape_cast %swap3A_1000 : vector<1x1x16xf32> to vector<16xf32>
        %swap3A_1002 = vector.shape_cast %max3A_996 : vector<16xf32> to vector<1x1x16xf32>
        tpu.vector_store %arg7[%swap3A_997, %swap3A_998, %swap3A_999], %swap3A_1002 {strides = array<i32>} : memref<3x96x128xf32, #tpu.memory_space<vmem>>, vector<1x1x16xf32>,
        %get3A_1003 = arith.constant 1 : i32
        %get3A_1004 = arith.index_cast %get3A_1003 : i32 to index
        %get3A_1005 = arith.index_cast %scan3A_989 : i32 to index
        %get3A_1006 = arith.constant 16 : index
        %get3A_1007 = tpu.vector_load %arg7[%get3A_1004, %get3A_1005, %get3A_1006] {strides = array<i32>} : memref<3x96x128xf32, #tpu.memory_space<vmem>>, vector<1x1x16xf32>,
        %get3A_1008 = vector.shape_cast %get3A_1007 : vector<1x1x16xf32> to vector<16xf32>
        %max3A_1009 = arith.constant 0.000000e+00 : f32
        %max3A_1010 = vector.broadcast %max3A_1009 : f32 to vector<16xf32>
        %max3A_1011 = arith.maximumf %get3A_1008, %max3A_1010 : vector<16xf32>
        %swap3A_1012 = arith.constant 1 : i32
        %swap3A_1013 = arith.index_cast %swap3A_1012 : i32 to index
        %swap3A_1014 = arith.index_cast %scan3A_989 : i32 to index
        %swap3A_1015 = arith.constant 16 : index
        %swap3A_1016 = tpu.vector_load %arg7[%swap3A_1013, %swap3A_1014, %swap3A_1015] {strides = array<i32>} : memref<3x96x128xf32, #tpu.memory_space<vmem>>, vector<1x1x16xf32>,
        %swap3A_1017 = vector.shape_cast %swap3A_1016 : vector<1x1x16xf32> to vector<16xf32>
        %swap3A_1018 = vector.shape_cast %max3A_1011 : vector<16xf32> to vector<1x1x16xf32>
        tpu.vector_store %arg7[%swap3A_1013, %swap3A_1014, %swap3A_1015], %swap3A_1018 {strides = array<i32>} : memref<3x96x128xf32, #tpu.memory_space<vmem>>, vector<1x1x16xf32>,
        %get3A_1019 = arith.constant 1 : i32
        %get3A_1020 = arith.index_cast %get3A_1019 : i32 to index
        %get3A_1021 = arith.index_cast %scan3A_989 : i32 to index
        %get3A_1022 = arith.constant 32 : index
        %get3A_1023 = tpu.vector_load %arg7[%get3A_1020, %get3A_1021, %get3A_1022] {strides = array<i32>} : memref<3x96x128xf32, #tpu.memory_space<vmem>>, vector<1x1x16xf32>,
        %get3A_1024 = vector.shape_cast %get3A_1023 : vector<1x1x16xf32> to vector<16xf32>
        %max3A_1025 = arith.constant 0.000000e+00 : f32
        %max3A_1026 = vector.broadcast %max3A_1025 : f32 to vector<16xf32>
        %max3A_1027 = arith.maximumf %get3A_1024, %max3A_1026 : vector<16xf32>
        %swap3A_1028 = arith.constant 1 : i32
        %swap3A_1029 = arith.index_cast %swap3A_1028 : i32 to index
        %swap3A_1030 = arith.index_cast %scan3A_989 : i32 to index
        %swap3A_1031 = arith.constant 32 : index
        %swap3A_1032 = tpu.vector_load %arg7[%swap3A_1029, %swap3A_1030, %swap3A_1031] {strides = array<i32>} : memref<3x96x128xf32, #tpu.memory_space<vmem>>, vector<1x1x16xf32>,
        %swap3A_1033 = vector.shape_cast %swap3A_1032 : vector<1x1x16xf32> to vector<16xf32>
        %swap3A_1034 = vector.shape_cast %max3A_1027 : vector<16xf32> to vector<1x1x16xf32>
        tpu.vector_store %arg7[%swap3A_1029, %swap3A_1030, %swap3A_1031], %swap3A_1034 {strides = array<i32>} : memref<3x96x128xf32, #tpu.memory_space<vmem>>, vector<1x1x16xf32>,
        %get3A_1035 = arith.constant 1 : i32
        %get3A_1036 = arith.index_cast %get3A_1035 : i32 to index
        %get3A_1037 = arith.index_cast %scan3A_989 : i32 to index
        %get3A_1038 = arith.constant 48 : index
        %get3A_1039 = tpu.vector_load %arg7[%get3A_1036, %get3A_1037, %get3A_1038] {strides = array<i32>} : memref<3x96x128xf32, #tpu.memory_space<vmem>>, vector<1x1x16xf32>,
        %get3A_1040 = vector.shape_cast %get3A_1039 : vector<1x1x16xf32> to vector<16xf32>
        %max3A_1041 = arith.constant 0.000000e+00 : f32
        %max3A_1042 = vector.broadcast %max3A_1041 : f32 to vector<16xf32>
        %max3A_1043 = arith.maximumf %get3A_1040, %max3A_1042 : vector<16xf32>
        %swap3A_1044 = arith.constant 1 : i32
        %swap3A_1045 = arith.index_cast %swap3A_1044 : i32 to index
        %swap3A_1046 = arith.index_cast %scan3A_989 : i32 to index
        %swap3A_1047 = arith.constant 48 : index
        %swap3A_1048 = tpu.vector_load %arg7[%swap3A_1045, %swap3A_1046, %swap3A_1047] {strides = array<i32>} : memref<3x96x128xf32, #tpu.memory_space<vmem>>, vector<1x1x16xf32>,
        %swap3A_1049 = vector.shape_cast %swap3A_1048 : vector<1x1x16xf32> to vector<16xf32>
        %swap3A_1050 = vector.shape_cast %max3A_1043 : vector<16xf32> to vector<1x1x16xf32>
        tpu.vector_store %arg7[%swap3A_1045, %swap3A_1046, %swap3A_1047], %swap3A_1050 {strides = array<i32>} : memref<3x96x128xf32, #tpu.memory_space<vmem>>, vector<1x1x16xf32>,
        %get3A_1051 = arith.constant 1 : i32
        %get3A_1052 = arith.index_cast %get3A_1051 : i32 to index
        %get3A_1053 = arith.index_cast %scan3A_989 : i32 to index
        %get3A_1054 = arith.constant 64 : index
        %get3A_1055 = tpu.vector_load %arg7[%get3A_1052, %get3A_1053, %get3A_1054] {strides = array<i32>} : memref<3x96x128xf32, #tpu.memory_space<vmem>>, vector<1x1x16xf32>,
        %get3A_1056 = vector.shape_cast %get3A_1055 : vector<1x1x16xf32> to vector<16xf32>
        %max3A_1057 = arith.constant 0.000000e+00 : f32
        %max3A_1058 = vector.broadcast %max3A_1057 : f32 to vector<16xf32>
        %max3A_1059 = arith.maximumf %get3A_1056, %max3A_1058 : vector<16xf32>
        %swap3A_1060 = arith.constant 1 : i32
        %swap3A_1061 = arith.index_cast %swap3A_1060 : i32 to index
        %swap3A_1062 = arith.index_cast %scan3A_989 : i32 to index
        %swap3A_1063 = arith.constant 64 : index
        %swap3A_1064 = tpu.vector_load %arg7[%swap3A_1061, %swap3A_1062, %swap3A_1063] {strides = array<i32>} : memref<3x96x128xf32, #tpu.memory_space<vmem>>, vector<1x1x16xf32>,
        %swap3A_1065 = vector.shape_cast %swap3A_1064 : vector<1x1x16xf32> to vector<16xf32>
        %swap3A_1066 = vector.shape_cast %max3A_1059 : vector<16xf32> to vector<1x1x16xf32>
        tpu.vector_store %arg7[%swap3A_1061, %swap3A_1062, %swap3A_1063], %swap3A_1066 {strides = array<i32>} : memref<3x96x128xf32, #tpu.memory_space<vmem>>, vector<1x1x16xf32>,
        %get3A_1067 = arith.constant 1 : i32
        %get3A_1068 = arith.index_cast %get3A_1067 : i32 to index
        %get3A_1069 = arith.index_cast %scan3A_989 : i32 to index
        %get3A_1070 = arith.constant 80 : index
        %get3A_1071 = tpu.vector_load %arg7[%get3A_1068, %get3A_1069, %get3A_1070] {strides = array<i32>} : memref<3x96x128xf32, #tpu.memory_space<vmem>>, vector<1x1x16xf32>,
        %get3A_1072 = vector.shape_cast %get3A_1071 : vector<1x1x16xf32> to vector<16xf32>
        %max3A_1073 = arith.constant 0.000000e+00 : f32
        %max3A_1074 = vector.broadcast %max3A_1073 : f32 to vector<16xf32>
        %max3A_1075 = arith.maximumf %get3A_1072, %max3A_1074 : vector<16xf32>
        %swap3A_1076 = arith.constant 1 : i32
        %swap3A_1077 = arith.index_cast %swap3A_1076 : i32 to index
        %swap3A_1078 = arith.index_cast %scan3A_989 : i32 to index
        %swap3A_1079 = arith.constant 80 : index
        %swap3A_1080 = tpu.vector_load %arg7[%swap3A_1077, %swap3A_1078, %swap3A_1079] {strides = array<i32>} : memref<3x96x128xf32, #tpu.memory_space<vmem>>, vector<1x1x16xf32>,
        %swap3A_1081 = vector.shape_cast %swap3A_1080 : vector<1x1x16xf32> to vector<16xf32>
        %swap3A_1082 = vector.shape_cast %max3A_1075 : vector<16xf32> to vector<1x1x16xf32>
        tpu.vector_store %arg7[%swap3A_1077, %swap3A_1078, %swap3A_1079], %swap3A_1082 {strides = array<i32>} : memref<3x96x128xf32, #tpu.memory_space<vmem>>, vector<1x1x16xf32>,
        %get3A_1083 = arith.constant 1 : i32
        %get3A_1084 = arith.index_cast %get3A_1083 : i32 to index
        %get3A_1085 = arith.index_cast %scan3A_989 : i32 to index
        %get3A_1086 = arith.constant 96 : index
        %get3A_1087 = tpu.vector_load %arg7[%get3A_1084, %get3A_1085, %get3A_1086] {strides = array<i32>} : memref<3x96x128xf32, #tpu.memory_space<vmem>>, vector<1x1x16xf32>,
        %get3A_1088 = vector.shape_cast %get3A_1087 : vector<1x1x16xf32> to vector<16xf32>
        %max3A_1089 = arith.constant 0.000000e+00 : f32
        %max3A_1090 = vector.broadcast %max3A_1089 : f32 to vector<16xf32>
        %max3A_1091 = arith.maximumf %get3A_1088, %max3A_1090 : vector<16xf32>
        %swap3A_1092 = arith.constant 1 : i32
        %swap3A_1093 = arith.index_cast %swap3A_1092 : i32 to index
        %swap3A_1094 = arith.index_cast %scan3A_989 : i32 to index
        %swap3A_1095 = arith.constant 96 : index
        %swap3A_1096 = tpu.vector_load %arg7[%swap3A_1093, %swap3A_1094, %swap3A_1095] {strides = array<i32>} : memref<3x96x128xf32, #tpu.memory_space<vmem>>, vector<1x1x16xf32>,
        %swap3A_1097 = vector.shape_cast %swap3A_1096 : vector<1x1x16xf32> to vector<16xf32>
        %swap3A_1098 = vector.shape_cast %max3A_1091 : vector<16xf32> to vector<1x1x16xf32>
        tpu.vector_store %arg7[%swap3A_1093, %swap3A_1094, %swap3A_1095], %swap3A_1098 {strides = array<i32>} : memref<3x96x128xf32, #tpu.memory_space<vmem>>, vector<1x1x16xf32>,
        %get3A_1099 = arith.constant 1 : i32
        %get3A_1100 = arith.index_cast %get3A_1099 : i32 to index
        %get3A_1101 = arith.index_cast %scan3A_989 : i32 to index
        %get3A_1102 = arith.constant 112 : index
        %get3A_1103 = tpu.vector_load %arg7[%get3A_1100, %get3A_1101, %get3A_1102] {strides = array<i32>} : memref<3x96x128xf32, #tpu.memory_space<vmem>>, vector<1x1x16xf32>,
        %get3A_1104 = vector.shape_cast %get3A_1103 : vector<1x1x16xf32> to vector<16xf32>
        %max3A_1105 = arith.constant 0.000000e+00 : f32
        %max3A_1106 = vector.broadcast %max3A_1105 : f32 to vector<16xf32>
        %max3A_1107 = arith.maximumf %get3A_1104, %max3A_1106 : vector<16xf32>
        %swap3A_1108 = arith.constant 1 : i32
        %swap3A_1109 = arith.index_cast %swap3A_1108 : i32 to index
        %swap3A_1110 = arith.index_cast %scan3A_989 : i32 to index
        %swap3A_1111 = arith.constant 112 : index
        %swap3A_1112 = tpu.vector_load %arg7[%swap3A_1109, %swap3A_1110, %swap3A_1111] {strides = array<i32>} : memref<3x96x128xf32, #tpu.memory_space<vmem>>, vector<1x1x16xf32>,
        %swap3A_1113 = vector.shape_cast %swap3A_1112 : vector<1x1x16xf32> to vector<16xf32>
        %swap3A_1114 = vector.shape_cast %max3A_1107 : vector<16xf32> to vector<1x1x16xf32>
        tpu.vector_store %arg7[%swap3A_1109, %swap3A_1110, %swap3A_1111], %swap3A_1114 {strides = array<i32>} : memref<3x96x128xf32, #tpu.memory_space<vmem>>, vector<1x1x16xf32>,
      }
      %scan3A_940 = arith.constant 96 : i32
      %dma_start3A_941 = arith.constant 1 : i32
      %dma_start3A_942 = arith.constant 0 : i32
      %dma_start3A_943 = arith.constant 1 : i32
      %dma_start3A_944 = arith.constant 1 : i32
      %dma_start3A_945 = arith.constant 0 : i32
      %dma_start3A_946 = arith.constant 0 : i32
      %dma_start3A_947 = tpu.memref_slice %arg7[%dma_start3A_941, %dma_start3A_945, %dma_start3A_946] : memref<3x96x128xf32, #tpu.memory_space<vmem>> -> memref<1x96x128xf32, #tpu.memory_space<vmem>>
      %dma_start3A_948 = tpu.memref_squeeze %dma_start3A_947 : memref<1x96x128xf32, #tpu.memory_space<vmem>> -> memref<96x128xf32, #tpu.memory_space<vmem>>
      %dma_start3A_949 = arith.constant 0 : i32
      %dma_start3A_950 = tpu.memref_slice %arg8[%dma_start3A_942, %dma_start3A_943, %dma_start3A_944, %dma_start3A_949] : memref<2x3x3x96xi32, #tpu.memory_space<vmem>> -> memref<1x1x1x96xi32, #tpu.memory_space<vmem>>
      %dma_start3A_951 = tpu.memref_squeeze %dma_start3A_950 : memref<1x1x1x96xi32, #tpu.memory_space<vmem>> -> memref<96xi32, #tpu.memory_space<vmem>>
      %dma_start3A_952 = arith.constant 0 : i32
      %dma_start3A_953 = arith.constant 0 : i32
      %dma_start3A_954 = tpu.memref_slice %arg6[%dma_start3A_952, %dma_start3A_953] : memref<10112x128xf32, #tpu.memory_space<vmem_shared>> -> memref<10112x128xf32, #tpu.memory_space<vmem_shared>>
      tpu.enqueue_indirect_dma source(%dma_start3A_948 : memref<96x128xf32, #tpu.memory_space<vmem>>) target(%dma_start3A_954 : memref<10112x128xf32, #tpu.memory_space<vmem_shared>>) offsets(%dma_start3A_951 : memref<96xi32, #tpu.memory_space<vmem>>) semaphore(%arg16 : memref<!tpu.dma_semaphore, #tpu.memory_space<semaphore_mem>>) {add = true}
      %dma_wait3A_955 = arith.constant 0 : i32
      %dma_wait3A_956 = arith.constant 2 : i32
      %dma_wait3A_957 = arith.constant 2 : i32
      %dma_wait3A_958 = arith.constant 2 : i32
      %dma_wait3A_959 = arith.constant 0 : i32
      %dma_wait3A_960 = arith.constant 0 : i32
      %dma_wait3A_961 = tpu.memref_slice %arg7[%dma_wait3A_958, %dma_wait3A_959, %dma_wait3A_960] : memref<3x96x128xf32, #tpu.memory_space<vmem>> -> memref<1x96x128xf32, #tpu.memory_space<vmem>>
      %dma_wait3A_962 = tpu.memref_squeeze %dma_wait3A_961 : memref<1x96x128xf32, #tpu.memory_space<vmem>> -> memref<96x128xf32, #tpu.memory_space<vmem>>
      %dma_wait3A_963 = arith.constant 0 : i32
      %dma_wait3A_964 = tpu.memref_slice %arg8[%dma_wait3A_955, %dma_wait3A_956, %dma_wait3A_957, %dma_wait3A_963] : memref<2x3x3x96xi32, #tpu.memory_space<vmem>> -> memref<1x1x1x96xi32, #tpu.memory_space<vmem>>
      %dma_wait3A_965 = tpu.memref_squeeze %dma_wait3A_964 : memref<1x1x1x96xi32, #tpu.memory_space<vmem>> -> memref<96xi32, #tpu.memory_space<vmem>>
      %dma_wait3A_966 = arith.constant 0 : i32
      %dma_wait3A_967 = arith.constant 0 : i32
      %dma_wait3A_968 = tpu.memref_slice %arg3[%dma_wait3A_966, %dma_wait3A_967] : memref<10000x128xf32, #tpu.memory_space<hbm>> -> memref<10000x128xf32, #tpu.memory_space<hbm>>
      tpu.wait_indirect_dma semaphore(%arg14 : memref<!tpu.dma_semaphore, #tpu.memory_space<semaphore_mem>>) src(%dma_wait3A_968 : memref<10000x128xf32, #tpu.memory_space<hbm>>) dst(%dma_wait3A_962 : memref<96x128xf32, #tpu.memory_space<vmem>>)
      %scan3A_969 = arith.constant 0 : i32
      %scan3A_970 = arith.constant 0 : i32
      %scan3A_971 = arith.constant 96 : i32
      %scan3A_972 = arith.addi %scan3A_970, %scan3A_971 : i32
      %scan3A_973 = arith.constant 1 : i32
      scf.for %scan3A_989 = %scan3A_970 to %scan3A_972 step %scan3A_973  : i32 {
        %get3A = arith.constant 2 : i32
        %get3A_990 = arith.index_cast %get3A : i32 to index
        %get3A_991 = arith.index_cast %scan3A_989 : i32 to index
        %get3A_992 = arith.constant 0 : index
        %get3A_993 = tpu.vector_load %arg7[%get3A_990, %get3A_991, %get3A_992] {strides = array<i32>} : memref<3x96x128xf32, #tpu.memory_space<vmem>>, vector<1x1x16xf32>,
        %get3A_994 = vector.shape_cast %get3A_993 : vector<1x1x16xf32> to vector<16xf32>
        %max3A = arith.constant 0.000000e+00 : f32
        %max3A_995 = vector.broadcast %max3A : f32 to vector<16xf32>
        %max3A_996 = arith.maximumf %get3A_994, %max3A_995 : vector<16xf32>
        %swap3A = arith.constant 2 : i32
        %swap3A_997 = arith.index_cast %swap3A : i32 to index
        %swap3A_998 = arith.index_cast %scan3A_989 : i32 to index
        %swap3A_999 = arith.constant 0 : index
        %swap3A_1000 = tpu.vector_load %arg7[%swap3A_997, %swap3A_998, %swap3A_999] {strides = array<i32>} : memref<3x96x128xf32, #tpu.memory_space<vmem>>, vector<1x1x16xf32>,
        %swap3A_1001 = vector.shape_cast %swap3A_1000 : vector<1x1x16xf32> to vector<16xf32>
        %swap3A_1002 = vector.shape_cast %max3A_996 : vector<16xf32> to vector<1x1x16xf32>
        tpu.vector_store %arg7[%swap3A_997, %swap3A_998, %swap3A_999], %swap3A_1002 {strides = array<i32>} : memref<3x96x128xf32, #tpu.memory_space<vmem>>, vector<1x1x16xf32>,
        %get3A_1003 = arith.constant 2 : i32
        %get3A_1004 = arith.index_cast %get3A_1003 : i32 to index
        %get3A_1005 = arith.index_cast %scan3A_989 : i32 to index
        %get3A_1006 = arith.constant 16 : index
        %get3A_1007 = tpu.vector_load %arg7[%get3A_1004, %get3A_1005, %get3A_1006] {strides = array<i32>} : memref<3x96x128xf32, #tpu.memory_space<vmem>>, vector<1x1x16xf32>,
        %get3A_1008 = vector.shape_cast %get3A_1007 : vector<1x1x16xf32> to vector<16xf32>
        %max3A_1009 = arith.constant 0.000000e+00 : f32
        %max3A_1010 = vector.broadcast %max3A_1009 : f32 to vector<16xf32>
        %max3A_1011 = arith.maximumf %get3A_1008, %max3A_1010 : vector<16xf32>
        %swap3A_1012 = arith.constant 2 : i32
        %swap3A_1013 = arith.index_cast %swap3A_1012 : i32 to index
        %swap3A_1014 = arith.index_cast %scan3A_989 : i32 to index
        %swap3A_1015 = arith.constant 16 : index
        %swap3A_1016 = tpu.vector_load %arg7[%swap3A_1013, %swap3A_1014, %swap3A_1015] {strides = array<i32>} : memref<3x96x128xf32, #tpu.memory_space<vmem>>, vector<1x1x16xf32>,
        %swap3A_1017 = vector.shape_cast %swap3A_1016 : vector<1x1x16xf32> to vector<16xf32>
        %swap3A_1018 = vector.shape_cast %max3A_1011 : vector<16xf32> to vector<1x1x16xf32>
        tpu.vector_store %arg7[%swap3A_1013, %swap3A_1014, %swap3A_1015], %swap3A_1018 {strides = array<i32>} : memref<3x96x128xf32, #tpu.memory_space<vmem>>, vector<1x1x16xf32>,
        %get3A_1019 = arith.constant 2 : i32
        %get3A_1020 = arith.index_cast %get3A_1019 : i32 to index
        %get3A_1021 = arith.index_cast %scan3A_989 : i32 to index
        %get3A_1022 = arith.constant 32 : index
        %get3A_1023 = tpu.vector_load %arg7[%get3A_1020, %get3A_1021, %get3A_1022] {strides = array<i32>} : memref<3x96x128xf32, #tpu.memory_space<vmem>>, vector<1x1x16xf32>,
        %get3A_1024 = vector.shape_cast %get3A_1023 : vector<1x1x16xf32> to vector<16xf32>
        %max3A_1025 = arith.constant 0.000000e+00 : f32
        %max3A_1026 = vector.broadcast %max3A_1025 : f32 to vector<16xf32>
        %max3A_1027 = arith.maximumf %get3A_1024, %max3A_1026 : vector<16xf32>
        %swap3A_1028 = arith.constant 2 : i32
        %swap3A_1029 = arith.index_cast %swap3A_1028 : i32 to index
        %swap3A_1030 = arith.index_cast %scan3A_989 : i32 to index
        %swap3A_1031 = arith.constant 32 : index
        %swap3A_1032 = tpu.vector_load %arg7[%swap3A_1029, %swap3A_1030, %swap3A_1031] {strides = array<i32>} : memref<3x96x128xf32, #tpu.memory_space<vmem>>, vector<1x1x16xf32>,
        %swap3A_1033 = vector.shape_cast %swap3A_1032 : vector<1x1x16xf32> to vector<16xf32>
        %swap3A_1034 = vector.shape_cast %max3A_1027 : vector<16xf32> to vector<1x1x16xf32>
        tpu.vector_store %arg7[%swap3A_1029, %swap3A_1030, %swap3A_1031], %swap3A_1034 {strides = array<i32>} : memref<3x96x128xf32, #tpu.memory_space<vmem>>, vector<1x1x16xf32>,
        %get3A_1035 = arith.constant 2 : i32
        %get3A_1036 = arith.index_cast %get3A_1035 : i32 to index
        %get3A_1037 = arith.index_cast %scan3A_989 : i32 to index
        %get3A_1038 = arith.constant 48 : index
        %get3A_1039 = tpu.vector_load %arg7[%get3A_1036, %get3A_1037, %get3A_1038] {strides = array<i32>} : memref<3x96x128xf32, #tpu.memory_space<vmem>>, vector<1x1x16xf32>,
        %get3A_1040 = vector.shape_cast %get3A_1039 : vector<1x1x16xf32> to vector<16xf32>
        %max3A_1041 = arith.constant 0.000000e+00 : f32
        %max3A_1042 = vector.broadcast %max3A_1041 : f32 to vector<16xf32>
        %max3A_1043 = arith.maximumf %get3A_1040, %max3A_1042 : vector<16xf32>
        %swap3A_1044 = arith.constant 2 : i32
        %swap3A_1045 = arith.index_cast %swap3A_1044 : i32 to index
        %swap3A_1046 = arith.index_cast %scan3A_989 : i32 to index
        %swap3A_1047 = arith.constant 48 : index
        %swap3A_1048 = tpu.vector_load %arg7[%swap3A_1045, %swap3A_1046, %swap3A_1047] {strides = array<i32>} : memref<3x96x128xf32, #tpu.memory_space<vmem>>, vector<1x1x16xf32>,
        %swap3A_1049 = vector.shape_cast %swap3A_1048 : vector<1x1x16xf32> to vector<16xf32>
        %swap3A_1050 = vector.shape_cast %max3A_1043 : vector<16xf32> to vector<1x1x16xf32>
        tpu.vector_store %arg7[%swap3A_1045, %swap3A_1046, %swap3A_1047], %swap3A_1050 {strides = array<i32>} : memref<3x96x128xf32, #tpu.memory_space<vmem>>, vector<1x1x16xf32>,
        %get3A_1051 = arith.constant 2 : i32
        %get3A_1052 = arith.index_cast %get3A_1051 : i32 to index
        %get3A_1053 = arith.index_cast %scan3A_989 : i32 to index
        %get3A_1054 = arith.constant 64 : index
        %get3A_1055 = tpu.vector_load %arg7[%get3A_1052, %get3A_1053, %get3A_1054] {strides = array<i32>} : memref<3x96x128xf32, #tpu.memory_space<vmem>>, vector<1x1x16xf32>,
        %get3A_1056 = vector.shape_cast %get3A_1055 : vector<1x1x16xf32> to vector<16xf32>
        %max3A_1057 = arith.constant 0.000000e+00 : f32
        %max3A_1058 = vector.broadcast %max3A_1057 : f32 to vector<16xf32>
        %max3A_1059 = arith.maximumf %get3A_1056, %max3A_1058 : vector<16xf32>
        %swap3A_1060 = arith.constant 2 : i32
        %swap3A_1061 = arith.index_cast %swap3A_1060 : i32 to index
        %swap3A_1062 = arith.index_cast %scan3A_989 : i32 to index
        %swap3A_1063 = arith.constant 64 : index
        %swap3A_1064 = tpu.vector_load %arg7[%swap3A_1061, %swap3A_1062, %swap3A_1063] {strides = array<i32>} : memref<3x96x128xf32, #tpu.memory_space<vmem>>, vector<1x1x16xf32>,
        %swap3A_1065 = vector.shape_cast %swap3A_1064 : vector<1x1x16xf32> to vector<16xf32>
        %swap3A_1066 = vector.shape_cast %max3A_1059 : vector<16xf32> to vector<1x1x16xf32>
        tpu.vector_store %arg7[%swap3A_1061, %swap3A_1062, %swap3A_1063], %swap3A_1066 {strides = array<i32>} : memref<3x96x128xf32, #tpu.memory_space<vmem>>, vector<1x1x16xf32>,
        %get3A_1067 = arith.constant 2 : i32
        %get3A_1068 = arith.index_cast %get3A_1067 : i32 to index
        %get3A_1069 = arith.index_cast %scan3A_989 : i32 to index
        %get3A_1070 = arith.constant 80 : index
        %get3A_1071 = tpu.vector_load %arg7[%get3A_1068, %get3A_1069, %get3A_1070] {strides = array<i32>} : memref<3x96x128xf32, #tpu.memory_space<vmem>>, vector<1x1x16xf32>,
        %get3A_1072 = vector.shape_cast %get3A_1071 : vector<1x1x16xf32> to vector<16xf32>
        %max3A_1073 = arith.constant 0.000000e+00 : f32
        %max3A_1074 = vector.broadcast %max3A_1073 : f32 to vector<16xf32>
        %max3A_1075 = arith.maximumf %get3A_1072, %max3A_1074 : vector<16xf32>
        %swap3A_1076 = arith.constant 2 : i32
        %swap3A_1077 = arith.index_cast %swap3A_1076 : i32 to index
        %swap3A_1078 = arith.index_cast %scan3A_989 : i32 to index
        %swap3A_1079 = arith.constant 80 : index
        %swap3A_1080 = tpu.vector_load %arg7[%swap3A_1077, %swap3A_1078, %swap3A_1079] {strides = array<i32>} : memref<3x96x128xf32, #tpu.memory_space<vmem>>, vector<1x1x16xf32>,
        %swap3A_1081 = vector.shape_cast %swap3A_1080 : vector<1x1x16xf32> to vector<16xf32>
        %swap3A_1082 = vector.shape_cast %max3A_1075 : vector<16xf32> to vector<1x1x16xf32>
        tpu.vector_store %arg7[%swap3A_1077, %swap3A_1078, %swap3A_1079], %swap3A_1082 {strides = array<i32>} : memref<3x96x128xf32, #tpu.memory_space<vmem>>, vector<1x1x16xf32>,
        %get3A_1083 = arith.constant 2 : i32
        %get3A_1084 = arith.index_cast %get3A_1083 : i32 to index
        %get3A_1085 = arith.index_cast %scan3A_989 : i32 to index
        %get3A_1086 = arith.constant 96 : index
        %get3A_1087 = tpu.vector_load %arg7[%get3A_1084, %get3A_1085, %get3A_1086] {strides = array<i32>} : memref<3x96x128xf32, #tpu.memory_space<vmem>>, vector<1x1x16xf32>,
        %get3A_1088 = vector.shape_cast %get3A_1087 : vector<1x1x16xf32> to vector<16xf32>
        %max3A_1089 = arith.constant 0.000000e+00 : f32
        %max3A_1090 = vector.broadcast %max3A_1089 : f32 to vector<16xf32>
        %max3A_1091 = arith.maximumf %get3A_1088, %max3A_1090 : vector<16xf32>
        %swap3A_1092 = arith.constant 2 : i32
        %swap3A_1093 = arith.index_cast %swap3A_1092 : i32 to index
        %swap3A_1094 = arith.index_cast %scan3A_989 : i32 to index
        %swap3A_1095 = arith.constant 96 : index
        %swap3A_1096 = tpu.vector_load %arg7[%swap3A_1093, %swap3A_1094, %swap3A_1095] {strides = array<i32>} : memref<3x96x128xf32, #tpu.memory_space<vmem>>, vector<1x1x16xf32>,
        %swap3A_1097 = vector.shape_cast %swap3A_1096 : vector<1x1x16xf32> to vector<16xf32>
        %swap3A_1098 = vector.shape_cast %max3A_1091 : vector<16xf32> to vector<1x1x16xf32>
        tpu.vector_store %arg7[%swap3A_1093, %swap3A_1094, %swap3A_1095], %swap3A_1098 {strides = array<i32>} : memref<3x96x128xf32, #tpu.memory_space<vmem>>, vector<1x1x16xf32>,
        %get3A_1099 = arith.constant 2 : i32
        %get3A_1100 = arith.index_cast %get3A_1099 : i32 to index
        %get3A_1101 = arith.index_cast %scan3A_989 : i32 to index
        %get3A_1102 = arith.constant 112 : index
        %get3A_1103 = tpu.vector_load %arg7[%get3A_1100, %get3A_1101, %get3A_1102] {strides = array<i32>} : memref<3x96x128xf32, #tpu.memory_space<vmem>>, vector<1x1x16xf32>,
        %get3A_1104 = vector.shape_cast %get3A_1103 : vector<1x1x16xf32> to vector<16xf32>
        %max3A_1105 = arith.constant 0.000000e+00 : f32
        %max3A_1106 = vector.broadcast %max3A_1105 : f32 to vector<16xf32>
        %max3A_1107 = arith.maximumf %get3A_1104, %max3A_1106 : vector<16xf32>
        %swap3A_1108 = arith.constant 2 : i32
        %swap3A_1109 = arith.index_cast %swap3A_1108 : i32 to index
        %swap3A_1110 = arith.index_cast %scan3A_989 : i32 to index
        %swap3A_1111 = arith.constant 112 : index
        %swap3A_1112 = tpu.vector_load %arg7[%swap3A_1109, %swap3A_1110, %swap3A_1111] {strides = array<i32>} : memref<3x96x128xf32, #tpu.memory_space<vmem>>, vector<1x1x16xf32>,
        %swap3A_1113 = vector.shape_cast %swap3A_1112 : vector<1x1x16xf32> to vector<16xf32>
        %swap3A_1114 = vector.shape_cast %max3A_1107 : vector<16xf32> to vector<1x1x16xf32>
        tpu.vector_store %arg7[%swap3A_1109, %swap3A_1110, %swap3A_1111], %swap3A_1114 {strides = array<i32>} : memref<3x96x128xf32, #tpu.memory_space<vmem>>, vector<1x1x16xf32>,
      }
      %scan3A_974 = arith.constant 96 : i32
      %dma_start3A_975 = arith.constant 2 : i32
      %dma_start3A_976 = arith.constant 0 : i32
      %dma_start3A_977 = arith.constant 2 : i32
      %dma_start3A_978 = arith.constant 1 : i32
      %dma_start3A_979 = arith.constant 0 : i32
      %dma_start3A_980 = arith.constant 0 : i32
      %dma_start3A_981 = tpu.memref_slice %arg7[%dma_start3A_975, %dma_start3A_979, %dma_start3A_980] : memref<3x96x128xf32, #tpu.memory_space<vmem>> -> memref<1x96x128xf32, #tpu.memory_space<vmem>>
      %dma_start3A_982 = tpu.memref_squeeze %dma_start3A_981 : memref<1x96x128xf32, #tpu.memory_space<vmem>> -> memref<96x128xf32, #tpu.memory_space<vmem>>
      %dma_start3A_983 = arith.constant 0 : i32
      %dma_start3A_984 = tpu.memref_slice %arg8[%dma_start3A_976, %dma_start3A_977, %dma_start3A_978, %dma_start3A_983] : memref<2x3x3x96xi32, #tpu.memory_space<vmem>> -> memref<1x1x1x96xi32, #tpu.memory_space<vmem>>
      %dma_start3A_985 = tpu.memref_squeeze %dma_start3A_984 : memref<1x1x1x96xi32, #tpu.memory_space<vmem>> -> memref<96xi32, #tpu.memory_space<vmem>>
      %dma_start3A_986 = arith.constant 0 : i32
      %dma_start3A_987 = arith.constant 0 : i32
      %dma_start3A_988 = tpu.memref_slice %arg6[%dma_start3A_986, %dma_start3A_987] : memref<10112x128xf32, #tpu.memory_space<vmem_shared>> -> memref<10112x128xf32, #tpu.memory_space<vmem_shared>>
      tpu.enqueue_indirect_dma source(%dma_start3A_982 : memref<96x128xf32, #tpu.memory_space<vmem>>) target(%dma_start3A_988 : memref<10112x128xf32, #tpu.memory_space<vmem_shared>>) offsets(%dma_start3A_985 : memref<96xi32, #tpu.memory_space<vmem>>) semaphore(%arg17 : memref<!tpu.dma_semaphore, #tpu.memory_space<semaphore_mem>>) {add = true}
    }
    %dma_wait3A_331 = arith.constant 0 : i32
    %dma_wait3A_332 = arith.constant 0 : i32
    %dma_wait3A_333 = arith.constant 0 : i32
    %dma_wait3A_334 = tpu.memref_slice %arg7[%dma_wait3A_331, %dma_wait3A_332, %dma_wait3A_333] : memref<3x96x128xf32, #tpu.memory_space<vmem>> -> memref<1x96x128xf32, #tpu.memory_space<vmem>>
    %dma_wait3A_335 = tpu.memref_squeeze %dma_wait3A_334 : memref<1x96x128xf32, #tpu.memory_space<vmem>> -> memref<96x128xf32, #tpu.memory_space<vmem>>
    %dma_wait3A_336 = arith.constant 0 : i32
    %dma_wait3A_337 = arith.constant 0 : i32
    %dma_wait3A_338 = tpu.memref_slice %arg6[%dma_wait3A_336, %dma_wait3A_337] : memref<10112x128xf32, #tpu.memory_space<vmem_shared>> -> memref<96x128xf32, #tpu.memory_space<vmem_shared>>
    %dma_wait3A_339 = arith.constant 0 : i32
    %dma_wait3A_340 = arith.constant 0 : i32
    %dma_wait3A_341 = tpu.memref_slice %arg6[%dma_wait3A_339, %dma_wait3A_340] : memref<10112x128xf32, #tpu.memory_space<vmem_shared>> -> memref<96x128xf32, #tpu.memory_space<vmem_shared>>
    %dma_wait3A_342 = arith.constant 0 : i32
    %dma_wait3A_343 = arith.constant 0 : i32
    %dma_wait3A_344 = tpu.memref_slice %arg7[%dma_wait3A_331, %dma_wait3A_342, %dma_wait3A_343] : memref<3x96x128xf32, #tpu.memory_space<vmem>> -> memref<1x96x128xf32, #tpu.memory_space<vmem>>
    %dma_wait3A_345 = tpu.memref_squeeze %dma_wait3A_344 : memref<1x96x128xf32, #tpu.memory_space<vmem>> -> memref<96x128xf32, #tpu.memory_space<vmem>>
    tpu.wait_dma2 semaphore(%arg15 : memref<!tpu.dma_semaphore, #tpu.memory_space<semaphore_mem>>) src(%dma_wait3A_345 : memref<96x128xf32, #tpu.memory_space<vmem>>) dst(%dma_wait3A_341 : memref<96x128xf32, #tpu.memory_space<vmem_shared>>)
    %dma_wait3A_346 = arith.constant 1 : i32
    %dma_wait3A_347 = arith.constant 0 : i32
    %dma_wait3A_348 = arith.constant 0 : i32
    %dma_wait3A_349 = tpu.memref_slice %arg7[%dma_wait3A_346, %dma_wait3A_347, %dma_wait3A_348] : memref<3x96x128xf32, #tpu.memory_space<vmem>> -> memref<1x96x128xf32, #tpu.memory_space<vmem>>
    %dma_wait3A_350 = tpu.memref_squeeze %dma_wait3A_349 : memref<1x96x128xf32, #tpu.memory_space<vmem>> -> memref<96x128xf32, #tpu.memory_space<vmem>>
    %dma_wait3A_351 = arith.constant 0 : i32
    %dma_wait3A_352 = arith.constant 0 : i32
    %dma_wait3A_353 = tpu.memref_slice %arg6[%dma_wait3A_351, %dma_wait3A_352] : memref<10112x128xf32, #tpu.memory_space<vmem_shared>> -> memref<96x128xf32, #tpu.memory_space<vmem_shared>>
    %dma_wait3A_354 = arith.constant 0 : i32
    %dma_wait3A_355 = arith.constant 0 : i32
    %dma_wait3A_356 = tpu.memref_slice %arg6[%dma_wait3A_354, %dma_wait3A_355] : memref<10112x128xf32, #tpu.memory_space<vmem_shared>> -> memref<96x128xf32, #tpu.memory_space<vmem_shared>>
    %dma_wait3A_357 = arith.constant 0 : i32
    %dma_wait3A_358 = arith.constant 0 : i32
    %dma_wait3A_359 = tpu.memref_slice %arg7[%dma_wait3A_346, %dma_wait3A_357, %dma_wait3A_358] : memref<3x96x128xf32, #tpu.memory_space<vmem>> -> memref<1x96x128xf32, #tpu.memory_space<vmem>>
    %dma_wait3A_360 = tpu.memref_squeeze %dma_wait3A_359 : memref<1x96x128xf32, #tpu.memory_space<vmem>> -> memref<96x128xf32, #tpu.memory_space<vmem>>
    tpu.wait_dma2 semaphore(%arg16 : memref<!tpu.dma_semaphore, #tpu.memory_space<semaphore_mem>>) src(%dma_wait3A_360 : memref<96x128xf32, #tpu.memory_space<vmem>>) dst(%dma_wait3A_356 : memref<96x128xf32, #tpu.memory_space<vmem_shared>>)
    %dma_wait3A_361 = arith.constant 2 : i32
    %dma_wait3A_362 = arith.constant 0 : i32
    %dma_wait3A_363 = arith.constant 0 : i32
    %dma_wait3A_364 = tpu.memref_slice %arg7[%dma_wait3A_361, %dma_wait3A_362, %dma_wait3A_363] : memref<3x96x128xf32, #tpu.memory_space<vmem>> -> memref<1x96x128xf32, #tpu.memory_space<vmem>>
    %dma_wait3A_365 = tpu.memref_squeeze %dma_wait3A_364 : memref<1x96x128xf32, #tpu.memory_space<vmem>> -> memref<96x128xf32, #tpu.memory_space<vmem>>
    %dma_wait3A_366 = arith.constant 0 : i32
    %dma_wait3A_367 = arith.constant 0 : i32
    %dma_wait3A_368 = tpu.memref_slice %arg6[%dma_wait3A_366, %dma_wait3A_367] : memref<10112x128xf32, #tpu.memory_space<vmem_shared>> -> memref<96x128xf32, #tpu.memory_space<vmem_shared>>
    %dma_wait3A_369 = arith.constant 0 : i32
    %dma_wait3A_370 = arith.constant 0 : i32
    %dma_wait3A_371 = tpu.memref_slice %arg6[%dma_wait3A_369, %dma_wait3A_370] : memref<10112x128xf32, #tpu.memory_space<vmem_shared>> -> memref<96x128xf32, #tpu.memory_space<vmem_shared>>
    %dma_wait3A_372 = arith.constant 0 : i32
    %dma_wait3A_373 = arith.constant 0 : i32
    %dma_wait3A_374 = tpu.memref_slice %arg7[%dma_wait3A_361, %dma_wait3A_372, %dma_wait3A_373] : memref<3x96x128xf32, #tpu.memory_space<vmem>> -> memref<1x96x128xf32, #tpu.memory_space<vmem>>
    %dma_wait3A_375 = tpu.memref_squeeze %dma_wait3A_374 : memref<1x96x128xf32, #tpu.memory_space<vmem>> -> memref<96x128xf32, #tpu.memory_space<vmem>>
    tpu.wait_dma2 semaphore(%arg17 : memref<!tpu.dma_semaphore, #tpu.memory_space<semaphore_mem>>) src(%dma_wait3A_375 : memref<96x128xf32, #tpu.memory_space<vmem>>) dst(%dma_wait3A_371 : memref<96x128xf32, #tpu.memory_space<vmem_shared>>)
    %barrier3A_376 = arith.constant 0 : index
    tpu.barrier barrier_id(%barrier3A_376)
    %lt3A = arith.constant 15 : i32
    %lt3A_377 = arith.cmpi slt, %arg1, %lt3A : i32
    %convert_element_type3A_378 = arith.extui %lt3A_377 : i1 to i32
    %cond3A_379 = arith.constant 0 : i32
    %cond3A_380 = arith.cmpi ne, %convert_element_type3A_378, %cond3A_379 : i32
    scf.if %cond3A_380 {
      %mul3A_386 = arith.constant 624 : i32
      %mul3A_387 = arith.muli %arg1, %mul3A_386 : i32
      %mul3A_388 = arith.constant 624 : i32
      %mul3A_389 = arith.muli %arg1, %mul3A_388 : i32
      "tpu.region"() ({
        %run_scoped3A_390 = tpu.sem_alloc : memref<!tpu.dma_semaphore, #tpu.memory_space<semaphore_mem>>
        %dma_start3A_391 = arith.constant 0 : i32
        %dma_start3A_392 = tpu.memref_slice %arg5[%arg0, %mul3A_389, %dma_start3A_391] : memref<2x10000x128xf32, #tpu.memory_space<hbm>> -> memref<1x624x128xf32, #tpu.memory_space<hbm>>
        %dma_start3A_393 = tpu.memref_squeeze %dma_start3A_392 : memref<1x624x128xf32, #tpu.memory_space<hbm>> -> memref<624x128xf32, #tpu.memory_space<hbm>>
        %dma_start3A_394 = arith.constant 0 : i32
        %dma_start3A_395 = tpu.memref_slice %arg6[%mul3A_387, %dma_start3A_394] : memref<10112x128xf32, #tpu.memory_space<vmem_shared>> -> memref<624x128xf32, #tpu.memory_space<vmem_shared>>
        tpu.enqueue_dma source(%dma_start3A_395 : memref<624x128xf32, #tpu.memory_space<vmem_shared>>) target(%dma_start3A_393 : memref<624x128xf32, #tpu.memory_space<hbm>>) target_semaphore(%run_scoped3A_390 : memref<!tpu.dma_semaphore, #tpu.memory_space<semaphore_mem>>)
        %dma_wait3A_396 = arith.constant 0 : i32
        %dma_wait3A_397 = tpu.memref_slice %arg5[%arg0, %mul3A_389, %dma_wait3A_396] : memref<2x10000x128xf32, #tpu.memory_space<hbm>> -> memref<1x624x128xf32, #tpu.memory_space<hbm>>
        %dma_wait3A_398 = tpu.memref_squeeze %dma_wait3A_397 : memref<1x624x128xf32, #tpu.memory_space<hbm>> -> memref<624x128xf32, #tpu.memory_space<hbm>>
        %dma_wait3A_399 = arith.constant 0 : i32
        %dma_wait3A_400 = tpu.memref_slice %arg6[%mul3A_387, %dma_wait3A_399] : memref<10112x128xf32, #tpu.memory_space<vmem_shared>> -> memref<624x128xf32, #tpu.memory_space<vmem_shared>>
        tpu.wait_dma2 semaphore(%run_scoped3A_390 : memref<!tpu.dma_semaphore, #tpu.memory_space<semaphore_mem>>) src(%dma_wait3A_400 : memref<624x128xf32, #tpu.memory_space<vmem_shared>>) dst(%dma_wait3A_398 : memref<624x128xf32, #tpu.memory_space<hbm>>)
        tpu.yield
      }) : () -> ()
    } else {
    }
    %eq3A_381 = arith.constant 15 : i32
    %eq3A_382 = arith.cmpi eq, %arg1, %eq3A_381 : i32
    %convert_element_type3A_383 = arith.extui %eq3A_382 : i1 to i32
    %cond3A_384 = arith.constant 0 : i32
    %cond3A_385 = arith.cmpi ne, %convert_element_type3A_383, %cond3A_384 : i32
    scf.if %cond3A_385 {
      "tpu.region"() ({
        %run_scoped3A_386 = tpu.sem_alloc : memref<!tpu.dma_semaphore, #tpu.memory_space<semaphore_mem>>
        %dma_start3A_387 = arith.constant 9360 : i32
        %dma_start3A_388 = arith.constant 0 : i32
        %dma_start3A_389 = tpu.memref_slice %arg5[%arg0, %dma_start3A_387, %dma_start3A_388] : memref<2x10000x128xf32, #tpu.memory_space<hbm>> -> memref<1x640x128xf32, #tpu.memory_space<hbm>>
        %dma_start3A_390 = tpu.memref_squeeze %dma_start3A_389 : memref<1x640x128xf32, #tpu.memory_space<hbm>> -> memref<640x128xf32, #tpu.memory_space<hbm>>
        %dma_start3A_391 = arith.constant 9360 : i32
        %dma_start3A_392 = arith.constant 0 : i32
        %dma_start3A_393 = tpu.memref_slice %arg6[%dma_start3A_391, %dma_start3A_392] : memref<10112x128xf32, #tpu.memory_space<vmem_shared>> -> memref<640x128xf32, #tpu.memory_space<vmem_shared>>
        tpu.enqueue_dma source(%dma_start3A_393 : memref<640x128xf32, #tpu.memory_space<vmem_shared>>) target(%dma_start3A_390 : memref<640x128xf32, #tpu.memory_space<hbm>>) target_semaphore(%run_scoped3A_386 : memref<!tpu.dma_semaphore, #tpu.memory_space<semaphore_mem>>)
        %dma_wait3A_394 = arith.constant 9360 : i32
        %dma_wait3A_395 = arith.constant 0 : i32
        %dma_wait3A_396 = tpu.memref_slice %arg5[%arg0, %dma_wait3A_394, %dma_wait3A_395] : memref<2x10000x128xf32, #tpu.memory_space<hbm>> -> memref<1x640x128xf32, #tpu.memory_space<hbm>>
        %dma_wait3A_397 = tpu.memref_squeeze %dma_wait3A_396 : memref<1x640x128xf32, #tpu.memory_space<hbm>> -> memref<640x128xf32, #tpu.memory_space<hbm>>
        %dma_wait3A_398 = arith.constant 9360 : i32
        %dma_wait3A_399 = arith.constant 0 : i32
        %dma_wait3A_400 = tpu.memref_slice %arg6[%dma_wait3A_398, %dma_wait3A_399] : memref<10112x128xf32, #tpu.memory_space<vmem_shared>> -> memref<640x128xf32, #tpu.memory_space<vmem_shared>>
        tpu.wait_dma2 semaphore(%run_scoped3A_386 : memref<!tpu.dma_semaphore, #tpu.memory_space<semaphore_mem>>) src(%dma_wait3A_400 : memref<640x128xf32, #tpu.memory_space<vmem_shared>>) dst(%dma_wait3A_397 : memref<640x128xf32, #tpu.memory_space<hbm>>)
        tpu.yield
      }) : () -> ()
    } else {
    }
    return
  }
}

module attributes {stable_mosaic.version = 14 : i64} {
  func.func @body(%arg0: i32, %arg1: memref<2000x128xf32, #tpu.memory_space<vmem>>, %arg2: memref<2x2000x128xf32, #tpu.memory_space<vmem>>, %arg3: memref<128x16xf32, #tpu.memory_space<vmem>>, %arg4: memref<1x16xf32, #tpu.memory_space<vmem>>, %arg5: memref<1x1xf32, #tpu.memory_space<smem>>, %arg6: memref<2000x16xf32, #tpu.memory_space<vmem>>) attributes {dimension_semantics = [#tpu.dimension_semantics<arbitrary>], iteration_bounds = array<i64: 5>, scalar_prefetch = 0 : i64, scratch_operands = 0 : i64, tpu.core_type = #tpu.core_type<tc>, window_params = [{transform_indices = @transform_0, window_bounds = array<i64: 2000, 128>}, {transform_indices = @transform_1, window_bounds = array<i64: 2, 2000, 128>}, {pipeline_mode = #tpu.pipeline_mode<synchronous>, transform_indices = @transform_2, window_bounds = array<i64: 128, 16>}, {pipeline_mode = #tpu.pipeline_mode<synchronous>, transform_indices = @transform_3, window_bounds = array<i64: 1, 16>}, {transform_indices = @transform_4, window_bounds = array<i64: 1, 1>}, {transform_indices = @transform_5, window_bounds = array<i64: 2000, 16>}]} {
    %get3A = arith.constant 0 : index
    %get3A_0 = arith.constant 0 : index
    %get3A_1 = memref.load %arg5[%get3A, %get3A_0] : memref<1x1xf32, #tpu.memory_space<smem>>
    %add3A = arith.constant 1.000000e+00 : f32
    %add3A_2 = arith.addf %add3A, %get3A_1 : f32
    %get3A_3 = arith.constant 0 : index
    %get3A_4 = arith.constant 0 : index
    %get3A_5 = vector.load %arg1[%get3A_3, %get3A_4] : memref<2000x128xf32, #tpu.memory_space<vmem>>, vector<2000x128xf32>
    %mul3A = vector.broadcast %add3A_2 : f32 to vector<2000x128xf32>
    %mul3A_6 = arith.mulf %mul3A, %get3A_5 : vector<2000x128xf32>
    %get3A_7 = arith.constant 0 : index
    %get3A_8 = arith.constant 0 : index
    %get3A_9 = arith.constant 0 : index
    %get3A_10 = vector.load %arg2[%get3A_7, %get3A_8, %get3A_9] : memref<2x2000x128xf32, #tpu.memory_space<vmem>>, vector<1x2000x128xf32>
    %get3A_11 = vector.shape_cast %get3A_10 : vector<1x2000x128xf32> to vector<2000x128xf32>
    %add3A_12 = arith.addf %mul3A_6, %get3A_11 : vector<2000x128xf32>
    %get3A_13 = arith.constant 1 : index
    %get3A_14 = arith.constant 0 : index
    %get3A_15 = arith.constant 0 : index
    %get3A_16 = vector.load %arg2[%get3A_13, %get3A_14, %get3A_15] : memref<2x2000x128xf32, #tpu.memory_space<vmem>>, vector<1x2000x128xf32>
    %get3A_17 = vector.shape_cast %get3A_16 : vector<1x2000x128xf32> to vector<2000x128xf32>
    %add3A_18 = arith.addf %add3A_12, %get3A_17 : vector<2000x128xf32>
    %get3A_19 = arith.constant 0 : index
    %get3A_20 = arith.constant 0 : index
    %get3A_21 = vector.load %arg3[%get3A_19, %get3A_20] : memref<128x16xf32, #tpu.memory_space<vmem>>, vector<128x16xf32>
    %dot_general3A = arith.constant dense<0.000000e+00> : vector<2000x16xf32>
    %dot_general3A_22 = tpu.matmul %add3A_18, %get3A_21, %dot_general3A {dimension_numbers = #tpu.dot_dimension_numbers<[1], [0], [0], [1], [0, 0, 1, 1], [], []>, transpose_lhs_hint = false} : vector<2000x128xf32>, vector<128x16xf32>, vector<2000x16xf32> -> vector<2000x16xf32>
    %get3A_23 = arith.constant 0 : index
    %get3A_24 = arith.constant 0 : index
    %get3A_25 = vector.load %arg4[%get3A_23, %get3A_24] : memref<1x16xf32, #tpu.memory_space<vmem>>, vector<1x16xf32>
    %add3A_26 = vector.broadcast %get3A_25 : vector<1x16xf32> to vector<2000x16xf32>
    %add3A_27 = arith.addf %dot_general3A_22, %add3A_26 : vector<2000x16xf32>
    %swap3A = arith.constant 0 : index
    %swap3A_28 = arith.constant 0 : index
    %swap3A_29 = vector.load %arg6[%swap3A, %swap3A_28] : memref<2000x16xf32, #tpu.memory_space<vmem>>, vector<2000x16xf32>
    tpu.vector_store %arg6[%swap3A, %swap3A_28], %add3A_27 {strides = array<i32>} : memref<2000x16xf32, #tpu.memory_space<vmem>>, vector<2000x16xf32>,
    return
  }
  func.func @transform_0(%arg0: i32) -> (i32, i32) {
    %c0_i32 = arith.constant 0 : i32
    %c0_i32_0 = arith.constant 0 : i32
    return %arg0, %c0_i32 : i32, i32
  }
  func.func @transform_1(%arg0: i32) -> (i32, i32, i32) {
    %c0_i32 = arith.constant 0 : i32
    %c0_i32_0 = arith.constant 0 : i32
    %c0_i32_1 = arith.constant 0 : i32
    return %c0_i32, %arg0, %c0_i32_0 : i32, i32, i32
  }
  func.func @transform_2(%arg0: i32) -> (i32, i32) {
    %c0_i32 = arith.constant 0 : i32
    %c0_i32_0 = arith.constant 0 : i32
    %c0_i32_1 = arith.constant 0 : i32
    return %c0_i32, %c0_i32_0 : i32, i32
  }
  func.func @transform_3(%arg0: i32) -> (i32, i32) {
    %c0_i32 = arith.constant 0 : i32
    %c0_i32_0 = arith.constant 0 : i32
    %c0_i32_1 = arith.constant 0 : i32
    return %c0_i32, %c0_i32_0 : i32, i32
  }
  func.func @transform_4(%arg0: i32) -> (i32, i32) {
    %c0_i32 = arith.constant 0 : i32
    %c0_i32_0 = arith.constant 0 : i32
    %c0_i32_1 = arith.constant 0 : i32
    return %c0_i32, %c0_i32_0 : i32, i32
  }
  func.func @transform_5(%arg0: i32) -> (i32, i32) {
    %c0_i32 = arith.constant 0 : i32
    %c0_i32_0 = arith.constant 0 : i32
    return %arg0, %c0_i32 : i32, i32
  }
}

module attributes {stable_mosaic.version = 14 : i64} {
  func.func @body(%arg0: memref<10000x16xf32, #tpu.memory_space<vmem>>, %arg1: memref<1x16xf32, #tpu.memory_space<vmem>>, %arg2: memref<1x16xf32, #tpu.memory_space<vmem>>, %arg3: memref<16x16xf32, #tpu.memory_space<vmem>>, %arg4: memref<1x16xf32, #tpu.memory_space<vmem>>, %arg5: memref<1x16xf32, #tpu.memory_space<vmem>>, %arg6: memref<1x16xf32, #tpu.memory_space<vmem>>, %arg7: memref<10000x16xf32, #tpu.memory_space<vmem>>) attributes {dimension_semantics = [], scalar_prefetch = 0 : i64, scratch_operands = 0 : i64, tpu.core_type = #tpu.core_type<tc>} {
    %get3A = arith.constant 0 : index
    %get3A_0 = arith.constant 0 : index
    %get3A_1 = vector.load %arg0[%get3A, %get3A_0] : memref<10000x16xf32, #tpu.memory_space<vmem>>, vector<10000x16xf32>
    %reduce_sum3A = arith.constant dense<0.000000e+00> : vector<16xf32>
    %reduce_sum3A_2 = vector.multi_reduction <add>, %get3A_1, %reduce_sum3A [0] : vector<10000x16xf32> to vector<16xf32>
    %broadcast_in_dim3A = vector.shape_cast %reduce_sum3A_2 : vector<16xf32> to vector<1x16xf32>
    %div3A = arith.constant 1.000000e+04 : f32
    %div3A_3 = vector.broadcast %div3A : f32 to vector<1x16xf32>
    %div3A_4 = arith.divf %broadcast_in_dim3A, %div3A_3 : vector<1x16xf32>
    %sub3A = vector.broadcast %div3A_4 : vector<1x16xf32> to vector<10000x16xf32>
    %sub3A_5 = arith.subf %get3A_1, %sub3A : vector<10000x16xf32>
    %integer_pow3A = arith.mulf %sub3A_5, %sub3A_5 : vector<10000x16xf32>
    %reduce_sum3A_6 = arith.constant dense<0.000000e+00> : vector<16xf32>
    %reduce_sum3A_7 = vector.multi_reduction <add>, %integer_pow3A, %reduce_sum3A_6 [0] : vector<10000x16xf32> to vector<16xf32>
    %broadcast_in_dim3A_8 = vector.shape_cast %reduce_sum3A_7 : vector<16xf32> to vector<1x16xf32>
    %div3A_9 = arith.constant 1.000000e+04 : f32
    %div3A_10 = vector.broadcast %div3A_9 : f32 to vector<1x16xf32>
    %div3A_11 = arith.divf %broadcast_in_dim3A_8, %div3A_10 : vector<1x16xf32>
    %get3A_12 = arith.constant 0 : index
    %get3A_13 = arith.constant 0 : index
    %get3A_14 = vector.load %arg1[%get3A_12, %get3A_13] : memref<1x16xf32, #tpu.memory_space<vmem>>, vector<1x16xf32>
    %sub3A_15 = vector.broadcast %div3A_4 : vector<1x16xf32> to vector<10000x16xf32>
    %sub3A_16 = arith.subf %get3A_1, %sub3A_15 : vector<10000x16xf32>
    %mul3A = vector.broadcast %get3A_14 : vector<1x16xf32> to vector<10000x16xf32>
    %mul3A_17 = arith.mulf %mul3A, %sub3A_16 : vector<10000x16xf32>
    %add3A = arith.constant 9.99999974E-6 : f32
    %add3A_18 = vector.broadcast %add3A : f32 to vector<1x16xf32>
    %add3A_19 = arith.addf %div3A_11, %add3A_18 : vector<1x16xf32>
    %sqrt3A = math.sqrt %add3A_19 : vector<1x16xf32>
    %div3A_20 = vector.broadcast %sqrt3A : vector<1x16xf32> to vector<10000x16xf32>
    %div3A_21 = arith.divf %mul3A_17, %div3A_20 : vector<10000x16xf32>
    %get3A_22 = arith.constant 0 : index
    %get3A_23 = arith.constant 0 : index
    %get3A_24 = vector.load %arg2[%get3A_22, %get3A_23] : memref<1x16xf32, #tpu.memory_space<vmem>>, vector<1x16xf32>
    %add3A_25 = vector.broadcast %get3A_24 : vector<1x16xf32> to vector<10000x16xf32>
    %add3A_26 = arith.addf %div3A_21, %add3A_25 : vector<10000x16xf32>
    %max3A = arith.constant 0.000000e+00 : f32
    %max3A_27 = vector.broadcast %max3A : f32 to vector<10000x16xf32>
    %max3A_28 = arith.maximumf %add3A_26, %max3A_27 : vector<10000x16xf32>
    %get3A_29 = arith.constant 0 : index
    %get3A_30 = arith.constant 0 : index
    %get3A_31 = vector.load %arg3[%get3A_29, %get3A_30] : memref<16x16xf32, #tpu.memory_space<vmem>>, vector<16x16xf32>
    %dot_general3A = arith.constant dense<0.000000e+00> : vector<10000x16xf32>
    %dot_general3A_32 = tpu.matmul %max3A_28, %get3A_31, %dot_general3A {dimension_numbers = #tpu.dot_dimension_numbers<[1], [0], [0], [1], [0, 0, 1, 1], [], []>, transpose_lhs_hint = false} : vector<10000x16xf32>, vector<16x16xf32>, vector<10000x16xf32> -> vector<10000x16xf32>
    %get3A_33 = arith.constant 0 : index
    %get3A_34 = arith.constant 0 : index
    %get3A_35 = vector.load %arg4[%get3A_33, %get3A_34] : memref<1x16xf32, #tpu.memory_space<vmem>>, vector<1x16xf32>
    %add3A_36 = vector.broadcast %get3A_35 : vector<1x16xf32> to vector<10000x16xf32>
    %add3A_37 = arith.addf %dot_general3A_32, %add3A_36 : vector<10000x16xf32>
    %reduce_sum3A_38 = arith.constant dense<0.000000e+00> : vector<16xf32>
    %reduce_sum3A_39 = vector.multi_reduction <add>, %add3A_37, %reduce_sum3A_38 [0] : vector<10000x16xf32> to vector<16xf32>
    %broadcast_in_dim3A_40 = vector.shape_cast %reduce_sum3A_39 : vector<16xf32> to vector<1x16xf32>
    %div3A_41 = arith.constant 1.000000e+04 : f32
    %div3A_42 = vector.broadcast %div3A_41 : f32 to vector<1x16xf32>
    %div3A_43 = arith.divf %broadcast_in_dim3A_40, %div3A_42 : vector<1x16xf32>
    %sub3A_44 = vector.broadcast %div3A_43 : vector<1x16xf32> to vector<10000x16xf32>
    %sub3A_45 = arith.subf %add3A_37, %sub3A_44 : vector<10000x16xf32>
    %integer_pow3A_46 = arith.mulf %sub3A_45, %sub3A_45 : vector<10000x16xf32>
    %reduce_sum3A_47 = arith.constant dense<0.000000e+00> : vector<16xf32>
    %reduce_sum3A_48 = vector.multi_reduction <add>, %integer_pow3A_46, %reduce_sum3A_47 [0] : vector<10000x16xf32> to vector<16xf32>
    %broadcast_in_dim3A_49 = vector.shape_cast %reduce_sum3A_48 : vector<16xf32> to vector<1x16xf32>
    %div3A_50 = arith.constant 1.000000e+04 : f32
    %div3A_51 = vector.broadcast %div3A_50 : f32 to vector<1x16xf32>
    %div3A_52 = arith.divf %broadcast_in_dim3A_49, %div3A_51 : vector<1x16xf32>
    %get3A_53 = arith.constant 0 : index
    %get3A_54 = arith.constant 0 : index
    %get3A_55 = vector.load %arg5[%get3A_53, %get3A_54] : memref<1x16xf32, #tpu.memory_space<vmem>>, vector<1x16xf32>
    %sub3A_56 = vector.broadcast %div3A_43 : vector<1x16xf32> to vector<10000x16xf32>
    %sub3A_57 = arith.subf %add3A_37, %sub3A_56 : vector<10000x16xf32>
    %mul3A_58 = vector.broadcast %get3A_55 : vector<1x16xf32> to vector<10000x16xf32>
    %mul3A_59 = arith.mulf %mul3A_58, %sub3A_57 : vector<10000x16xf32>
    %add3A_60 = arith.constant 9.99999974E-6 : f32
    %add3A_61 = vector.broadcast %add3A_60 : f32 to vector<1x16xf32>
    %add3A_62 = arith.addf %div3A_52, %add3A_61 : vector<1x16xf32>
    %sqrt3A_63 = math.sqrt %add3A_62 : vector<1x16xf32>
    %div3A_64 = vector.broadcast %sqrt3A_63 : vector<1x16xf32> to vector<10000x16xf32>
    %div3A_65 = arith.divf %mul3A_59, %div3A_64 : vector<10000x16xf32>
    %get3A_66 = arith.constant 0 : index
    %get3A_67 = arith.constant 0 : index
    %get3A_68 = vector.load %arg6[%get3A_66, %get3A_67] : memref<1x16xf32, #tpu.memory_space<vmem>>, vector<1x16xf32>
    %add3A_69 = vector.broadcast %get3A_68 : vector<1x16xf32> to vector<10000x16xf32>
    %add3A_70 = arith.addf %div3A_65, %add3A_69 : vector<10000x16xf32>
    %max3A_71 = arith.constant 0.000000e+00 : f32
    %max3A_72 = vector.broadcast %max3A_71 : f32 to vector<10000x16xf32>
    %max3A_73 = arith.maximumf %add3A_70, %max3A_72 : vector<10000x16xf32>
    %swap3A = arith.constant 0 : index
    %swap3A_74 = arith.constant 0 : index
    %swap3A_75 = vector.load %arg7[%swap3A, %swap3A_74] : memref<10000x16xf32, #tpu.memory_space<vmem>>, vector<10000x16xf32>
    tpu.vector_store %arg7[%swap3A, %swap3A_74], %max3A_73 {strides = array<i32>} : memref<10000x16xf32, #tpu.memory_space<vmem>>, vector<10000x16xf32>,
    return
  }
}

</mosaic_0001>

<sc_bundles>
// kernel: kernel.5.cloned.1.call-start
scs
__scs_entry_jumppad:
0x0: {  	(pc) =	sbr.rel $0x88, $3  }
0x1: {  	(tag) =	ssettag $0x0;
	lr =	simm.s32 $0x1  }
0x2: {  	[smem:$0x3F94] =	sst lr;
	_ =	strace $0xD0000000  }
0x3: {  	_ = 	snop  }
0x4: {  	_ = 	snop  }
0x5: {  	_ = 	snop  }
0x6: {  	_ = 	snop  }
0x7: {  	_ = 	snop  }
__scs_overlays_trampoline_lowered:
0x8: {  	[smem:$0x3FA3] =	sst s0  }
0x9: {  	[smem:$0x3FA4] =	sst s1  }
0xa: {  	[smem:$0x3FA5] =	sst s2  }
0xb: {  	[smem:$0x3FA6] =	sst s3  }
0xc: {  	[smem:$0x3FA7] =	sst s4  }
0xd: {  	[smem:$0x3FA8] =	sst s5  }
0xe: {  	[smem:$0x3FA9] =	sst s6  }
0xf: {  	[smem:$0x3FAA] =	sst s7  }
0x10: {  	[smem:$0x3FAB] =	sst s8  }
0x11: {  	[smem:$0x3FAC] =	sst s9;
	s0 =	simm.s32 @!p0 $0x0  }
0x12: {  	s1 =	sld [smem:$0x3F92];
	s0 =	simm.s32 @p0 $0x1  }
0x13: {  	[smem:$0x3FAD] =	sst s0;
	s0 =	simm.s32 @!p1 $0x0  }
0x14: {  	s2 =	sld [smem:$0x3F91];
	s0 =	simm.s32 @p1 $0x1  }
0x15: {  	[smem:$0x3FAE] =	sst s0;
	s0 =	simm.s32 @!p2 $0x0  }
0x16: {  	s3 =	sld [smem:$0x3FDB];
	s0 =	simm.s32 @p2 $0x1  }
0x17: {  	s4 =	simm.s32 $0x1BF5;
	[smem:$0x3FB0] =	sst s0  }
0x18: {  	s0 =	sld [smem:$0x3F93];
	_ =	swait.ge [sflag:s4], $0x0  }
0x19: {  	s7 =	sld [smem:$0x3F94]  }
0x1a: {  	s8 =	sadd.s32 $0xFFFFE003, lr  }
0x1b: {  	s9 =	sadd.s32 $0xFFFFFEF7, lr;
	s5 =	simm.s32 $0xFFFFFFFF;
	p2 =	slt.u32 s8, $0xFFFFF086  }
0x1c: {  	p1 =	slt.u32 s9, $0xF7A;
	s5 =	simm.s32 @!p2 $0x0  }
0x1d: {  	s5 =	simm.s32 @p1 $0x1;
	p0 =	seq.s32 s7, s2  }
0x1e: {  	s7 =	smul.u32 @!p0 $0xF7A, s2;
	p2 =	seq.s32 @!p0 s5, $0x0  }
0x1f: {  	s9 =	smul.u32 $0xF7A, s1;
	s8 =	simm.s32 @!p0 $0x1BF5;
	p2 =	por !p2, p0  }
0x20: {  	[sflag:s8] =	ssyncset.s32 @!p0 $0xFFFFF086;
	s6 =	sadd.s32 @!p0 s3, s7;
	s7 =	simm.s32 @!p0 $0x108  }
0x21: {  	s3 =	sadd.s32 s3, s9;
	s6 =	sadd.s32 @!p0 $0x88, s6;
	s7 =	simm.s32 @p2 $0x1082  }
0x22: {  	[simem:s7], [sflag:s8] =	dma.local @!p0 [hbm:s6], $0xF7A  }
0x23: {  	s9 =	sor.u32 $0xD0000000, s2;
	s6 =	simm.s32 $0x108;
	_ =	swait.ge @!p0 [sflag:s8], $0x0  }
0x24: {  	s3 =	sadd.s32 $0x88, s3;
	s6 =	simm.s32 @!p1 $0x1082;
	[sflag:s4] =	ssyncset.s32 $0xFFFFF086  }
0x25: {  	[simem:s6], [sflag:s4] =	dma.local [hbm:s3], $0xF7A  }
0x26: {  	[smem:$0x3F94] =	sst s1;
	(tag) =	ssettag s2;
	_ =	strace s9  }
0x27: {  	s1 =	sld [smem:$0x3FA4]  }
0x28: {  	s2 =	sld [smem:$0x3FA5]  }
0x29: {  	s4 =	sld [smem:$0x3FA7]  }
0x2a: {  	p0 =	seq.s32 s5, $0x0;
	s5 =	sld [smem:$0x3FA8]  }
0x2b: {  	s6 =	sld [smem:$0x3FA9]  }
0x2c: {  	s7 =	sld [smem:$0x3FAA]  }
0x2d: {  	s3 =	simm.s32 $0x108;
	s8 =	sld [smem:$0x3FAB]  }
0x2e: {  	s3 =	simm.s32 @!p0 $0x1082;
	s9 =	sld [smem:$0x3FAC]  }
0x2f: {  	lr =	sadd.s32 s0, s3;
	s0 =	sld [smem:$0x3FA3]  }
0x30: {  	s3 =	sld [smem:$0x3FA6]  }
0x31: {  	[smem:$0x3FAF] =	sst s10  }
0x32: {  	s10 =	sld [smem:$0x3FAD];
	_ =	sdelay $0x3  }
0x33: {  	p0 =	seq.s32 s10, $0x1;
	s10 =	sld [smem:$0x3FAF];
	_ =	sdelay $0x3  }
0x34: {  	[smem:$0x3FAF] =	sst s10  }
0x35: {  	s10 =	sld [smem:$0x3FAE];
	_ =	sdelay $0x3  }
0x36: {  	p1 =	seq.s32 s10, $0x1;
	s10 =	sld [smem:$0x3FAF];
	_ =	sdelay $0x3  }
0x37: {  	[smem:$0x3FAF] =	sst s10  }
0x38: {  	s10 =	sld [smem:$0x3FB0]  }
0x39: {  	_ = 	snop;
	(pc) =	sbr.ind lr, $3  }
0x3a: {  	_ = 	snop  }
0x3b: {  	_ = 	snop  }
0x3c: {  	p2 =	seq.s32 s10, $0x1;
	s10 =	sld [smem:$0x3FAF]  }
0x3d: {  	_ =	shalt  }
0x3e: {  	_ =	shalt  }
0x3f: {  	_ =	shalt  }
0x40: {  	_ =	shalt  }
0x41: {  	_ =	shalt  }
0x42: {  	_ =	shalt  }
0x43: {  	_ =	shalt  }
0x44: {  	_ =	shalt  }
0x45: {  	_ =	shalt  }
0x46: {  	_ =	shalt  }
0x47: {  	_ =	shalt  }
0x48: {  	_ =	shalt  }
0x49: {  	_ =	shalt  }
0x4a: {  	_ =	shalt  }
0x4b: {  	_ =	shalt  }
0x4c: {  	_ =	shalt  }
0x4d: {  	_ =	shalt  }
0x4e: {  	_ =	shalt  }
0x4f: {  	_ =	shalt  }
0x50: {  	_ =	shalt  }
0x51: {  	_ =	shalt  }
0x52: {  	_ =	shalt  }
0x53: {  	_ =	shalt  }
0x54: {  	_ =	shalt  }
0x55: {  	_ =	shalt  }
0x56: {  	_ =	shalt  }
0x57: {  	_ =	shalt  }
0x58: {  	_ =	shalt  }
0x59: {  	_ =	shalt  }
0x5a: {  	_ =	shalt  }
0x5b: {  	_ =	shalt  }
0x5c: {  	_ =	shalt  }
0x5d: {  	_ =	shalt  }
0x5e: {  	_ =	shalt  }
0x5f: {  	_ =	shalt  }
0x60: {  	_ =	shalt  }
0x61: {  	_ =	shalt  }
0x62: {  	_ =	shalt  }
0x63: {  	_ =	shalt  }
0x64: {  	_ =	shalt  }
0x65: {  	_ =	shalt  }
0x66: {  	_ =	shalt  }
0x67: {  	_ =	shalt  }
0x68: {  	_ =	shalt  }
0x69: {  	_ =	shalt  }
0x6a: {  	_ =	shalt  }
0x6b: {  	_ =	shalt  }
0x6c: {  	_ =	shalt  }
0x6d: {  	_ =	shalt  }
0x6e: {  	_ =	shalt  }
0x6f: {  	_ =	shalt  }
0x70: {  	_ =	shalt  }
0x71: {  	_ =	shalt  }
0x72: {  	_ =	shalt  }
0x73: {  	_ =	shalt  }
0x74: {  	_ =	shalt  }
0x75: {  	_ =	shalt  }
0x76: {  	_ =	shalt  }
0x77: {  	_ =	shalt  }
0x78: {  	_ =	shalt  }
0x79: {  	_ =	shalt  }
0x7a: {  	_ =	shalt  }
0x7b: {  	_ =	shalt  }
0x7c: {  	_ =	shalt  }
0x7d: {  	_ =	shalt  }
0x7e: {  	_ =	shalt  }
0x7f: {  	_ =	shalt  }
0x80: {  	_ =	shalt  }
0x81: {  	_ =	shalt  }
0x82: {  	_ =	shalt  }
0x83: {  	_ =	shalt  }
0x84: {  	_ =	shalt  }
0x85: {  	_ =	shalt  }
0x86: {  	_ =	shalt  }
0x87: {  	_ =	shalt  }
.Lfunc_end0:
.L_simem_size_0:
called_computation_lowered:
.L_overlay_start_0:
0x88: {  	s2 =	sld [smem:$0x3FD9]  }
0x89: {  	s3 =	sld [smem:$0x3FFE];
	_ =	sdelay $0x1  }
0x8a: {  	s1 =	srdreg.scid  }
0x8b: {  	s0 =	sand.u32 $0x1, s1  }
0x8c: {  	s17 =	sshll.u32 s0, $0xA;
	s2 =	sadd.s32 s3, s2  }
0x8d: {  	s2 =	sadd.s32 s2, s17  }
0x8e: {  	[smem:$0x3FBB] =	sst s2  }
0x8f: {  	_ = 	snop  }
0x90: {  	s2 =	sld [smem:$0x3FC9]  }
0x91: {  	s18 =	sld [smem:$0x3FC7];
	(tm) =	ssettm $0x1  }
0x92: {  	s4 =	sld [smem:$0x3FFB];
	_ =	sdelay $0x3  }
0x93: {  	_ =	strace s4  }
0x94: {  	s4 =	sld [smem:$0x3FFC];
	_ =	sdelay $0x3  }
0x95: {  	_ =	strace s4  }
0x96: {  	s4 =	sld [smem:$0x3FFD];
	_ =	sdelay $0x3  }
0x97: {  	_ =	strace s4  }
0x98: {  	_ =	strace $0x8FFFFFFF  }
0x99: {  	s19 =	sld [smem:$0x3FDB];
	_ =	sdelay $0x1  }
0x9a: {  	s5 =	simm.s32 $_scs_section_size  }
0x9b: {  	s6 =	simm.s32 $_size__tile_overlayer_lowered;
	s7 =	simm.s32 $_tile_overlayer_lowered  }
0x9c: {  	s22 =	simm.s32 $0x1BFF;
	s21 =	sshll.u32 s7, $0x1;
	s4 =	sadd.s32 s5, s19  }
0x9d: {  	s8 =	simm.s32 $0x0;
	s20 =	sshll.u32 s6, $0x1;
	s6 =	sadd.s32 s21, s4  }
0x9e: {  	[timem:s8], [sflag:s22] =	dma.local [hbm:s6], s20  }
0x9f: {  	_ =	swait.ge [sflag:s22], s20  }
0xa0: {  	s5 =	ssub.s32 $0x0, s20;
	[sflag:s22] =	ssyncset.done $0x0  }
0xa1: {  	[sflag:s22] =	ssyncadd.s32 s5;
	_ =	sdelay $0x1  }
0xa2: {  	s23 =	simm.s32 $0x1B8B  }
0xa3: {  	_ =	swait.ge [sflag:s23], $0x1  }
0xa4: {  	[sflag:s23] =	ssyncset.done $0x0  }
0xa5: {  	s25 =	simm.s32 $0x1B8E;
	s24 =	sld [smem:$0x3FFE];
	[sflag:s23] =	ssyncadd.s32 $0xFFFFFFFF  }
0xa6: {  	s26 =	simm.s32 $execute0_lowered;
	[smem:$0x3FD2] =	sst s25  }
0xa7: {  	s6 =	sshll.u32 s26, $0x1;
	_ =	strace $0x80000046;
	[dreg:$0x1] =	wrdreg $0xFFFFFFFF  }
0xa8: {  	s28 =	simm.s32 $_size_execute0_lowered;
	s4 =	sadd.s32 s4, s6;
	[dreg:$0x0] =	wrdreg $0x0  }
0xa9: {  	s6 =	sshll.u32 s28, $0x1;
	[dreg:$0x2] =	wrdreg s4  }
0xaa: {  	[dreg:$0x3] =	wrdreg s6  }
0xab: {  	[dreg:$0x4] =	wrdreg $0xC0  }
0xac: {  	_ =	task [dreg:s8], $0x5FFFF  }
0xad: {  	[dreg:$0x1] =	wrdreg $0xFFFFFFFF  }
0xae: {  	[dreg:$0x0] =	wrdreg $0x60  }
0xaf: {  	[dreg:$0x2] =	wrdreg s2  }
0xb0: {  	[dreg:$0x3] =	wrdreg s18  }
0xb1: {  	[dreg:$0x4] =	wrdreg s24  }
0xb2: {  	[dreg:$0x5] =	wrdreg $0x0  }
0xb3: {  	[dreg:$0x6] =	wrdreg $0x9  }
0xb4: {  	_ =	task.clear_ibuf [dreg:s8], $0x7FFFF;
	_ =	strace $0x90000046  }
0xb5: {  	s29 =	simm.s32 $0x9;
	_ =	strace $0x80000048  }
0xb6: {  	_ =	swait.ge [sflag:s29], $0x1  }
0xb7: {  	[sflag:s29] =	ssyncadd.s32 $0xFFFFFFFF  }
0xb8: {  	_ =	strace $0x90000048  }
0xb9: {  	_ =	sfence  }
0xba: {  	s30 =	sld [smem:$0x0];
	_ =	sdelay $0x2  }
0xbb: {  	s31 =	sshll.u32 s1, $0xD;
	s1 =	sshrl.u32 s1, $0x2  }
0xbc: {  	s3 =	sand.u32 $0x4000, s31;
	s1 =	sadd.s32 s1, s30  }
0xbd: {  	s0 =	sor.u32 s3, s0;
	s1 =	sshll.u32 s1, $0x11  }
0xbe: {  	s0 =	sor.u32 s1, s0  }
0xbf: {  	s0 =	sadd.s32 $0x8F2B, s0  }
0xc0: {  	[sflag:s0] =	ssyncadd.remote.s32 $0x1  }
0xc1: {  	_ =	sfence.sel $0xFFFF  }
0xc2: {  	[dreg:$0x0] =	wrdreg $0xFFFFFFFF;
	(pc) =	sbr.abs _section_cstart, $3  }
0xc3: {  	[dreg:$0x1] =	wrdreg $0xFFFFFFFF  }
0xc4: {  	_ =	task.clear_ibuf [dreg:s8], $0x2FFFF;
	_ =	strace $0x9FFFFFFF  }
0xc5: {  	(tm) =	ssettm $0x7FFFFFFF  }
tec
execute0_lowered:
.L_overlay_start_1:
0x0: {  	(tag) =	ssettag $0x1  }
0x1: {  	s1 =	rddreg [dreg:$0x0]  }
0x2: {  	s2 =	rddreg [dreg:$0x1]  }
0x3: {  	s0 =	rddreg [dreg:$0x2]  }
0x4: {  	s3 =	rddreg [dreg:$0x3];
	s14 =	simm.s32 $0x0;
	s12 =	stileid.u32  }
0x5: {  	s4 =	srdreg.scid;
	s28 =	simm.s32 $0x1CE00;
	s8 =	smul.u32 $0x4F000, s12  }
0x6: {  	s29 =	simm.s32 $0x1D000;
	s30 =	simm.s32 $0xA;
	s9 =	smul.u32 $0x45, s12  }
0x7: {  	s13 =	simm.s32 $0x1;
	s31 =	simm.s32 $0x7;
	s10 =	smul.u32 $0x8D, s12  }
0x8: {  	[smem:$0x7FF] =	sst s14;
	s4 =	sand.u32 $0x1, s4;
	s23 =	smul.u32 $0x13800, s12  }
0x9: {  	s6 =	sadd.s32 $0x1800, s0;
	s0 =	sadd.s32 $0x36000, s0;
	s25 =	smul.u32 $0x4E000, s12  }
0xa: {  	_ =	strace $0x80000047;
	s5 =	ssub.s32 $0x2, s4;
	p0 =	seq.s32 s4, $0x0  }
0xb: {  	s4 =	smul.u32 $0x138800, s4;
	s7 =	sshrl.u32 s5, $0x1;
	s11 =	sshrl.u32 s8, $0x2  }
0xc: {  	s8 =	sadd.s32 $0x8D0, s9;
	s26 =	sshrl.u32 s25, $0x2;
	s5 =	ssub.s32 s5, s7  }
0xd: {  	s7 =	simm.s32 $0x2F;
	s11 =	sadd.s32 s11, s3;
	s8 =	smov.u32 @p0 s10  }
0xe: {  	s9 =	sadd.s32 s23, s4;
	s4 =	sshrl.u32 s4, $0x3;
	s23 =	simm.s32 $0xB  }
0xf: {  	s7 =	simm.s32 @!p0 $0x17;
	s15 =	sadd.s32 $0x3000, s11;
	[dreg:$0x6] =	wrdreg s11  }
0x10: {  	s16 =	sadd.s32 $0x6000, s11;
	s17 =	sadd.s32 $0x9000, s11;
	[dreg:$0x7] =	wrdreg s15  }
0x11: {  	s18 =	sadd.s32 $0xC000, s11;
	s19 =	sadd.s32 $0xF000, s11;
	[dreg:$0x8] =	wrdreg s16  }
0x12: {  	s20 =	sshll.u32 s8, $0x6;
	s21 =	sadd.s32 $0x12000, s11;
	[dreg:$0x9] =	wrdreg s17  }
0x13: {  	s9 =	sshrl.u32 s9, $0x3;
	s4 =	sadd.s32 s0, s4;
	[dreg:$0xa] =	wrdreg s18  }
0x14: {  	s5 =	smax.u32 s5, $0x1;
	p0 =	seq.s32 s12, $0xF;
	[dreg:$0xb] =	wrdreg s19  }
0x15: {  	s11 =	simm.s32 $0x16C00;
	s12 =	simm.s32 $0x19C00;
	[dreg:$0xc] =	wrdreg s21  }
0x16: {  	s22 =	sadd.s32 s6, s20;
	s24 =	sadd.s32 $0xFFFFFFFF, s7;
	s0 =	sadd.s32 s0, s9  }
0x17: {  	s4 =	sadd.s32 $0x24900, s4;
	[dreg:$0x11] =	wrdreg s5;
	s15 =	simm.s32 $0x2  }
0x18: {  	s20 =	simm.s32 $0x3;
	s9 =	simm.s32 $0x5;
	s16 =	simm.s32 $0x6  }
0x19: {  	s5 =	simm.s32 $0x9;
	[dreg:$0xd] =	wrdreg s22;
	s10 =	sadd.s32 $0xC0, s22  }
0x1a: {  	s18 =	sshrl.u32 s24, $0x1;
	[dreg:$0xf] =	wrdreg s0;
	s0 =	sadd.s32 s26, s3  }
0x1b: {  	[dreg:$0x10] =	wrdreg s4;
	s4 =	sadd.s32 $0x124800, s3;
	s22 =	simm.s32 $0x13C00  }
0x1c: {  	s26 =	simm.s32 $0x1CC00;
	[dreg:$0xe] =	wrdreg s10;
	s4 =	sshrl.u32 @p0 s4, $0x3  }
0x1d: {  	s24 =	simm.s32 $0x4;
	s0 =	sshrl.u32 @!p0 s0, $0x3;
	[dreg:$0x12] =	wrdreg s4  }
0x1e: {  	v0 =	vimm.f32 $0.0e+00;
	s10 =	simm.s32 $0x60;
	[dreg:$0x13] =	wrdreg s0;
	s0 =	simm.s32 $0x8  }
.LBB2_1:
0x1f: {  	[dreg:$0x5] =	wrdreg s14;
	s14 =	simm.s32 $0x0;
	s19 =	simm.s32 $0x200  }
.LBB2_2:
0x20: {  	p1 =	sne.s32 s19, $0xBE00;
	[tilespmem:s14+$0x13C70] =	vst v0  }
0x21: {  	[tilespmem:s14+$0x13C00] =	vst v0  }
0x22: {  	[tilespmem:s14+$0x13C10] =	vst v0  }
.Ltmp0:
0x23: {  	[tilespmem:s14+$0x13C20] =	vst v0;
	(pc) =	sbr.rel @p1 .LBB2_2-.Ltmp0, $4  }
0x24: {  	[tilespmem:s14+$0x13C30] =	vst v0  }
0x25: {  	[tilespmem:s14+$0x13C40] =	vst v0  }
0x26: {  	[tilespmem:s14+$0x13C50] =	vst v0  }
0x27: {  	[tilespmem:s14+$0x13C60] =	vst v0;
	s14 =	sshra.s32 s19, $0x2;
	s19 =	sadd.s32 $0x200, s19  }
0x28: {  	[tilespmem:s14+$0x13C70] =	vst v0  }
0x29: {  	[tilespmem:s14+$0x13C00] =	vst v0  }
0x2a: {  	[tilespmem:s14+$0x13C10] =	vst v0  }
0x2b: {  	[tilespmem:s14+$0x13C20] =	vst v0  }
0x2c: {  	[tilespmem:s14+$0x13C30] =	vst v0  }
0x2d: {  	[tilespmem:s14+$0x13C40] =	vst v0  }
0x2e: {  	[tilespmem:s14+$0x13C50] =	vst v0  }
0x2f: {  	[tilespmem:s14+$0x13C60] =	vst v0;
	s4 =	rddreg [dreg:$0x6];
	s14 =	simm.s32 $0xC  }
0x30: {  	[spmem:s4] =	stream.linear.scatter [tilespmem:s22], [sflag:$0xC], $0x3000, $0x38;
	[tilespmem:$0x1D800] =	vst v63  }
0x31: {  	_ =	swait.ge [sflag:s14], $0x3000  }
0x32: {  	[sflag:s14] =	ssyncset.done $0x0  }
0x33: {  	s19 =	rddreg [dreg:$0x7];
	[sflag:s14] =	ssyncadd.s32 $0xFFFFD000  }
0x34: {  	[spmem:s19] =	stream.linear.scatter [tilespmem:s22], [sflag:$0xC], $0x3000, $0x38;
	[tilespmem:$0x1D800] =	vst v63  }
0x35: {  	_ =	swait.ge [sflag:s14], $0x3000  }
0x36: {  	[sflag:s14] =	ssyncset.done $0x0  }
0x37: {  	s21 =	rddreg [dreg:$0x8];
	[sflag:s14] =	ssyncadd.s32 $0xFFFFD000  }
0x38: {  	[spmem:s21] =	stream.linear.scatter [tilespmem:s22], [sflag:$0xC], $0x3000, $0x38;
	[tilespmem:$0x1D800] =	vst v63  }
0x39: {  	_ =	swait.ge [sflag:s14], $0x3000  }
0x3a: {  	[sflag:s14] =	ssyncset.done $0x0  }
0x3b: {  	s25 =	rddreg [dreg:$0x9];
	[sflag:s14] =	ssyncadd.s32 $0xFFFFD000  }
0x3c: {  	[spmem:s25] =	stream.linear.scatter [tilespmem:s22], [sflag:$0xC], $0x3000, $0x38;
	[tilespmem:$0x1D800] =	vst v63  }
0x3d: {  	_ =	swait.ge [sflag:s14], $0x3000  }
0x3e: {  	[sflag:s14] =	ssyncset.done $0x0  }
0x3f: {  	s17 =	rddreg [dreg:$0xa];
	[sflag:s14] =	ssyncadd.s32 $0xFFFFD000  }
0x40: {  	[spmem:s17] =	stream.linear.scatter [tilespmem:s22], [sflag:$0xC], $0x3000, $0x38;
	[tilespmem:$0x1D800] =	vst v63  }
0x41: {  	_ =	swait.ge [sflag:s14], $0x3000  }
0x42: {  	[sflag:s14] =	ssyncset.done $0x0  }
0x43: {  	s19 =	rddreg [dreg:$0xb];
	[sflag:s14] =	ssyncadd.s32 $0xFFFFD000  }
0x44: {  	[spmem:s19] =	stream.linear.scatter [tilespmem:s22], [sflag:$0xC], $0x3000, $0x38;
	[tilespmem:$0x1D800] =	vst v63  }
0x45: {  	_ =	swait.ge [sflag:s14], $0x3000  }
0x46: {  	[sflag:s14] =	ssyncset.done $0x0  }
0x47: {  	s21 =	rddreg [dreg:$0xc];
	[sflag:s14] =	ssyncadd.s32 $0xFFFFD000  }
0x48: {  	[spmem:s21] =	stream.linear.scatter [tilespmem:s22], [sflag:$0xC], $0x1C00, $0x38;
	[tilespmem:$0x1D800] =	vst v63  }
0x49: {  	_ =	swait.ge [sflag:s14], $0x1C00  }
0x4a: {  	[sflag:s14] =	ssyncset.done $0x0  }
0x4b: {  	[sflag:s14] =	ssyncadd.s32 $0xFFFFE400  }
0x4c: {  	[bflag:$0x0] =	sbarrier.arrive $0xFFFF  }
0x4d: {  	s14 =	simm.s32 $0x0;
	s25 =	rddreg [dreg:$0xd]  }
0x4e: {  	[tilespmem:s26], [sflag:$0xA] =	stream.linear.gather [hbm4b:s25+s14], $0x180, $0x38;
	[tilespmem:$0x1D800] =	vst v63  }
0x4f: {  	s19 =	sadd.s32 $0x40, s25  }
0x50: {  	[tilespmem:s28], [sflag:$0xA] =	stream.linear.gather [hbm4b:s19+s14], $0x180, $0x38;
	[tilespmem:$0x1D800] =	vst v63  }
0x51: {  	s17 =	sadd.s32 $0x80, s25  }
0x52: {  	[tilespmem:s29], [sflag:$0xA] =	stream.linear.gather [hbm4b:s17+s14], $0x180, $0x38;
	[tilespmem:$0x1D800] =	vst v63  }
0x53: {  	_ =	swait.ge [sflag:s30], $0x480  }
0x54: {  	[sflag:s30] =	ssyncset.done $0x0  }
0x55: {  	s17 =	simm.s32 $0x1D200;
	s4 =	rddreg [dreg:$0xe];
	[sflag:s30] =	ssyncadd.s32 $0xFFFFFB80  }
0x56: {  	[tilespmem:s17], [sflag:$0xB] =	stream.linear.gather [hbm4b:s4+s14], $0x180, $0x38;
	[tilespmem:$0x1D800] =	vst v63  }
0x57: {  	s25 =	simm.s32 $0x1D400;
	s21 =	sadd.s32 $0x40, s4  }
0x58: {  	[tilespmem:s25], [sflag:$0xB] =	stream.linear.gather [hbm4b:s21+s14], $0x180, $0x38;
	[tilespmem:$0x1D800] =	vst v63  }
0x59: {  	s4 =	sadd.s32 $0x80, s4;
	s17 =	simm.s32 $0x1D600  }
0x5a: {  	[tilespmem:s17], [sflag:$0xB] =	stream.linear.gather [hbm4b:s4+s14], $0x180, $0x38;
	[tilespmem:$0x1D800] =	vst v63  }
0x5b: {  	_ = 	snop  }
0x5c: {  	[tilespmem:s22], [sflag:$0x1] =	stream.indirect.gather [hbm4b:s1+s10], $0x80, s26, s10, $0xb8;
	[tilespmem:$0x1D800] =	vst v63  }
0x5d: {  	_ = 	snop  }
0x5e: {  	[tilespmem:s11], [sflag:$0x2] =	stream.indirect.gather [hbm4b:s1+s10], $0x80, s28, s10, $0xb8;
	[tilespmem:$0x1D800] =	vst v63  }
0x5f: {  	_ = 	snop  }
0x60: {  	[tilespmem:s12], [sflag:$0x3] =	stream.indirect.gather [hbm4b:s1+s10], $0x80, s29, s10, $0xb8;
	[tilespmem:$0x1D800] =	vst v63  }
0x61: {  	_ =	swait.ge [sflag:s13], $0x3000  }
0x62: {  	[sflag:s13] =	ssyncset.done $0x0  }
0x63: {  	s19 =	simm.s32 $0x1CD00;
	[sflag:s13] =	ssyncadd.s32 $0xFFFFD000  }
0x64: {  	[tilespmem:s22], [sflag:$0x4] =	stream.indirect.gather.add.f32 [hbm:s2], $0x80, s19, s10, $0xb8;
	[tilespmem:$0x1D800] =	vst v63  }
0x65: {  	_ =	swait.ge [sflag:s15], $0x3000  }
0x66: {  	[sflag:s15] =	ssyncset.done $0x0  }
0x67: {  	s21 =	simm.s32 $0x1CF00;
	[sflag:s15] =	ssyncadd.s32 $0xFFFFD000  }
0x68: {  	[tilespmem:s11], [sflag:$0x5] =	stream.indirect.gather.add.f32 [hbm:s2], $0x80, s21, s10, $0xb8;
	[tilespmem:$0x1D800] =	vst v63  }
0x69: {  	_ =	swait.ge [sflag:s20], $0x3000  }
0x6a: {  	[sflag:s20] =	ssyncset.done $0x0  }
0x6b: {  	s25 =	simm.s32 $0x1D100;
	[sflag:s20] =	ssyncadd.s32 $0xFFFFD000  }
0x6c: {  	[tilespmem:s12], [sflag:$0x6] =	stream.indirect.gather.add.f32 [hbm:s2], $0x80, s25, s10, $0xb8;
	[tilespmem:$0x1D800] =	vst v63  }
0x6d: {  	_ =	swait.ge [sflag:s24], $0x3000  }
0x6e: {  	[sflag:s24] =	ssyncset.done $0x0  }
0x6f: {  	s14 =	simm.s32 $0x0;
	[sflag:s24] =	ssyncadd.s32 $0xFFFFD000  }
0x70: {  	v3 =	vld [tilespmem:s14+$0x13C00]  }
0x71: {  	v5 =	vld [tilespmem:s14+$0x13C10]  }
0x72: {  	v4 =	vld [tilespmem:s14+$0x13C20]  }
0x73: {  	v2 =	vld [tilespmem:s14+$0x13C30]  }
0x74: {  	v1 =	vld [tilespmem:s14+$0x13C40]  }
0x75: {  	v6 =	vmax.f32 v3, $0.0e+00;
	v3 =	vld [tilespmem:s14+$0x13C50]  }
0x76: {  	s19 =	simm.s32 $0x200;
	[tilespmem:s14+$0x13C00] =	vst v6;
	v6 =	vmax.f32 v5, $0.0e+00;
	v5 =	vld [tilespmem:s14+$0x13C60]  }
.LBB2_4:
0x77: {  	s21 =	sshra.s32 s19, $0x2;
	p1 =	sne.s32 s19, $0xBE00;
	[tilespmem:s14+$0x13C10] =	vst v6;
	v4 =	vmax.f32 v4, $0.0e+00;
	v6 =	vld [tilespmem:s14+$0x13C70]  }
0x78: {  	v7 =	vld [tilespmem:s21+$0x13C00];
	[tilespmem:s14+$0x13C20] =	vst v4;
	v2 =	vmax.f32 v2, $0.0e+00  }
0x79: {  	v8 =	vld [tilespmem:s21+$0x13C10];
	[tilespmem:s14+$0x13C30] =	vst v2;
	v1 =	vmax.f32 v1, $0.0e+00  }
.Ltmp1:
0x7a: {  	v4 =	vld [tilespmem:s21+$0x13C20];
	[tilespmem:s14+$0x13C40] =	vst v1;
	v1 =	vmax.f32 v3, $0.0e+00;
	(pc) =	sbr.rel @p1 .LBB2_4-.Ltmp1, $4  }
0x7b: {  	v2 =	vld [tilespmem:s21+$0x13C30];
	[tilespmem:s14+$0x13C50] =	vst v1;
	v3 =	vmax.f32 v5, $0.0e+00  }
0x7c: {  	v1 =	vld [tilespmem:s21+$0x13C40];
	[tilespmem:s14+$0x13C60] =	vst v3;
	v5 =	vmax.f32 v6, $0.0e+00  }
0x7d: {  	v6 =	vmax.f32 v7, $0.0e+00;
	v3 =	vld [tilespmem:s21+$0x13C50];
	[tilespmem:s14+$0x13C70] =	vst v5;
	s14 =	smov.u32 s21  }
0x7e: {  	s19 =	sadd.s32 $0x200, s19;
	[tilespmem:s14+$0x13C00] =	vst v6;
	v6 =	vmax.f32 v8, $0.0e+00;
	v5 =	vld [tilespmem:s14+$0x13C60]  }
0x7f: {  	[tilespmem:s14+$0x13C10] =	vst v6;
	v4 =	vmax.f32 v4, $0.0e+00;
	v6 =	vld [tilespmem:s14+$0x13C70]  }
0x80: {  	[tilespmem:s14+$0x13C20] =	vst v4;
	v2 =	vmax.f32 v2, $0.0e+00  }
0x81: {  	[tilespmem:s14+$0x13C30] =	vst v2;
	v1 =	vmax.f32 v1, $0.0e+00  }
0x82: {  	[tilespmem:s14+$0x13C40] =	vst v1;
	v1 =	vmax.f32 v3, $0.0e+00  }
0x83: {  	[tilespmem:s14+$0x13C50] =	vst v1;
	v1 =	vmax.f32 v5, $0.0e+00  }
0x84: {  	[tilespmem:s14+$0x13C60] =	vst v1;
	v1 =	vmax.f32 v6, $0.0e+00  }
0x85: {  	s4 =	simm.s32 $0x1CC80;
	[tilespmem:s14+$0x13C70] =	vst v1  }
0x86: {  	[spmem:s3] =	stream.indirect.scatter.add.f32 [tilespmem:s22], [sflag:$0x7], $0x80, s4, s10, $0xb8;
	[tilespmem:$0x1D800] =	vst v63  }
0x87: {  	_ =	swait.ge [sflag:s9], $0x3000  }
0x88: {  	[sflag:s9] =	ssyncset.done $0x0  }
0x89: {  	s14 =	simm.s32 $0x0;
	[sflag:s9] =	ssyncadd.s32 $0xFFFFD000  }
0x8a: {  	v3 =	vld [tilespmem:s14+$0x16C00]  }
0x8b: {  	v5 =	vld [tilespmem:s14+$0x16C10]  }
0x8c: {  	v4 =	vld [tilespmem:s14+$0x16C20]  }
0x8d: {  	v2 =	vld [tilespmem:s14+$0x16C30]  }
0x8e: {  	v1 =	vld [tilespmem:s14+$0x16C40]  }
0x8f: {  	v6 =	vmax.f32 v3, $0.0e+00;
	v3 =	vld [tilespmem:s14+$0x16C50]  }
0x90: {  	s19 =	simm.s32 $0x200;
	[tilespmem:s14+$0x16C00] =	vst v6;
	v6 =	vmax.f32 v5, $0.0e+00;
	v5 =	vld [tilespmem:s14+$0x16C60]  }
.LBB2_6:
0x91: {  	s21 =	sshra.s32 s19, $0x2;
	p1 =	sne.s32 s19, $0xBE00;
	[tilespmem:s14+$0x16C10] =	vst v6;
	v4 =	vmax.f32 v4, $0.0e+00;
	v6 =	vld [tilespmem:s14+$0x16C70]  }
0x92: {  	v7 =	vld [tilespmem:s21+$0x16C00];
	[tilespmem:s14+$0x16C20] =	vst v4;
	v2 =	vmax.f32 v2, $0.0e+00  }
0x93: {  	v8 =	vld [tilespmem:s21+$0x16C10];
	[tilespmem:s14+$0x16C30] =	vst v2;
	v1 =	vmax.f32 v1, $0.0e+00  }
.Ltmp2:
0x94: {  	v4 =	vld [tilespmem:s21+$0x16C20];
	[tilespmem:s14+$0x16C40] =	vst v1;
	v1 =	vmax.f32 v3, $0.0e+00;
	(pc) =	sbr.rel @p1 .LBB2_6-.Ltmp2, $4  }
0x95: {  	v2 =	vld [tilespmem:s21+$0x16C30];
	[tilespmem:s14+$0x16C50] =	vst v1;
	v3 =	vmax.f32 v5, $0.0e+00  }
0x96: {  	v1 =	vld [tilespmem:s21+$0x16C40];
	[tilespmem:s14+$0x16C60] =	vst v3;
	v5 =	vmax.f32 v6, $0.0e+00  }
0x97: {  	v6 =	vmax.f32 v7, $0.0e+00;
	v3 =	vld [tilespmem:s21+$0x16C50];
	[tilespmem:s14+$0x16C70] =	vst v5;
	s14 =	smov.u32 s21  }
0x98: {  	s19 =	sadd.s32 $0x200, s19;
	[tilespmem:s14+$0x16C00] =	vst v6;
	v6 =	vmax.f32 v8, $0.0e+00;
	v5 =	vld [tilespmem:s14+$0x16C60]  }
0x99: {  	[tilespmem:s14+$0x16C10] =	vst v6;
	v4 =	vmax.f32 v4, $0.0e+00;
	v6 =	vld [tilespmem:s14+$0x16C70]  }
0x9a: {  	[tilespmem:s14+$0x16C20] =	vst v4;
	v2 =	vmax.f32 v2, $0.0e+00  }
0x9b: {  	[tilespmem:s14+$0x16C30] =	vst v2;
	v1 =	vmax.f32 v1, $0.0e+00  }
0x9c: {  	[tilespmem:s14+$0x16C40] =	vst v1;
	v1 =	vmax.f32 v3, $0.0e+00  }
0x9d: {  	[tilespmem:s14+$0x16C50] =	vst v1;
	v1 =	vmax.f32 v5, $0.0e+00  }
0x9e: {  	[tilespmem:s14+$0x16C60] =	vst v1;
	v1 =	vmax.f32 v6, $0.0e+00  }
0x9f: {  	s4 =	simm.s32 $0x1CE80;
	[tilespmem:s14+$0x16C70] =	vst v1  }
0xa0: {  	[spmem:s3] =	stream.indirect.scatter.add.f32 [tilespmem:s11], [sflag:$0x8], $0x80, s4, s10, $0xb8;
	[tilespmem:$0x1D800] =	vst v63  }
0xa1: {  	_ =	swait.ge [sflag:s16], $0x3000  }
0xa2: {  	[sflag:s16] =	ssyncset.done $0x0  }
0xa3: {  	s14 =	simm.s32 $0x0;
	[sflag:s16] =	ssyncadd.s32 $0xFFFFD000  }
0xa4: {  	v3 =	vld [tilespmem:s14+$0x19C00]  }
0xa5: {  	v5 =	vld [tilespmem:s14+$0x19C10]  }
0xa6: {  	v4 =	vld [tilespmem:s14+$0x19C20]  }
0xa7: {  	v2 =	vld [tilespmem:s14+$0x19C30]  }
0xa8: {  	v1 =	vld [tilespmem:s14+$0x19C40]  }
0xa9: {  	v6 =	vmax.f32 v3, $0.0e+00;
	v3 =	vld [tilespmem:s14+$0x19C50]  }
0xaa: {  	s19 =	simm.s32 $0x200;
	[tilespmem:s14+$0x19C00] =	vst v6;
	v6 =	vmax.f32 v5, $0.0e+00;
	v5 =	vld [tilespmem:s14+$0x19C60]  }
.LBB2_8:
0xab: {  	s21 =	sshra.s32 s19, $0x2;
	p1 =	sne.s32 s19, $0xBE00;
	[tilespmem:s14+$0x19C10] =	vst v6;
	v4 =	vmax.f32 v4, $0.0e+00;
	v6 =	vld [tilespmem:s14+$0x19C70]  }
0xac: {  	v7 =	vld [tilespmem:s21+$0x19C00];
	[tilespmem:s14+$0x19C20] =	vst v4;
	v2 =	vmax.f32 v2, $0.0e+00  }
0xad: {  	v8 =	vld [tilespmem:s21+$0x19C10];
	[tilespmem:s14+$0x19C30] =	vst v2;
	v1 =	vmax.f32 v1, $0.0e+00  }
.Ltmp3:
0xae: {  	v4 =	vld [tilespmem:s21+$0x19C20];
	[tilespmem:s14+$0x19C40] =	vst v1;
	v1 =	vmax.f32 v3, $0.0e+00;
	(pc) =	sbr.rel @p1 .LBB2_8-.Ltmp3, $4  }
0xaf: {  	v2 =	vld [tilespmem:s21+$0x19C30];
	[tilespmem:s14+$0x19C50] =	vst v1;
	v3 =	vmax.f32 v5, $0.0e+00  }
0xb0: {  	v1 =	vld [tilespmem:s21+$0x19C40];
	[tilespmem:s14+$0x19C60] =	vst v3;
	v5 =	vmax.f32 v6, $0.0e+00  }
0xb1: {  	v6 =	vmax.f32 v7, $0.0e+00;
	v3 =	vld [tilespmem:s21+$0x19C50];
	[tilespmem:s14+$0x19C70] =	vst v5;
	s14 =	smov.u32 s21  }
0xb2: {  	s19 =	sadd.s32 $0x200, s19;
	[tilespmem:s14+$0x19C00] =	vst v6;
	v6 =	vmax.f32 v8, $0.0e+00;
	v5 =	vld [tilespmem:s14+$0x19C60]  }
0xb3: {  	[tilespmem:s14+$0x19C10] =	vst v6;
	v4 =	vmax.f32 v4, $0.0e+00;
	v63 =	vld [tilespmem:s14+$0x19C70]  }
0xb4: {  	[tilespmem:s14+$0x19C20] =	vst v4;
	v2 =	vmax.f32 v2, $0.0e+00  }
0xb5: {  	[tilespmem:s14+$0x19C30] =	vst v2;
	v1 =	vmax.f32 v1, $0.0e+00  }
0xb6: {  	[tilespmem:s14+$0x19C40] =	vst v1;
	v1 =	vmax.f32 v3, $0.0e+00  }
0xb7: {  	[tilespmem:s14+$0x19C50] =	vst v1;
	v1 =	vmax.f32 v5, $0.0e+00  }
0xb8: {  	[tilespmem:s14+$0x19C60] =	vst v1;
	v1 =	vmax.f32 v63, $0.0e+00  }
0xb9: {  	s4 =	simm.s32 $0x1D080;
	[tilespmem:s14+$0x19C70] =	vst v1;
	s14 =	simm.s32 $0x0  }
0xba: {  	[spmem:s3] =	stream.indirect.scatter.add.f32 [tilespmem:s12], [sflag:$0x9], $0x80, s4, s10, $0xb8;
	[tilespmem:$0x1D800] =	vst v63  }
.LBB2_10:
0xbb: {  	s19 =	sshll.u32 s14, $0x1  }
0xbc: {  	s21 =	sadd.s32 $0x2, s19  }
0xbd: {  	p1 =	sge.u32 s21, s7  }
0xbe: {  	s21 =	smul.u32 @!p1 $0x3, s21  }
0xbf: {  	_ =	swait.ge [sflag:s23], $0x480  }
0xc0: {  	[sflag:s23] =	ssyncset.done $0x0;
	s21 =	sadd.s32 @!p1 s8, s21  }
0xc1: {  	[sflag:s23] =	ssyncadd.s32 $0xFFFFFB80;
	s21 =	sshll.u32 @!p1 s21, $0x6  }
0xc2: {  	s25 =	simm.s32 @!p1 $0x0;
	s17 =	simm.s32 @!p1 $0x1CC00;
	s21 =	sadd.s32 @!p1 s6, s21  }
0xc3: {  	[tilespmem:s17], [sflag:$0xA] =	stream.linear.gather @!p1 [hbm4b:s21+s25], $0x180, $0x38;
	[tilespmem:$0x1D800] =	vst v63  }
0xc4: {  	s4 =	simm.s32 @!p1 $0x1CE00;
	s17 =	sadd.s32 @!p1 $0x40, s21  }
0xc5: {  	[tilespmem:s4], [sflag:$0xA] =	stream.linear.gather @!p1 [hbm4b:s17+s25], $0x180, $0x38;
	[tilespmem:$0x1D800] =	vst v63  }
0xc6: {  	s4 =	sadd.s32 @!p1 $0x80, s21;
	s17 =	simm.s32 @!p1 $0x1D000  }
0xc7: {  	[tilespmem:s17], [sflag:$0xA] =	stream.linear.gather @!p1 [hbm4b:s4+s25], $0x180, $0x38;
	[tilespmem:$0x1D800] =	vst v63  }
0xc8: {  	_ =	swait.ge [sflag:s31], $0x3000  }
0xc9: {  	[sflag:s31] =	ssyncset.done $0x0  }
0xca: {  	s17 =	simm.s32 $0x1D200;
	[sflag:s31] =	ssyncadd.s32 $0xFFFFD000  }
0xcb: {  	[tilespmem:s22], [sflag:$0x1] =	stream.indirect.gather [hbm4b:s1+s10], $0x80, s17, s10, $0xb8;
	[tilespmem:$0x1D800] =	vst v63  }
0xcc: {  	_ =	swait.ge [sflag:s0], $0x3000  }
0xcd: {  	[sflag:s0] =	ssyncset.done $0x0  }
0xce: {  	s21 =	simm.s32 $0x1D400;
	[sflag:s0] =	ssyncadd.s32 $0xFFFFD000  }
0xcf: {  	[tilespmem:s11], [sflag:$0x2] =	stream.indirect.gather [hbm4b:s1+s10], $0x80, s21, s10, $0xb8;
	[tilespmem:$0x1D800] =	vst v63  }
0xd0: {  	_ =	swait.ge [sflag:s5], $0x3000  }
0xd1: {  	[sflag:s5] =	ssyncset.done $0x0  }
0xd2: {  	s25 =	simm.s32 $0x1D600;
	[sflag:s5] =	ssyncadd.s32 $0xFFFFD000  }
0xd3: {  	[tilespmem:s12], [sflag:$0x3] =	stream.indirect.gather [hbm4b:s1+s10], $0x80, s25, s10, $0xb8;
	[tilespmem:$0x1D800] =	vst v63  }
0xd4: {  	_ =	swait.ge [sflag:s13], $0x3000  }
0xd5: {  	[sflag:s13] =	ssyncset.done $0x0  }
0xd6: {  	s17 =	simm.s32 $0x1D300;
	[sflag:s13] =	ssyncadd.s32 $0xFFFFD000  }
0xd7: {  	[tilespmem:s22], [sflag:$0x4] =	stream.indirect.gather.add.f32 [hbm:s2], $0x80, s17, s10, $0xb8;
	[tilespmem:$0x1D800] =	vst v63  }
0xd8: {  	_ =	swait.ge [sflag:s15], $0x3000  }
0xd9: {  	[sflag:s15] =	ssyncset.done $0x0  }
0xda: {  	s21 =	simm.s32 $0x1D500;
	[sflag:s15] =	ssyncadd.s32 $0xFFFFD000  }
0xdb: {  	[tilespmem:s11], [sflag:$0x5] =	stream.indirect.gather.add.f32 [hbm:s2], $0x80, s21, s10, $0xb8;
	[tilespmem:$0x1D800] =	vst v63  }
0xdc: {  	_ =	swait.ge [sflag:s20], $0x3000  }
0xdd: {  	[sflag:s20] =	ssyncset.done $0x0  }
0xde: {  	s25 =	simm.s32 $0x1D700;
	[sflag:s20] =	ssyncadd.s32 $0xFFFFD000  }
0xdf: {  	[tilespmem:s12], [sflag:$0x6] =	stream.indirect.gather.add.f32 [hbm:s2], $0x80, s25, s10, $0xb8;
	[tilespmem:$0x1D800] =	vst v63  }
0xe0: {  	_ =	swait.ge [sflag:s24], $0x3000  }
0xe1: {  	[sflag:s24] =	ssyncset.done $0x0  }
0xe2: {  	s21 =	simm.s32 $0x0;
	[sflag:s24] =	ssyncadd.s32 $0xFFFFD000  }
0xe3: {  	v3 =	vld [tilespmem:s21+$0x13C00]  }
0xe4: {  	v5 =	vld [tilespmem:s21+$0x13C10]  }
0xe5: {  	v4 =	vld [tilespmem:s21+$0x13C20]  }
0xe6: {  	v2 =	vld [tilespmem:s21+$0x13C30]  }
0xe7: {  	v1 =	vld [tilespmem:s21+$0x13C40]  }
0xe8: {  	v6 =	vmax.f32 v3, $0.0e+00;
	v3 =	vld [tilespmem:s21+$0x13C50]  }
0xe9: {  	s25 =	simm.s32 $0x200;
	[tilespmem:s21+$0x13C00] =	vst v6;
	v6 =	vmax.f32 v5, $0.0e+00;
	v5 =	vld [tilespmem:s21+$0x13C60]  }
.LBB2_11:
0xea: {  	s4 =	sshra.s32 s25, $0x2;
	p1 =	sne.s32 s25, $0xBE00;
	[tilespmem:s21+$0x13C10] =	vst v6;
	v4 =	vmax.f32 v4, $0.0e+00;
	v6 =	vld [tilespmem:s21+$0x13C70]  }
0xeb: {  	v7 =	vld [tilespmem:s4+$0x13C00];
	[tilespmem:s21+$0x13C20] =	vst v4;
	v2 =	vmax.f32 v2, $0.0e+00  }
0xec: {  	v8 =	vld [tilespmem:s4+$0x13C10];
	[tilespmem:s21+$0x13C30] =	vst v2;
	v1 =	vmax.f32 v1, $0.0e+00  }
.Ltmp4:
0xed: {  	v4 =	vld [tilespmem:s4+$0x13C20];
	[tilespmem:s21+$0x13C40] =	vst v1;
	v1 =	vmax.f32 v3, $0.0e+00;
	(pc) =	sbr.rel @p1 .LBB2_11-.Ltmp4, $4  }
0xee: {  	v2 =	vld [tilespmem:s4+$0x13C30];
	[tilespmem:s21+$0x13C50] =	vst v1;
	v3 =	vmax.f32 v5, $0.0e+00  }
0xef: {  	v1 =	vld [tilespmem:s4+$0x13C40];
	[tilespmem:s21+$0x13C60] =	vst v3;
	v5 =	vmax.f32 v6, $0.0e+00  }
0xf0: {  	v6 =	vmax.f32 v7, $0.0e+00;
	v3 =	vld [tilespmem:s4+$0x13C50];
	[tilespmem:s21+$0x13C70] =	vst v5;
	s21 =	smov.u32 s4  }
0xf1: {  	s25 =	sadd.s32 $0x200, s25;
	[tilespmem:s21+$0x13C00] =	vst v6;
	v6 =	vmax.f32 v8, $0.0e+00;
	v5 =	vld [tilespmem:s21+$0x13C60]  }
0xf2: {  	[tilespmem:s21+$0x13C10] =	vst v6;
	v4 =	vmax.f32 v4, $0.0e+00;
	v6 =	vld [tilespmem:s21+$0x13C70]  }
0xf3: {  	[tilespmem:s21+$0x13C20] =	vst v4;
	v2 =	vmax.f32 v2, $0.0e+00  }
0xf4: {  	[tilespmem:s21+$0x13C30] =	vst v2;
	v1 =	vmax.f32 v1, $0.0e+00  }
0xf5: {  	[tilespmem:s21+$0x13C40] =	vst v1;
	v1 =	vmax.f32 v3, $0.0e+00  }
0xf6: {  	[tilespmem:s21+$0x13C50] =	vst v1;
	v1 =	vmax.f32 v5, $0.0e+00  }
0xf7: {  	[tilespmem:s21+$0x13C60] =	vst v1;
	v1 =	vmax.f32 v6, $0.0e+00  }
0xf8: {  	s4 =	simm.s32 $0x1D280;
	[tilespmem:s21+$0x13C70] =	vst v1  }
0xf9: {  	[spmem:s3] =	stream.indirect.scatter.add.f32 [tilespmem:s22], [sflag:$0x7], $0x80, s4, s10, $0xb8;
	[tilespmem:$0x1D800] =	vst v63  }
0xfa: {  	_ =	swait.ge [sflag:s9], $0x3000  }
0xfb: {  	[sflag:s9] =	ssyncset.done $0x0  }
0xfc: {  	s21 =	simm.s32 $0x0;
	[sflag:s9] =	ssyncadd.s32 $0xFFFFD000  }
0xfd: {  	v3 =	vld [tilespmem:s21+$0x16C00]  }
0xfe: {  	v5 =	vld [tilespmem:s21+$0x16C10]  }
0xff: {  	v4 =	vld [tilespmem:s21+$0x16C20]  }
0x100: {  	v2 =	vld [tilespmem:s21+$0x16C30]  }
0x101: {  	v1 =	vld [tilespmem:s21+$0x16C40]  }
0x102: {  	v6 =	vmax.f32 v3, $0.0e+00;
	v3 =	vld [tilespmem:s21+$0x16C50]  }
0x103: {  	s25 =	simm.s32 $0x200;
	[tilespmem:s21+$0x16C00] =	vst v6;
	v6 =	vmax.f32 v5, $0.0e+00;
	v5 =	vld [tilespmem:s21+$0x16C60]  }
.LBB2_13:
0x104: {  	s4 =	sshra.s32 s25, $0x2;
	p1 =	sne.s32 s25, $0xBE00;
	[tilespmem:s21+$0x16C10] =	vst v6;
	v4 =	vmax.f32 v4, $0.0e+00;
	v6 =	vld [tilespmem:s21+$0x16C70]  }
0x105: {  	v7 =	vld [tilespmem:s4+$0x16C00];
	[tilespmem:s21+$0x16C20] =	vst v4;
	v2 =	vmax.f32 v2, $0.0e+00  }
0x106: {  	v8 =	vld [tilespmem:s4+$0x16C10];
	[tilespmem:s21+$0x16C30] =	vst v2;
	v1 =	vmax.f32 v1, $0.0e+00  }
.Ltmp5:
0x107: {  	v4 =	vld [tilespmem:s4+$0x16C20];
	[tilespmem:s21+$0x16C40] =	vst v1;
	v1 =	vmax.f32 v3, $0.0e+00;
	(pc) =	sbr.rel @p1 .LBB2_13-.Ltmp5, $4  }
0x108: {  	v2 =	vld [tilespmem:s4+$0x16C30];
	[tilespmem:s21+$0x16C50] =	vst v1;
	v3 =	vmax.f32 v5, $0.0e+00  }
0x109: {  	v1 =	vld [tilespmem:s4+$0x16C40];
	[tilespmem:s21+$0x16C60] =	vst v3;
	v5 =	vmax.f32 v6, $0.0e+00  }
0x10a: {  	v6 =	vmax.f32 v7, $0.0e+00;
	v3 =	vld [tilespmem:s4+$0x16C50];
	[tilespmem:s21+$0x16C70] =	vst v5;
	s21 =	smov.u32 s4  }
0x10b: {  	s25 =	sadd.s32 $0x200, s25;
	[tilespmem:s21+$0x16C00] =	vst v6;
	v6 =	vmax.f32 v8, $0.0e+00;
	v5 =	vld [tilespmem:s21+$0x16C60]  }
0x10c: {  	[tilespmem:s21+$0x16C10] =	vst v6;
	v4 =	vmax.f32 v4, $0.0e+00;
	v6 =	vld [tilespmem:s21+$0x16C70]  }
0x10d: {  	[tilespmem:s21+$0x16C20] =	vst v4;
	v2 =	vmax.f32 v2, $0.0e+00  }
0x10e: {  	[tilespmem:s21+$0x16C30] =	vst v2;
	v1 =	vmax.f32 v1, $0.0e+00  }
0x10f: {  	[tilespmem:s21+$0x16C40] =	vst v1;
	v1 =	vmax.f32 v3, $0.0e+00  }
0x110: {  	[tilespmem:s21+$0x16C50] =	vst v1;
	v1 =	vmax.f32 v5, $0.0e+00  }
0x111: {  	[tilespmem:s21+$0x16C60] =	vst v1;
	v1 =	vmax.f32 v6, $0.0e+00  }
0x112: {  	s4 =	simm.s32 $0x1D480;
	[tilespmem:s21+$0x16C70] =	vst v1  }
0x113: {  	[spmem:s3] =	stream.indirect.scatter.add.f32 [tilespmem:s11], [sflag:$0x8], $0x80, s4, s10, $0xb8;
	[tilespmem:$0x1D800] =	vst v63  }
0x114: {  	_ =	swait.ge [sflag:s16], $0x3000  }
0x115: {  	[sflag:s16] =	ssyncset.done $0x0  }
0x116: {  	s21 =	simm.s32 $0x0;
	[sflag:s16] =	ssyncadd.s32 $0xFFFFD000  }
0x117: {  	v3 =	vld [tilespmem:s21+$0x19C00]  }
0x118: {  	v5 =	vld [tilespmem:s21+$0x19C10]  }
0x119: {  	v4 =	vld [tilespmem:s21+$0x19C20]  }
0x11a: {  	v2 =	vld [tilespmem:s21+$0x19C30]  }
0x11b: {  	v1 =	vld [tilespmem:s21+$0x19C40]  }
0x11c: {  	v6 =	vmax.f32 v3, $0.0e+00;
	v3 =	vld [tilespmem:s21+$0x19C50]  }
0x11d: {  	s25 =	simm.s32 $0x200;
	[tilespmem:s21+$0x19C00] =	vst v6;
	v6 =	vmax.f32 v5, $0.0e+00;
	v5 =	vld [tilespmem:s21+$0x19C60]  }
.LBB2_15:
0x11e: {  	s4 =	sshra.s32 s25, $0x2;
	p1 =	sne.s32 s25, $0xBE00;
	[tilespmem:s21+$0x19C10] =	vst v6;
	v4 =	vmax.f32 v4, $0.0e+00;
	v6 =	vld [tilespmem:s21+$0x19C70]  }
0x11f: {  	v7 =	vld [tilespmem:s4+$0x19C00];
	[tilespmem:s21+$0x19C20] =	vst v4;
	v2 =	vmax.f32 v2, $0.0e+00  }
0x120: {  	v8 =	vld [tilespmem:s4+$0x19C10];
	[tilespmem:s21+$0x19C30] =	vst v2;
	v1 =	vmax.f32 v1, $0.0e+00  }
.Ltmp6:
0x121: {  	v4 =	vld [tilespmem:s4+$0x19C20];
	[tilespmem:s21+$0x19C40] =	vst v1;
	v1 =	vmax.f32 v3, $0.0e+00;
	(pc) =	sbr.rel @p1 .LBB2_15-.Ltmp6, $4  }
0x122: {  	v2 =	vld [tilespmem:s4+$0x19C30];
	[tilespmem:s21+$0x19C50] =	vst v1;
	v3 =	vmax.f32 v5, $0.0e+00  }
0x123: {  	v1 =	vld [tilespmem:s4+$0x19C40];
	[tilespmem:s21+$0x19C60] =	vst v3;
	v5 =	vmax.f32 v6, $0.0e+00  }
0x124: {  	v6 =	vmax.f32 v7, $0.0e+00;
	v3 =	vld [tilespmem:s4+$0x19C50];
	[tilespmem:s21+$0x19C70] =	vst v5;
	s21 =	smov.u32 s4  }
0x125: {  	s25 =	sadd.s32 $0x200, s25;
	[tilespmem:s21+$0x19C00] =	vst v6;
	v6 =	vmax.f32 v8, $0.0e+00;
	v5 =	vld [tilespmem:s21+$0x19C60]  }
0x126: {  	[tilespmem:s21+$0x19C10] =	vst v6;
	v4 =	vmax.f32 v4, $0.0e+00;
	v6 =	vld [tilespmem:s21+$0x19C70]  }
0x127: {  	[tilespmem:s21+$0x19C20] =	vst v4;
	v2 =	vmax.f32 v2, $0.0e+00  }
0x128: {  	[tilespmem:s21+$0x19C30] =	vst v2;
	v1 =	vmax.f32 v1, $0.0e+00  }
0x129: {  	[tilespmem:s21+$0x19C40] =	vst v1;
	v1 =	vmax.f32 v3, $0.0e+00  }
0x12a: {  	[tilespmem:s21+$0x19C50] =	vst v1;
	v1 =	vmax.f32 v5, $0.0e+00  }
0x12b: {  	[tilespmem:s21+$0x19C60] =	vst v1;
	v1 =	vmax.f32 v6, $0.0e+00  }
0x12c: {  	s4 =	simm.s32 $0x1D680;
	[tilespmem:s21+$0x19C70] =	vst v1  }
0x12d: {  	[spmem:s3] =	stream.indirect.scatter.add.f32 [tilespmem:s12], [sflag:$0x9], $0x80, s4, s10, $0xb8;
	[tilespmem:$0x1D800] =	vst v63  }
0x12e: {  	s4 =	sadd.s32 $0x3, s19  }
0x12f: {  	p1 =	sge.u32 s4, s7  }
0x130: {  	s4 =	smul.u32 @!p1 $0x3, s4;
	_ =	sdelay $0x1  }
0x131: {  	_ =	swait.ge [sflag:s30], $0x480;
	s4 =	sadd.s32 @!p1 s8, s4  }
0x132: {  	[sflag:s30] =	ssyncset.done $0x0;
	s17 =	simm.s32 @!p1 $0x0;
	s4 =	sshll.u32 @!p1 s4, $0x6  }
0x133: {  	s19 =	simm.s32 @!p1 $0x1D200;
	[sflag:s30] =	ssyncadd.s32 $0xFFFFFB80;
	s4 =	sadd.s32 @!p1 s6, s4  }
0x134: {  	[tilespmem:s19], [sflag:$0xB] =	stream.linear.gather @!p1 [hbm4b:s4+s17], $0x180, $0x38;
	[tilespmem:$0x1D800] =	vst v63  }
0x135: {  	s21 =	simm.s32 @!p1 $0x1D400;
	s19 =	sadd.s32 @!p1 $0x40, s4  }
0x136: {  	[tilespmem:s21], [sflag:$0xB] =	stream.linear.gather @!p1 [hbm4b:s19+s17], $0x180, $0x38;
	[tilespmem:$0x1D800] =	vst v63  }
0x137: {  	s4 =	sadd.s32 @!p1 $0x80, s4;
	s19 =	simm.s32 @!p1 $0x1D600  }
0x138: {  	[tilespmem:s19], [sflag:$0xB] =	stream.linear.gather @!p1 [hbm4b:s4+s17], $0x180, $0x38;
	[tilespmem:$0x1D800] =	vst v63  }
0x139: {  	_ =	swait.ge [sflag:s31], $0x3000  }
0x13a: {  	[sflag:s31] =	ssyncset.done $0x0  }
0x13b: {  	[sflag:s31] =	ssyncadd.s32 $0xFFFFD000  }
0x13c: {  	[tilespmem:s22], [sflag:$0x1] =	stream.indirect.gather [hbm4b:s1+s10], $0x80, s26, s10, $0xb8;
	[tilespmem:$0x1D800] =	vst v63  }
0x13d: {  	_ =	swait.ge [sflag:s0], $0x3000  }
0x13e: {  	[sflag:s0] =	ssyncset.done $0x0  }
0x13f: {  	[sflag:s0] =	ssyncadd.s32 $0xFFFFD000  }
0x140: {  	[tilespmem:s11], [sflag:$0x2] =	stream.indirect.gather [hbm4b:s1+s10], $0x80, s28, s10, $0xb8;
	[tilespmem:$0x1D800] =	vst v63  }
0x141: {  	_ =	swait.ge [sflag:s5], $0x3000  }
0x142: {  	[sflag:s5] =	ssyncset.done $0x0  }
0x143: {  	[sflag:s5] =	ssyncadd.s32 $0xFFFFD000  }
0x144: {  	[tilespmem:s12], [sflag:$0x3] =	stream.indirect.gather [hbm4b:s1+s10], $0x80, s29, s10, $0xb8;
	[tilespmem:$0x1D800] =	vst v63  }
0x145: {  	_ =	swait.ge [sflag:s13], $0x3000  }
0x146: {  	[sflag:s13] =	ssyncset.done $0x0  }
0x147: {  	s19 =	simm.s32 $0x1CD00;
	[sflag:s13] =	ssyncadd.s32 $0xFFFFD000  }
0x148: {  	[tilespmem:s22], [sflag:$0x4] =	stream.indirect.gather.add.f32 [hbm:s2], $0x80, s19, s10, $0xb8;
	[tilespmem:$0x1D800] =	vst v63  }
0x149: {  	_ =	swait.ge [sflag:s15], $0x3000  }
0x14a: {  	[sflag:s15] =	ssyncset.done $0x0  }
0x14b: {  	s21 =	simm.s32 $0x1CF00;
	[sflag:s15] =	ssyncadd.s32 $0xFFFFD000  }
0x14c: {  	[tilespmem:s11], [sflag:$0x5] =	stream.indirect.gather.add.f32 [hbm:s2], $0x80, s21, s10, $0xb8;
	[tilespmem:$0x1D800] =	vst v63  }
0x14d: {  	_ =	swait.ge [sflag:s20], $0x3000  }
0x14e: {  	[sflag:s20] =	ssyncset.done $0x0  }
0x14f: {  	s25 =	simm.s32 $0x1D100;
	[sflag:s20] =	ssyncadd.s32 $0xFFFFD000  }
0x150: {  	[tilespmem:s12], [sflag:$0x6] =	stream.indirect.gather.add.f32 [hbm:s2], $0x80, s25, s10, $0xb8;
	[tilespmem:$0x1D800] =	vst v63  }
0x151: {  	_ =	swait.ge [sflag:s24], $0x3000  }
0x152: {  	[sflag:s24] =	ssyncset.done $0x0  }
0x153: {  	s19 =	simm.s32 $0x0;
	[sflag:s24] =	ssyncadd.s32 $0xFFFFD000  }
0x154: {  	v3 =	vld [tilespmem:s19+$0x13C00]  }
0x155: {  	v5 =	vld [tilespmem:s19+$0x13C10]  }
0x156: {  	v4 =	vld [tilespmem:s19+$0x13C20]  }
0x157: {  	v2 =	vld [tilespmem:s19+$0x13C30]  }
0x158: {  	v1 =	vld [tilespmem:s19+$0x13C40]  }
0x159: {  	v6 =	vmax.f32 v3, $0.0e+00;
	v3 =	vld [tilespmem:s19+$0x13C50]  }
0x15a: {  	s21 =	simm.s32 $0x200;
	[tilespmem:s19+$0x13C00] =	vst v6;
	v6 =	vmax.f32 v5, $0.0e+00;
	v5 =	vld [tilespmem:s19+$0x13C60]  }
.LBB2_17:
0x15b: {  	s4 =	sshra.s32 s21, $0x2;
	p1 =	sne.s32 s21, $0xBE00;
	[tilespmem:s19+$0x13C10] =	vst v6;
	v4 =	vmax.f32 v4, $0.0e+00;
	v6 =	vld [tilespmem:s19+$0x13C70]  }
0x15c: {  	v7 =	vld [tilespmem:s4+$0x13C00];
	[tilespmem:s19+$0x13C20] =	vst v4;
	v2 =	vmax.f32 v2, $0.0e+00  }
0x15d: {  	v8 =	vld [tilespmem:s4+$0x13C10];
	[tilespmem:s19+$0x13C30] =	vst v2;
	v1 =	vmax.f32 v1, $0.0e+00  }
.Ltmp7:
0x15e: {  	v4 =	vld [tilespmem:s4+$0x13C20];
	[tilespmem:s19+$0x13C40] =	vst v1;
	v1 =	vmax.f32 v3, $0.0e+00;
	(pc) =	sbr.rel @p1 .LBB2_17-.Ltmp7, $4  }
0x15f: {  	v2 =	vld [tilespmem:s4+$0x13C30];
	[tilespmem:s19+$0x13C50] =	vst v1;
	v3 =	vmax.f32 v5, $0.0e+00  }
0x160: {  	v1 =	vld [tilespmem:s4+$0x13C40];
	[tilespmem:s19+$0x13C60] =	vst v3;
	v5 =	vmax.f32 v6, $0.0e+00  }
0x161: {  	v6 =	vmax.f32 v7, $0.0e+00;
	v3 =	vld [tilespmem:s4+$0x13C50];
	[tilespmem:s19+$0x13C70] =	vst v5;
	s19 =	smov.u32 s4  }
0x162: {  	s21 =	sadd.s32 $0x200, s21;
	[tilespmem:s19+$0x13C00] =	vst v6;
	v6 =	vmax.f32 v8, $0.0e+00;
	v5 =	vld [tilespmem:s19+$0x13C60]  }
0x163: {  	[tilespmem:s19+$0x13C10] =	vst v6;
	v4 =	vmax.f32 v4, $0.0e+00;
	v6 =	vld [tilespmem:s19+$0x13C70]  }
0x164: {  	[tilespmem:s19+$0x13C20] =	vst v4;
	v2 =	vmax.f32 v2, $0.0e+00  }
0x165: {  	[tilespmem:s19+$0x13C30] =	vst v2;
	v1 =	vmax.f32 v1, $0.0e+00  }
0x166: {  	[tilespmem:s19+$0x13C40] =	vst v1;
	v1 =	vmax.f32 v3, $0.0e+00  }
0x167: {  	[tilespmem:s19+$0x13C50] =	vst v1;
	v1 =	vmax.f32 v5, $0.0e+00  }
0x168: {  	[tilespmem:s19+$0x13C60] =	vst v1;
	v1 =	vmax.f32 v6, $0.0e+00  }
0x169: {  	s4 =	simm.s32 $0x1CC80;
	[tilespmem:s19+$0x13C70] =	vst v1  }
0x16a: {  	[spmem:s3] =	stream.indirect.scatter.add.f32 [tilespmem:s22], [sflag:$0x7], $0x80, s4, s10, $0xb8;
	[tilespmem:$0x1D800] =	vst v63  }
0x16b: {  	_ =	swait.ge [sflag:s9], $0x3000  }
0x16c: {  	[sflag:s9] =	ssyncset.done $0x0  }
0x16d: {  	s19 =	simm.s32 $0x0;
	[sflag:s9] =	ssyncadd.s32 $0xFFFFD000  }
0x16e: {  	v3 =	vld [tilespmem:s19+$0x16C00]  }
0x16f: {  	v5 =	vld [tilespmem:s19+$0x16C10]  }
0x170: {  	v4 =	vld [tilespmem:s19+$0x16C20]  }
0x171: {  	v2 =	vld [tilespmem:s19+$0x16C30]  }
0x172: {  	v1 =	vld [tilespmem:s19+$0x16C40]  }
0x173: {  	v6 =	vmax.f32 v3, $0.0e+00;
	v3 =	vld [tilespmem:s19+$0x16C50]  }
0x174: {  	s21 =	simm.s32 $0x200;
	[tilespmem:s19+$0x16C00] =	vst v6;
	v6 =	vmax.f32 v5, $0.0e+00;
	v5 =	vld [tilespmem:s19+$0x16C60]  }
.LBB2_19:
0x175: {  	s4 =	sshra.s32 s21, $0x2;
	p1 =	sne.s32 s21, $0xBE00;
	[tilespmem:s19+$0x16C10] =	vst v6;
	v4 =	vmax.f32 v4, $0.0e+00;
	v6 =	vld [tilespmem:s19+$0x16C70]  }
0x176: {  	v7 =	vld [tilespmem:s4+$0x16C00];
	[tilespmem:s19+$0x16C20] =	vst v4;
	v2 =	vmax.f32 v2, $0.0e+00  }
0x177: {  	v8 =	vld [tilespmem:s4+$0x16C10];
	[tilespmem:s19+$0x16C30] =	vst v2;
	v1 =	vmax.f32 v1, $0.0e+00  }
.Ltmp8:
0x178: {  	v4 =	vld [tilespmem:s4+$0x16C20];
	[tilespmem:s19+$0x16C40] =	vst v1;
	v1 =	vmax.f32 v3, $0.0e+00;
	(pc) =	sbr.rel @p1 .LBB2_19-.Ltmp8, $4  }
0x179: {  	v2 =	vld [tilespmem:s4+$0x16C30];
	[tilespmem:s19+$0x16C50] =	vst v1;
	v3 =	vmax.f32 v5, $0.0e+00  }
0x17a: {  	v1 =	vld [tilespmem:s4+$0x16C40];
	[tilespmem:s19+$0x16C60] =	vst v3;
	v5 =	vmax.f32 v6, $0.0e+00  }
0x17b: {  	v6 =	vmax.f32 v7, $0.0e+00;
	v3 =	vld [tilespmem:s4+$0x16C50];
	[tilespmem:s19+$0x16C70] =	vst v5;
	s19 =	smov.u32 s4  }
0x17c: {  	s21 =	sadd.s32 $0x200, s21;
	[tilespmem:s19+$0x16C00] =	vst v6;
	v6 =	vmax.f32 v8, $0.0e+00;
	v5 =	vld [tilespmem:s19+$0x16C60]  }
0x17d: {  	[tilespmem:s19+$0x16C10] =	vst v6;
	v4 =	vmax.f32 v4, $0.0e+00;
	v6 =	vld [tilespmem:s19+$0x16C70]  }
0x17e: {  	[tilespmem:s19+$0x16C20] =	vst v4;
	v2 =	vmax.f32 v2, $0.0e+00  }
0x17f: {  	[tilespmem:s19+$0x16C30] =	vst v2;
	v1 =	vmax.f32 v1, $0.0e+00  }
0x180: {  	[tilespmem:s19+$0x16C40] =	vst v1;
	v1 =	vmax.f32 v3, $0.0e+00  }
0x181: {  	[tilespmem:s19+$0x16C50] =	vst v1;
	v1 =	vmax.f32 v5, $0.0e+00  }
0x182: {  	[tilespmem:s19+$0x16C60] =	vst v1;
	v1 =	vmax.f32 v6, $0.0e+00  }
0x183: {  	s4 =	simm.s32 $0x1CE80;
	[tilespmem:s19+$0x16C70] =	vst v1  }
0x184: {  	[spmem:s3] =	stream.indirect.scatter.add.f32 [tilespmem:s11], [sflag:$0x8], $0x80, s4, s10, $0xb8;
	[tilespmem:$0x1D800] =	vst v63  }
0x185: {  	_ =	swait.ge [sflag:s16], $0x3000  }
0x186: {  	[sflag:s16] =	ssyncset.done $0x0  }
0x187: {  	s19 =	simm.s32 $0x0;
	[sflag:s16] =	ssyncadd.s32 $0xFFFFD000  }
0x188: {  	v3 =	vld [tilespmem:s19+$0x19C00]  }
0x189: {  	v5 =	vld [tilespmem:s19+$0x19C10]  }
0x18a: {  	v4 =	vld [tilespmem:s19+$0x19C20]  }
0x18b: {  	v2 =	vld [tilespmem:s19+$0x19C30]  }
0x18c: {  	v1 =	vld [tilespmem:s19+$0x19C40]  }
0x18d: {  	v6 =	vmax.f32 v3, $0.0e+00;
	v3 =	vld [tilespmem:s19+$0x19C50]  }
0x18e: {  	s21 =	simm.s32 $0x200;
	[tilespmem:s19+$0x19C00] =	vst v6;
	v6 =	vmax.f32 v5, $0.0e+00;
	v5 =	vld [tilespmem:s19+$0x19C60]  }
.LBB2_21:
0x18f: {  	s4 =	sshra.s32 s21, $0x2;
	p1 =	sne.s32 s21, $0xBE00;
	[tilespmem:s19+$0x19C10] =	vst v6;
	v4 =	vmax.f32 v4, $0.0e+00;
	v6 =	vld [tilespmem:s19+$0x19C70]  }
0x190: {  	v7 =	vld [tilespmem:s4+$0x19C00];
	[tilespmem:s19+$0x19C20] =	vst v4;
	v2 =	vmax.f32 v2, $0.0e+00  }
0x191: {  	v8 =	vld [tilespmem:s4+$0x19C10];
	[tilespmem:s19+$0x19C30] =	vst v2;
	v1 =	vmax.f32 v1, $0.0e+00  }
.Ltmp9:
0x192: {  	v4 =	vld [tilespmem:s4+$0x19C20];
	[tilespmem:s19+$0x19C40] =	vst v1;
	v1 =	vmax.f32 v3, $0.0e+00;
	(pc) =	sbr.rel @p1 .LBB2_21-.Ltmp9, $4  }
0x193: {  	v2 =	vld [tilespmem:s4+$0x19C30];
	[tilespmem:s19+$0x19C50] =	vst v1;
	v3 =	vmax.f32 v5, $0.0e+00  }
0x194: {  	v1 =	vld [tilespmem:s4+$0x19C40];
	[tilespmem:s19+$0x19C60] =	vst v3;
	v5 =	vmax.f32 v6, $0.0e+00  }
0x195: {  	v6 =	vmax.f32 v7, $0.0e+00;
	v3 =	vld [tilespmem:s4+$0x19C50];
	[tilespmem:s19+$0x19C70] =	vst v5;
	s19 =	smov.u32 s4  }
0x196: {  	s21 =	sadd.s32 $0x200, s21;
	[tilespmem:s19+$0x19C00] =	vst v6;
	v6 =	vmax.f32 v8, $0.0e+00;
	v5 =	vld [tilespmem:s19+$0x19C60]  }
0x197: {  	[tilespmem:s19+$0x19C10] =	vst v6;
	v4 =	vmax.f32 v4, $0.0e+00;
	v63 =	vld [tilespmem:s19+$0x19C70]  }
0x198: {  	s14 =	sadd.s32 $0x1, s14;
	[tilespmem:s19+$0x19C20] =	vst v4;
	v2 =	vmax.f32 v2, $0.0e+00  }
0x199: {  	p1 =	sne.s32 s14, s18;
	[tilespmem:s19+$0x19C30] =	vst v2;
	v1 =	vmax.f32 v1, $0.0e+00  }
.Ltmp10:
0x19a: {  	[tilespmem:s19+$0x19C40] =	vst v1;
	v1 =	vmax.f32 v3, $0.0e+00;
	(pc) =	sbr.rel @p1 .LBB2_10-.Ltmp10, $4  }
0x19b: {  	[tilespmem:s19+$0x19C50] =	vst v1;
	v1 =	vmax.f32 v5, $0.0e+00  }
0x19c: {  	[tilespmem:s19+$0x19C60] =	vst v1;
	v1 =	vmax.f32 v63, $0.0e+00  }
0x19d: {  	s4 =	simm.s32 $0x1D080;
	[tilespmem:s19+$0x19C70] =	vst v1  }
0x19e: {  	[spmem:s3] =	stream.indirect.scatter.add.f32 [tilespmem:s12], [sflag:$0x9], $0x80, s4, s10, $0xb8;
	[tilespmem:$0x1D800] =	vst v63  }
0x19f: {  	_ =	swait.ge [sflag:s31], $0x3000  }
0x1a0: {  	[sflag:s31] =	ssyncset.done $0x0  }
0x1a1: {  	[sflag:s31] =	ssyncadd.s32 $0xFFFFD000  }
0x1a2: {  	_ =	swait.ge [sflag:s0], $0x3000  }
0x1a3: {  	[sflag:s0] =	ssyncset.done $0x0  }
0x1a4: {  	[sflag:s0] =	ssyncadd.s32 $0xFFFFD000  }
0x1a5: {  	_ =	swait.ge [sflag:s5], $0x3000  }
0x1a6: {  	[sflag:s5] =	ssyncset.done $0x0  }
0x1a7: {  	[sflag:s5] =	ssyncadd.s32 $0xFFFFD000  }
0x1a8: {  	[bflag:$0x0] =	sbarrier.arrive $0xFFFF  }
0x1a9: {  	s14 =	rddreg [dreg:$0x10]  }
0x1aa: {  	s4 =	simm.s32 @p0 $0x1FCC;
	s17 =	rddreg [dreg:$0x12]  }
0x1ab: {  	[hbm:s14], [sflag:s4] =	dma.local @p0 [spmem:s17], $0x2800  }
0x1ac: {  	s4 =	simm.s32 @p0 $0xC  }
0x1ad: {  	s14 =	stileid.u32;
	_ =	swait.ge @p0 [sflag:s4], $0x2800  }
0x1ae: {  	s14 =	sshll.u32 @!p0 s14, $0x6;
	[sflag:s4] =	ssyncset.done @p0 $0x0;
	s17 =	rddreg [dreg:$0x13]  }
0x1af: {  	[sflag:s4] =	ssyncadd.s32 @p0 $0xFFFFD800;
	s4 =	sor.u32 @!p0 $0x1C0C, s14;
	s14 =	rddreg [dreg:$0xf]  }
0x1b0: {  	[hbm:s14], [sflag:s4] =	dma.local @!p0 [spmem:s17], $0x2700  }
0x1b1: {  	s4 =	simm.s32 @!p0 $0xC  }
0x1b2: {  	_ =	swait.ge @!p0 [sflag:s4], $0x2700  }
0x1b3: {  	s21 =	rddreg [dreg:$0x5]  }
0x1b4: {  	s25 =	rddreg [dreg:$0x11];
	s14 =	sadd.s32 $0x1, s21  }
0x1b5: {  	p1 =	sne.s32 s14, s25  }
.Ltmp11:
0x1b6: {  	_ = 	snop;
	(pc) =	sbr.rel @p1 .LBB2_1-.Ltmp11, $3  }
0x1b7: {  	_ =	sdelay $0x1  }
0x1b8: {  	[sflag:s4] =	ssyncset.done @!p0 $0x0  }
0x1b9: {  	[sflag:s4] =	ssyncadd.s32 @!p0 $0xFFFFD900  }
0x1ba: {  	_ =	sfence.sel $0x180000  }
0x1bb: {  	[bflag:$0x0] =	sbarrier.arrive $0xFFFF  }
0x1bc: {  	_ =	strace $0x90000047  }
0x1bd: {  	s0 =	stileid.u32;
	[bflag:$0x2] =	sbarrier.arrive $0xFFFF  }
0x1be: {  	p0 =	sne.s32 s0, $0x0;
	s0 =	rddreg [dreg:$0x4]  }
0x1bf: {  	s0 =	sadd.s32 @!p0 $0x100000, s0  }
0x1c0: {  	[sflag:s0] =	ssyncadd.tile.s32 @!p0 $0x1;
	_ =	shalt  }
.Lfunc_end2:
_tile_overlayer_lowered:
.L_overlay_start_2:
0x1c1: {  	(tag) =	ssettag $0x2  }
0x1c2: {  	s0 =	rddreg [dreg:$0x0];
	s2 =	stileid.u32  }
0x1c3: {  	s1 =	rddreg [dreg:$0x1];
	p0 =	sne.s32 s2, $0x0  }
0x1c4: {  	s3 =	rddreg [dreg:$0x2];
	[bflag:$0x3] =	sbarrier.arrive $0xFFFF;
	s2 =	simm.s32 @!p0 $0x1C0C  }
0x1c5: {  	[timem:s3], [sflag:s2] =	dma.local @!p0 [hbm:s0], s1  }
0x1c6: {  	s0 =	simm.s32 @!p0 $0xC  }
0x1c7: {  	_ =	swait.ge @!p0 [sflag:s0], s1  }
0x1c8: {  	s1 =	ssub.s32 @!p0 $0x0, s1;
	[sflag:s0] =	ssyncset.done @!p0 $0x0  }
0x1c9: {  	[sflag:s0] =	ssyncadd.s32 @!p0 s1  }
0x1ca: {  	[bflag:$0x3] =	sbarrier.arrive $0xFFFF  }
0x1cb: {  	_ =	shalt  }

</sc_bundles>
